<compile_context>
chip_gen: v7x
topology: tpu7x:2x2x1
jax: 0.10.2.dev20260603
libtpu: 0.0.44.dev20260713+nightly
codegen_flags: <defaults>
</compile_context>

<pallas_src>
import functools

import jax
import jax.numpy as jnp
import numpy as np
from jax import lax
from jax.experimental import pallas as pl
from jax.experimental.pallas import tpu as pltpu, tpu_sc as plsc

_IN_F = 256
_OUT_F = 64
_P = 32
_WIDTH = 4.0

_B_SC = 1024
_NW = 32
_BPW = _B_SC // _NW
_FB = 16
_NFB = _IN_F // _FB
_NJ = _OUT_F // 16


_TROWS = _FB * _P * 32 // 128


def _decode(v):
    lo = jax.lax.bitcast_convert_type(v << 16, jnp.float32)
    hi = jax.lax.bitcast_convert_type(v & jnp.int32(-65536), jnp.float32)
    return lo, hi


def _sc_body(x_hbm, tabi_hbm, out_hbm, xblk, tab0, tab1, acc, sem0, sem1):
    wid = lax.axis_index("s") * 2 + lax.axis_index("c")
    base = wid * _BPW
    pltpu.sync_copy(x_hbm.at[pl.ds(base, _BPW), :], xblk)

    def zero_body(b, carry):
        z = jnp.zeros((16,), jnp.float32)
        for j in range(_NJ):
            acc[b, pl.ds(j * 16, 16)] = z
        return carry

    lax.fori_loop(0, _BPW, zero_body, 0)

    pltpu.async_copy(tabi_hbm.at[pl.ds(0, _TROWS), :], tab0, sem0)

    def do_block(fb, tab):
        f0 = fb * _FB

        def row_body(b, c2):
            xs = (xblk[b, pl.ds(f0, _FB)] + _WIDTH / 2.0) * ((_P - 1) / _WIDTH)
            lo = jnp.minimum(jnp.maximum(xs, 0.0).astype(jnp.int32), _P - 2)
            t = xs - lo.astype(jnp.float32)
            a = [acc[b, pl.ds(j * 16, 16)] for j in range(_NJ)]
            for f in range(_FB):
                lo_s = lo[f]
                t_s = t[f]
                row = f * _P + lo_s
                rmaj = row >> 2
                rmin = (row & 3) * 32
                v0 = tab[rmaj, pl.ds(rmin, 16)]
                v1 = tab[rmaj, pl.ds(rmin + 16, 16)]
                nmaj = rmaj + (rmin + 32) // 128
                nmin = (rmin + 32) % 128
                w0 = tab[nmaj, pl.ds(nmin, 16)]
                w1 = tab[nmaj, pl.ds(nmin + 16, 16)]
                rl0, rl1 = _decode(v0)
                rl2, rl3 = _decode(v1)
                rh0, rh1 = _decode(w0)
                rh2, rh3 = _decode(w1)
                rls = (rl0, rl1, rl2, rl3)
                rhs = (rh0, rh1, rh2, rh3)
                for j in range(_NJ):
                    a[j] = a[j] + rls[j] + t_s * (rhs[j] - rls[j])
            for j in range(_NJ):
                acc[b, pl.ds(j * 16, 16)] = a[j]
            return c2

        lax.fori_loop(0, _BPW, row_body, 0)

    def pair_body(pair, carry):
        fb0 = 2 * pair
        fb1 = 2 * pair + 1
        pltpu.async_copy(tabi_hbm.at[pl.ds(fb1 * _TROWS, _TROWS), :], tab1, sem1)
        pltpu.make_async_copy(
            tabi_hbm.at[pl.ds(fb0 * _TROWS, _TROWS), :], tab0, sem0
        ).wait()
        do_block(fb0, tab0)

        @pl.when(pair < _NFB // 2 - 1)
        def _():
            pltpu.async_copy(
                tabi_hbm.at[pl.ds((fb0 + 2) * _TROWS, _TROWS), :], tab0, sem0
            )

        pltpu.make_async_copy(
            tabi_hbm.at[pl.ds(fb1 * _TROWS, _TROWS), :], tab1, sem1
        ).wait()
        do_block(fb1, tab1)
        return carry

    lax.fori_loop(0, _NFB // 2, pair_body, 0)
    pltpu.sync_copy(acc, out_hbm.at[pl.ds(base, _BPW), :])


def _sc_part(x, tabi):
    mesh = plsc.VectorSubcoreMesh(core_axis_name="c", subcore_axis_name="s")
    f = functools.partial(
        pl.kernel,
        mesh=mesh,
        out_type=jax.ShapeDtypeStruct((_B_SC, _OUT_F), jnp.float32),
        scratch_types=[
            pltpu.VMEM((_BPW, _IN_F), jnp.float32),
            pltpu.VMEM((_TROWS, 128), jnp.int32),
            pltpu.VMEM((_TROWS, 128), jnp.int32),
            pltpu.VMEM((_BPW, _OUT_F), jnp.float32),
            pltpu.SemaphoreType.DMA,
            pltpu.SemaphoreType.DMA,
        ],
    )(_sc_body)
    return f(x, tabi)


def _pack_table(tab):
    u16 = jax.lax.bitcast_convert_type(tab.astype(jnp.bfloat16), jnp.uint16)
    u16r = u16.reshape(_IN_F * _P // 4, 256)
    c = np.arange(128)
    s, m0 = c // 32, c % 32
    perm_lo = s * 64 + np.where(m0 < 16, m0, m0 + 16)
    lo = u16r[:, perm_lo].astype(jnp.uint32)
    hi = u16r[:, perm_lo + 16].astype(jnp.uint32)
    return jax.lax.bitcast_convert_type(lo | (hi << 16), jnp.int32)


def _tc_body(x_ref, vt_ref, b_ref, o_ref):
    xs = (x_ref[...] + _WIDTH / 2.0) * ((_P - 1) / _WIDTH)
    dot = lambda a, b: jax.lax.dot(a, b, preferred_element_type=jnp.float32)
    acc = b_ref[0:1, :] + dot(xs, vt_ref[:, : _OUT_F])
    for k in range(1, _P - 1):
        acc += dot(
            jnp.maximum(xs - float(k), 0.0),
            vt_ref[:, k * _OUT_F : (k + 1) * _OUT_F],
        )
    o_ref[...] = acc


def _tc_part(x, vtab, bias, bt):
    b = x.shape[0]
    skip = _B_SC // bt
    return pl.pallas_call(
        _tc_body,
        grid=(b // bt - skip,),
        in_specs=[
            pl.BlockSpec((bt, _IN_F), lambda i: (i + skip, 0)),
            pl.BlockSpec((_IN_F, _P * _OUT_F), lambda i: (0, 0)),
            pl.BlockSpec((8, _OUT_F), lambda i: (0, 0)),
        ],
        out_specs=pl.BlockSpec((bt, _OUT_F), lambda i: (i + skip, 0)),
        out_shape=jax.ShapeDtypeStruct((b, _OUT_F), jnp.float32),
    )(x, vtab, bias)


def _knot_tables(kan_weight):
    kw2 = kan_weight.reshape(_IN_F, _P * _OUT_F)
    z = jnp.zeros((_IN_F, _OUT_F), jnp.float32)
    up = jnp.concatenate([kw2[:, _OUT_F:], z], axis=1)
    dn = jnp.concatenate([z, kw2[:, : -_OUT_F]], axis=1)
    g = jnp.arange(_P * _OUT_F, dtype=jnp.int32) // _OUT_F
    ca = jnp.where(g <= _P - 2, 1.0, 0.0)[None, :]
    cb = jnp.where(g == 0, -1.0, jnp.where(g <= _P - 2, -2.0, 0.0))[None, :]
    cc = jnp.where((g >= 1) & (g <= _P - 2), 1.0, 0.0)[None, :]
    vtab = up * ca + kw2 * cb + dn * cc
    bias = jnp.broadcast_to(
        jnp.sum(kan_weight[:, 0, :], axis=0)[None, :], (8, _OUT_F)
    )
    return vtab, bias


def kernel(x, kan_weight):
    tabi = _pack_table(kan_weight.reshape(_IN_F * _P, _OUT_F))
    vtab, bias = _knot_tables(kan_weight)
    out_sc = _sc_part(x, tabi)
    out_tc = _tc_part(x, vtab, bias, bt=512)
    return lax.dynamic_update_slice(out_tc, out_sc, (0, 0))

# --- scband reference (transcript-rebuilt; emitter-appended) ---
"""Pipeline reference for scband-kanlayer-85005992722824 (READ-ONLY COPY).

The authoritative reference and input builder live on the scoring server;
editing this copy changes nothing except your own understanding.
"""

import jax, jax.numpy as jnp
import numpy as np

IN_FEATURES = 256
OUT_FEATURES = 64
NUM_CP = 32
SPLINE_WIDTH = 4.0
BATCH = 16384


def setup_inputs(seed: int = 0) -> dict:
    key = jax.random.key(seed)
    k1, k2 = jax.random.split(key)
    x = jax.random.normal(k1, (BATCH, IN_FEATURES), dtype=jnp.float32)
    # kan_weight init: centered_bias * column-normalized random slopes (B-spline, random_normal init)
    centered_bias = (jnp.arange(NUM_CP, dtype=jnp.float32) - (NUM_CP - 1) / 2.0).reshape(1, NUM_CP, 1)
    slopes = jax.random.normal(k2, (IN_FEATURES, OUT_FEATURES), dtype=jnp.float32)
    slopes = slopes / jnp.maximum(jnp.linalg.norm(slopes, axis=0, keepdims=True), 1e-12)
    kan_weight = centered_bias * slopes[:, None, :]  # [in, P, out]
    return {"x": x, "kan_weight": kan_weight}


def reference(x, kan_weight):
    P = NUM_CP
    feature_offset = (jnp.arange(IN_FEATURES) * P)[None, :]
    xs = (x + SPLINE_WIDTH / 2.0) * (P - 1) / SPLINE_WIDTH
    lower_f = jnp.clip(jnp.floor(xs), 0.0, P - 2)
    lower_idx = lower_f.astype(jnp.int32) + feature_offset  # [B, in]
    t = xs - lower_f
    idx = jnp.stack((lower_idx, lower_idx + 1), axis=2).reshape(x.shape[0], -1)      # [B, 2*in]
    w = jnp.stack((1.0 - t, t), axis=2).reshape(x.shape[0], -1)                       # [B, 2*in]
    table = kan_weight.reshape(-1, OUT_FEATURES)                                      # [in*P, out]
    vals = jnp.take(table, idx, axis=0)                                               # [B, 2*in, out]
    return jnp.sum(vals * w[..., None], axis=1)                                       # [B, out]

if __name__ == "__main__":
    import jax
    _d = setup_inputs()
    print(jax.jit(kernel)(*tuple(_d.values())))

</pallas_src>

<mosaic_0001>
#map = affine_map<(d0, d1) -> (0, 0)>
module attributes {stable_mosaic.version = 14 : i64} {
  func.func @_sc_body(%arg0: i32, %arg1: i32, %arg2: memref<16384x256xf32, #tpu.memory_space<hbm>>, %arg3: memref<2048x128xi32, #tpu.memory_space<hbm>>, %arg4: memref<1024x64xf32, #tpu.memory_space<hbm>>, %arg5: memref<32x256xf32, #tpu.memory_space<vmem>>, %arg6: memref<128x128xi32, #tpu.memory_space<vmem>>, %arg7: memref<128x128xi32, #tpu.memory_space<vmem>>, %arg8: memref<32x64xf32, #tpu.memory_space<vmem>>, %arg9: memref<!tpu.dma_semaphore, #tpu.memory_space<semaphore_mem>>, %arg10: memref<!tpu.dma_semaphore, #tpu.memory_space<semaphore_mem>>) attributes {dimension_semantics = [#tpu.dimension_semantics<core_parallel>, #tpu.dimension_semantics<subcore_parallel>], iteration_bounds = array<i64: 2, 16>, scalar_prefetch = 0 : i64, scratch_operands = 6 : i64, tpu.core_type = #tpu.core_type<sc_vector_subcore>, window_params = [{transform_indices = #map}, {transform_indices = #map}, {transform_indices = #map}]} {
    %mul3A = arith.constant 2 : i32
    %mul3A_0 = arith.muli %arg1, %mul3A : i32
    %add3A = arith.addi %mul3A_0, %arg0 : i32
    %mul3A_1 = arith.constant 32 : i32
    %mul3A_2 = arith.muli %add3A, %mul3A_1 : i32
    "tpu.region"() ({
      %run_scoped3A = tpu.sem_alloc : memref<!tpu.dma_semaphore, #tpu.memory_space<semaphore_mem>>
      %dma_start3A_19 = arith.constant 0 : i32
      %dma_start3A_20 = tpu.memref_slice %arg2[%mul3A_2, %dma_start3A_19] : memref<16384x256xf32, #tpu.memory_space<hbm>> -> memref<32x256xf32, #tpu.memory_space<hbm>>
      %dma_start3A_21 = arith.constant 0 : i32
      %dma_start3A_22 = tpu.memref_slice %arg2[%mul3A_2, %dma_start3A_21] : memref<16384x256xf32, #tpu.memory_space<hbm>> -> memref<32x256xf32, #tpu.memory_space<hbm>>
      tpu.enqueue_dma source(%dma_start3A_22 : memref<32x256xf32, #tpu.memory_space<hbm>>) target(%arg5 : memref<32x256xf32, #tpu.memory_space<vmem>>) target_semaphore(%run_scoped3A : memref<!tpu.dma_semaphore, #tpu.memory_space<semaphore_mem>>)
      %dma_wait3A = arith.constant 0 : i32
      %dma_wait3A_23 = tpu.memref_slice %arg2[%mul3A_2, %dma_wait3A] : memref<16384x256xf32, #tpu.memory_space<hbm>> -> memref<32x256xf32, #tpu.memory_space<hbm>>
      %dma_wait3A_24 = arith.constant 0 : i32
      %dma_wait3A_25 = tpu.memref_slice %arg2[%mul3A_2, %dma_wait3A_24] : memref<16384x256xf32, #tpu.memory_space<hbm>> -> memref<32x256xf32, #tpu.memory_space<hbm>>
      tpu.wait_dma2 semaphore(%run_scoped3A : memref<!tpu.dma_semaphore, #tpu.memory_space<semaphore_mem>>) src(%dma_wait3A_25 : memref<32x256xf32, #tpu.memory_space<hbm>>) dst(%arg5 : memref<32x256xf32, #tpu.memory_space<vmem>>)
      tpu.yield
    }) : () -> ()
    %scan3A = arith.constant 0 : i32
    %scan3A_3 = arith.constant 0 : i32
    %scan3A_4 = arith.constant 32 : i32
    %scan3A_5 = arith.addi %scan3A_3, %scan3A_4 : i32
    %scan3A_6 = arith.constant 1 : i32
    scf.for %scan3A_19 = %scan3A_3 to %scan3A_5 step %scan3A_6  : i32 {
      %broadcast_in_dim3A = arith.constant 0.000000e+00 : f32
      %broadcast_in_dim3A_20 = vector.broadcast %broadcast_in_dim3A : f32 to vector<16xf32>
      %swap3A = arith.index_cast %scan3A_19 : i32 to index
      %swap3A_21 = arith.constant 0 : index
      %swap3A_22 = tpu.vector_load %arg8[%swap3A, %swap3A_21] {strides = array<i32>} : memref<32x64xf32, #tpu.memory_space<vmem>>, vector<1x16xf32>,
      %swap3A_23 = vector.shape_cast %swap3A_22 : vector<1x16xf32> to vector<16xf32>
      %swap3A_24 = vector.shape_cast %broadcast_in_dim3A_20 : vector<16xf32> to vector<1x16xf32>
      tpu.vector_store %arg8[%swap3A, %swap3A_21], %swap3A_24 {strides = array<i32>} : memref<32x64xf32, #tpu.memory_space<vmem>>, vector<1x16xf32>,
      %swap3A_25 = arith.index_cast %scan3A_19 : i32 to index
      %swap3A_26 = arith.constant 16 : index
      %swap3A_27 = tpu.vector_load %arg8[%swap3A_25, %swap3A_26] {strides = array<i32>} : memref<32x64xf32, #tpu.memory_space<vmem>>, vector<1x16xf32>,
      %swap3A_28 = vector.shape_cast %swap3A_27 : vector<1x16xf32> to vector<16xf32>
      %swap3A_29 = vector.shape_cast %broadcast_in_dim3A_20 : vector<16xf32> to vector<1x16xf32>
      tpu.vector_store %arg8[%swap3A_25, %swap3A_26], %swap3A_29 {strides = array<i32>} : memref<32x64xf32, #tpu.memory_space<vmem>>, vector<1x16xf32>,
      %swap3A_30 = arith.index_cast %scan3A_19 : i32 to index
      %swap3A_31 = arith.constant 32 : index
      %swap3A_32 = tpu.vector_load %arg8[%swap3A_30, %swap3A_31] {strides = array<i32>} : memref<32x64xf32, #tpu.memory_space<vmem>>, vector<1x16xf32>,
      %swap3A_33 = vector.shape_cast %swap3A_32 : vector<1x16xf32> to vector<16xf32>
      %swap3A_34 = vector.shape_cast %broadcast_in_dim3A_20 : vector<16xf32> to vector<1x16xf32>
      tpu.vector_store %arg8[%swap3A_30, %swap3A_31], %swap3A_34 {strides = array<i32>} : memref<32x64xf32, #tpu.memory_space<vmem>>, vector<1x16xf32>,
      %swap3A_35 = arith.index_cast %scan3A_19 : i32 to index
      %swap3A_36 = arith.constant 48 : index
      %swap3A_37 = tpu.vector_load %arg8[%swap3A_35, %swap3A_36] {strides = array<i32>} : memref<32x64xf32, #tpu.memory_space<vmem>>, vector<1x16xf32>,
      %swap3A_38 = vector.shape_cast %swap3A_37 : vector<1x16xf32> to vector<16xf32>
      %swap3A_39 = vector.shape_cast %broadcast_in_dim3A_20 : vector<16xf32> to vector<1x16xf32>
      tpu.vector_store %arg8[%swap3A_35, %swap3A_36], %swap3A_39 {strides = array<i32>} : memref<32x64xf32, #tpu.memory_space<vmem>>, vector<1x16xf32>,
    }
    %scan3A_7 = arith.constant 32 : i32
    %dma_start3A = arith.constant 0 : i32
    %dma_start3A_8 = arith.constant 0 : i32
    %dma_start3A_9 = tpu.memref_slice %arg3[%dma_start3A, %dma_start3A_8] : memref<2048x128xi32, #tpu.memory_space<hbm>> -> memref<128x128xi32, #tpu.memory_space<hbm>>
    %dma_start3A_10 = arith.constant 0 : i32
    %dma_start3A_11 = arith.constant 0 : i32
    %dma_start3A_12 = tpu.memref_slice %arg3[%dma_start3A_10, %dma_start3A_11] : memref<2048x128xi32, #tpu.memory_space<hbm>> -> memref<128x128xi32, #tpu.memory_space<hbm>>
    tpu.enqueue_dma source(%dma_start3A_12 : memref<128x128xi32, #tpu.memory_space<hbm>>) target(%arg6 : memref<128x128xi32, #tpu.memory_space<vmem>>) target_semaphore(%arg9 : memref<!tpu.dma_semaphore, #tpu.memory_space<semaphore_mem>>)
    %scan3A_13 = arith.constant 0 : i32
    %scan3A_14 = arith.constant 0 : i32
    %scan3A_15 = arith.constant 8 : i32
    %scan3A_16 = arith.addi %scan3A_14, %scan3A_15 : i32
    %scan3A_17 = arith.constant 1 : i32
    scf.for %scan3A_19 = %scan3A_14 to %scan3A_16 step %scan3A_17  : i32 {
      %mul3A_20 = arith.constant 2 : i32
      %mul3A_21 = arith.muli %mul3A_20, %scan3A_19 : i32
      %mul3A_22 = arith.constant 2 : i32
      %mul3A_23 = arith.muli %mul3A_22, %scan3A_19 : i32
      %add3A_24 = arith.constant 1 : i32
      %add3A_25 = arith.addi %mul3A_23, %add3A_24 : i32
      %mul3A_26 = arith.constant 128 : i32
      %mul3A_27 = arith.muli %add3A_25, %mul3A_26 : i32
      %dma_start3A_28 = arith.constant 0 : i32
      %dma_start3A_29 = tpu.memref_slice %arg3[%mul3A_27, %dma_start3A_28] : memref<2048x128xi32, #tpu.memory_space<hbm>> -> memref<128x128xi32, #tpu.memory_space<hbm>>
      %dma_start3A_30 = arith.constant 0 : i32
      %dma_start3A_31 = tpu.memref_slice %arg3[%mul3A_27, %dma_start3A_30] : memref<2048x128xi32, #tpu.memory_space<hbm>> -> memref<128x128xi32, #tpu.memory_space<hbm>>
      tpu.enqueue_dma source(%dma_start3A_31 : memref<128x128xi32, #tpu.memory_space<hbm>>) target(%arg7 : memref<128x128xi32, #tpu.memory_space<vmem>>) target_semaphore(%arg10 : memref<!tpu.dma_semaphore, #tpu.memory_space<semaphore_mem>>)
      %mul3A_32 = arith.constant 128 : i32
      %mul3A_33 = arith.muli %mul3A_21, %mul3A_32 : i32
      %dma_wait3A = arith.constant 0 : i32
      %dma_wait3A_34 = tpu.memref_slice %arg3[%mul3A_33, %dma_wait3A] : memref<2048x128xi32, #tpu.memory_space<hbm>> -> memref<128x128xi32, #tpu.memory_space<hbm>>
      %dma_wait3A_35 = arith.constant 0 : i32
      %dma_wait3A_36 = tpu.memref_slice %arg3[%mul3A_33, %dma_wait3A_35] : memref<2048x128xi32, #tpu.memory_space<hbm>> -> memref<128x128xi32, #tpu.memory_space<hbm>>
      tpu.wait_dma2 semaphore(%arg9 : memref<!tpu.dma_semaphore, #tpu.memory_space<semaphore_mem>>) src(%dma_wait3A_36 : memref<128x128xi32, #tpu.memory_space<hbm>>) dst(%arg6 : memref<128x128xi32, #tpu.memory_space<vmem>>)
      %mul3A_37 = arith.constant 16 : i32
      %mul3A_38 = arith.muli %mul3A_21, %mul3A_37 : i32
      %scan3A_39 = arith.constant 0 : i32
      %scan3A_40 = arith.constant 0 : i32
      %scan3A_41 = arith.constant 32 : i32
      %scan3A_42 = arith.addi %scan3A_40, %scan3A_41 : i32
      %scan3A_43 = arith.constant 1 : i32
      scf.for %scan3A_61 = %scan3A_40 to %scan3A_42 step %scan3A_43  : i32 {
        %get3A = arith.index_cast %scan3A_61 : i32 to index
        %get3A_62 = arith.index_cast %mul3A_38 : i32 to index
        %get3A_63 = tpu.vector_load %arg5[%get3A, %get3A_62] {strides = array<i32>} : memref<32x256xf32, #tpu.memory_space<vmem>>, vector<1x16xf32>,
        %get3A_64 = vector.shape_cast %get3A_63 : vector<1x16xf32> to vector<16xf32>
        %add3A_65 = arith.constant 2.000000e+00 : f32
        %add3A_66 = vector.broadcast %add3A_65 : f32 to vector<16xf32>
        %add3A_67 = arith.addf %get3A_64, %add3A_66 : vector<16xf32>
        %mul3A_68 = arith.constant 7.750000e+00 : f32
        %mul3A_69 = vector.broadcast %mul3A_68 : f32 to vector<16xf32>
        %mul3A_70 = arith.mulf %add3A_67, %mul3A_69 : vector<16xf32>
        %max3A = arith.constant 0.000000e+00 : f32
        %max3A_71 = vector.broadcast %max3A : f32 to vector<16xf32>
        %max3A_72 = arith.maximumf %mul3A_70, %max3A_71 : vector<16xf32>
        %convert_element_type3A_73 = arith.fptosi %max3A_72 : vector<16xf32> to vector<16xi32>
        %min3A = arith.constant 30 : i32
        %min3A_74 = vector.broadcast %min3A : i32 to vector<16xi32>
        %min3A_75 = arith.minsi %convert_element_type3A_73, %min3A_74 : vector<16xi32>
        %convert_element_type3A_76 = arith.sitofp %min3A_75 : vector<16xi32> to vector<16xf32>
        %sub3A = arith.subf %mul3A_70, %convert_element_type3A_76 : vector<16xf32>
        %get3A_77 = arith.index_cast %scan3A_61 : i32 to index
        %get3A_78 = arith.constant 0 : index
        %get3A_79 = tpu.vector_load %arg8[%get3A_77, %get3A_78] {strides = array<i32>} : memref<32x64xf32, #tpu.memory_space<vmem>>, vector<1x16xf32>,
        %get3A_80 = vector.shape_cast %get3A_79 : vector<1x16xf32> to vector<16xf32>
        %get3A_81 = arith.index_cast %scan3A_61 : i32 to index
        %get3A_82 = arith.constant 16 : index
        %get3A_83 = tpu.vector_load %arg8[%get3A_81, %get3A_82] {strides = array<i32>} : memref<32x64xf32, #tpu.memory_space<vmem>>, vector<1x16xf32>,
        %get3A_84 = vector.shape_cast %get3A_83 : vector<1x16xf32> to vector<16xf32>
        %get3A_85 = arith.index_cast %scan3A_61 : i32 to index
        %get3A_86 = arith.constant 32 : index
        %get3A_87 = tpu.vector_load %arg8[%get3A_85, %get3A_86] {strides = array<i32>} : memref<32x64xf32, #tpu.memory_space<vmem>>, vector<1x16xf32>,
        %get3A_88 = vector.shape_cast %get3A_87 : vector<1x16xf32> to vector<16xf32>
        %get3A_89 = arith.index_cast %scan3A_61 : i32 to index
        %get3A_90 = arith.constant 48 : index
        %get3A_91 = tpu.vector_load %arg8[%get3A_89, %get3A_90] {strides = array<i32>} : memref<32x64xf32, #tpu.memory_space<vmem>>, vector<1x16xf32>,
        %get3A_92 = vector.shape_cast %get3A_91 : vector<1x16xf32> to vector<16xf32>
        %slice3A = vector.extract_strided_slice %min3A_75 {offsets = [0], sizes = [1], strides = [1]} : vector<16xi32> to vector<1xi32>
        %squeeze3A = vector.extract %slice3A[0] : i32 from vector<1xi32>
        %slice3A_93 = vector.extract_strided_slice %sub3A {offsets = [0], sizes = [1], strides = [1]} : vector<16xf32> to vector<1xf32>
        %squeeze3A_94 = vector.extract %slice3A_93[0] : f32 from vector<1xf32>
        %add3A_95 = arith.constant 0 : i32
        %add3A_96 = arith.addi %add3A_95, %squeeze3A : i32
        %shift_right_arithmetic3A = arith.constant 2 : i32
        %shift_right_arithmetic3A_97 = arith.shrsi %add3A_96, %shift_right_arithmetic3A : i32
        %and3A = arith.constant 3 : i32
        %and3A_98 = arith.andi %add3A_96, %and3A : i32
        %mul3A_99 = arith.constant 32 : i32
        %mul3A_100 = arith.muli %and3A_98, %mul3A_99 : i32
        %get3A_101 = arith.index_cast %shift_right_arithmetic3A_97 : i32 to index
        %get3A_102 = arith.index_cast %mul3A_100 : i32 to index
        %get3A_103 = tpu.vector_load %arg6[%get3A_101, %get3A_102] {strides = array<i32>} : memref<128x128xi32, #tpu.memory_space<vmem>>, vector<1x16xi32>,
        %get3A_104 = vector.shape_cast %get3A_103 : vector<1x16xi32> to vector<16xi32>
        %add3A_105 = arith.constant 16 : i32
        %add3A_106 = arith.addi %mul3A_100, %add3A_105 : i32
        %get3A_107 = arith.index_cast %shift_right_arithmetic3A_97 : i32 to index
        %get3A_108 = arith.index_cast %add3A_106 : i32 to index
        %get3A_109 = tpu.vector_load %arg6[%get3A_107, %get3A_108] {strides = array<i32>} : memref<128x128xi32, #tpu.memory_space<vmem>>, vector<1x16xi32>,
        %get3A_110 = vector.shape_cast %get3A_109 : vector<1x16xi32> to vector<16xi32>
        %add3A_111 = arith.constant 32 : i32
        %add3A_112 = arith.addi %mul3A_100, %add3A_111 : i32
        %jit3A = arith.constant 128 : i32
        %div3A = arith.divsi %add3A_112, %jit3A : i32
        %sign3A = arith.constant 0 : i32
        %sign3A_113 = arith.cmpi sgt, %add3A_112, %sign3A : i32
        %sign3A_114 = arith.extui %sign3A_113 : i1 to i32
        %sign3A_115 = arith.constant 0 : i32
        %sign3A_116 = arith.cmpi slt, %add3A_112, %sign3A_115 : i32
        %sign3A_117 = arith.extui %sign3A_116 : i1 to i32
        %sign3A_118 = arith.subi %sign3A_114, %sign3A_117 : i32
        %sign3A_119 = arith.constant 0 : i32
        %sign3A_120 = arith.cmpi sgt, %jit3A, %sign3A_119 : i32
        %sign3A_121 = arith.extui %sign3A_120 : i1 to i32
        %sign3A_122 = arith.constant 0 : i32
        %sign3A_123 = arith.cmpi slt, %jit3A, %sign3A_122 : i32
        %sign3A_124 = arith.extui %sign3A_123 : i1 to i32
        %sign3A_125 = arith.subi %sign3A_121, %sign3A_124 : i32
        %ne3A = arith.cmpi ne, %sign3A_118, %sign3A_125 : i32
        %rem3A = arith.remsi %add3A_112, %jit3A : i32
        %ne3A_126 = arith.constant 0 : i32
        %ne3A_127 = arith.cmpi ne, %rem3A, %ne3A_126 : i32
        %and3A_128 = arith.andi %ne3A, %ne3A_127 : i1
        %sub3A_129 = arith.constant 1 : i32
        %sub3A_130 = arith.subi %div3A, %sub3A_129 : i32
        %select_n3A = arith.select %and3A_128, %sub3A_130, %div3A : i32
        %add3A_131 = arith.addi %shift_right_arithmetic3A_97, %select_n3A : i32
        %add3A_132 = arith.constant 32 : i32
        %add3A_133 = arith.addi %mul3A_100, %add3A_132 : i32
        %jit3A_134 = arith.constant 128 : i32
        %eq3A = arith.constant 0 : i32
        %eq3A_135 = arith.cmpi eq, %jit3A_134, %eq3A : i32
        %jit3A_136 = arith.constant 1 : i32
        %select_n3A_137 = arith.select %eq3A_135, %jit3A_136, %jit3A_134 : i32
        %rem3A_138 = arith.remsi %add3A_133, %select_n3A_137 : i32
        %ne3A_139 = arith.constant 0 : i32
        %ne3A_140 = arith.cmpi ne, %rem3A_138, %ne3A_139 : i32
        %lt3A_141 = arith.constant 0 : i32
        %lt3A_142 = arith.cmpi slt, %rem3A_138, %lt3A_141 : i32
        %lt3A_143 = arith.constant 0 : i32
        %lt3A_144 = arith.cmpi slt, %select_n3A_137, %lt3A_143 : i32
        %ne3A_145 = arith.xori %lt3A_142, %lt3A_144 : i1
        %and3A_146 = arith.andi %ne3A_145, %ne3A_140 : i1
        %add3A_147 = arith.addi %rem3A_138, %select_n3A_137 : i32
        %select_n3A_148 = arith.select %and3A_146, %add3A_147, %rem3A_138 : i32
        %get3A_149 = arith.index_cast %add3A_131 : i32 to index
        %get3A_150 = arith.index_cast %select_n3A_148 : i32 to index
        %get3A_151 = tpu.vector_load %arg6[%get3A_149, %get3A_150] {strides = array<i32>} : memref<128x128xi32, #tpu.memory_space<vmem>>, vector<1x16xi32>,
        %get3A_152 = vector.shape_cast %get3A_151 : vector<1x16xi32> to vector<16xi32>
        %add3A_153 = arith.constant 16 : i32
        %add3A_154 = arith.addi %select_n3A_148, %add3A_153 : i32
        %get3A_155 = arith.index_cast %add3A_131 : i32 to index
        %get3A_156 = arith.index_cast %add3A_154 : i32 to index
        %get3A_157 = tpu.vector_load %arg6[%get3A_155, %get3A_156] {strides = array<i32>} : memref<128x128xi32, #tpu.memory_space<vmem>>, vector<1x16xi32>,
        %get3A_158 = vector.shape_cast %get3A_157 : vector<1x16xi32> to vector<16xi32>
        %shift_left3A = arith.constant 16 : i32
        %shift_left3A_159 = vector.broadcast %shift_left3A : i32 to vector<16xi32>
        %shift_left3A_160 = arith.shli %get3A_104, %shift_left3A_159 : vector<16xi32>
        %bitcast_convert_type3A = tpu.bitcast %shift_left3A_160 : vector<16xi32> -> vector<16xf32>
        %and3A_161 = arith.constant -65536 : i32
        %and3A_162 = vector.broadcast %and3A_161 : i32 to vector<16xi32>
        %and3A_163 = arith.andi %get3A_104, %and3A_162 : vector<16xi32>
        %bitcast_convert_type3A_164 = tpu.bitcast %and3A_163 : vector<16xi32> -> vector<16xf32>
        %shift_left3A_165 = arith.constant 16 : i32
        %shift_left3A_166 = vector.broadcast %shift_left3A_165 : i32 to vector<16xi32>
        %shift_left3A_167 = arith.shli %get3A_110, %shift_left3A_166 : vector<16xi32>
        %bitcast_convert_type3A_168 = tpu.bitcast %shift_left3A_167 : vector<16xi32> -> vector<16xf32>
        %and3A_169 = arith.constant -65536 : i32
        %and3A_170 = vector.broadcast %and3A_169 : i32 to vector<16xi32>
        %and3A_171 = arith.andi %get3A_110, %and3A_170 : vector<16xi32>
        %bitcast_convert_type3A_172 = tpu.bitcast %and3A_171 : vector<16xi32> -> vector<16xf32>
        %shift_left3A_173 = arith.constant 16 : i32
        %shift_left3A_174 = vector.broadcast %shift_left3A_173 : i32 to vector<16xi32>
        %shift_left3A_175 = arith.shli %get3A_152, %shift_left3A_174 : vector<16xi32>
        %bitcast_convert_type3A_176 = tpu.bitcast %shift_left3A_175 : vector<16xi32> -> vector<16xf32>
        %and3A_177 = arith.constant -65536 : i32
        %and3A_178 = vector.broadcast %and3A_177 : i32 to vector<16xi32>
        %and3A_179 = arith.andi %get3A_152, %and3A_178 : vector<16xi32>
        %bitcast_convert_type3A_180 = tpu.bitcast %and3A_179 : vector<16xi32> -> vector<16xf32>
        %shift_left3A_181 = arith.constant 16 : i32
        %shift_left3A_182 = vector.broadcast %shift_left3A_181 : i32 to vector<16xi32>
        %shift_left3A_183 = arith.shli %get3A_158, %shift_left3A_182 : vector<16xi32>
        %bitcast_convert_type3A_184 = tpu.bitcast %shift_left3A_183 : vector<16xi32> -> vector<16xf32>
        %and3A_185 = arith.constant -65536 : i32
        %and3A_186 = vector.broadcast %and3A_185 : i32 to vector<16xi32>
        %and3A_187 = arith.andi %get3A_158, %and3A_186 : vector<16xi32>
        %bitcast_convert_type3A_188 = tpu.bitcast %and3A_187 : vector<16xi32> -> vector<16xf32>
        %add3A_189 = arith.addf %get3A_80, %bitcast_convert_type3A : vector<16xf32>
        %sub3A_190 = arith.subf %bitcast_convert_type3A_176, %bitcast_convert_type3A : vector<16xf32>
        %mul3A_191 = vector.broadcast %squeeze3A_94 : f32 to vector<16xf32>
        %mul3A_192 = arith.mulf %mul3A_191, %sub3A_190 : vector<16xf32>
        %add3A_193 = arith.addf %add3A_189, %mul3A_192 : vector<16xf32>
        %add3A_194 = arith.addf %get3A_84, %bitcast_convert_type3A_164 : vector<16xf32>
        %sub3A_195 = arith.subf %bitcast_convert_type3A_180, %bitcast_convert_type3A_164 : vector<16xf32>
        %mul3A_196 = vector.broadcast %squeeze3A_94 : f32 to vector<16xf32>
        %mul3A_197 = arith.mulf %mul3A_196, %sub3A_195 : vector<16xf32>
        %add3A_198 = arith.addf %add3A_194, %mul3A_197 : vector<16xf32>
        %add3A_199 = arith.addf %get3A_88, %bitcast_convert_type3A_168 : vector<16xf32>
        %sub3A_200 = arith.subf %bitcast_convert_type3A_184, %bitcast_convert_type3A_168 : vector<16xf32>
        %mul3A_201 = vector.broadcast %squeeze3A_94 : f32 to vector<16xf32>
        %mul3A_202 = arith.mulf %mul3A_201, %sub3A_200 : vector<16xf32>
        %add3A_203 = arith.addf %add3A_199, %mul3A_202 : vector<16xf32>
        %add3A_204 = arith.addf %get3A_92, %bitcast_convert_type3A_172 : vector<16xf32>
        %sub3A_205 = arith.subf %bitcast_convert_type3A_188, %bitcast_convert_type3A_172 : vector<16xf32>
        %mul3A_206 = vector.broadcast %squeeze3A_94 : f32 to vector<16xf32>
        %mul3A_207 = arith.mulf %mul3A_206, %sub3A_205 : vector<16xf32>
        %add3A_208 = arith.addf %add3A_204, %mul3A_207 : vector<16xf32>
        %slice3A_209 = vector.extract_strided_slice %min3A_75 {offsets = [1], sizes = [1], strides = [1]} : vector<16xi32> to vector<1xi32>
        %squeeze3A_210 = vector.extract %slice3A_209[0] : i32 from vector<1xi32>
        %slice3A_211 = vector.extract_strided_slice %sub3A {offsets = [1], sizes = [1], strides = [1]} : vector<16xf32> to vector<1xf32>
        %squeeze3A_212 = vector.extract %slice3A_211[0] : f32 from vector<1xf32>
        %add3A_213 = arith.constant 32 : i32
        %add3A_214 = arith.addi %add3A_213, %squeeze3A_210 : i32
        %shift_right_arithmetic3A_215 = arith.constant 2 : i32
        %shift_right_arithmetic3A_216 = arith.shrsi %add3A_214, %shift_right_arithmetic3A_215 : i32
        %and3A_217 = arith.constant 3 : i32
        %and3A_218 = arith.andi %add3A_214, %and3A_217 : i32
        %mul3A_219 = arith.constant 32 : i32
        %mul3A_220 = arith.muli %and3A_218, %mul3A_219 : i32
        %get3A_221 = arith.index_cast %shift_right_arithmetic3A_216 : i32 to index
        %get3A_222 = arith.index_cast %mul3A_220 : i32 to index
        %get3A_223 = tpu.vector_load %arg6[%get3A_221, %get3A_222] {strides = array<i32>} : memref<128x128xi32, #tpu.memory_space<vmem>>, vector<1x16xi32>,
        %get3A_224 = vector.shape_cast %get3A_223 : vector<1x16xi32> to vector<16xi32>
        %add3A_225 = arith.constant 16 : i32
        %add3A_226 = arith.addi %mul3A_220, %add3A_225 : i32
        %get3A_227 = arith.index_cast %shift_right_arithmetic3A_216 : i32 to index
        %get3A_228 = arith.index_cast %add3A_226 : i32 to index
        %get3A_229 = tpu.vector_load %arg6[%get3A_227, %get3A_228] {strides = array<i32>} : memref<128x128xi32, #tpu.memory_space<vmem>>, vector<1x16xi32>,
        %get3A_230 = vector.shape_cast %get3A_229 : vector<1x16xi32> to vector<16xi32>
        %add3A_231 = arith.constant 32 : i32
        %add3A_232 = arith.addi %mul3A_220, %add3A_231 : i32
        %jit3A_233 = arith.constant 128 : i32
        %div3A_234 = arith.divsi %add3A_232, %jit3A_233 : i32
        %sign3A_235 = arith.constant 0 : i32
        %sign3A_236 = arith.cmpi sgt, %add3A_232, %sign3A_235 : i32
        %sign3A_237 = arith.extui %sign3A_236 : i1 to i32
        %sign3A_238 = arith.constant 0 : i32
        %sign3A_239 = arith.cmpi slt, %add3A_232, %sign3A_238 : i32
        %sign3A_240 = arith.extui %sign3A_239 : i1 to i32
        %sign3A_241 = arith.subi %sign3A_237, %sign3A_240 : i32
        %sign3A_242 = arith.constant 0 : i32
        %sign3A_243 = arith.cmpi sgt, %jit3A_233, %sign3A_242 : i32
        %sign3A_244 = arith.extui %sign3A_243 : i1 to i32
        %sign3A_245 = arith.constant 0 : i32
        %sign3A_246 = arith.cmpi slt, %jit3A_233, %sign3A_245 : i32
        %sign3A_247 = arith.extui %sign3A_246 : i1 to i32
        %sign3A_248 = arith.subi %sign3A_244, %sign3A_247 : i32
        %ne3A_249 = arith.cmpi ne, %sign3A_241, %sign3A_248 : i32
        %rem3A_250 = arith.remsi %add3A_232, %jit3A_233 : i32
        %ne3A_251 = arith.constant 0 : i32
        %ne3A_252 = arith.cmpi ne, %rem3A_250, %ne3A_251 : i32
        %and3A_253 = arith.andi %ne3A_249, %ne3A_252 : i1
        %sub3A_254 = arith.constant 1 : i32
        %sub3A_255 = arith.subi %div3A_234, %sub3A_254 : i32
        %select_n3A_256 = arith.select %and3A_253, %sub3A_255, %div3A_234 : i32
        %add3A_257 = arith.addi %shift_right_arithmetic3A_216, %select_n3A_256 : i32
        %add3A_258 = arith.constant 32 : i32
        %add3A_259 = arith.addi %mul3A_220, %add3A_258 : i32
        %jit3A_260 = arith.constant 128 : i32
        %eq3A_261 = arith.constant 0 : i32
        %eq3A_262 = arith.cmpi eq, %jit3A_260, %eq3A_261 : i32
        %jit3A_263 = arith.constant 1 : i32
        %select_n3A_264 = arith.select %eq3A_262, %jit3A_263, %jit3A_260 : i32
        %rem3A_265 = arith.remsi %add3A_259, %select_n3A_264 : i32
        %ne3A_266 = arith.constant 0 : i32
        %ne3A_267 = arith.cmpi ne, %rem3A_265, %ne3A_266 : i32
        %lt3A_268 = arith.constant 0 : i32
        %lt3A_269 = arith.cmpi slt, %rem3A_265, %lt3A_268 : i32
        %lt3A_270 = arith.constant 0 : i32
        %lt3A_271 = arith.cmpi slt, %select_n3A_264, %lt3A_270 : i32
        %ne3A_272 = arith.xori %lt3A_269, %lt3A_271 : i1
        %and3A_273 = arith.andi %ne3A_272, %ne3A_267 : i1
        %add3A_274 = arith.addi %rem3A_265, %select_n3A_264 : i32
        %select_n3A_275 = arith.select %and3A_273, %add3A_274, %rem3A_265 : i32
        %get3A_276 = arith.index_cast %add3A_257 : i32 to index
        %get3A_277 = arith.index_cast %select_n3A_275 : i32 to index
        %get3A_278 = tpu.vector_load %arg6[%get3A_276, %get3A_277] {strides = array<i32>} : memref<128x128xi32, #tpu.memory_space<vmem>>, vector<1x16xi32>,
        %get3A_279 = vector.shape_cast %get3A_278 : vector<1x16xi32> to vector<16xi32>
        %add3A_280 = arith.constant 16 : i32
        %add3A_281 = arith.addi %select_n3A_275, %add3A_280 : i32
        %get3A_282 = arith.index_cast %add3A_257 : i32 to index
        %get3A_283 = arith.index_cast %add3A_281 : i32 to index
        %get3A_284 = tpu.vector_load %arg6[%get3A_282, %get3A_283] {strides = array<i32>} : memref<128x128xi32, #tpu.memory_space<vmem>>, vector<1x16xi32>,
        %get3A_285 = vector.shape_cast %get3A_284 : vector<1x16xi32> to vector<16xi32>
        %shift_left3A_286 = arith.constant 16 : i32
        %shift_left3A_287 = vector.broadcast %shift_left3A_286 : i32 to vector<16xi32>
        %shift_left3A_288 = arith.shli %get3A_224, %shift_left3A_287 : vector<16xi32>
        %bitcast_convert_type3A_289 = tpu.bitcast %shift_left3A_288 : vector<16xi32> -> vector<16xf32>
        %and3A_290 = arith.constant -65536 : i32
        %and3A_291 = vector.broadcast %and3A_290 : i32 to vector<16xi32>
        %and3A_292 = arith.andi %get3A_224, %and3A_291 : vector<16xi32>
        %bitcast_convert_type3A_293 = tpu.bitcast %and3A_292 : vector<16xi32> -> vector<16xf32>
        %shift_left3A_294 = arith.constant 16 : i32
        %shift_left3A_295 = vector.broadcast %shift_left3A_294 : i32 to vector<16xi32>
        %shift_left3A_296 = arith.shli %get3A_230, %shift_left3A_295 : vector<16xi32>
        %bitcast_convert_type3A_297 = tpu.bitcast %shift_left3A_296 : vector<16xi32> -> vector<16xf32>
        %and3A_298 = arith.constant -65536 : i32
        %and3A_299 = vector.broadcast %and3A_298 : i32 to vector<16xi32>
        %and3A_300 = arith.andi %get3A_230, %and3A_299 : vector<16xi32>
        %bitcast_convert_type3A_301 = tpu.bitcast %and3A_300 : vector<16xi32> -> vector<16xf32>
        %shift_left3A_302 = arith.constant 16 : i32
        %shift_left3A_303 = vector.broadcast %shift_left3A_302 : i32 to vector<16xi32>
        %shift_left3A_304 = arith.shli %get3A_279, %shift_left3A_303 : vector<16xi32>
        %bitcast_convert_type3A_305 = tpu.bitcast %shift_left3A_304 : vector<16xi32> -> vector<16xf32>
        %and3A_306 = arith.constant -65536 : i32
        %and3A_307 = vector.broadcast %and3A_306 : i32 to vector<16xi32>
        %and3A_308 = arith.andi %get3A_279, %and3A_307 : vector<16xi32>
        %bitcast_convert_type3A_309 = tpu.bitcast %and3A_308 : vector<16xi32> -> vector<16xf32>
        %shift_left3A_310 = arith.constant 16 : i32
        %shift_left3A_311 = vector.broadcast %shift_left3A_310 : i32 to vector<16xi32>
        %shift_left3A_312 = arith.shli %get3A_285, %shift_left3A_311 : vector<16xi32>
        %bitcast_convert_type3A_313 = tpu.bitcast %shift_left3A_312 : vector<16xi32> -> vector<16xf32>
        %and3A_314 = arith.constant -65536 : i32
        %and3A_315 = vector.broadcast %and3A_314 : i32 to vector<16xi32>
        %and3A_316 = arith.andi %get3A_285, %and3A_315 : vector<16xi32>
        %bitcast_convert_type3A_317 = tpu.bitcast %and3A_316 : vector<16xi32> -> vector<16xf32>
        %add3A_318 = arith.addf %add3A_193, %bitcast_convert_type3A_289 : vector<16xf32>
        %sub3A_319 = arith.subf %bitcast_convert_type3A_305, %bitcast_convert_type3A_289 : vector<16xf32>
        %mul3A_320 = vector.broadcast %squeeze3A_212 : f32 to vector<16xf32>
        %mul3A_321 = arith.mulf %mul3A_320, %sub3A_319 : vector<16xf32>
        %add3A_322 = arith.addf %add3A_318, %mul3A_321 : vector<16xf32>
        %add3A_323 = arith.addf %add3A_198, %bitcast_convert_type3A_293 : vector<16xf32>
        %sub3A_324 = arith.subf %bitcast_convert_type3A_309, %bitcast_convert_type3A_293 : vector<16xf32>
        %mul3A_325 = vector.broadcast %squeeze3A_212 : f32 to vector<16xf32>
        %mul3A_326 = arith.mulf %mul3A_325, %sub3A_324 : vector<16xf32>
        %add3A_327 = arith.addf %add3A_323, %mul3A_326 : vector<16xf32>
        %add3A_328 = arith.addf %add3A_203, %bitcast_convert_type3A_297 : vector<16xf32>
        %sub3A_329 = arith.subf %bitcast_convert_type3A_313, %bitcast_convert_type3A_297 : vector<16xf32>
        %mul3A_330 = vector.broadcast %squeeze3A_212 : f32 to vector<16xf32>
        %mul3A_331 = arith.mulf %mul3A_330, %sub3A_329 : vector<16xf32>
        %add3A_332 = arith.addf %add3A_328, %mul3A_331 : vector<16xf32>
        %add3A_333 = arith.addf %add3A_208, %bitcast_convert_type3A_301 : vector<16xf32>
        %sub3A_334 = arith.subf %bitcast_convert_type3A_317, %bitcast_convert_type3A_301 : vector<16xf32>
        %mul3A_335 = vector.broadcast %squeeze3A_212 : f32 to vector<16xf32>
        %mul3A_336 = arith.mulf %mul3A_335, %sub3A_334 : vector<16xf32>
        %add3A_337 = arith.addf %add3A_333, %mul3A_336 : vector<16xf32>
        %slice3A_338 = vector.extract_strided_slice %min3A_75 {offsets = [2], sizes = [1], strides = [1]} : vector<16xi32> to vector<1xi32>
        %squeeze3A_339 = vector.extract %slice3A_338[0] : i32 from vector<1xi32>
        %slice3A_340 = vector.extract_strided_slice %sub3A {offsets = [2], sizes = [1], strides = [1]} : vector<16xf32> to vector<1xf32>
        %squeeze3A_341 = vector.extract %slice3A_340[0] : f32 from vector<1xf32>
        %add3A_342 = arith.constant 64 : i32
        %add3A_343 = arith.addi %add3A_342, %squeeze3A_339 : i32
        %shift_right_arithmetic3A_344 = arith.constant 2 : i32
        %shift_right_arithmetic3A_345 = arith.shrsi %add3A_343, %shift_right_arithmetic3A_344 : i32
        %and3A_346 = arith.constant 3 : i32
        %and3A_347 = arith.andi %add3A_343, %and3A_346 : i32
        %mul3A_348 = arith.constant 32 : i32
        %mul3A_349 = arith.muli %and3A_347, %mul3A_348 : i32
        %get3A_350 = arith.index_cast %shift_right_arithmetic3A_345 : i32 to index
        %get3A_351 = arith.index_cast %mul3A_349 : i32 to index
        %get3A_352 = tpu.vector_load %arg6[%get3A_350, %get3A_351] {strides = array<i32>} : memref<128x128xi32, #tpu.memory_space<vmem>>, vector<1x16xi32>,
        %get3A_353 = vector.shape_cast %get3A_352 : vector<1x16xi32> to vector<16xi32>
        %add3A_354 = arith.constant 16 : i32
        %add3A_355 = arith.addi %mul3A_349, %add3A_354 : i32
        %get3A_356 = arith.index_cast %shift_right_arithmetic3A_345 : i32 to index
        %get3A_357 = arith.index_cast %add3A_355 : i32 to index
        %get3A_358 = tpu.vector_load %arg6[%get3A_356, %get3A_357] {strides = array<i32>} : memref<128x128xi32, #tpu.memory_space<vmem>>, vector<1x16xi32>,
        %get3A_359 = vector.shape_cast %get3A_358 : vector<1x16xi32> to vector<16xi32>
        %add3A_360 = arith.constant 32 : i32
        %add3A_361 = arith.addi %mul3A_349, %add3A_360 : i32
        %jit3A_362 = arith.constant 128 : i32
        %div3A_363 = arith.divsi %add3A_361, %jit3A_362 : i32
        %sign3A_364 = arith.constant 0 : i32
        %sign3A_365 = arith.cmpi sgt, %add3A_361, %sign3A_364 : i32
        %sign3A_366 = arith.extui %sign3A_365 : i1 to i32
        %sign3A_367 = arith.constant 0 : i32
        %sign3A_368 = arith.cmpi slt, %add3A_361, %sign3A_367 : i32
        %sign3A_369 = arith.extui %sign3A_368 : i1 to i32
        %sign3A_370 = arith.subi %sign3A_366, %sign3A_369 : i32
        %sign3A_371 = arith.constant 0 : i32
        %sign3A_372 = arith.cmpi sgt, %jit3A_362, %sign3A_371 : i32
        %sign3A_373 = arith.extui %sign3A_372 : i1 to i32
        %sign3A_374 = arith.constant 0 : i32
        %sign3A_375 = arith.cmpi slt, %jit3A_362, %sign3A_374 : i32
        %sign3A_376 = arith.extui %sign3A_375 : i1 to i32
        %sign3A_377 = arith.subi %sign3A_373, %sign3A_376 : i32
        %ne3A_378 = arith.cmpi ne, %sign3A_370, %sign3A_377 : i32
        %rem3A_379 = arith.remsi %add3A_361, %jit3A_362 : i32
        %ne3A_380 = arith.constant 0 : i32
        %ne3A_381 = arith.cmpi ne, %rem3A_379, %ne3A_380 : i32
        %and3A_382 = arith.andi %ne3A_378, %ne3A_381 : i1
        %sub3A_383 = arith.constant 1 : i32
        %sub3A_384 = arith.subi %div3A_363, %sub3A_383 : i32
        %select_n3A_385 = arith.select %and3A_382, %sub3A_384, %div3A_363 : i32
        %add3A_386 = arith.addi %shift_right_arithmetic3A_345, %select_n3A_385 : i32
        %add3A_387 = arith.constant 32 : i32
        %add3A_388 = arith.addi %mul3A_349, %add3A_387 : i32
        %jit3A_389 = arith.constant 128 : i32
        %eq3A_390 = arith.constant 0 : i32
        %eq3A_391 = arith.cmpi eq, %jit3A_389, %eq3A_390 : i32
        %jit3A_392 = arith.constant 1 : i32
        %select_n3A_393 = arith.select %eq3A_391, %jit3A_392, %jit3A_389 : i32
        %rem3A_394 = arith.remsi %add3A_388, %select_n3A_393 : i32
        %ne3A_395 = arith.constant 0 : i32
        %ne3A_396 = arith.cmpi ne, %rem3A_394, %ne3A_395 : i32
        %lt3A_397 = arith.constant 0 : i32
        %lt3A_398 = arith.cmpi slt, %rem3A_394, %lt3A_397 : i32
        %lt3A_399 = arith.constant 0 : i32
        %lt3A_400 = arith.cmpi slt, %select_n3A_393, %lt3A_399 : i32
        %ne3A_401 = arith.xori %lt3A_398, %lt3A_400 : i1
        %and3A_402 = arith.andi %ne3A_401, %ne3A_396 : i1
        %add3A_403 = arith.addi %rem3A_394, %select_n3A_393 : i32
        %select_n3A_404 = arith.select %and3A_402, %add3A_403, %rem3A_394 : i32
        %get3A_405 = arith.index_cast %add3A_386 : i32 to index
        %get3A_406 = arith.index_cast %select_n3A_404 : i32 to index
        %get3A_407 = tpu.vector_load %arg6[%get3A_405, %get3A_406] {strides = array<i32>} : memref<128x128xi32, #tpu.memory_space<vmem>>, vector<1x16xi32>,
        %get3A_408 = vector.shape_cast %get3A_407 : vector<1x16xi32> to vector<16xi32>
        %add3A_409 = arith.constant 16 : i32
        %add3A_410 = arith.addi %select_n3A_404, %add3A_409 : i32
        %get3A_411 = arith.index_cast %add3A_386 : i32 to index
        %get3A_412 = arith.index_cast %add3A_410 : i32 to index
        %get3A_413 = tpu.vector_load %arg6[%get3A_411, %get3A_412] {strides = array<i32>} : memref<128x128xi32, #tpu.memory_space<vmem>>, vector<1x16xi32>,
        %get3A_414 = vector.shape_cast %get3A_413 : vector<1x16xi32> to vector<16xi32>
        %shift_left3A_415 = arith.constant 16 : i32
        %shift_left3A_416 = vector.broadcast %shift_left3A_415 : i32 to vector<16xi32>
        %shift_left3A_417 = arith.shli %get3A_353, %shift_left3A_416 : vector<16xi32>
        %bitcast_convert_type3A_418 = tpu.bitcast %shift_left3A_417 : vector<16xi32> -> vector<16xf32>
        %and3A_419 = arith.constant -65536 : i32
        %and3A_420 = vector.broadcast %and3A_419 : i32 to vector<16xi32>
        %and3A_421 = arith.andi %get3A_353, %and3A_420 : vector<16xi32>
        %bitcast_convert_type3A_422 = tpu.bitcast %and3A_421 : vector<16xi32> -> vector<16xf32>
        %shift_left3A_423 = arith.constant 16 : i32
        %shift_left3A_424 = vector.broadcast %shift_left3A_423 : i32 to vector<16xi32>
        %shift_left3A_425 = arith.shli %get3A_359, %shift_left3A_424 : vector<16xi32>
        %bitcast_convert_type3A_426 = tpu.bitcast %shift_left3A_425 : vector<16xi32> -> vector<16xf32>
        %and3A_427 = arith.constant -65536 : i32
        %and3A_428 = vector.broadcast %and3A_427 : i32 to vector<16xi32>
        %and3A_429 = arith.andi %get3A_359, %and3A_428 : vector<16xi32>
        %bitcast_convert_type3A_430 = tpu.bitcast %and3A_429 : vector<16xi32> -> vector<16xf32>
        %shift_left3A_431 = arith.constant 16 : i32
        %shift_left3A_432 = vector.broadcast %shift_left3A_431 : i32 to vector<16xi32>
        %shift_left3A_433 = arith.shli %get3A_408, %shift_left3A_432 : vector<16xi32>
        %bitcast_convert_type3A_434 = tpu.bitcast %shift_left3A_433 : vector<16xi32> -> vector<16xf32>
        %and3A_435 = arith.constant -65536 : i32
        %and3A_436 = vector.broadcast %and3A_435 : i32 to vector<16xi32>
        %and3A_437 = arith.andi %get3A_408, %and3A_436 : vector<16xi32>
        %bitcast_convert_type3A_438 = tpu.bitcast %and3A_437 : vector<16xi32> -> vector<16xf32>
        %shift_left3A_439 = arith.constant 16 : i32
        %shift_left3A_440 = vector.broadcast %shift_left3A_439 : i32 to vector<16xi32>
        %shift_left3A_441 = arith.shli %get3A_414, %shift_left3A_440 : vector<16xi32>
        %bitcast_convert_type3A_442 = tpu.bitcast %shift_left3A_441 : vector<16xi32> -> vector<16xf32>
        %and3A_443 = arith.constant -65536 : i32
        %and3A_444 = vector.broadcast %and3A_443 : i32 to vector<16xi32>
        %and3A_445 = arith.andi %get3A_414, %and3A_444 : vector<16xi32>
        %bitcast_convert_type3A_446 = tpu.bitcast %and3A_445 : vector<16xi32> -> vector<16xf32>
        %add3A_447 = arith.addf %add3A_322, %bitcast_convert_type3A_418 : vector<16xf32>
        %sub3A_448 = arith.subf %bitcast_convert_type3A_434, %bitcast_convert_type3A_418 : vector<16xf32>
        %mul3A_449 = vector.broadcast %squeeze3A_341 : f32 to vector<16xf32>
        %mul3A_450 = arith.mulf %mul3A_449, %sub3A_448 : vector<16xf32>
        %add3A_451 = arith.addf %add3A_447, %mul3A_450 : vector<16xf32>
        %add3A_452 = arith.addf %add3A_327, %bitcast_convert_type3A_422 : vector<16xf32>
        %sub3A_453 = arith.subf %bitcast_convert_type3A_438, %bitcast_convert_type3A_422 : vector<16xf32>
        %mul3A_454 = vector.broadcast %squeeze3A_341 : f32 to vector<16xf32>
        %mul3A_455 = arith.mulf %mul3A_454, %sub3A_453 : vector<16xf32>
        %add3A_456 = arith.addf %add3A_452, %mul3A_455 : vector<16xf32>
        %add3A_457 = arith.addf %add3A_332, %bitcast_convert_type3A_426 : vector<16xf32>
        %sub3A_458 = arith.subf %bitcast_convert_type3A_442, %bitcast_convert_type3A_426 : vector<16xf32>
        %mul3A_459 = vector.broadcast %squeeze3A_341 : f32 to vector<16xf32>
        %mul3A_460 = arith.mulf %mul3A_459, %sub3A_458 : vector<16xf32>
        %add3A_461 = arith.addf %add3A_457, %mul3A_460 : vector<16xf32>
        %add3A_462 = arith.addf %add3A_337, %bitcast_convert_type3A_430 : vector<16xf32>
        %sub3A_463 = arith.subf %bitcast_convert_type3A_446, %bitcast_convert_type3A_430 : vector<16xf32>
        %mul3A_464 = vector.broadcast %squeeze3A_341 : f32 to vector<16xf32>
        %mul3A_465 = arith.mulf %mul3A_464, %sub3A_463 : vector<16xf32>
        %add3A_466 = arith.addf %add3A_462, %mul3A_465 : vector<16xf32>
        %slice3A_467 = vector.extract_strided_slice %min3A_75 {offsets = [3], sizes = [1], strides = [1]} : vector<16xi32> to vector<1xi32>
        %squeeze3A_468 = vector.extract %slice3A_467[0] : i32 from vector<1xi32>
        %slice3A_469 = vector.extract_strided_slice %sub3A {offsets = [3], sizes = [1], strides = [1]} : vector<16xf32> to vector<1xf32>
        %squeeze3A_470 = vector.extract %slice3A_469[0] : f32 from vector<1xf32>
        %add3A_471 = arith.constant 96 : i32
        %add3A_472 = arith.addi %add3A_471, %squeeze3A_468 : i32
        %shift_right_arithmetic3A_473 = arith.constant 2 : i32
        %shift_right_arithmetic3A_474 = arith.shrsi %add3A_472, %shift_right_arithmetic3A_473 : i32
        %and3A_475 = arith.constant 3 : i32
        %and3A_476 = arith.andi %add3A_472, %and3A_475 : i32
        %mul3A_477 = arith.constant 32 : i32
        %mul3A_478 = arith.muli %and3A_476, %mul3A_477 : i32
        %get3A_479 = arith.index_cast %shift_right_arithmetic3A_474 : i32 to index
        %get3A_480 = arith.index_cast %mul3A_478 : i32 to index
        %get3A_481 = tpu.vector_load %arg6[%get3A_479, %get3A_480] {strides = array<i32>} : memref<128x128xi32, #tpu.memory_space<vmem>>, vector<1x16xi32>,
        %get3A_482 = vector.shape_cast %get3A_481 : vector<1x16xi32> to vector<16xi32>
        %add3A_483 = arith.constant 16 : i32
        %add3A_484 = arith.addi %mul3A_478, %add3A_483 : i32
        %get3A_485 = arith.index_cast %shift_right_arithmetic3A_474 : i32 to index
        %get3A_486 = arith.index_cast %add3A_484 : i32 to index
        %get3A_487 = tpu.vector_load %arg6[%get3A_485, %get3A_486] {strides = array<i32>} : memref<128x128xi32, #tpu.memory_space<vmem>>, vector<1x16xi32>,
        %get3A_488 = vector.shape_cast %get3A_487 : vector<1x16xi32> to vector<16xi32>
        %add3A_489 = arith.constant 32 : i32
        %add3A_490 = arith.addi %mul3A_478, %add3A_489 : i32
        %jit3A_491 = arith.constant 128 : i32
        %div3A_492 = arith.divsi %add3A_490, %jit3A_491 : i32
        %sign3A_493 = arith.constant 0 : i32
        %sign3A_494 = arith.cmpi sgt, %add3A_490, %sign3A_493 : i32
        %sign3A_495 = arith.extui %sign3A_494 : i1 to i32
        %sign3A_496 = arith.constant 0 : i32
        %sign3A_497 = arith.cmpi slt, %add3A_490, %sign3A_496 : i32
        %sign3A_498 = arith.extui %sign3A_497 : i1 to i32
        %sign3A_499 = arith.subi %sign3A_495, %sign3A_498 : i32
        %sign3A_500 = arith.constant 0 : i32
        %sign3A_501 = arith.cmpi sgt, %jit3A_491, %sign3A_500 : i32
        %sign3A_502 = arith.extui %sign3A_501 : i1 to i32
        %sign3A_503 = arith.constant 0 : i32
        %sign3A_504 = arith.cmpi slt, %jit3A_491, %sign3A_503 : i32
        %sign3A_505 = arith.extui %sign3A_504 : i1 to i32
        %sign3A_506 = arith.subi %sign3A_502, %sign3A_505 : i32
        %ne3A_507 = arith.cmpi ne, %sign3A_499, %sign3A_506 : i32
        %rem3A_508 = arith.remsi %add3A_490, %jit3A_491 : i32
        %ne3A_509 = arith.constant 0 : i32
        %ne3A_510 = arith.cmpi ne, %rem3A_508, %ne3A_509 : i32
        %and3A_511 = arith.andi %ne3A_507, %ne3A_510 : i1
        %sub3A_512 = arith.constant 1 : i32
        %sub3A_513 = arith.subi %div3A_492, %sub3A_512 : i32
        %select_n3A_514 = arith.select %and3A_511, %sub3A_513, %div3A_492 : i32
        %add3A_515 = arith.addi %shift_right_arithmetic3A_474, %select_n3A_514 : i32
        %add3A_516 = arith.constant 32 : i32
        %add3A_517 = arith.addi %mul3A_478, %add3A_516 : i32
        %jit3A_518 = arith.constant 128 : i32
        %eq3A_519 = arith.constant 0 : i32
        %eq3A_520 = arith.cmpi eq, %jit3A_518, %eq3A_519 : i32
        %jit3A_521 = arith.constant 1 : i32
        %select_n3A_522 = arith.select %eq3A_520, %jit3A_521, %jit3A_518 : i32
        %rem3A_523 = arith.remsi %add3A_517, %select_n3A_522 : i32
        %ne3A_524 = arith.constant 0 : i32
        %ne3A_525 = arith.cmpi ne, %rem3A_523, %ne3A_524 : i32
        %lt3A_526 = arith.constant 0 : i32
        %lt3A_527 = arith.cmpi slt, %rem3A_523, %lt3A_526 : i32
        %lt3A_528 = arith.constant 0 : i32
        %lt3A_529 = arith.cmpi slt, %select_n3A_522, %lt3A_528 : i32
        %ne3A_530 = arith.xori %lt3A_527, %lt3A_529 : i1
        %and3A_531 = arith.andi %ne3A_530, %ne3A_525 : i1
        %add3A_532 = arith.addi %rem3A_523, %select_n3A_522 : i32
        %select_n3A_533 = arith.select %and3A_531, %add3A_532, %rem3A_523 : i32
        %get3A_534 = arith.index_cast %add3A_515 : i32 to index
        %get3A_535 = arith.index_cast %select_n3A_533 : i32 to index
        %get3A_536 = tpu.vector_load %arg6[%get3A_534, %get3A_535] {strides = array<i32>} : memref<128x128xi32, #tpu.memory_space<vmem>>, vector<1x16xi32>,
        %get3A_537 = vector.shape_cast %get3A_536 : vector<1x16xi32> to vector<16xi32>
        %add3A_538 = arith.constant 16 : i32
        %add3A_539 = arith.addi %select_n3A_533, %add3A_538 : i32
        %get3A_540 = arith.index_cast %add3A_515 : i32 to index
        %get3A_541 = arith.index_cast %add3A_539 : i32 to index
        %get3A_542 = tpu.vector_load %arg6[%get3A_540, %get3A_541] {strides = array<i32>} : memref<128x128xi32, #tpu.memory_space<vmem>>, vector<1x16xi32>,
        %get3A_543 = vector.shape_cast %get3A_542 : vector<1x16xi32> to vector<16xi32>
        %shift_left3A_544 = arith.constant 16 : i32
        %shift_left3A_545 = vector.broadcast %shift_left3A_544 : i32 to vector<16xi32>
        %shift_left3A_546 = arith.shli %get3A_482, %shift_left3A_545 : vector<16xi32>
        %bitcast_convert_type3A_547 = tpu.bitcast %shift_left3A_546 : vector<16xi32> -> vector<16xf32>
        %and3A_548 = arith.constant -65536 : i32
        %and3A_549 = vector.broadcast %and3A_548 : i32 to vector<16xi32>
        %and3A_550 = arith.andi %get3A_482, %and3A_549 : vector<16xi32>
        %bitcast_convert_type3A_551 = tpu.bitcast %and3A_550 : vector<16xi32> -> vector<16xf32>
        %shift_left3A_552 = arith.constant 16 : i32
        %shift_left3A_553 = vector.broadcast %shift_left3A_552 : i32 to vector<16xi32>
        %shift_left3A_554 = arith.shli %get3A_488, %shift_left3A_553 : vector<16xi32>
        %bitcast_convert_type3A_555 = tpu.bitcast %shift_left3A_554 : vector<16xi32> -> vector<16xf32>
        %and3A_556 = arith.constant -65536 : i32
        %and3A_557 = vector.broadcast %and3A_556 : i32 to vector<16xi32>
        %and3A_558 = arith.andi %get3A_488, %and3A_557 : vector<16xi32>
        %bitcast_convert_type3A_559 = tpu.bitcast %and3A_558 : vector<16xi32> -> vector<16xf32>
        %shift_left3A_560 = arith.constant 16 : i32
        %shift_left3A_561 = vector.broadcast %shift_left3A_560 : i32 to vector<16xi32>
        %shift_left3A_562 = arith.shli %get3A_537, %shift_left3A_561 : vector<16xi32>
        %bitcast_convert_type3A_563 = tpu.bitcast %shift_left3A_562 : vector<16xi32> -> vector<16xf32>
        %and3A_564 = arith.constant -65536 : i32
        %and3A_565 = vector.broadcast %and3A_564 : i32 to vector<16xi32>
        %and3A_566 = arith.andi %get3A_537, %and3A_565 : vector<16xi32>
        %bitcast_convert_type3A_567 = tpu.bitcast %and3A_566 : vector<16xi32> -> vector<16xf32>
        %shift_left3A_568 = arith.constant 16 : i32
        %shift_left3A_569 = vector.broadcast %shift_left3A_568 : i32 to vector<16xi32>
        %shift_left3A_570 = arith.shli %get3A_543, %shift_left3A_569 : vector<16xi32>
        %bitcast_convert_type3A_571 = tpu.bitcast %shift_left3A_570 : vector<16xi32> -> vector<16xf32>
        %and3A_572 = arith.constant -65536 : i32
        %and3A_573 = vector.broadcast %and3A_572 : i32 to vector<16xi32>
        %and3A_574 = arith.andi %get3A_543, %and3A_573 : vector<16xi32>
        %bitcast_convert_type3A_575 = tpu.bitcast %and3A_574 : vector<16xi32> -> vector<16xf32>
        %add3A_576 = arith.addf %add3A_451, %bitcast_convert_type3A_547 : vector<16xf32>
        %sub3A_577 = arith.subf %bitcast_convert_type3A_563, %bitcast_convert_type3A_547 : vector<16xf32>
        %mul3A_578 = vector.broadcast %squeeze3A_470 : f32 to vector<16xf32>
        %mul3A_579 = arith.mulf %mul3A_578, %sub3A_577 : vector<16xf32>
        %add3A_580 = arith.addf %add3A_576, %mul3A_579 : vector<16xf32>
        %add3A_581 = arith.addf %add3A_456, %bitcast_convert_type3A_551 : vector<16xf32>
        %sub3A_582 = arith.subf %bitcast_convert_type3A_567, %bitcast_convert_type3A_551 : vector<16xf32>
        %mul3A_583 = vector.broadcast %squeeze3A_470 : f32 to vector<16xf32>
        %mul3A_584 = arith.mulf %mul3A_583, %sub3A_582 : vector<16xf32>
        %add3A_585 = arith.addf %add3A_581, %mul3A_584 : vector<16xf32>
        %add3A_586 = arith.addf %add3A_461, %bitcast_convert_type3A_555 : vector<16xf32>
        %sub3A_587 = arith.subf %bitcast_convert_type3A_571, %bitcast_convert_type3A_555 : vector<16xf32>
        %mul3A_588 = vector.broadcast %squeeze3A_470 : f32 to vector<16xf32>
        %mul3A_589 = arith.mulf %mul3A_588, %sub3A_587 : vector<16xf32>
        %add3A_590 = arith.addf %add3A_586, %mul3A_589 : vector<16xf32>
        %add3A_591 = arith.addf %add3A_466, %bitcast_convert_type3A_559 : vector<16xf32>
        %sub3A_592 = arith.subf %bitcast_convert_type3A_575, %bitcast_convert_type3A_559 : vector<16xf32>
        %mul3A_593 = vector.broadcast %squeeze3A_470 : f32 to vector<16xf32>
        %mul3A_594 = arith.mulf %mul3A_593, %sub3A_592 : vector<16xf32>
        %add3A_595 = arith.addf %add3A_591, %mul3A_594 : vector<16xf32>
        %slice3A_596 = vector.extract_strided_slice %min3A_75 {offsets = [4], sizes = [1], strides = [1]} : vector<16xi32> to vector<1xi32>
        %squeeze3A_597 = vector.extract %slice3A_596[0] : i32 from vector<1xi32>
        %slice3A_598 = vector.extract_strided_slice %sub3A {offsets = [4], sizes = [1], strides = [1]} : vector<16xf32> to vector<1xf32>
        %squeeze3A_599 = vector.extract %slice3A_598[0] : f32 from vector<1xf32>
        %add3A_600 = arith.constant 128 : i32
        %add3A_601 = arith.addi %add3A_600, %squeeze3A_597 : i32
        %shift_right_arithmetic3A_602 = arith.constant 2 : i32
        %shift_right_arithmetic3A_603 = arith.shrsi %add3A_601, %shift_right_arithmetic3A_602 : i32
        %and3A_604 = arith.constant 3 : i32
        %and3A_605 = arith.andi %add3A_601, %and3A_604 : i32
        %mul3A_606 = arith.constant 32 : i32
        %mul3A_607 = arith.muli %and3A_605, %mul3A_606 : i32
        %get3A_608 = arith.index_cast %shift_right_arithmetic3A_603 : i32 to index
        %get3A_609 = arith.index_cast %mul3A_607 : i32 to index
        %get3A_610 = tpu.vector_load %arg6[%get3A_608, %get3A_609] {strides = array<i32>} : memref<128x128xi32, #tpu.memory_space<vmem>>, vector<1x16xi32>,
        %get3A_611 = vector.shape_cast %get3A_610 : vector<1x16xi32> to vector<16xi32>
        %add3A_612 = arith.constant 16 : i32
        %add3A_613 = arith.addi %mul3A_607, %add3A_612 : i32
        %get3A_614 = arith.index_cast %shift_right_arithmetic3A_603 : i32 to index
        %get3A_615 = arith.index_cast %add3A_613 : i32 to index
        %get3A_616 = tpu.vector_load %arg6[%get3A_614, %get3A_615] {strides = array<i32>} : memref<128x128xi32, #tpu.memory_space<vmem>>, vector<1x16xi32>,
        %get3A_617 = vector.shape_cast %get3A_616 : vector<1x16xi32> to vector<16xi32>
        %add3A_618 = arith.constant 32 : i32
        %add3A_619 = arith.addi %mul3A_607, %add3A_618 : i32
        %jit3A_620 = arith.constant 128 : i32
        %div3A_621 = arith.divsi %add3A_619, %jit3A_620 : i32
        %sign3A_622 = arith.constant 0 : i32
        %sign3A_623 = arith.cmpi sgt, %add3A_619, %sign3A_622 : i32
        %sign3A_624 = arith.extui %sign3A_623 : i1 to i32
        %sign3A_625 = arith.constant 0 : i32
        %sign3A_626 = arith.cmpi slt, %add3A_619, %sign3A_625 : i32
        %sign3A_627 = arith.extui %sign3A_626 : i1 to i32
        %sign3A_628 = arith.subi %sign3A_624, %sign3A_627 : i32
        %sign3A_629 = arith.constant 0 : i32
        %sign3A_630 = arith.cmpi sgt, %jit3A_620, %sign3A_629 : i32
        %sign3A_631 = arith.extui %sign3A_630 : i1 to i32
        %sign3A_632 = arith.constant 0 : i32
        %sign3A_633 = arith.cmpi slt, %jit3A_620, %sign3A_632 : i32
        %sign3A_634 = arith.extui %sign3A_633 : i1 to i32
        %sign3A_635 = arith.subi %sign3A_631, %sign3A_634 : i32
        %ne3A_636 = arith.cmpi ne, %sign3A_628, %sign3A_635 : i32
        %rem3A_637 = arith.remsi %add3A_619, %jit3A_620 : i32
        %ne3A_638 = arith.constant 0 : i32
        %ne3A_639 = arith.cmpi ne, %rem3A_637, %ne3A_638 : i32
        %and3A_640 = arith.andi %ne3A_636, %ne3A_639 : i1
        %sub3A_641 = arith.constant 1 : i32
        %sub3A_642 = arith.subi %div3A_621, %sub3A_641 : i32
        %select_n3A_643 = arith.select %and3A_640, %sub3A_642, %div3A_621 : i32
        %add3A_644 = arith.addi %shift_right_arithmetic3A_603, %select_n3A_643 : i32
        %add3A_645 = arith.constant 32 : i32
        %add3A_646 = arith.addi %mul3A_607, %add3A_645 : i32
        %jit3A_647 = arith.constant 128 : i32
        %eq3A_648 = arith.constant 0 : i32
        %eq3A_649 = arith.cmpi eq, %jit3A_647, %eq3A_648 : i32
        %jit3A_650 = arith.constant 1 : i32
        %select_n3A_651 = arith.select %eq3A_649, %jit3A_650, %jit3A_647 : i32
        %rem3A_652 = arith.remsi %add3A_646, %select_n3A_651 : i32
        %ne3A_653 = arith.constant 0 : i32
        %ne3A_654 = arith.cmpi ne, %rem3A_652, %ne3A_653 : i32
        %lt3A_655 = arith.constant 0 : i32
        %lt3A_656 = arith.cmpi slt, %rem3A_652, %lt3A_655 : i32
        %lt3A_657 = arith.constant 0 : i32
        %lt3A_658 = arith.cmpi slt, %select_n3A_651, %lt3A_657 : i32
        %ne3A_659 = arith.xori %lt3A_656, %lt3A_658 : i1
        %and3A_660 = arith.andi %ne3A_659, %ne3A_654 : i1
        %add3A_661 = arith.addi %rem3A_652, %select_n3A_651 : i32
        %select_n3A_662 = arith.select %and3A_660, %add3A_661, %rem3A_652 : i32
        %get3A_663 = arith.index_cast %add3A_644 : i32 to index
        %get3A_664 = arith.index_cast %select_n3A_662 : i32 to index
        %get3A_665 = tpu.vector_load %arg6[%get3A_663, %get3A_664] {strides = array<i32>} : memref<128x128xi32, #tpu.memory_space<vmem>>, vector<1x16xi32>,
        %get3A_666 = vector.shape_cast %get3A_665 : vector<1x16xi32> to vector<16xi32>
        %add3A_667 = arith.constant 16 : i32
        %add3A_668 = arith.addi %select_n3A_662, %add3A_667 : i32
        %get3A_669 = arith.index_cast %add3A_644 : i32 to index
        %get3A_670 = arith.index_cast %add3A_668 : i32 to index
        %get3A_671 = tpu.vector_load %arg6[%get3A_669, %get3A_670] {strides = array<i32>} : memref<128x128xi32, #tpu.memory_space<vmem>>, vector<1x16xi32>,
        %get3A_672 = vector.shape_cast %get3A_671 : vector<1x16xi32> to vector<16xi32>
        %shift_left3A_673 = arith.constant 16 : i32
        %shift_left3A_674 = vector.broadcast %shift_left3A_673 : i32 to vector<16xi32>
        %shift_left3A_675 = arith.shli %get3A_611, %shift_left3A_674 : vector<16xi32>
        %bitcast_convert_type3A_676 = tpu.bitcast %shift_left3A_675 : vector<16xi32> -> vector<16xf32>
        %and3A_677 = arith.constant -65536 : i32
        %and3A_678 = vector.broadcast %and3A_677 : i32 to vector<16xi32>
        %and3A_679 = arith.andi %get3A_611, %and3A_678 : vector<16xi32>
        %bitcast_convert_type3A_680 = tpu.bitcast %and3A_679 : vector<16xi32> -> vector<16xf32>
        %shift_left3A_681 = arith.constant 16 : i32
        %shift_left3A_682 = vector.broadcast %shift_left3A_681 : i32 to vector<16xi32>
        %shift_left3A_683 = arith.shli %get3A_617, %shift_left3A_682 : vector<16xi32>
        %bitcast_convert_type3A_684 = tpu.bitcast %shift_left3A_683 : vector<16xi32> -> vector<16xf32>
        %and3A_685 = arith.constant -65536 : i32
        %and3A_686 = vector.broadcast %and3A_685 : i32 to vector<16xi32>
        %and3A_687 = arith.andi %get3A_617, %and3A_686 : vector<16xi32>
        %bitcast_convert_type3A_688 = tpu.bitcast %and3A_687 : vector<16xi32> -> vector<16xf32>
        %shift_left3A_689 = arith.constant 16 : i32
        %shift_left3A_690 = vector.broadcast %shift_left3A_689 : i32 to vector<16xi32>
        %shift_left3A_691 = arith.shli %get3A_666, %shift_left3A_690 : vector<16xi32>
        %bitcast_convert_type3A_692 = tpu.bitcast %shift_left3A_691 : vector<16xi32> -> vector<16xf32>
        %and3A_693 = arith.constant -65536 : i32
        %and3A_694 = vector.broadcast %and3A_693 : i32 to vector<16xi32>
        %and3A_695 = arith.andi %get3A_666, %and3A_694 : vector<16xi32>
        %bitcast_convert_type3A_696 = tpu.bitcast %and3A_695 : vector<16xi32> -> vector<16xf32>
        %shift_left3A_697 = arith.constant 16 : i32
        %shift_left3A_698 = vector.broadcast %shift_left3A_697 : i32 to vector<16xi32>
        %shift_left3A_699 = arith.shli %get3A_672, %shift_left3A_698 : vector<16xi32>
        %bitcast_convert_type3A_700 = tpu.bitcast %shift_left3A_699 : vector<16xi32> -> vector<16xf32>
        %and3A_701 = arith.constant -65536 : i32
        %and3A_702 = vector.broadcast %and3A_701 : i32 to vector<16xi32>
        %and3A_703 = arith.andi %get3A_672, %and3A_702 : vector<16xi32>
        %bitcast_convert_type3A_704 = tpu.bitcast %and3A_703 : vector<16xi32> -> vector<16xf32>
        %add3A_705 = arith.addf %add3A_580, %bitcast_convert_type3A_676 : vector<16xf32>
        %sub3A_706 = arith.subf %bitcast_convert_type3A_692, %bitcast_convert_type3A_676 : vector<16xf32>
        %mul3A_707 = vector.broadcast %squeeze3A_599 : f32 to vector<16xf32>
        %mul3A_708 = arith.mulf %mul3A_707, %sub3A_706 : vector<16xf32>
        %add3A_709 = arith.addf %add3A_705, %mul3A_708 : vector<16xf32>
        %add3A_710 = arith.addf %add3A_585, %bitcast_convert_type3A_680 : vector<16xf32>
        %sub3A_711 = arith.subf %bitcast_convert_type3A_696, %bitcast_convert_type3A_680 : vector<16xf32>
        %mul3A_712 = vector.broadcast %squeeze3A_599 : f32 to vector<16xf32>
        %mul3A_713 = arith.mulf %mul3A_712, %sub3A_711 : vector<16xf32>
        %add3A_714 = arith.addf %add3A_710, %mul3A_713 : vector<16xf32>
        %add3A_715 = arith.addf %add3A_590, %bitcast_convert_type3A_684 : vector<16xf32>
        %sub3A_716 = arith.subf %bitcast_convert_type3A_700, %bitcast_convert_type3A_684 : vector<16xf32>
        %mul3A_717 = vector.broadcast %squeeze3A_599 : f32 to vector<16xf32>
        %mul3A_718 = arith.mulf %mul3A_717, %sub3A_716 : vector<16xf32>
        %add3A_719 = arith.addf %add3A_715, %mul3A_718 : vector<16xf32>
        %add3A_720 = arith.addf %add3A_595, %bitcast_convert_type3A_688 : vector<16xf32>
        %sub3A_721 = arith.subf %bitcast_convert_type3A_704, %bitcast_convert_type3A_688 : vector<16xf32>
        %mul3A_722 = vector.broadcast %squeeze3A_599 : f32 to vector<16xf32>
        %mul3A_723 = arith.mulf %mul3A_722, %sub3A_721 : vector<16xf32>
        %add3A_724 = arith.addf %add3A_720, %mul3A_723 : vector<16xf32>
        %slice3A_725 = vector.extract_strided_slice %min3A_75 {offsets = [5], sizes = [1], strides = [1]} : vector<16xi32> to vector<1xi32>
        %squeeze3A_726 = vector.extract %slice3A_725[0] : i32 from vector<1xi32>
        %slice3A_727 = vector.extract_strided_slice %sub3A {offsets = [5], sizes = [1], strides = [1]} : vector<16xf32> to vector<1xf32>
        %squeeze3A_728 = vector.extract %slice3A_727[0] : f32 from vector<1xf32>
        %add3A_729 = arith.constant 160 : i32
        %add3A_730 = arith.addi %add3A_729, %squeeze3A_726 : i32
        %shift_right_arithmetic3A_731 = arith.constant 2 : i32
        %shift_right_arithmetic3A_732 = arith.shrsi %add3A_730, %shift_right_arithmetic3A_731 : i32
        %and3A_733 = arith.constant 3 : i32
        %and3A_734 = arith.andi %add3A_730, %and3A_733 : i32
        %mul3A_735 = arith.constant 32 : i32
        %mul3A_736 = arith.muli %and3A_734, %mul3A_735 : i32
        %get3A_737 = arith.index_cast %shift_right_arithmetic3A_732 : i32 to index
        %get3A_738 = arith.index_cast %mul3A_736 : i32 to index
        %get3A_739 = tpu.vector_load %arg6[%get3A_737, %get3A_738] {strides = array<i32>} : memref<128x128xi32, #tpu.memory_space<vmem>>, vector<1x16xi32>,
        %get3A_740 = vector.shape_cast %get3A_739 : vector<1x16xi32> to vector<16xi32>
        %add3A_741 = arith.constant 16 : i32
        %add3A_742 = arith.addi %mul3A_736, %add3A_741 : i32
        %get3A_743 = arith.index_cast %shift_right_arithmetic3A_732 : i32 to index
        %get3A_744 = arith.index_cast %add3A_742 : i32 to index
        %get3A_745 = tpu.vector_load %arg6[%get3A_743, %get3A_744] {strides = array<i32>} : memref<128x128xi32, #tpu.memory_space<vmem>>, vector<1x16xi32>,
        %get3A_746 = vector.shape_cast %get3A_745 : vector<1x16xi32> to vector<16xi32>
        %add3A_747 = arith.constant 32 : i32
        %add3A_748 = arith.addi %mul3A_736, %add3A_747 : i32
        %jit3A_749 = arith.constant 128 : i32
        %div3A_750 = arith.divsi %add3A_748, %jit3A_749 : i32
        %sign3A_751 = arith.constant 0 : i32
        %sign3A_752 = arith.cmpi sgt, %add3A_748, %sign3A_751 : i32
        %sign3A_753 = arith.extui %sign3A_752 : i1 to i32
        %sign3A_754 = arith.constant 0 : i32
        %sign3A_755 = arith.cmpi slt, %add3A_748, %sign3A_754 : i32
        %sign3A_756 = arith.extui %sign3A_755 : i1 to i32
        %sign3A_757 = arith.subi %sign3A_753, %sign3A_756 : i32
        %sign3A_758 = arith.constant 0 : i32
        %sign3A_759 = arith.cmpi sgt, %jit3A_749, %sign3A_758 : i32
        %sign3A_760 = arith.extui %sign3A_759 : i1 to i32
        %sign3A_761 = arith.constant 0 : i32
        %sign3A_762 = arith.cmpi slt, %jit3A_749, %sign3A_761 : i32
        %sign3A_763 = arith.extui %sign3A_762 : i1 to i32
        %sign3A_764 = arith.subi %sign3A_760, %sign3A_763 : i32
        %ne3A_765 = arith.cmpi ne, %sign3A_757, %sign3A_764 : i32
        %rem3A_766 = arith.remsi %add3A_748, %jit3A_749 : i32
        %ne3A_767 = arith.constant 0 : i32
        %ne3A_768 = arith.cmpi ne, %rem3A_766, %ne3A_767 : i32
        %and3A_769 = arith.andi %ne3A_765, %ne3A_768 : i1
        %sub3A_770 = arith.constant 1 : i32
        %sub3A_771 = arith.subi %div3A_750, %sub3A_770 : i32
        %select_n3A_772 = arith.select %and3A_769, %sub3A_771, %div3A_750 : i32
        %add3A_773 = arith.addi %shift_right_arithmetic3A_732, %select_n3A_772 : i32
        %add3A_774 = arith.constant 32 : i32
        %add3A_775 = arith.addi %mul3A_736, %add3A_774 : i32
        %jit3A_776 = arith.constant 128 : i32
        %eq3A_777 = arith.constant 0 : i32
        %eq3A_778 = arith.cmpi eq, %jit3A_776, %eq3A_777 : i32
        %jit3A_779 = arith.constant 1 : i32
        %select_n3A_780 = arith.select %eq3A_778, %jit3A_779, %jit3A_776 : i32
        %rem3A_781 = arith.remsi %add3A_775, %select_n3A_780 : i32
        %ne3A_782 = arith.constant 0 : i32
        %ne3A_783 = arith.cmpi ne, %rem3A_781, %ne3A_782 : i32
        %lt3A_784 = arith.constant 0 : i32
        %lt3A_785 = arith.cmpi slt, %rem3A_781, %lt3A_784 : i32
        %lt3A_786 = arith.constant 0 : i32
        %lt3A_787 = arith.cmpi slt, %select_n3A_780, %lt3A_786 : i32
        %ne3A_788 = arith.xori %lt3A_785, %lt3A_787 : i1
        %and3A_789 = arith.andi %ne3A_788, %ne3A_783 : i1
        %add3A_790 = arith.addi %rem3A_781, %select_n3A_780 : i32
        %select_n3A_791 = arith.select %and3A_789, %add3A_790, %rem3A_781 : i32
        %get3A_792 = arith.index_cast %add3A_773 : i32 to index
        %get3A_793 = arith.index_cast %select_n3A_791 : i32 to index
        %get3A_794 = tpu.vector_load %arg6[%get3A_792, %get3A_793] {strides = array<i32>} : memref<128x128xi32, #tpu.memory_space<vmem>>, vector<1x16xi32>,
        %get3A_795 = vector.shape_cast %get3A_794 : vector<1x16xi32> to vector<16xi32>
        %add3A_796 = arith.constant 16 : i32
        %add3A_797 = arith.addi %select_n3A_791, %add3A_796 : i32
        %get3A_798 = arith.index_cast %add3A_773 : i32 to index
        %get3A_799 = arith.index_cast %add3A_797 : i32 to index
        %get3A_800 = tpu.vector_load %arg6[%get3A_798, %get3A_799] {strides = array<i32>} : memref<128x128xi32, #tpu.memory_space<vmem>>, vector<1x16xi32>,
        %get3A_801 = vector.shape_cast %get3A_800 : vector<1x16xi32> to vector<16xi32>
        %shift_left3A_802 = arith.constant 16 : i32
        %shift_left3A_803 = vector.broadcast %shift_left3A_802 : i32 to vector<16xi32>
        %shift_left3A_804 = arith.shli %get3A_740, %shift_left3A_803 : vector<16xi32>
        %bitcast_convert_type3A_805 = tpu.bitcast %shift_left3A_804 : vector<16xi32> -> vector<16xf32>
        %and3A_806 = arith.constant -65536 : i32
        %and3A_807 = vector.broadcast %and3A_806 : i32 to vector<16xi32>
        %and3A_808 = arith.andi %get3A_740, %and3A_807 : vector<16xi32>
        %bitcast_convert_type3A_809 = tpu.bitcast %and3A_808 : vector<16xi32> -> vector<16xf32>
        %shift_left3A_810 = arith.constant 16 : i32
        %shift_left3A_811 = vector.broadcast %shift_left3A_810 : i32 to vector<16xi32>
        %shift_left3A_812 = arith.shli %get3A_746, %shift_left3A_811 : vector<16xi32>
        %bitcast_convert_type3A_813 = tpu.bitcast %shift_left3A_812 : vector<16xi32> -> vector<16xf32>
        %and3A_814 = arith.constant -65536 : i32
        %and3A_815 = vector.broadcast %and3A_814 : i32 to vector<16xi32>
        %and3A_816 = arith.andi %get3A_746, %and3A_815 : vector<16xi32>
        %bitcast_convert_type3A_817 = tpu.bitcast %and3A_816 : vector<16xi32> -> vector<16xf32>
        %shift_left3A_818 = arith.constant 16 : i32
        %shift_left3A_819 = vector.broadcast %shift_left3A_818 : i32 to vector<16xi32>
        %shift_left3A_820 = arith.shli %get3A_795, %shift_left3A_819 : vector<16xi32>
        %bitcast_convert_type3A_821 = tpu.bitcast %shift_left3A_820 : vector<16xi32> -> vector<16xf32>
        %and3A_822 = arith.constant -65536 : i32
        %and3A_823 = vector.broadcast %and3A_822 : i32 to vector<16xi32>
        %and3A_824 = arith.andi %get3A_795, %and3A_823 : vector<16xi32>
        %bitcast_convert_type3A_825 = tpu.bitcast %and3A_824 : vector<16xi32> -> vector<16xf32>
        %shift_left3A_826 = arith.constant 16 : i32
        %shift_left3A_827 = vector.broadcast %shift_left3A_826 : i32 to vector<16xi32>
        %shift_left3A_828 = arith.shli %get3A_801, %shift_left3A_827 : vector<16xi32>
        %bitcast_convert_type3A_829 = tpu.bitcast %shift_left3A_828 : vector<16xi32> -> vector<16xf32>
        %and3A_830 = arith.constant -65536 : i32
        %and3A_831 = vector.broadcast %and3A_830 : i32 to vector<16xi32>
        %and3A_832 = arith.andi %get3A_801, %and3A_831 : vector<16xi32>
        %bitcast_convert_type3A_833 = tpu.bitcast %and3A_832 : vector<16xi32> -> vector<16xf32>
        %add3A_834 = arith.addf %add3A_709, %bitcast_convert_type3A_805 : vector<16xf32>
        %sub3A_835 = arith.subf %bitcast_convert_type3A_821, %bitcast_convert_type3A_805 : vector<16xf32>
        %mul3A_836 = vector.broadcast %squeeze3A_728 : f32 to vector<16xf32>
        %mul3A_837 = arith.mulf %mul3A_836, %sub3A_835 : vector<16xf32>
        %add3A_838 = arith.addf %add3A_834, %mul3A_837 : vector<16xf32>
        %add3A_839 = arith.addf %add3A_714, %bitcast_convert_type3A_809 : vector<16xf32>
        %sub3A_840 = arith.subf %bitcast_convert_type3A_825, %bitcast_convert_type3A_809 : vector<16xf32>
        %mul3A_841 = vector.broadcast %squeeze3A_728 : f32 to vector<16xf32>
        %mul3A_842 = arith.mulf %mul3A_841, %sub3A_840 : vector<16xf32>
        %add3A_843 = arith.addf %add3A_839, %mul3A_842 : vector<16xf32>
        %add3A_844 = arith.addf %add3A_719, %bitcast_convert_type3A_813 : vector<16xf32>
        %sub3A_845 = arith.subf %bitcast_convert_type3A_829, %bitcast_convert_type3A_813 : vector<16xf32>
        %mul3A_846 = vector.broadcast %squeeze3A_728 : f32 to vector<16xf32>
        %mul3A_847 = arith.mulf %mul3A_846, %sub3A_845 : vector<16xf32>
        %add3A_848 = arith.addf %add3A_844, %mul3A_847 : vector<16xf32>
        %add3A_849 = arith.addf %add3A_724, %bitcast_convert_type3A_817 : vector<16xf32>
        %sub3A_850 = arith.subf %bitcast_convert_type3A_833, %bitcast_convert_type3A_817 : vector<16xf32>
        %mul3A_851 = vector.broadcast %squeeze3A_728 : f32 to vector<16xf32>
        %mul3A_852 = arith.mulf %mul3A_851, %sub3A_850 : vector<16xf32>
        %add3A_853 = arith.addf %add3A_849, %mul3A_852 : vector<16xf32>
        %slice3A_854 = vector.extract_strided_slice %min3A_75 {offsets = [6], sizes = [1], strides = [1]} : vector<16xi32> to vector<1xi32>
        %squeeze3A_855 = vector.extract %slice3A_854[0] : i32 from vector<1xi32>
        %slice3A_856 = vector.extract_strided_slice %sub3A {offsets = [6], sizes = [1], strides = [1]} : vector<16xf32> to vector<1xf32>
        %squeeze3A_857 = vector.extract %slice3A_856[0] : f32 from vector<1xf32>
        %add3A_858 = arith.constant 192 : i32
        %add3A_859 = arith.addi %add3A_858, %squeeze3A_855 : i32
        %shift_right_arithmetic3A_860 = arith.constant 2 : i32
        %shift_right_arithmetic3A_861 = arith.shrsi %add3A_859, %shift_right_arithmetic3A_860 : i32
        %and3A_862 = arith.constant 3 : i32
        %and3A_863 = arith.andi %add3A_859, %and3A_862 : i32
        %mul3A_864 = arith.constant 32 : i32
        %mul3A_865 = arith.muli %and3A_863, %mul3A_864 : i32
        %get3A_866 = arith.index_cast %shift_right_arithmetic3A_861 : i32 to index
        %get3A_867 = arith.index_cast %mul3A_865 : i32 to index
        %get3A_868 = tpu.vector_load %arg6[%get3A_866, %get3A_867] {strides = array<i32>} : memref<128x128xi32, #tpu.memory_space<vmem>>, vector<1x16xi32>,
        %get3A_869 = vector.shape_cast %get3A_868 : vector<1x16xi32> to vector<16xi32>
        %add3A_870 = arith.constant 16 : i32
        %add3A_871 = arith.addi %mul3A_865, %add3A_870 : i32
        %get3A_872 = arith.index_cast %shift_right_arithmetic3A_861 : i32 to index
        %get3A_873 = arith.index_cast %add3A_871 : i32 to index
        %get3A_874 = tpu.vector_load %arg6[%get3A_872, %get3A_873] {strides = array<i32>} : memref<128x128xi32, #tpu.memory_space<vmem>>, vector<1x16xi32>,
        %get3A_875 = vector.shape_cast %get3A_874 : vector<1x16xi32> to vector<16xi32>
        %add3A_876 = arith.constant 32 : i32
        %add3A_877 = arith.addi %mul3A_865, %add3A_876 : i32
        %jit3A_878 = arith.constant 128 : i32
        %div3A_879 = arith.divsi %add3A_877, %jit3A_878 : i32
        %sign3A_880 = arith.constant 0 : i32
        %sign3A_881 = arith.cmpi sgt, %add3A_877, %sign3A_880 : i32
        %sign3A_882 = arith.extui %sign3A_881 : i1 to i32
        %sign3A_883 = arith.constant 0 : i32
        %sign3A_884 = arith.cmpi slt, %add3A_877, %sign3A_883 : i32
        %sign3A_885 = arith.extui %sign3A_884 : i1 to i32
        %sign3A_886 = arith.subi %sign3A_882, %sign3A_885 : i32
        %sign3A_887 = arith.constant 0 : i32
        %sign3A_888 = arith.cmpi sgt, %jit3A_878, %sign3A_887 : i32
        %sign3A_889 = arith.extui %sign3A_888 : i1 to i32
        %sign3A_890 = arith.constant 0 : i32
        %sign3A_891 = arith.cmpi slt, %jit3A_878, %sign3A_890 : i32
        %sign3A_892 = arith.extui %sign3A_891 : i1 to i32
        %sign3A_893 = arith.subi %sign3A_889, %sign3A_892 : i32
        %ne3A_894 = arith.cmpi ne, %sign3A_886, %sign3A_893 : i32
        %rem3A_895 = arith.remsi %add3A_877, %jit3A_878 : i32
        %ne3A_896 = arith.constant 0 : i32
        %ne3A_897 = arith.cmpi ne, %rem3A_895, %ne3A_896 : i32
        %and3A_898 = arith.andi %ne3A_894, %ne3A_897 : i1
        %sub3A_899 = arith.constant 1 : i32
        %sub3A_900 = arith.subi %div3A_879, %sub3A_899 : i32
        %select_n3A_901 = arith.select %and3A_898, %sub3A_900, %div3A_879 : i32
        %add3A_902 = arith.addi %shift_right_arithmetic3A_861, %select_n3A_901 : i32
        %add3A_903 = arith.constant 32 : i32
        %add3A_904 = arith.addi %mul3A_865, %add3A_903 : i32
        %jit3A_905 = arith.constant 128 : i32
        %eq3A_906 = arith.constant 0 : i32
        %eq3A_907 = arith.cmpi eq, %jit3A_905, %eq3A_906 : i32
        %jit3A_908 = arith.constant 1 : i32
        %select_n3A_909 = arith.select %eq3A_907, %jit3A_908, %jit3A_905 : i32
        %rem3A_910 = arith.remsi %add3A_904, %select_n3A_909 : i32
        %ne3A_911 = arith.constant 0 : i32
        %ne3A_912 = arith.cmpi ne, %rem3A_910, %ne3A_911 : i32
        %lt3A_913 = arith.constant 0 : i32
        %lt3A_914 = arith.cmpi slt, %rem3A_910, %lt3A_913 : i32
        %lt3A_915 = arith.constant 0 : i32
        %lt3A_916 = arith.cmpi slt, %select_n3A_909, %lt3A_915 : i32
        %ne3A_917 = arith.xori %lt3A_914, %lt3A_916 : i1
        %and3A_918 = arith.andi %ne3A_917, %ne3A_912 : i1
        %add3A_919 = arith.addi %rem3A_910, %select_n3A_909 : i32
        %select_n3A_920 = arith.select %and3A_918, %add3A_919, %rem3A_910 : i32
        %get3A_921 = arith.index_cast %add3A_902 : i32 to index
        %get3A_922 = arith.index_cast %select_n3A_920 : i32 to index
        %get3A_923 = tpu.vector_load %arg6[%get3A_921, %get3A_922] {strides = array<i32>} : memref<128x128xi32, #tpu.memory_space<vmem>>, vector<1x16xi32>,
        %get3A_924 = vector.shape_cast %get3A_923 : vector<1x16xi32> to vector<16xi32>
        %add3A_925 = arith.constant 16 : i32
        %add3A_926 = arith.addi %select_n3A_920, %add3A_925 : i32
        %get3A_927 = arith.index_cast %add3A_902 : i32 to index
        %get3A_928 = arith.index_cast %add3A_926 : i32 to index
        %get3A_929 = tpu.vector_load %arg6[%get3A_927, %get3A_928] {strides = array<i32>} : memref<128x128xi32, #tpu.memory_space<vmem>>, vector<1x16xi32>,
        %get3A_930 = vector.shape_cast %get3A_929 : vector<1x16xi32> to vector<16xi32>
        %shift_left3A_931 = arith.constant 16 : i32
        %shift_left3A_932 = vector.broadcast %shift_left3A_931 : i32 to vector<16xi32>
        %shift_left3A_933 = arith.shli %get3A_869, %shift_left3A_932 : vector<16xi32>
        %bitcast_convert_type3A_934 = tpu.bitcast %shift_left3A_933 : vector<16xi32> -> vector<16xf32>
        %and3A_935 = arith.constant -65536 : i32
        %and3A_936 = vector.broadcast %and3A_935 : i32 to vector<16xi32>
        %and3A_937 = arith.andi %get3A_869, %and3A_936 : vector<16xi32>
        %bitcast_convert_type3A_938 = tpu.bitcast %and3A_937 : vector<16xi32> -> vector<16xf32>
        %shift_left3A_939 = arith.constant 16 : i32
        %shift_left3A_940 = vector.broadcast %shift_left3A_939 : i32 to vector<16xi32>
        %shift_left3A_941 = arith.shli %get3A_875, %shift_left3A_940 : vector<16xi32>
        %bitcast_convert_type3A_942 = tpu.bitcast %shift_left3A_941 : vector<16xi32> -> vector<16xf32>
        %and3A_943 = arith.constant -65536 : i32
        %and3A_944 = vector.broadcast %and3A_943 : i32 to vector<16xi32>
        %and3A_945 = arith.andi %get3A_875, %and3A_944 : vector<16xi32>
        %bitcast_convert_type3A_946 = tpu.bitcast %and3A_945 : vector<16xi32> -> vector<16xf32>
        %shift_left3A_947 = arith.constant 16 : i32
        %shift_left3A_948 = vector.broadcast %shift_left3A_947 : i32 to vector<16xi32>
        %shift_left3A_949 = arith.shli %get3A_924, %shift_left3A_948 : vector<16xi32>
        %bitcast_convert_type3A_950 = tpu.bitcast %shift_left3A_949 : vector<16xi32> -> vector<16xf32>
        %and3A_951 = arith.constant -65536 : i32
        %and3A_952 = vector.broadcast %and3A_951 : i32 to vector<16xi32>
        %and3A_953 = arith.andi %get3A_924, %and3A_952 : vector<16xi32>
        %bitcast_convert_type3A_954 = tpu.bitcast %and3A_953 : vector<16xi32> -> vector<16xf32>
        %shift_left3A_955 = arith.constant 16 : i32
        %shift_left3A_956 = vector.broadcast %shift_left3A_955 : i32 to vector<16xi32>
        %shift_left3A_957 = arith.shli %get3A_930, %shift_left3A_956 : vector<16xi32>
        %bitcast_convert_type3A_958 = tpu.bitcast %shift_left3A_957 : vector<16xi32> -> vector<16xf32>
        %and3A_959 = arith.constant -65536 : i32
        %and3A_960 = vector.broadcast %and3A_959 : i32 to vector<16xi32>
        %and3A_961 = arith.andi %get3A_930, %and3A_960 : vector<16xi32>
        %bitcast_convert_type3A_962 = tpu.bitcast %and3A_961 : vector<16xi32> -> vector<16xf32>
        %add3A_963 = arith.addf %add3A_838, %bitcast_convert_type3A_934 : vector<16xf32>
        %sub3A_964 = arith.subf %bitcast_convert_type3A_950, %bitcast_convert_type3A_934 : vector<16xf32>
        %mul3A_965 = vector.broadcast %squeeze3A_857 : f32 to vector<16xf32>
        %mul3A_966 = arith.mulf %mul3A_965, %sub3A_964 : vector<16xf32>
        %add3A_967 = arith.addf %add3A_963, %mul3A_966 : vector<16xf32>
        %add3A_968 = arith.addf %add3A_843, %bitcast_convert_type3A_938 : vector<16xf32>
        %sub3A_969 = arith.subf %bitcast_convert_type3A_954, %bitcast_convert_type3A_938 : vector<16xf32>
        %mul3A_970 = vector.broadcast %squeeze3A_857 : f32 to vector<16xf32>
        %mul3A_971 = arith.mulf %mul3A_970, %sub3A_969 : vector<16xf32>
        %add3A_972 = arith.addf %add3A_968, %mul3A_971 : vector<16xf32>
        %add3A_973 = arith.addf %add3A_848, %bitcast_convert_type3A_942 : vector<16xf32>
        %sub3A_974 = arith.subf %bitcast_convert_type3A_958, %bitcast_convert_type3A_942 : vector<16xf32>
        %mul3A_975 = vector.broadcast %squeeze3A_857 : f32 to vector<16xf32>
        %mul3A_976 = arith.mulf %mul3A_975, %sub3A_974 : vector<16xf32>
        %add3A_977 = arith.addf %add3A_973, %mul3A_976 : vector<16xf32>
        %add3A_978 = arith.addf %add3A_853, %bitcast_convert_type3A_946 : vector<16xf32>
        %sub3A_979 = arith.subf %bitcast_convert_type3A_962, %bitcast_convert_type3A_946 : vector<16xf32>
        %mul3A_980 = vector.broadcast %squeeze3A_857 : f32 to vector<16xf32>
        %mul3A_981 = arith.mulf %mul3A_980, %sub3A_979 : vector<16xf32>
        %add3A_982 = arith.addf %add3A_978, %mul3A_981 : vector<16xf32>
        %slice3A_983 = vector.extract_strided_slice %min3A_75 {offsets = [7], sizes = [1], strides = [1]} : vector<16xi32> to vector<1xi32>
        %squeeze3A_984 = vector.extract %slice3A_983[0] : i32 from vector<1xi32>
        %slice3A_985 = vector.extract_strided_slice %sub3A {offsets = [7], sizes = [1], strides = [1]} : vector<16xf32> to vector<1xf32>
        %squeeze3A_986 = vector.extract %slice3A_985[0] : f32 from vector<1xf32>
        %add3A_987 = arith.constant 224 : i32
        %add3A_988 = arith.addi %add3A_987, %squeeze3A_984 : i32
        %shift_right_arithmetic3A_989 = arith.constant 2 : i32
        %shift_right_arithmetic3A_990 = arith.shrsi %add3A_988, %shift_right_arithmetic3A_989 : i32
        %and3A_991 = arith.constant 3 : i32
        %and3A_992 = arith.andi %add3A_988, %and3A_991 : i32
        %mul3A_993 = arith.constant 32 : i32
        %mul3A_994 = arith.muli %and3A_992, %mul3A_993 : i32
        %get3A_995 = arith.index_cast %shift_right_arithmetic3A_990 : i32 to index
        %get3A_996 = arith.index_cast %mul3A_994 : i32 to index
        %get3A_997 = tpu.vector_load %arg6[%get3A_995, %get3A_996] {strides = array<i32>} : memref<128x128xi32, #tpu.memory_space<vmem>>, vector<1x16xi32>,
        %get3A_998 = vector.shape_cast %get3A_997 : vector<1x16xi32> to vector<16xi32>
        %add3A_999 = arith.constant 16 : i32
        %add3A_1000 = arith.addi %mul3A_994, %add3A_999 : i32
        %get3A_1001 = arith.index_cast %shift_right_arithmetic3A_990 : i32 to index
        %get3A_1002 = arith.index_cast %add3A_1000 : i32 to index
        %get3A_1003 = tpu.vector_load %arg6[%get3A_1001, %get3A_1002] {strides = array<i32>} : memref<128x128xi32, #tpu.memory_space<vmem>>, vector<1x16xi32>,
        %get3A_1004 = vector.shape_cast %get3A_1003 : vector<1x16xi32> to vector<16xi32>
        %add3A_1005 = arith.constant 32 : i32
        %add3A_1006 = arith.addi %mul3A_994, %add3A_1005 : i32
        %jit3A_1007 = arith.constant 128 : i32
        %div3A_1008 = arith.divsi %add3A_1006, %jit3A_1007 : i32
        %sign3A_1009 = arith.constant 0 : i32
        %sign3A_1010 = arith.cmpi sgt, %add3A_1006, %sign3A_1009 : i32
        %sign3A_1011 = arith.extui %sign3A_1010 : i1 to i32
        %sign3A_1012 = arith.constant 0 : i32
        %sign3A_1013 = arith.cmpi slt, %add3A_1006, %sign3A_1012 : i32
        %sign3A_1014 = arith.extui %sign3A_1013 : i1 to i32
        %sign3A_1015 = arith.subi %sign3A_1011, %sign3A_1014 : i32
        %sign3A_1016 = arith.constant 0 : i32
        %sign3A_1017 = arith.cmpi sgt, %jit3A_1007, %sign3A_1016 : i32
        %sign3A_1018 = arith.extui %sign3A_1017 : i1 to i32
        %sign3A_1019 = arith.constant 0 : i32
        %sign3A_1020 = arith.cmpi slt, %jit3A_1007, %sign3A_1019 : i32
        %sign3A_1021 = arith.extui %sign3A_1020 : i1 to i32
        %sign3A_1022 = arith.subi %sign3A_1018, %sign3A_1021 : i32
        %ne3A_1023 = arith.cmpi ne, %sign3A_1015, %sign3A_1022 : i32
        %rem3A_1024 = arith.remsi %add3A_1006, %jit3A_1007 : i32
        %ne3A_1025 = arith.constant 0 : i32
        %ne3A_1026 = arith.cmpi ne, %rem3A_1024, %ne3A_1025 : i32
        %and3A_1027 = arith.andi %ne3A_1023, %ne3A_1026 : i1
        %sub3A_1028 = arith.constant 1 : i32
        %sub3A_1029 = arith.subi %div3A_1008, %sub3A_1028 : i32
        %select_n3A_1030 = arith.select %and3A_1027, %sub3A_1029, %div3A_1008 : i32
        %add3A_1031 = arith.addi %shift_right_arithmetic3A_990, %select_n3A_1030 : i32
        %add3A_1032 = arith.constant 32 : i32
        %add3A_1033 = arith.addi %mul3A_994, %add3A_1032 : i32
        %jit3A_1034 = arith.constant 128 : i32
        %eq3A_1035 = arith.constant 0 : i32
        %eq3A_1036 = arith.cmpi eq, %jit3A_1034, %eq3A_1035 : i32
        %jit3A_1037 = arith.constant 1 : i32
        %select_n3A_1038 = arith.select %eq3A_1036, %jit3A_1037, %jit3A_1034 : i32
        %rem3A_1039 = arith.remsi %add3A_1033, %select_n3A_1038 : i32
        %ne3A_1040 = arith.constant 0 : i32
        %ne3A_1041 = arith.cmpi ne, %rem3A_1039, %ne3A_1040 : i32
        %lt3A_1042 = arith.constant 0 : i32
        %lt3A_1043 = arith.cmpi slt, %rem3A_1039, %lt3A_1042 : i32
        %lt3A_1044 = arith.constant 0 : i32
        %lt3A_1045 = arith.cmpi slt, %select_n3A_1038, %lt3A_1044 : i32
        %ne3A_1046 = arith.xori %lt3A_1043, %lt3A_1045 : i1
        %and3A_1047 = arith.andi %ne3A_1046, %ne3A_1041 : i1
        %add3A_1048 = arith.addi %rem3A_1039, %select_n3A_1038 : i32
        %select_n3A_1049 = arith.select %and3A_1047, %add3A_1048, %rem3A_1039 : i32
        %get3A_1050 = arith.index_cast %add3A_1031 : i32 to index
        %get3A_1051 = arith.index_cast %select_n3A_1049 : i32 to index
        %get3A_1052 = tpu.vector_load %arg6[%get3A_1050, %get3A_1051] {strides = array<i32>} : memref<128x128xi32, #tpu.memory_space<vmem>>, vector<1x16xi32>,
        %get3A_1053 = vector.shape_cast %get3A_1052 : vector<1x16xi32> to vector<16xi32>
        %add3A_1054 = arith.constant 16 : i32
        %add3A_1055 = arith.addi %select_n3A_1049, %add3A_1054 : i32
        %get3A_1056 = arith.index_cast %add3A_1031 : i32 to index
        %get3A_1057 = arith.index_cast %add3A_1055 : i32 to index
        %get3A_1058 = tpu.vector_load %arg6[%get3A_1056, %get3A_1057] {strides = array<i32>} : memref<128x128xi32, #tpu.memory_space<vmem>>, vector<1x16xi32>,
        %get3A_1059 = vector.shape_cast %get3A_1058 : vector<1x16xi32> to vector<16xi32>
        %shift_left3A_1060 = arith.constant 16 : i32
        %shift_left3A_1061 = vector.broadcast %shift_left3A_1060 : i32 to vector<16xi32>
        %shift_left3A_1062 = arith.shli %get3A_998, %shift_left3A_1061 : vector<16xi32>
        %bitcast_convert_type3A_1063 = tpu.bitcast %shift_left3A_1062 : vector<16xi32> -> vector<16xf32>
        %and3A_1064 = arith.constant -65536 : i32
        %and3A_1065 = vector.broadcast %and3A_1064 : i32 to vector<16xi32>
        %and3A_1066 = arith.andi %get3A_998, %and3A_1065 : vector<16xi32>
        %bitcast_convert_type3A_1067 = tpu.bitcast %and3A_1066 : vector<16xi32> -> vector<16xf32>
        %shift_left3A_1068 = arith.constant 16 : i32
        %shift_left3A_1069 = vector.broadcast %shift_left3A_1068 : i32 to vector<16xi32>
        %shift_left3A_1070 = arith.shli %get3A_1004, %shift_left3A_1069 : vector<16xi32>
        %bitcast_convert_type3A_1071 = tpu.bitcast %shift_left3A_1070 : vector<16xi32> -> vector<16xf32>
        %and3A_1072 = arith.constant -65536 : i32
        %and3A_1073 = vector.broadcast %and3A_1072 : i32 to vector<16xi32>
        %and3A_1074 = arith.andi %get3A_1004, %and3A_1073 : vector<16xi32>
        %bitcast_convert_type3A_1075 = tpu.bitcast %and3A_1074 : vector<16xi32> -> vector<16xf32>
        %shift_left3A_1076 = arith.constant 16 : i32
        %shift_left3A_1077 = vector.broadcast %shift_left3A_1076 : i32 to vector<16xi32>
        %shift_left3A_1078 = arith.shli %get3A_1053, %shift_left3A_1077 : vector<16xi32>
        %bitcast_convert_type3A_1079 = tpu.bitcast %shift_left3A_1078 : vector<16xi32> -> vector<16xf32>
        %and3A_1080 = arith.constant -65536 : i32
        %and3A_1081 = vector.broadcast %and3A_1080 : i32 to vector<16xi32>
        %and3A_1082 = arith.andi %get3A_1053, %and3A_1081 : vector<16xi32>
        %bitcast_convert_type3A_1083 = tpu.bitcast %and3A_1082 : vector<16xi32> -> vector<16xf32>
        %shift_left3A_1084 = arith.constant 16 : i32
        %shift_left3A_1085 = vector.broadcast %shift_left3A_1084 : i32 to vector<16xi32>
        %shift_left3A_1086 = arith.shli %get3A_1059, %shift_left3A_1085 : vector<16xi32>
        %bitcast_convert_type3A_1087 = tpu.bitcast %shift_left3A_1086 : vector<16xi32> -> vector<16xf32>
        %and3A_1088 = arith.constant -65536 : i32
        %and3A_1089 = vector.broadcast %and3A_1088 : i32 to vector<16xi32>
        %and3A_1090 = arith.andi %get3A_1059, %and3A_1089 : vector<16xi32>
        %bitcast_convert_type3A_1091 = tpu.bitcast %and3A_1090 : vector<16xi32> -> vector<16xf32>
        %add3A_1092 = arith.addf %add3A_967, %bitcast_convert_type3A_1063 : vector<16xf32>
        %sub3A_1093 = arith.subf %bitcast_convert_type3A_1079, %bitcast_convert_type3A_1063 : vector<16xf32>
        %mul3A_1094 = vector.broadcast %squeeze3A_986 : f32 to vector<16xf32>
        %mul3A_1095 = arith.mulf %mul3A_1094, %sub3A_1093 : vector<16xf32>
        %add3A_1096 = arith.addf %add3A_1092, %mul3A_1095 : vector<16xf32>
        %add3A_1097 = arith.addf %add3A_972, %bitcast_convert_type3A_1067 : vector<16xf32>
        %sub3A_1098 = arith.subf %bitcast_convert_type3A_1083, %bitcast_convert_type3A_1067 : vector<16xf32>
        %mul3A_1099 = vector.broadcast %squeeze3A_986 : f32 to vector<16xf32>
        %mul3A_1100 = arith.mulf %mul3A_1099, %sub3A_1098 : vector<16xf32>
        %add3A_1101 = arith.addf %add3A_1097, %mul3A_1100 : vector<16xf32>
        %add3A_1102 = arith.addf %add3A_977, %bitcast_convert_type3A_1071 : vector<16xf32>
        %sub3A_1103 = arith.subf %bitcast_convert_type3A_1087, %bitcast_convert_type3A_1071 : vector<16xf32>
        %mul3A_1104 = vector.broadcast %squeeze3A_986 : f32 to vector<16xf32>
        %mul3A_1105 = arith.mulf %mul3A_1104, %sub3A_1103 : vector<16xf32>
        %add3A_1106 = arith.addf %add3A_1102, %mul3A_1105 : vector<16xf32>
        %add3A_1107 = arith.addf %add3A_982, %bitcast_convert_type3A_1075 : vector<16xf32>
        %sub3A_1108 = arith.subf %bitcast_convert_type3A_1091, %bitcast_convert_type3A_1075 : vector<16xf32>
        %mul3A_1109 = vector.broadcast %squeeze3A_986 : f32 to vector<16xf32>
        %mul3A_1110 = arith.mulf %mul3A_1109, %sub3A_1108 : vector<16xf32>
        %add3A_1111 = arith.addf %add3A_1107, %mul3A_1110 : vector<16xf32>
        %slice3A_1112 = vector.extract_strided_slice %min3A_75 {offsets = [8], sizes = [1], strides = [1]} : vector<16xi32> to vector<1xi32>
        %squeeze3A_1113 = vector.extract %slice3A_1112[0] : i32 from vector<1xi32>
        %slice3A_1114 = vector.extract_strided_slice %sub3A {offsets = [8], sizes = [1], strides = [1]} : vector<16xf32> to vector<1xf32>
        %squeeze3A_1115 = vector.extract %slice3A_1114[0] : f32 from vector<1xf32>
        %add3A_1116 = arith.constant 256 : i32
        %add3A_1117 = arith.addi %add3A_1116, %squeeze3A_1113 : i32
        %shift_right_arithmetic3A_1118 = arith.constant 2 : i32
        %shift_right_arithmetic3A_1119 = arith.shrsi %add3A_1117, %shift_right_arithmetic3A_1118 : i32
        %and3A_1120 = arith.constant 3 : i32
        %and3A_1121 = arith.andi %add3A_1117, %and3A_1120 : i32
        %mul3A_1122 = arith.constant 32 : i32
        %mul3A_1123 = arith.muli %and3A_1121, %mul3A_1122 : i32
        %get3A_1124 = arith.index_cast %shift_right_arithmetic3A_1119 : i32 to index
        %get3A_1125 = arith.index_cast %mul3A_1123 : i32 to index
        %get3A_1126 = tpu.vector_load %arg6[%get3A_1124, %get3A_1125] {strides = array<i32>} : memref<128x128xi32, #tpu.memory_space<vmem>>, vector<1x16xi32>,
        %get3A_1127 = vector.shape_cast %get3A_1126 : vector<1x16xi32> to vector<16xi32>
        %add3A_1128 = arith.constant 16 : i32
        %add3A_1129 = arith.addi %mul3A_1123, %add3A_1128 : i32
        %get3A_1130 = arith.index_cast %shift_right_arithmetic3A_1119 : i32 to index
        %get3A_1131 = arith.index_cast %add3A_1129 : i32 to index
        %get3A_1132 = tpu.vector_load %arg6[%get3A_1130, %get3A_1131] {strides = array<i32>} : memref<128x128xi32, #tpu.memory_space<vmem>>, vector<1x16xi32>,
        %get3A_1133 = vector.shape_cast %get3A_1132 : vector<1x16xi32> to vector<16xi32>
        %add3A_1134 = arith.constant 32 : i32
        %add3A_1135 = arith.addi %mul3A_1123, %add3A_1134 : i32
        %jit3A_1136 = arith.constant 128 : i32
        %div3A_1137 = arith.divsi %add3A_1135, %jit3A_1136 : i32
        %sign3A_1138 = arith.constant 0 : i32
        %sign3A_1139 = arith.cmpi sgt, %add3A_1135, %sign3A_1138 : i32
        %sign3A_1140 = arith.extui %sign3A_1139 : i1 to i32
        %sign3A_1141 = arith.constant 0 : i32
        %sign3A_1142 = arith.cmpi slt, %add3A_1135, %sign3A_1141 : i32
        %sign3A_1143 = arith.extui %sign3A_1142 : i1 to i32
        %sign3A_1144 = arith.subi %sign3A_1140, %sign3A_1143 : i32
        %sign3A_1145 = arith.constant 0 : i32
        %sign3A_1146 = arith.cmpi sgt, %jit3A_1136, %sign3A_1145 : i32
        %sign3A_1147 = arith.extui %sign3A_1146 : i1 to i32
        %sign3A_1148 = arith.constant 0 : i32
        %sign3A_1149 = arith.cmpi slt, %jit3A_1136, %sign3A_1148 : i32
        %sign3A_1150 = arith.extui %sign3A_1149 : i1 to i32
        %sign3A_1151 = arith.subi %sign3A_1147, %sign3A_1150 : i32
        %ne3A_1152 = arith.cmpi ne, %sign3A_1144, %sign3A_1151 : i32
        %rem3A_1153 = arith.remsi %add3A_1135, %jit3A_1136 : i32
        %ne3A_1154 = arith.constant 0 : i32
        %ne3A_1155 = arith.cmpi ne, %rem3A_1153, %ne3A_1154 : i32
        %and3A_1156 = arith.andi %ne3A_1152, %ne3A_1155 : i1
        %sub3A_1157 = arith.constant 1 : i32
        %sub3A_1158 = arith.subi %div3A_1137, %sub3A_1157 : i32
        %select_n3A_1159 = arith.select %and3A_1156, %sub3A_1158, %div3A_1137 : i32
        %add3A_1160 = arith.addi %shift_right_arithmetic3A_1119, %select_n3A_1159 : i32
        %add3A_1161 = arith.constant 32 : i32
        %add3A_1162 = arith.addi %mul3A_1123, %add3A_1161 : i32
        %jit3A_1163 = arith.constant 128 : i32
        %eq3A_1164 = arith.constant 0 : i32
        %eq3A_1165 = arith.cmpi eq, %jit3A_1163, %eq3A_1164 : i32
        %jit3A_1166 = arith.constant 1 : i32
        %select_n3A_1167 = arith.select %eq3A_1165, %jit3A_1166, %jit3A_1163 : i32
        %rem3A_1168 = arith.remsi %add3A_1162, %select_n3A_1167 : i32
        %ne3A_1169 = arith.constant 0 : i32
        %ne3A_1170 = arith.cmpi ne, %rem3A_1168, %ne3A_1169 : i32
        %lt3A_1171 = arith.constant 0 : i32
        %lt3A_1172 = arith.cmpi slt, %rem3A_1168, %lt3A_1171 : i32
        %lt3A_1173 = arith.constant 0 : i32
        %lt3A_1174 = arith.cmpi slt, %select_n3A_1167, %lt3A_1173 : i32
        %ne3A_1175 = arith.xori %lt3A_1172, %lt3A_1174 : i1
        %and3A_1176 = arith.andi %ne3A_1175, %ne3A_1170 : i1
        %add3A_1177 = arith.addi %rem3A_1168, %select_n3A_1167 : i32
        %select_n3A_1178 = arith.select %and3A_1176, %add3A_1177, %rem3A_1168 : i32
        %get3A_1179 = arith.index_cast %add3A_1160 : i32 to index
        %get3A_1180 = arith.index_cast %select_n3A_1178 : i32 to index
        %get3A_1181 = tpu.vector_load %arg6[%get3A_1179, %get3A_1180] {strides = array<i32>} : memref<128x128xi32, #tpu.memory_space<vmem>>, vector<1x16xi32>,
        %get3A_1182 = vector.shape_cast %get3A_1181 : vector<1x16xi32> to vector<16xi32>
        %add3A_1183 = arith.constant 16 : i32
        %add3A_1184 = arith.addi %select_n3A_1178, %add3A_1183 : i32
        %get3A_1185 = arith.index_cast %add3A_1160 : i32 to index
        %get3A_1186 = arith.index_cast %add3A_1184 : i32 to index
        %get3A_1187 = tpu.vector_load %arg6[%get3A_1185, %get3A_1186] {strides = array<i32>} : memref<128x128xi32, #tpu.memory_space<vmem>>, vector<1x16xi32>,
        %get3A_1188 = vector.shape_cast %get3A_1187 : vector<1x16xi32> to vector<16xi32>
        %shift_left3A_1189 = arith.constant 16 : i32
        %shift_left3A_1190 = vector.broadcast %shift_left3A_1189 : i32 to vector<16xi32>
        %shift_left3A_1191 = arith.shli %get3A_1127, %shift_left3A_1190 : vector<16xi32>
        %bitcast_convert_type3A_1192 = tpu.bitcast %shift_left3A_1191 : vector<16xi32> -> vector<16xf32>
        %and3A_1193 = arith.constant -65536 : i32
        %and3A_1194 = vector.broadcast %and3A_1193 : i32 to vector<16xi32>
        %and3A_1195 = arith.andi %get3A_1127, %and3A_1194 : vector<16xi32>
        %bitcast_convert_type3A_1196 = tpu.bitcast %and3A_1195 : vector<16xi32> -> vector<16xf32>
        %shift_left3A_1197 = arith.constant 16 : i32
        %shift_left3A_1198 = vector.broadcast %shift_left3A_1197 : i32 to vector<16xi32>
        %shift_left3A_1199 = arith.shli %get3A_1133, %shift_left3A_1198 : vector<16xi32>
        %bitcast_convert_type3A_1200 = tpu.bitcast %shift_left3A_1199 : vector<16xi32> -> vector<16xf32>
        %and3A_1201 = arith.constant -65536 : i32
        %and3A_1202 = vector.broadcast %and3A_1201 : i32 to vector<16xi32>
        %and3A_1203 = arith.andi %get3A_1133, %and3A_1202 : vector<16xi32>
        %bitcast_convert_type3A_1204 = tpu.bitcast %and3A_1203 : vector<16xi32> -> vector<16xf32>
        %shift_left3A_1205 = arith.constant 16 : i32
        %shift_left3A_1206 = vector.broadcast %shift_left3A_1205 : i32 to vector<16xi32>
        %shift_left3A_1207 = arith.shli %get3A_1182, %shift_left3A_1206 : vector<16xi32>
        %bitcast_convert_type3A_1208 = tpu.bitcast %shift_left3A_1207 : vector<16xi32> -> vector<16xf32>
        %and3A_1209 = arith.constant -65536 : i32
        %and3A_1210 = vector.broadcast %and3A_1209 : i32 to vector<16xi32>
        %and3A_1211 = arith.andi %get3A_1182, %and3A_1210 : vector<16xi32>
        %bitcast_convert_type3A_1212 = tpu.bitcast %and3A_1211 : vector<16xi32> -> vector<16xf32>
        %shift_left3A_1213 = arith.constant 16 : i32
        %shift_left3A_1214 = vector.broadcast %shift_left3A_1213 : i32 to vector<16xi32>
        %shift_left3A_1215 = arith.shli %get3A_1188, %shift_left3A_1214 : vector<16xi32>
        %bitcast_convert_type3A_1216 = tpu.bitcast %shift_left3A_1215 : vector<16xi32> -> vector<16xf32>
        %and3A_1217 = arith.constant -65536 : i32
        %and3A_1218 = vector.broadcast %and3A_1217 : i32 to vector<16xi32>
        %and3A_1219 = arith.andi %get3A_1188, %and3A_1218 : vector<16xi32>
        %bitcast_convert_type3A_1220 = tpu.bitcast %and3A_1219 : vector<16xi32> -> vector<16xf32>
        %add3A_1221 = arith.addf %add3A_1096, %bitcast_convert_type3A_1192 : vector<16xf32>
        %sub3A_1222 = arith.subf %bitcast_convert_type3A_1208, %bitcast_convert_type3A_1192 : vector<16xf32>
        %mul3A_1223 = vector.broadcast %squeeze3A_1115 : f32 to vector<16xf32>
        %mul3A_1224 = arith.mulf %mul3A_1223, %sub3A_1222 : vector<16xf32>
        %add3A_1225 = arith.addf %add3A_1221, %mul3A_1224 : vector<16xf32>
        %add3A_1226 = arith.addf %add3A_1101, %bitcast_convert_type3A_1196 : vector<16xf32>
        %sub3A_1227 = arith.subf %bitcast_convert_type3A_1212, %bitcast_convert_type3A_1196 : vector<16xf32>
        %mul3A_1228 = vector.broadcast %squeeze3A_1115 : f32 to vector<16xf32>
        %mul3A_1229 = arith.mulf %mul3A_1228, %sub3A_1227 : vector<16xf32>
        %add3A_1230 = arith.addf %add3A_1226, %mul3A_1229 : vector<16xf32>
        %add3A_1231 = arith.addf %add3A_1106, %bitcast_convert_type3A_1200 : vector<16xf32>
        %sub3A_1232 = arith.subf %bitcast_convert_type3A_1216, %bitcast_convert_type3A_1200 : vector<16xf32>
        %mul3A_1233 = vector.broadcast %squeeze3A_1115 : f32 to vector<16xf32>
        %mul3A_1234 = arith.mulf %mul3A_1233, %sub3A_1232 : vector<16xf32>
        %add3A_1235 = arith.addf %add3A_1231, %mul3A_1234 : vector<16xf32>
        %add3A_1236 = arith.addf %add3A_1111, %bitcast_convert_type3A_1204 : vector<16xf32>
        %sub3A_1237 = arith.subf %bitcast_convert_type3A_1220, %bitcast_convert_type3A_1204 : vector<16xf32>
        %mul3A_1238 = vector.broadcast %squeeze3A_1115 : f32 to vector<16xf32>
        %mul3A_1239 = arith.mulf %mul3A_1238, %sub3A_1237 : vector<16xf32>
        %add3A_1240 = arith.addf %add3A_1236, %mul3A_1239 : vector<16xf32>
        %slice3A_1241 = vector.extract_strided_slice %min3A_75 {offsets = [9], sizes = [1], strides = [1]} : vector<16xi32> to vector<1xi32>
        %squeeze3A_1242 = vector.extract %slice3A_1241[0] : i32 from vector<1xi32>
        %slice3A_1243 = vector.extract_strided_slice %sub3A {offsets = [9], sizes = [1], strides = [1]} : vector<16xf32> to vector<1xf32>
        %squeeze3A_1244 = vector.extract %slice3A_1243[0] : f32 from vector<1xf32>
        %add3A_1245 = arith.constant 288 : i32
        %add3A_1246 = arith.addi %add3A_1245, %squeeze3A_1242 : i32
        %shift_right_arithmetic3A_1247 = arith.constant 2 : i32
        %shift_right_arithmetic3A_1248 = arith.shrsi %add3A_1246, %shift_right_arithmetic3A_1247 : i32
        %and3A_1249 = arith.constant 3 : i32
        %and3A_1250 = arith.andi %add3A_1246, %and3A_1249 : i32
        %mul3A_1251 = arith.constant 32 : i32
        %mul3A_1252 = arith.muli %and3A_1250, %mul3A_1251 : i32
        %get3A_1253 = arith.index_cast %shift_right_arithmetic3A_1248 : i32 to index
        %get3A_1254 = arith.index_cast %mul3A_1252 : i32 to index
        %get3A_1255 = tpu.vector_load %arg6[%get3A_1253, %get3A_1254] {strides = array<i32>} : memref<128x128xi32, #tpu.memory_space<vmem>>, vector<1x16xi32>,
        %get3A_1256 = vector.shape_cast %get3A_1255 : vector<1x16xi32> to vector<16xi32>
        %add3A_1257 = arith.constant 16 : i32
        %add3A_1258 = arith.addi %mul3A_1252, %add3A_1257 : i32
        %get3A_1259 = arith.index_cast %shift_right_arithmetic3A_1248 : i32 to index
        %get3A_1260 = arith.index_cast %add3A_1258 : i32 to index
        %get3A_1261 = tpu.vector_load %arg6[%get3A_1259, %get3A_1260] {strides = array<i32>} : memref<128x128xi32, #tpu.memory_space<vmem>>, vector<1x16xi32>,
        %get3A_1262 = vector.shape_cast %get3A_1261 : vector<1x16xi32> to vector<16xi32>
        %add3A_1263 = arith.constant 32 : i32
        %add3A_1264 = arith.addi %mul3A_1252, %add3A_1263 : i32
        %jit3A_1265 = arith.constant 128 : i32
        %div3A_1266 = arith.divsi %add3A_1264, %jit3A_1265 : i32
        %sign3A_1267 = arith.constant 0 : i32
        %sign3A_1268 = arith.cmpi sgt, %add3A_1264, %sign3A_1267 : i32
        %sign3A_1269 = arith.extui %sign3A_1268 : i1 to i32
        %sign3A_1270 = arith.constant 0 : i32
        %sign3A_1271 = arith.cmpi slt, %add3A_1264, %sign3A_1270 : i32
        %sign3A_1272 = arith.extui %sign3A_1271 : i1 to i32
        %sign3A_1273 = arith.subi %sign3A_1269, %sign3A_1272 : i32
        %sign3A_1274 = arith.constant 0 : i32
        %sign3A_1275 = arith.cmpi sgt, %jit3A_1265, %sign3A_1274 : i32
        %sign3A_1276 = arith.extui %sign3A_1275 : i1 to i32
        %sign3A_1277 = arith.constant 0 : i32
        %sign3A_1278 = arith.cmpi slt, %jit3A_1265, %sign3A_1277 : i32
        %sign3A_1279 = arith.extui %sign3A_1278 : i1 to i32
        %sign3A_1280 = arith.subi %sign3A_1276, %sign3A_1279 : i32
        %ne3A_1281 = arith.cmpi ne, %sign3A_1273, %sign3A_1280 : i32
        %rem3A_1282 = arith.remsi %add3A_1264, %jit3A_1265 : i32
        %ne3A_1283 = arith.constant 0 : i32
        %ne3A_1284 = arith.cmpi ne, %rem3A_1282, %ne3A_1283 : i32
        %and3A_1285 = arith.andi %ne3A_1281, %ne3A_1284 : i1
        %sub3A_1286 = arith.constant 1 : i32
        %sub3A_1287 = arith.subi %div3A_1266, %sub3A_1286 : i32
        %select_n3A_1288 = arith.select %and3A_1285, %sub3A_1287, %div3A_1266 : i32
        %add3A_1289 = arith.addi %shift_right_arithmetic3A_1248, %select_n3A_1288 : i32
        %add3A_1290 = arith.constant 32 : i32
        %add3A_1291 = arith.addi %mul3A_1252, %add3A_1290 : i32
        %jit3A_1292 = arith.constant 128 : i32
        %eq3A_1293 = arith.constant 0 : i32
        %eq3A_1294 = arith.cmpi eq, %jit3A_1292, %eq3A_1293 : i32
        %jit3A_1295 = arith.constant 1 : i32
        %select_n3A_1296 = arith.select %eq3A_1294, %jit3A_1295, %jit3A_1292 : i32
        %rem3A_1297 = arith.remsi %add3A_1291, %select_n3A_1296 : i32
        %ne3A_1298 = arith.constant 0 : i32
        %ne3A_1299 = arith.cmpi ne, %rem3A_1297, %ne3A_1298 : i32
        %lt3A_1300 = arith.constant 0 : i32
        %lt3A_1301 = arith.cmpi slt, %rem3A_1297, %lt3A_1300 : i32
        %lt3A_1302 = arith.constant 0 : i32
        %lt3A_1303 = arith.cmpi slt, %select_n3A_1296, %lt3A_1302 : i32
        %ne3A_1304 = arith.xori %lt3A_1301, %lt3A_1303 : i1
        %and3A_1305 = arith.andi %ne3A_1304, %ne3A_1299 : i1
        %add3A_1306 = arith.addi %rem3A_1297, %select_n3A_1296 : i32
        %select_n3A_1307 = arith.select %and3A_1305, %add3A_1306, %rem3A_1297 : i32
        %get3A_1308 = arith.index_cast %add3A_1289 : i32 to index
        %get3A_1309 = arith.index_cast %select_n3A_1307 : i32 to index
        %get3A_1310 = tpu.vector_load %arg6[%get3A_1308, %get3A_1309] {strides = array<i32>} : memref<128x128xi32, #tpu.memory_space<vmem>>, vector<1x16xi32>,
        %get3A_1311 = vector.shape_cast %get3A_1310 : vector<1x16xi32> to vector<16xi32>
        %add3A_1312 = arith.constant 16 : i32
        %add3A_1313 = arith.addi %select_n3A_1307, %add3A_1312 : i32
        %get3A_1314 = arith.index_cast %add3A_1289 : i32 to index
        %get3A_1315 = arith.index_cast %add3A_1313 : i32 to index
        %get3A_1316 = tpu.vector_load %arg6[%get3A_1314, %get3A_1315] {strides = array<i32>} : memref<128x128xi32, #tpu.memory_space<vmem>>, vector<1x16xi32>,
        %get3A_1317 = vector.shape_cast %get3A_1316 : vector<1x16xi32> to vector<16xi32>
        %shift_left3A_1318 = arith.constant 16 : i32
        %shift_left3A_1319 = vector.broadcast %shift_left3A_1318 : i32 to vector<16xi32>
        %shift_left3A_1320 = arith.shli %get3A_1256, %shift_left3A_1319 : vector<16xi32>
        %bitcast_convert_type3A_1321 = tpu.bitcast %shift_left3A_1320 : vector<16xi32> -> vector<16xf32>
        %and3A_1322 = arith.constant -65536 : i32
        %and3A_1323 = vector.broadcast %and3A_1322 : i32 to vector<16xi32>
        %and3A_1324 = arith.andi %get3A_1256, %and3A_1323 : vector<16xi32>
        %bitcast_convert_type3A_1325 = tpu.bitcast %and3A_1324 : vector<16xi32> -> vector<16xf32>
        %shift_left3A_1326 = arith.constant 16 : i32
        %shift_left3A_1327 = vector.broadcast %shift_left3A_1326 : i32 to vector<16xi32>
        %shift_left3A_1328 = arith.shli %get3A_1262, %shift_left3A_1327 : vector<16xi32>
        %bitcast_convert_type3A_1329 = tpu.bitcast %shift_left3A_1328 : vector<16xi32> -> vector<16xf32>
        %and3A_1330 = arith.constant -65536 : i32
        %and3A_1331 = vector.broadcast %and3A_1330 : i32 to vector<16xi32>
        %and3A_1332 = arith.andi %get3A_1262, %and3A_1331 : vector<16xi32>
        %bitcast_convert_type3A_1333 = tpu.bitcast %and3A_1332 : vector<16xi32> -> vector<16xf32>
        %shift_left3A_1334 = arith.constant 16 : i32
        %shift_left3A_1335 = vector.broadcast %shift_left3A_1334 : i32 to vector<16xi32>
        %shift_left3A_1336 = arith.shli %get3A_1311, %shift_left3A_1335 : vector<16xi32>
        %bitcast_convert_type3A_1337 = tpu.bitcast %shift_left3A_1336 : vector<16xi32> -> vector<16xf32>
        %and3A_1338 = arith.constant -65536 : i32
        %and3A_1339 = vector.broadcast %and3A_1338 : i32 to vector<16xi32>
        %and3A_1340 = arith.andi %get3A_1311, %and3A_1339 : vector<16xi32>
        %bitcast_convert_type3A_1341 = tpu.bitcast %and3A_1340 : vector<16xi32> -> vector<16xf32>
        %shift_left3A_1342 = arith.constant 16 : i32
        %shift_left3A_1343 = vector.broadcast %shift_left3A_1342 : i32 to vector<16xi32>
        %shift_left3A_1344 = arith.shli %get3A_1317, %shift_left3A_1343 : vector<16xi32>
        %bitcast_convert_type3A_1345 = tpu.bitcast %shift_left3A_1344 : vector<16xi32> -> vector<16xf32>
        %and3A_1346 = arith.constant -65536 : i32
        %and3A_1347 = vector.broadcast %and3A_1346 : i32 to vector<16xi32>
        %and3A_1348 = arith.andi %get3A_1317, %and3A_1347 : vector<16xi32>
        %bitcast_convert_type3A_1349 = tpu.bitcast %and3A_1348 : vector<16xi32> -> vector<16xf32>
        %add3A_1350 = arith.addf %add3A_1225, %bitcast_convert_type3A_1321 : vector<16xf32>
        %sub3A_1351 = arith.subf %bitcast_convert_type3A_1337, %bitcast_convert_type3A_1321 : vector<16xf32>
        %mul3A_1352 = vector.broadcast %squeeze3A_1244 : f32 to vector<16xf32>
        %mul3A_1353 = arith.mulf %mul3A_1352, %sub3A_1351 : vector<16xf32>
        %add3A_1354 = arith.addf %add3A_1350, %mul3A_1353 : vector<16xf32>
        %add3A_1355 = arith.addf %add3A_1230, %bitcast_convert_type3A_1325 : vector<16xf32>
        %sub3A_1356 = arith.subf %bitcast_convert_type3A_1341, %bitcast_convert_type3A_1325 : vector<16xf32>
        %mul3A_1357 = vector.broadcast %squeeze3A_1244 : f32 to vector<16xf32>
        %mul3A_1358 = arith.mulf %mul3A_1357, %sub3A_1356 : vector<16xf32>
        %add3A_1359 = arith.addf %add3A_1355, %mul3A_1358 : vector<16xf32>
        %add3A_1360 = arith.addf %add3A_1235, %bitcast_convert_type3A_1329 : vector<16xf32>
        %sub3A_1361 = arith.subf %bitcast_convert_type3A_1345, %bitcast_convert_type3A_1329 : vector<16xf32>
        %mul3A_1362 = vector.broadcast %squeeze3A_1244 : f32 to vector<16xf32>
        %mul3A_1363 = arith.mulf %mul3A_1362, %sub3A_1361 : vector<16xf32>
        %add3A_1364 = arith.addf %add3A_1360, %mul3A_1363 : vector<16xf32>
        %add3A_1365 = arith.addf %add3A_1240, %bitcast_convert_type3A_1333 : vector<16xf32>
        %sub3A_1366 = arith.subf %bitcast_convert_type3A_1349, %bitcast_convert_type3A_1333 : vector<16xf32>
        %mul3A_1367 = vector.broadcast %squeeze3A_1244 : f32 to vector<16xf32>
        %mul3A_1368 = arith.mulf %mul3A_1367, %sub3A_1366 : vector<16xf32>
        %add3A_1369 = arith.addf %add3A_1365, %mul3A_1368 : vector<16xf32>
        %slice3A_1370 = vector.extract_strided_slice %min3A_75 {offsets = [10], sizes = [1], strides = [1]} : vector<16xi32> to vector<1xi32>
        %squeeze3A_1371 = vector.extract %slice3A_1370[0] : i32 from vector<1xi32>
        %slice3A_1372 = vector.extract_strided_slice %sub3A {offsets = [10], sizes = [1], strides = [1]} : vector<16xf32> to vector<1xf32>
        %squeeze3A_1373 = vector.extract %slice3A_1372[0] : f32 from vector<1xf32>
        %add3A_1374 = arith.constant 320 : i32
        %add3A_1375 = arith.addi %add3A_1374, %squeeze3A_1371 : i32
        %shift_right_arithmetic3A_1376 = arith.constant 2 : i32
        %shift_right_arithmetic3A_1377 = arith.shrsi %add3A_1375, %shift_right_arithmetic3A_1376 : i32
        %and3A_1378 = arith.constant 3 : i32
        %and3A_1379 = arith.andi %add3A_1375, %and3A_1378 : i32
        %mul3A_1380 = arith.constant 32 : i32
        %mul3A_1381 = arith.muli %and3A_1379, %mul3A_1380 : i32
        %get3A_1382 = arith.index_cast %shift_right_arithmetic3A_1377 : i32 to index
        %get3A_1383 = arith.index_cast %mul3A_1381 : i32 to index
        %get3A_1384 = tpu.vector_load %arg6[%get3A_1382, %get3A_1383] {strides = array<i32>} : memref<128x128xi32, #tpu.memory_space<vmem>>, vector<1x16xi32>,
        %get3A_1385 = vector.shape_cast %get3A_1384 : vector<1x16xi32> to vector<16xi32>
        %add3A_1386 = arith.constant 16 : i32
        %add3A_1387 = arith.addi %mul3A_1381, %add3A_1386 : i32
        %get3A_1388 = arith.index_cast %shift_right_arithmetic3A_1377 : i32 to index
        %get3A_1389 = arith.index_cast %add3A_1387 : i32 to index
        %get3A_1390 = tpu.vector_load %arg6[%get3A_1388, %get3A_1389] {strides = array<i32>} : memref<128x128xi32, #tpu.memory_space<vmem>>, vector<1x16xi32>,
        %get3A_1391 = vector.shape_cast %get3A_1390 : vector<1x16xi32> to vector<16xi32>
        %add3A_1392 = arith.constant 32 : i32
        %add3A_1393 = arith.addi %mul3A_1381, %add3A_1392 : i32
        %jit3A_1394 = arith.constant 128 : i32
        %div3A_1395 = arith.divsi %add3A_1393, %jit3A_1394 : i32
        %sign3A_1396 = arith.constant 0 : i32
        %sign3A_1397 = arith.cmpi sgt, %add3A_1393, %sign3A_1396 : i32
        %sign3A_1398 = arith.extui %sign3A_1397 : i1 to i32
        %sign3A_1399 = arith.constant 0 : i32
        %sign3A_1400 = arith.cmpi slt, %add3A_1393, %sign3A_1399 : i32
        %sign3A_1401 = arith.extui %sign3A_1400 : i1 to i32
        %sign3A_1402 = arith.subi %sign3A_1398, %sign3A_1401 : i32
        %sign3A_1403 = arith.constant 0 : i32
        %sign3A_1404 = arith.cmpi sgt, %jit3A_1394, %sign3A_1403 : i32
        %sign3A_1405 = arith.extui %sign3A_1404 : i1 to i32
        %sign3A_1406 = arith.constant 0 : i32
        %sign3A_1407 = arith.cmpi slt, %jit3A_1394, %sign3A_1406 : i32
        %sign3A_1408 = arith.extui %sign3A_1407 : i1 to i32
        %sign3A_1409 = arith.subi %sign3A_1405, %sign3A_1408 : i32
        %ne3A_1410 = arith.cmpi ne, %sign3A_1402, %sign3A_1409 : i32
        %rem3A_1411 = arith.remsi %add3A_1393, %jit3A_1394 : i32
        %ne3A_1412 = arith.constant 0 : i32
        %ne3A_1413 = arith.cmpi ne, %rem3A_1411, %ne3A_1412 : i32
        %and3A_1414 = arith.andi %ne3A_1410, %ne3A_1413 : i1
        %sub3A_1415 = arith.constant 1 : i32
        %sub3A_1416 = arith.subi %div3A_1395, %sub3A_1415 : i32
        %select_n3A_1417 = arith.select %and3A_1414, %sub3A_1416, %div3A_1395 : i32
        %add3A_1418 = arith.addi %shift_right_arithmetic3A_1377, %select_n3A_1417 : i32
        %add3A_1419 = arith.constant 32 : i32
        %add3A_1420 = arith.addi %mul3A_1381, %add3A_1419 : i32
        %jit3A_1421 = arith.constant 128 : i32
        %eq3A_1422 = arith.constant 0 : i32
        %eq3A_1423 = arith.cmpi eq, %jit3A_1421, %eq3A_1422 : i32
        %jit3A_1424 = arith.constant 1 : i32
        %select_n3A_1425 = arith.select %eq3A_1423, %jit3A_1424, %jit3A_1421 : i32
        %rem3A_1426 = arith.remsi %add3A_1420, %select_n3A_1425 : i32
        %ne3A_1427 = arith.constant 0 : i32
        %ne3A_1428 = arith.cmpi ne, %rem3A_1426, %ne3A_1427 : i32
        %lt3A_1429 = arith.constant 0 : i32
        %lt3A_1430 = arith.cmpi slt, %rem3A_1426, %lt3A_1429 : i32
        %lt3A_1431 = arith.constant 0 : i32
        %lt3A_1432 = arith.cmpi slt, %select_n3A_1425, %lt3A_1431 : i32
        %ne3A_1433 = arith.xori %lt3A_1430, %lt3A_1432 : i1
        %and3A_1434 = arith.andi %ne3A_1433, %ne3A_1428 : i1
        %add3A_1435 = arith.addi %rem3A_1426, %select_n3A_1425 : i32
        %select_n3A_1436 = arith.select %and3A_1434, %add3A_1435, %rem3A_1426 : i32
        %get3A_1437 = arith.index_cast %add3A_1418 : i32 to index
        %get3A_1438 = arith.index_cast %select_n3A_1436 : i32 to index
        %get3A_1439 = tpu.vector_load %arg6[%get3A_1437, %get3A_1438] {strides = array<i32>} : memref<128x128xi32, #tpu.memory_space<vmem>>, vector<1x16xi32>,
        %get3A_1440 = vector.shape_cast %get3A_1439 : vector<1x16xi32> to vector<16xi32>
        %add3A_1441 = arith.constant 16 : i32
        %add3A_1442 = arith.addi %select_n3A_1436, %add3A_1441 : i32
        %get3A_1443 = arith.index_cast %add3A_1418 : i32 to index
        %get3A_1444 = arith.index_cast %add3A_1442 : i32 to index
        %get3A_1445 = tpu.vector_load %arg6[%get3A_1443, %get3A_1444] {strides = array<i32>} : memref<128x128xi32, #tpu.memory_space<vmem>>, vector<1x16xi32>,
        %get3A_1446 = vector.shape_cast %get3A_1445 : vector<1x16xi32> to vector<16xi32>
        %shift_left3A_1447 = arith.constant 16 : i32
        %shift_left3A_1448 = vector.broadcast %shift_left3A_1447 : i32 to vector<16xi32>
        %shift_left3A_1449 = arith.shli %get3A_1385, %shift_left3A_1448 : vector<16xi32>
        %bitcast_convert_type3A_1450 = tpu.bitcast %shift_left3A_1449 : vector<16xi32> -> vector<16xf32>
        %and3A_1451 = arith.constant -65536 : i32
        %and3A_1452 = vector.broadcast %and3A_1451 : i32 to vector<16xi32>
        %and3A_1453 = arith.andi %get3A_1385, %and3A_1452 : vector<16xi32>
        %bitcast_convert_type3A_1454 = tpu.bitcast %and3A_1453 : vector<16xi32> -> vector<16xf32>
        %shift_left3A_1455 = arith.constant 16 : i32
        %shift_left3A_1456 = vector.broadcast %shift_left3A_1455 : i32 to vector<16xi32>
        %shift_left3A_1457 = arith.shli %get3A_1391, %shift_left3A_1456 : vector<16xi32>
        %bitcast_convert_type3A_1458 = tpu.bitcast %shift_left3A_1457 : vector<16xi32> -> vector<16xf32>
        %and3A_1459 = arith.constant -65536 : i32
        %and3A_1460 = vector.broadcast %and3A_1459 : i32 to vector<16xi32>
        %and3A_1461 = arith.andi %get3A_1391, %and3A_1460 : vector<16xi32>
        %bitcast_convert_type3A_1462 = tpu.bitcast %and3A_1461 : vector<16xi32> -> vector<16xf32>
        %shift_left3A_1463 = arith.constant 16 : i32
        %shift_left3A_1464 = vector.broadcast %shift_left3A_1463 : i32 to vector<16xi32>
        %shift_left3A_1465 = arith.shli %get3A_1440, %shift_left3A_1464 : vector<16xi32>
        %bitcast_convert_type3A_1466 = tpu.bitcast %shift_left3A_1465 : vector<16xi32> -> vector<16xf32>
        %and3A_1467 = arith.constant -65536 : i32
        %and3A_1468 = vector.broadcast %and3A_1467 : i32 to vector<16xi32>
        %and3A_1469 = arith.andi %get3A_1440, %and3A_1468 : vector<16xi32>
        %bitcast_convert_type3A_1470 = tpu.bitcast %and3A_1469 : vector<16xi32> -> vector<16xf32>
        %shift_left3A_1471 = arith.constant 16 : i32
        %shift_left3A_1472 = vector.broadcast %shift_left3A_1471 : i32 to vector<16xi32>
        %shift_left3A_1473 = arith.shli %get3A_1446, %shift_left3A_1472 : vector<16xi32>
        %bitcast_convert_type3A_1474 = tpu.bitcast %shift_left3A_1473 : vector<16xi32> -> vector<16xf32>
        %and3A_1475 = arith.constant -65536 : i32
        %and3A_1476 = vector.broadcast %and3A_1475 : i32 to vector<16xi32>
        %and3A_1477 = arith.andi %get3A_1446, %and3A_1476 : vector<16xi32>
        %bitcast_convert_type3A_1478 = tpu.bitcast %and3A_1477 : vector<16xi32> -> vector<16xf32>
        %add3A_1479 = arith.addf %add3A_1354, %bitcast_convert_type3A_1450 : vector<16xf32>
        %sub3A_1480 = arith.subf %bitcast_convert_type3A_1466, %bitcast_convert_type3A_1450 : vector<16xf32>
        %mul3A_1481 = vector.broadcast %squeeze3A_1373 : f32 to vector<16xf32>
        %mul3A_1482 = arith.mulf %mul3A_1481, %sub3A_1480 : vector<16xf32>
        %add3A_1483 = arith.addf %add3A_1479, %mul3A_1482 : vector<16xf32>
        %add3A_1484 = arith.addf %add3A_1359, %bitcast_convert_type3A_1454 : vector<16xf32>
        %sub3A_1485 = arith.subf %bitcast_convert_type3A_1470, %bitcast_convert_type3A_1454 : vector<16xf32>
        %mul3A_1486 = vector.broadcast %squeeze3A_1373 : f32 to vector<16xf32>
        %mul3A_1487 = arith.mulf %mul3A_1486, %sub3A_1485 : vector<16xf32>
        %add3A_1488 = arith.addf %add3A_1484, %mul3A_1487 : vector<16xf32>
        %add3A_1489 = arith.addf %add3A_1364, %bitcast_convert_type3A_1458 : vector<16xf32>
        %sub3A_1490 = arith.subf %bitcast_convert_type3A_1474, %bitcast_convert_type3A_1458 : vector<16xf32>
        %mul3A_1491 = vector.broadcast %squeeze3A_1373 : f32 to vector<16xf32>
        %mul3A_1492 = arith.mulf %mul3A_1491, %sub3A_1490 : vector<16xf32>
        %add3A_1493 = arith.addf %add3A_1489, %mul3A_1492 : vector<16xf32>
        %add3A_1494 = arith.addf %add3A_1369, %bitcast_convert_type3A_1462 : vector<16xf32>
        %sub3A_1495 = arith.subf %bitcast_convert_type3A_1478, %bitcast_convert_type3A_1462 : vector<16xf32>
        %mul3A_1496 = vector.broadcast %squeeze3A_1373 : f32 to vector<16xf32>
        %mul3A_1497 = arith.mulf %mul3A_1496, %sub3A_1495 : vector<16xf32>
        %add3A_1498 = arith.addf %add3A_1494, %mul3A_1497 : vector<16xf32>
        %slice3A_1499 = vector.extract_strided_slice %min3A_75 {offsets = [11], sizes = [1], strides = [1]} : vector<16xi32> to vector<1xi32>
        %squeeze3A_1500 = vector.extract %slice3A_1499[0] : i32 from vector<1xi32>
        %slice3A_1501 = vector.extract_strided_slice %sub3A {offsets = [11], sizes = [1], strides = [1]} : vector<16xf32> to vector<1xf32>
        %squeeze3A_1502 = vector.extract %slice3A_1501[0] : f32 from vector<1xf32>
        %add3A_1503 = arith.constant 352 : i32
        %add3A_1504 = arith.addi %add3A_1503, %squeeze3A_1500 : i32
        %shift_right_arithmetic3A_1505 = arith.constant 2 : i32
        %shift_right_arithmetic3A_1506 = arith.shrsi %add3A_1504, %shift_right_arithmetic3A_1505 : i32
        %and3A_1507 = arith.constant 3 : i32
        %and3A_1508 = arith.andi %add3A_1504, %and3A_1507 : i32
        %mul3A_1509 = arith.constant 32 : i32
        %mul3A_1510 = arith.muli %and3A_1508, %mul3A_1509 : i32
        %get3A_1511 = arith.index_cast %shift_right_arithmetic3A_1506 : i32 to index
        %get3A_1512 = arith.index_cast %mul3A_1510 : i32 to index
        %get3A_1513 = tpu.vector_load %arg6[%get3A_1511, %get3A_1512] {strides = array<i32>} : memref<128x128xi32, #tpu.memory_space<vmem>>, vector<1x16xi32>,
        %get3A_1514 = vector.shape_cast %get3A_1513 : vector<1x16xi32> to vector<16xi32>
        %add3A_1515 = arith.constant 16 : i32
        %add3A_1516 = arith.addi %mul3A_1510, %add3A_1515 : i32
        %get3A_1517 = arith.index_cast %shift_right_arithmetic3A_1506 : i32 to index
        %get3A_1518 = arith.index_cast %add3A_1516 : i32 to index
        %get3A_1519 = tpu.vector_load %arg6[%get3A_1517, %get3A_1518] {strides = array<i32>} : memref<128x128xi32, #tpu.memory_space<vmem>>, vector<1x16xi32>,
        %get3A_1520 = vector.shape_cast %get3A_1519 : vector<1x16xi32> to vector<16xi32>
        %add3A_1521 = arith.constant 32 : i32
        %add3A_1522 = arith.addi %mul3A_1510, %add3A_1521 : i32
        %jit3A_1523 = arith.constant 128 : i32
        %div3A_1524 = arith.divsi %add3A_1522, %jit3A_1523 : i32
        %sign3A_1525 = arith.constant 0 : i32
        %sign3A_1526 = arith.cmpi sgt, %add3A_1522, %sign3A_1525 : i32
        %sign3A_1527 = arith.extui %sign3A_1526 : i1 to i32
        %sign3A_1528 = arith.constant 0 : i32
        %sign3A_1529 = arith.cmpi slt, %add3A_1522, %sign3A_1528 : i32
        %sign3A_1530 = arith.extui %sign3A_1529 : i1 to i32
        %sign3A_1531 = arith.subi %sign3A_1527, %sign3A_1530 : i32
        %sign3A_1532 = arith.constant 0 : i32
        %sign3A_1533 = arith.cmpi sgt, %jit3A_1523, %sign3A_1532 : i32
        %sign3A_1534 = arith.extui %sign3A_1533 : i1 to i32
        %sign3A_1535 = arith.constant 0 : i32
        %sign3A_1536 = arith.cmpi slt, %jit3A_1523, %sign3A_1535 : i32
        %sign3A_1537 = arith.extui %sign3A_1536 : i1 to i32
        %sign3A_1538 = arith.subi %sign3A_1534, %sign3A_1537 : i32
        %ne3A_1539 = arith.cmpi ne, %sign3A_1531, %sign3A_1538 : i32
        %rem3A_1540 = arith.remsi %add3A_1522, %jit3A_1523 : i32
        %ne3A_1541 = arith.constant 0 : i32
        %ne3A_1542 = arith.cmpi ne, %rem3A_1540, %ne3A_1541 : i32
        %and3A_1543 = arith.andi %ne3A_1539, %ne3A_1542 : i1
        %sub3A_1544 = arith.constant 1 : i32
        %sub3A_1545 = arith.subi %div3A_1524, %sub3A_1544 : i32
        %select_n3A_1546 = arith.select %and3A_1543, %sub3A_1545, %div3A_1524 : i32
        %add3A_1547 = arith.addi %shift_right_arithmetic3A_1506, %select_n3A_1546 : i32
        %add3A_1548 = arith.constant 32 : i32
        %add3A_1549 = arith.addi %mul3A_1510, %add3A_1548 : i32
        %jit3A_1550 = arith.constant 128 : i32
        %eq3A_1551 = arith.constant 0 : i32
        %eq3A_1552 = arith.cmpi eq, %jit3A_1550, %eq3A_1551 : i32
        %jit3A_1553 = arith.constant 1 : i32
        %select_n3A_1554 = arith.select %eq3A_1552, %jit3A_1553, %jit3A_1550 : i32
        %rem3A_1555 = arith.remsi %add3A_1549, %select_n3A_1554 : i32
        %ne3A_1556 = arith.constant 0 : i32
        %ne3A_1557 = arith.cmpi ne, %rem3A_1555, %ne3A_1556 : i32
        %lt3A_1558 = arith.constant 0 : i32
        %lt3A_1559 = arith.cmpi slt, %rem3A_1555, %lt3A_1558 : i32
        %lt3A_1560 = arith.constant 0 : i32
        %lt3A_1561 = arith.cmpi slt, %select_n3A_1554, %lt3A_1560 : i32
        %ne3A_1562 = arith.xori %lt3A_1559, %lt3A_1561 : i1
        %and3A_1563 = arith.andi %ne3A_1562, %ne3A_1557 : i1
        %add3A_1564 = arith.addi %rem3A_1555, %select_n3A_1554 : i32
        %select_n3A_1565 = arith.select %and3A_1563, %add3A_1564, %rem3A_1555 : i32
        %get3A_1566 = arith.index_cast %add3A_1547 : i32 to index
        %get3A_1567 = arith.index_cast %select_n3A_1565 : i32 to index
        %get3A_1568 = tpu.vector_load %arg6[%get3A_1566, %get3A_1567] {strides = array<i32>} : memref<128x128xi32, #tpu.memory_space<vmem>>, vector<1x16xi32>,
        %get3A_1569 = vector.shape_cast %get3A_1568 : vector<1x16xi32> to vector<16xi32>
        %add3A_1570 = arith.constant 16 : i32
        %add3A_1571 = arith.addi %select_n3A_1565, %add3A_1570 : i32
        %get3A_1572 = arith.index_cast %add3A_1547 : i32 to index
        %get3A_1573 = arith.index_cast %add3A_1571 : i32 to index
        %get3A_1574 = tpu.vector_load %arg6[%get3A_1572, %get3A_1573] {strides = array<i32>} : memref<128x128xi32, #tpu.memory_space<vmem>>, vector<1x16xi32>,
        %get3A_1575 = vector.shape_cast %get3A_1574 : vector<1x16xi32> to vector<16xi32>
        %shift_left3A_1576 = arith.constant 16 : i32
        %shift_left3A_1577 = vector.broadcast %shift_left3A_1576 : i32 to vector<16xi32>
        %shift_left3A_1578 = arith.shli %get3A_1514, %shift_left3A_1577 : vector<16xi32>
        %bitcast_convert_type3A_1579 = tpu.bitcast %shift_left3A_1578 : vector<16xi32> -> vector<16xf32>
        %and3A_1580 = arith.constant -65536 : i32
        %and3A_1581 = vector.broadcast %and3A_1580 : i32 to vector<16xi32>
        %and3A_1582 = arith.andi %get3A_1514, %and3A_1581 : vector<16xi32>
        %bitcast_convert_type3A_1583 = tpu.bitcast %and3A_1582 : vector<16xi32> -> vector<16xf32>
        %shift_left3A_1584 = arith.constant 16 : i32
        %shift_left3A_1585 = vector.broadcast %shift_left3A_1584 : i32 to vector<16xi32>
        %shift_left3A_1586 = arith.shli %get3A_1520, %shift_left3A_1585 : vector<16xi32>
        %bitcast_convert_type3A_1587 = tpu.bitcast %shift_left3A_1586 : vector<16xi32> -> vector<16xf32>
        %and3A_1588 = arith.constant -65536 : i32
        %and3A_1589 = vector.broadcast %and3A_1588 : i32 to vector<16xi32>
        %and3A_1590 = arith.andi %get3A_1520, %and3A_1589 : vector<16xi32>
        %bitcast_convert_type3A_1591 = tpu.bitcast %and3A_1590 : vector<16xi32> -> vector<16xf32>
        %shift_left3A_1592 = arith.constant 16 : i32
        %shift_left3A_1593 = vector.broadcast %shift_left3A_1592 : i32 to vector<16xi32>
        %shift_left3A_1594 = arith.shli %get3A_1569, %shift_left3A_1593 : vector<16xi32>
        %bitcast_convert_type3A_1595 = tpu.bitcast %shift_left3A_1594 : vector<16xi32> -> vector<16xf32>
        %and3A_1596 = arith.constant -65536 : i32
        %and3A_1597 = vector.broadcast %and3A_1596 : i32 to vector<16xi32>
        %and3A_1598 = arith.andi %get3A_1569, %and3A_1597 : vector<16xi32>
        %bitcast_convert_type3A_1599 = tpu.bitcast %and3A_1598 : vector<16xi32> -> vector<16xf32>
        %shift_left3A_1600 = arith.constant 16 : i32
        %shift_left3A_1601 = vector.broadcast %shift_left3A_1600 : i32 to vector<16xi32>
        %shift_left3A_1602 = arith.shli %get3A_1575, %shift_left3A_1601 : vector<16xi32>
        %bitcast_convert_type3A_1603 = tpu.bitcast %shift_left3A_1602 : vector<16xi32> -> vector<16xf32>
        %and3A_1604 = arith.constant -65536 : i32
        %and3A_1605 = vector.broadcast %and3A_1604 : i32 to vector<16xi32>
        %and3A_1606 = arith.andi %get3A_1575, %and3A_1605 : vector<16xi32>
        %bitcast_convert_type3A_1607 = tpu.bitcast %and3A_1606 : vector<16xi32> -> vector<16xf32>
        %add3A_1608 = arith.addf %add3A_1483, %bitcast_convert_type3A_1579 : vector<16xf32>
        %sub3A_1609 = arith.subf %bitcast_convert_type3A_1595, %bitcast_convert_type3A_1579 : vector<16xf32>
        %mul3A_1610 = vector.broadcast %squeeze3A_1502 : f32 to vector<16xf32>
        %mul3A_1611 = arith.mulf %mul3A_1610, %sub3A_1609 : vector<16xf32>
        %add3A_1612 = arith.addf %add3A_1608, %mul3A_1611 : vector<16xf32>
        %add3A_1613 = arith.addf %add3A_1488, %bitcast_convert_type3A_1583 : vector<16xf32>
        %sub3A_1614 = arith.subf %bitcast_convert_type3A_1599, %bitcast_convert_type3A_1583 : vector<16xf32>
        %mul3A_1615 = vector.broadcast %squeeze3A_1502 : f32 to vector<16xf32>
        %mul3A_1616 = arith.mulf %mul3A_1615, %sub3A_1614 : vector<16xf32>
        %add3A_1617 = arith.addf %add3A_1613, %mul3A_1616 : vector<16xf32>
        %add3A_1618 = arith.addf %add3A_1493, %bitcast_convert_type3A_1587 : vector<16xf32>
        %sub3A_1619 = arith.subf %bitcast_convert_type3A_1603, %bitcast_convert_type3A_1587 : vector<16xf32>
        %mul3A_1620 = vector.broadcast %squeeze3A_1502 : f32 to vector<16xf32>
        %mul3A_1621 = arith.mulf %mul3A_1620, %sub3A_1619 : vector<16xf32>
        %add3A_1622 = arith.addf %add3A_1618, %mul3A_1621 : vector<16xf32>
        %add3A_1623 = arith.addf %add3A_1498, %bitcast_convert_type3A_1591 : vector<16xf32>
        %sub3A_1624 = arith.subf %bitcast_convert_type3A_1607, %bitcast_convert_type3A_1591 : vector<16xf32>
        %mul3A_1625 = vector.broadcast %squeeze3A_1502 : f32 to vector<16xf32>
        %mul3A_1626 = arith.mulf %mul3A_1625, %sub3A_1624 : vector<16xf32>
        %add3A_1627 = arith.addf %add3A_1623, %mul3A_1626 : vector<16xf32>
        %slice3A_1628 = vector.extract_strided_slice %min3A_75 {offsets = [12], sizes = [1], strides = [1]} : vector<16xi32> to vector<1xi32>
        %squeeze3A_1629 = vector.extract %slice3A_1628[0] : i32 from vector<1xi32>
        %slice3A_1630 = vector.extract_strided_slice %sub3A {offsets = [12], sizes = [1], strides = [1]} : vector<16xf32> to vector<1xf32>
        %squeeze3A_1631 = vector.extract %slice3A_1630[0] : f32 from vector<1xf32>
        %add3A_1632 = arith.constant 384 : i32
        %add3A_1633 = arith.addi %add3A_1632, %squeeze3A_1629 : i32
        %shift_right_arithmetic3A_1634 = arith.constant 2 : i32
        %shift_right_arithmetic3A_1635 = arith.shrsi %add3A_1633, %shift_right_arithmetic3A_1634 : i32
        %and3A_1636 = arith.constant 3 : i32
        %and3A_1637 = arith.andi %add3A_1633, %and3A_1636 : i32
        %mul3A_1638 = arith.constant 32 : i32
        %mul3A_1639 = arith.muli %and3A_1637, %mul3A_1638 : i32
        %get3A_1640 = arith.index_cast %shift_right_arithmetic3A_1635 : i32 to index
        %get3A_1641 = arith.index_cast %mul3A_1639 : i32 to index
        %get3A_1642 = tpu.vector_load %arg6[%get3A_1640, %get3A_1641] {strides = array<i32>} : memref<128x128xi32, #tpu.memory_space<vmem>>, vector<1x16xi32>,
        %get3A_1643 = vector.shape_cast %get3A_1642 : vector<1x16xi32> to vector<16xi32>
        %add3A_1644 = arith.constant 16 : i32
        %add3A_1645 = arith.addi %mul3A_1639, %add3A_1644 : i32
        %get3A_1646 = arith.index_cast %shift_right_arithmetic3A_1635 : i32 to index
        %get3A_1647 = arith.index_cast %add3A_1645 : i32 to index
        %get3A_1648 = tpu.vector_load %arg6[%get3A_1646, %get3A_1647] {strides = array<i32>} : memref<128x128xi32, #tpu.memory_space<vmem>>, vector<1x16xi32>,
        %get3A_1649 = vector.shape_cast %get3A_1648 : vector<1x16xi32> to vector<16xi32>
        %add3A_1650 = arith.constant 32 : i32
        %add3A_1651 = arith.addi %mul3A_1639, %add3A_1650 : i32
        %jit3A_1652 = arith.constant 128 : i32
        %div3A_1653 = arith.divsi %add3A_1651, %jit3A_1652 : i32
        %sign3A_1654 = arith.constant 0 : i32
        %sign3A_1655 = arith.cmpi sgt, %add3A_1651, %sign3A_1654 : i32
        %sign3A_1656 = arith.extui %sign3A_1655 : i1 to i32
        %sign3A_1657 = arith.constant 0 : i32
        %sign3A_1658 = arith.cmpi slt, %add3A_1651, %sign3A_1657 : i32
        %sign3A_1659 = arith.extui %sign3A_1658 : i1 to i32
        %sign3A_1660 = arith.subi %sign3A_1656, %sign3A_1659 : i32
        %sign3A_1661 = arith.constant 0 : i32
        %sign3A_1662 = arith.cmpi sgt, %jit3A_1652, %sign3A_1661 : i32
        %sign3A_1663 = arith.extui %sign3A_1662 : i1 to i32
        %sign3A_1664 = arith.constant 0 : i32
        %sign3A_1665 = arith.cmpi slt, %jit3A_1652, %sign3A_1664 : i32
        %sign3A_1666 = arith.extui %sign3A_1665 : i1 to i32
        %sign3A_1667 = arith.subi %sign3A_1663, %sign3A_1666 : i32
        %ne3A_1668 = arith.cmpi ne, %sign3A_1660, %sign3A_1667 : i32
        %rem3A_1669 = arith.remsi %add3A_1651, %jit3A_1652 : i32
        %ne3A_1670 = arith.constant 0 : i32
        %ne3A_1671 = arith.cmpi ne, %rem3A_1669, %ne3A_1670 : i32
        %and3A_1672 = arith.andi %ne3A_1668, %ne3A_1671 : i1
        %sub3A_1673 = arith.constant 1 : i32
        %sub3A_1674 = arith.subi %div3A_1653, %sub3A_1673 : i32
        %select_n3A_1675 = arith.select %and3A_1672, %sub3A_1674, %div3A_1653 : i32
        %add3A_1676 = arith.addi %shift_right_arithmetic3A_1635, %select_n3A_1675 : i32
        %add3A_1677 = arith.constant 32 : i32
        %add3A_1678 = arith.addi %mul3A_1639, %add3A_1677 : i32
        %jit3A_1679 = arith.constant 128 : i32
        %eq3A_1680 = arith.constant 0 : i32
        %eq3A_1681 = arith.cmpi eq, %jit3A_1679, %eq3A_1680 : i32
        %jit3A_1682 = arith.constant 1 : i32
        %select_n3A_1683 = arith.select %eq3A_1681, %jit3A_1682, %jit3A_1679 : i32
        %rem3A_1684 = arith.remsi %add3A_1678, %select_n3A_1683 : i32
        %ne3A_1685 = arith.constant 0 : i32
        %ne3A_1686 = arith.cmpi ne, %rem3A_1684, %ne3A_1685 : i32
        %lt3A_1687 = arith.constant 0 : i32
        %lt3A_1688 = arith.cmpi slt, %rem3A_1684, %lt3A_1687 : i32
        %lt3A_1689 = arith.constant 0 : i32
        %lt3A_1690 = arith.cmpi slt, %select_n3A_1683, %lt3A_1689 : i32
        %ne3A_1691 = arith.xori %lt3A_1688, %lt3A_1690 : i1
        %and3A_1692 = arith.andi %ne3A_1691, %ne3A_1686 : i1
        %add3A_1693 = arith.addi %rem3A_1684, %select_n3A_1683 : i32
        %select_n3A_1694 = arith.select %and3A_1692, %add3A_1693, %rem3A_1684 : i32
        %get3A_1695 = arith.index_cast %add3A_1676 : i32 to index
        %get3A_1696 = arith.index_cast %select_n3A_1694 : i32 to index
        %get3A_1697 = tpu.vector_load %arg6[%get3A_1695, %get3A_1696] {strides = array<i32>} : memref<128x128xi32, #tpu.memory_space<vmem>>, vector<1x16xi32>,
        %get3A_1698 = vector.shape_cast %get3A_1697 : vector<1x16xi32> to vector<16xi32>
        %add3A_1699 = arith.constant 16 : i32
        %add3A_1700 = arith.addi %select_n3A_1694, %add3A_1699 : i32
        %get3A_1701 = arith.index_cast %add3A_1676 : i32 to index
        %get3A_1702 = arith.index_cast %add3A_1700 : i32 to index
        %get3A_1703 = tpu.vector_load %arg6[%get3A_1701, %get3A_1702] {strides = array<i32>} : memref<128x128xi32, #tpu.memory_space<vmem>>, vector<1x16xi32>,
        %get3A_1704 = vector.shape_cast %get3A_1703 : vector<1x16xi32> to vector<16xi32>
        %shift_left3A_1705 = arith.constant 16 : i32
        %shift_left3A_1706 = vector.broadcast %shift_left3A_1705 : i32 to vector<16xi32>
        %shift_left3A_1707 = arith.shli %get3A_1643, %shift_left3A_1706 : vector<16xi32>
        %bitcast_convert_type3A_1708 = tpu.bitcast %shift_left3A_1707 : vector<16xi32> -> vector<16xf32>
        %and3A_1709 = arith.constant -65536 : i32
        %and3A_1710 = vector.broadcast %and3A_1709 : i32 to vector<16xi32>
        %and3A_1711 = arith.andi %get3A_1643, %and3A_1710 : vector<16xi32>
        %bitcast_convert_type3A_1712 = tpu.bitcast %and3A_1711 : vector<16xi32> -> vector<16xf32>
        %shift_left3A_1713 = arith.constant 16 : i32
        %shift_left3A_1714 = vector.broadcast %shift_left3A_1713 : i32 to vector<16xi32>
        %shift_left3A_1715 = arith.shli %get3A_1649, %shift_left3A_1714 : vector<16xi32>
        %bitcast_convert_type3A_1716 = tpu.bitcast %shift_left3A_1715 : vector<16xi32> -> vector<16xf32>
        %and3A_1717 = arith.constant -65536 : i32
        %and3A_1718 = vector.broadcast %and3A_1717 : i32 to vector<16xi32>
        %and3A_1719 = arith.andi %get3A_1649, %and3A_1718 : vector<16xi32>
        %bitcast_convert_type3A_1720 = tpu.bitcast %and3A_1719 : vector<16xi32> -> vector<16xf32>
        %shift_left3A_1721 = arith.constant 16 : i32
        %shift_left3A_1722 = vector.broadcast %shift_left3A_1721 : i32 to vector<16xi32>
        %shift_left3A_1723 = arith.shli %get3A_1698, %shift_left3A_1722 : vector<16xi32>
        %bitcast_convert_type3A_1724 = tpu.bitcast %shift_left3A_1723 : vector<16xi32> -> vector<16xf32>
        %and3A_1725 = arith.constant -65536 : i32
        %and3A_1726 = vector.broadcast %and3A_1725 : i32 to vector<16xi32>
        %and3A_1727 = arith.andi %get3A_1698, %and3A_1726 : vector<16xi32>
        %bitcast_convert_type3A_1728 = tpu.bitcast %and3A_1727 : vector<16xi32> -> vector<16xf32>
        %shift_left3A_1729 = arith.constant 16 : i32
        %shift_left3A_1730 = vector.broadcast %shift_left3A_1729 : i32 to vector<16xi32>
        %shift_left3A_1731 = arith.shli %get3A_1704, %shift_left3A_1730 : vector<16xi32>
        %bitcast_convert_type3A_1732 = tpu.bitcast %shift_left3A_1731 : vector<16xi32> -> vector<16xf32>
        %and3A_1733 = arith.constant -65536 : i32
        %and3A_1734 = vector.broadcast %and3A_1733 : i32 to vector<16xi32>
        %and3A_1735 = arith.andi %get3A_1704, %and3A_1734 : vector<16xi32>
        %bitcast_convert_type3A_1736 = tpu.bitcast %and3A_1735 : vector<16xi32> -> vector<16xf32>
        %add3A_1737 = arith.addf %add3A_1612, %bitcast_convert_type3A_1708 : vector<16xf32>
        %sub3A_1738 = arith.subf %bitcast_convert_type3A_1724, %bitcast_convert_type3A_1708 : vector<16xf32>
        %mul3A_1739 = vector.broadcast %squeeze3A_1631 : f32 to vector<16xf32>
        %mul3A_1740 = arith.mulf %mul3A_1739, %sub3A_1738 : vector<16xf32>
        %add3A_1741 = arith.addf %add3A_1737, %mul3A_1740 : vector<16xf32>
        %add3A_1742 = arith.addf %add3A_1617, %bitcast_convert_type3A_1712 : vector<16xf32>
        %sub3A_1743 = arith.subf %bitcast_convert_type3A_1728, %bitcast_convert_type3A_1712 : vector<16xf32>
        %mul3A_1744 = vector.broadcast %squeeze3A_1631 : f32 to vector<16xf32>
        %mul3A_1745 = arith.mulf %mul3A_1744, %sub3A_1743 : vector<16xf32>
        %add3A_1746 = arith.addf %add3A_1742, %mul3A_1745 : vector<16xf32>
        %add3A_1747 = arith.addf %add3A_1622, %bitcast_convert_type3A_1716 : vector<16xf32>
        %sub3A_1748 = arith.subf %bitcast_convert_type3A_1732, %bitcast_convert_type3A_1716 : vector<16xf32>
        %mul3A_1749 = vector.broadcast %squeeze3A_1631 : f32 to vector<16xf32>
        %mul3A_1750 = arith.mulf %mul3A_1749, %sub3A_1748 : vector<16xf32>
        %add3A_1751 = arith.addf %add3A_1747, %mul3A_1750 : vector<16xf32>
        %add3A_1752 = arith.addf %add3A_1627, %bitcast_convert_type3A_1720 : vector<16xf32>
        %sub3A_1753 = arith.subf %bitcast_convert_type3A_1736, %bitcast_convert_type3A_1720 : vector<16xf32>
        %mul3A_1754 = vector.broadcast %squeeze3A_1631 : f32 to vector<16xf32>
        %mul3A_1755 = arith.mulf %mul3A_1754, %sub3A_1753 : vector<16xf32>
        %add3A_1756 = arith.addf %add3A_1752, %mul3A_1755 : vector<16xf32>
        %slice3A_1757 = vector.extract_strided_slice %min3A_75 {offsets = [13], sizes = [1], strides = [1]} : vector<16xi32> to vector<1xi32>
        %squeeze3A_1758 = vector.extract %slice3A_1757[0] : i32 from vector<1xi32>
        %slice3A_1759 = vector.extract_strided_slice %sub3A {offsets = [13], sizes = [1], strides = [1]} : vector<16xf32> to vector<1xf32>
        %squeeze3A_1760 = vector.extract %slice3A_1759[0] : f32 from vector<1xf32>
        %add3A_1761 = arith.constant 416 : i32
        %add3A_1762 = arith.addi %add3A_1761, %squeeze3A_1758 : i32
        %shift_right_arithmetic3A_1763 = arith.constant 2 : i32
        %shift_right_arithmetic3A_1764 = arith.shrsi %add3A_1762, %shift_right_arithmetic3A_1763 : i32
        %and3A_1765 = arith.constant 3 : i32
        %and3A_1766 = arith.andi %add3A_1762, %and3A_1765 : i32
        %mul3A_1767 = arith.constant 32 : i32
        %mul3A_1768 = arith.muli %and3A_1766, %mul3A_1767 : i32
        %get3A_1769 = arith.index_cast %shift_right_arithmetic3A_1764 : i32 to index
        %get3A_1770 = arith.index_cast %mul3A_1768 : i32 to index
        %get3A_1771 = tpu.vector_load %arg6[%get3A_1769, %get3A_1770] {strides = array<i32>} : memref<128x128xi32, #tpu.memory_space<vmem>>, vector<1x16xi32>,
        %get3A_1772 = vector.shape_cast %get3A_1771 : vector<1x16xi32> to vector<16xi32>
        %add3A_1773 = arith.constant 16 : i32
        %add3A_1774 = arith.addi %mul3A_1768, %add3A_1773 : i32
        %get3A_1775 = arith.index_cast %shift_right_arithmetic3A_1764 : i32 to index
        %get3A_1776 = arith.index_cast %add3A_1774 : i32 to index
        %get3A_1777 = tpu.vector_load %arg6[%get3A_1775, %get3A_1776] {strides = array<i32>} : memref<128x128xi32, #tpu.memory_space<vmem>>, vector<1x16xi32>,
        %get3A_1778 = vector.shape_cast %get3A_1777 : vector<1x16xi32> to vector<16xi32>
        %add3A_1779 = arith.constant 32 : i32
        %add3A_1780 = arith.addi %mul3A_1768, %add3A_1779 : i32
        %jit3A_1781 = arith.constant 128 : i32
        %div3A_1782 = arith.divsi %add3A_1780, %jit3A_1781 : i32
        %sign3A_1783 = arith.constant 0 : i32
        %sign3A_1784 = arith.cmpi sgt, %add3A_1780, %sign3A_1783 : i32
        %sign3A_1785 = arith.extui %sign3A_1784 : i1 to i32
        %sign3A_1786 = arith.constant 0 : i32
        %sign3A_1787 = arith.cmpi slt, %add3A_1780, %sign3A_1786 : i32
        %sign3A_1788 = arith.extui %sign3A_1787 : i1 to i32
        %sign3A_1789 = arith.subi %sign3A_1785, %sign3A_1788 : i32
        %sign3A_1790 = arith.constant 0 : i32
        %sign3A_1791 = arith.cmpi sgt, %jit3A_1781, %sign3A_1790 : i32
        %sign3A_1792 = arith.extui %sign3A_1791 : i1 to i32
        %sign3A_1793 = arith.constant 0 : i32
        %sign3A_1794 = arith.cmpi slt, %jit3A_1781, %sign3A_1793 : i32
        %sign3A_1795 = arith.extui %sign3A_1794 : i1 to i32
        %sign3A_1796 = arith.subi %sign3A_1792, %sign3A_1795 : i32
        %ne3A_1797 = arith.cmpi ne, %sign3A_1789, %sign3A_1796 : i32
        %rem3A_1798 = arith.remsi %add3A_1780, %jit3A_1781 : i32
        %ne3A_1799 = arith.constant 0 : i32
        %ne3A_1800 = arith.cmpi ne, %rem3A_1798, %ne3A_1799 : i32
        %and3A_1801 = arith.andi %ne3A_1797, %ne3A_1800 : i1
        %sub3A_1802 = arith.constant 1 : i32
        %sub3A_1803 = arith.subi %div3A_1782, %sub3A_1802 : i32
        %select_n3A_1804 = arith.select %and3A_1801, %sub3A_1803, %div3A_1782 : i32
        %add3A_1805 = arith.addi %shift_right_arithmetic3A_1764, %select_n3A_1804 : i32
        %add3A_1806 = arith.constant 32 : i32
        %add3A_1807 = arith.addi %mul3A_1768, %add3A_1806 : i32
        %jit3A_1808 = arith.constant 128 : i32
        %eq3A_1809 = arith.constant 0 : i32
        %eq3A_1810 = arith.cmpi eq, %jit3A_1808, %eq3A_1809 : i32
        %jit3A_1811 = arith.constant 1 : i32
        %select_n3A_1812 = arith.select %eq3A_1810, %jit3A_1811, %jit3A_1808 : i32
        %rem3A_1813 = arith.remsi %add3A_1807, %select_n3A_1812 : i32
        %ne3A_1814 = arith.constant 0 : i32
        %ne3A_1815 = arith.cmpi ne, %rem3A_1813, %ne3A_1814 : i32
        %lt3A_1816 = arith.constant 0 : i32
        %lt3A_1817 = arith.cmpi slt, %rem3A_1813, %lt3A_1816 : i32
        %lt3A_1818 = arith.constant 0 : i32
        %lt3A_1819 = arith.cmpi slt, %select_n3A_1812, %lt3A_1818 : i32
        %ne3A_1820 = arith.xori %lt3A_1817, %lt3A_1819 : i1
        %and3A_1821 = arith.andi %ne3A_1820, %ne3A_1815 : i1
        %add3A_1822 = arith.addi %rem3A_1813, %select_n3A_1812 : i32
        %select_n3A_1823 = arith.select %and3A_1821, %add3A_1822, %rem3A_1813 : i32
        %get3A_1824 = arith.index_cast %add3A_1805 : i32 to index
        %get3A_1825 = arith.index_cast %select_n3A_1823 : i32 to index
        %get3A_1826 = tpu.vector_load %arg6[%get3A_1824, %get3A_1825] {strides = array<i32>} : memref<128x128xi32, #tpu.memory_space<vmem>>, vector<1x16xi32>,
        %get3A_1827 = vector.shape_cast %get3A_1826 : vector<1x16xi32> to vector<16xi32>
        %add3A_1828 = arith.constant 16 : i32
        %add3A_1829 = arith.addi %select_n3A_1823, %add3A_1828 : i32
        %get3A_1830 = arith.index_cast %add3A_1805 : i32 to index
        %get3A_1831 = arith.index_cast %add3A_1829 : i32 to index
        %get3A_1832 = tpu.vector_load %arg6[%get3A_1830, %get3A_1831] {strides = array<i32>} : memref<128x128xi32, #tpu.memory_space<vmem>>, vector<1x16xi32>,
        %get3A_1833 = vector.shape_cast %get3A_1832 : vector<1x16xi32> to vector<16xi32>
        %shift_left3A_1834 = arith.constant 16 : i32
        %shift_left3A_1835 = vector.broadcast %shift_left3A_1834 : i32 to vector<16xi32>
        %shift_left3A_1836 = arith.shli %get3A_1772, %shift_left3A_1835 : vector<16xi32>
        %bitcast_convert_type3A_1837 = tpu.bitcast %shift_left3A_1836 : vector<16xi32> -> vector<16xf32>
        %and3A_1838 = arith.constant -65536 : i32
        %and3A_1839 = vector.broadcast %and3A_1838 : i32 to vector<16xi32>
        %and3A_1840 = arith.andi %get3A_1772, %and3A_1839 : vector<16xi32>
        %bitcast_convert_type3A_1841 = tpu.bitcast %and3A_1840 : vector<16xi32> -> vector<16xf32>
        %shift_left3A_1842 = arith.constant 16 : i32
        %shift_left3A_1843 = vector.broadcast %shift_left3A_1842 : i32 to vector<16xi32>
        %shift_left3A_1844 = arith.shli %get3A_1778, %shift_left3A_1843 : vector<16xi32>
        %bitcast_convert_type3A_1845 = tpu.bitcast %shift_left3A_1844 : vector<16xi32> -> vector<16xf32>
        %and3A_1846 = arith.constant -65536 : i32
        %and3A_1847 = vector.broadcast %and3A_1846 : i32 to vector<16xi32>
        %and3A_1848 = arith.andi %get3A_1778, %and3A_1847 : vector<16xi32>
        %bitcast_convert_type3A_1849 = tpu.bitcast %and3A_1848 : vector<16xi32> -> vector<16xf32>
        %shift_left3A_1850 = arith.constant 16 : i32
        %shift_left3A_1851 = vector.broadcast %shift_left3A_1850 : i32 to vector<16xi32>
        %shift_left3A_1852 = arith.shli %get3A_1827, %shift_left3A_1851 : vector<16xi32>
        %bitcast_convert_type3A_1853 = tpu.bitcast %shift_left3A_1852 : vector<16xi32> -> vector<16xf32>
        %and3A_1854 = arith.constant -65536 : i32
        %and3A_1855 = vector.broadcast %and3A_1854 : i32 to vector<16xi32>
        %and3A_1856 = arith.andi %get3A_1827, %and3A_1855 : vector<16xi32>
        %bitcast_convert_type3A_1857 = tpu.bitcast %and3A_1856 : vector<16xi32> -> vector<16xf32>
        %shift_left3A_1858 = arith.constant 16 : i32
        %shift_left3A_1859 = vector.broadcast %shift_left3A_1858 : i32 to vector<16xi32>
        %shift_left3A_1860 = arith.shli %get3A_1833, %shift_left3A_1859 : vector<16xi32>
        %bitcast_convert_type3A_1861 = tpu.bitcast %shift_left3A_1860 : vector<16xi32> -> vector<16xf32>
        %and3A_1862 = arith.constant -65536 : i32
        %and3A_1863 = vector.broadcast %and3A_1862 : i32 to vector<16xi32>
        %and3A_1864 = arith.andi %get3A_1833, %and3A_1863 : vector<16xi32>
        %bitcast_convert_type3A_1865 = tpu.bitcast %and3A_1864 : vector<16xi32> -> vector<16xf32>
        %add3A_1866 = arith.addf %add3A_1741, %bitcast_convert_type3A_1837 : vector<16xf32>
        %sub3A_1867 = arith.subf %bitcast_convert_type3A_1853, %bitcast_convert_type3A_1837 : vector<16xf32>
        %mul3A_1868 = vector.broadcast %squeeze3A_1760 : f32 to vector<16xf32>
        %mul3A_1869 = arith.mulf %mul3A_1868, %sub3A_1867 : vector<16xf32>
        %add3A_1870 = arith.addf %add3A_1866, %mul3A_1869 : vector<16xf32>
        %add3A_1871 = arith.addf %add3A_1746, %bitcast_convert_type3A_1841 : vector<16xf32>
        %sub3A_1872 = arith.subf %bitcast_convert_type3A_1857, %bitcast_convert_type3A_1841 : vector<16xf32>
        %mul3A_1873 = vector.broadcast %squeeze3A_1760 : f32 to vector<16xf32>
        %mul3A_1874 = arith.mulf %mul3A_1873, %sub3A_1872 : vector<16xf32>
        %add3A_1875 = arith.addf %add3A_1871, %mul3A_1874 : vector<16xf32>
        %add3A_1876 = arith.addf %add3A_1751, %bitcast_convert_type3A_1845 : vector<16xf32>
        %sub3A_1877 = arith.subf %bitcast_convert_type3A_1861, %bitcast_convert_type3A_1845 : vector<16xf32>
        %mul3A_1878 = vector.broadcast %squeeze3A_1760 : f32 to vector<16xf32>
        %mul3A_1879 = arith.mulf %mul3A_1878, %sub3A_1877 : vector<16xf32>
        %add3A_1880 = arith.addf %add3A_1876, %mul3A_1879 : vector<16xf32>
        %add3A_1881 = arith.addf %add3A_1756, %bitcast_convert_type3A_1849 : vector<16xf32>
        %sub3A_1882 = arith.subf %bitcast_convert_type3A_1865, %bitcast_convert_type3A_1849 : vector<16xf32>
        %mul3A_1883 = vector.broadcast %squeeze3A_1760 : f32 to vector<16xf32>
        %mul3A_1884 = arith.mulf %mul3A_1883, %sub3A_1882 : vector<16xf32>
        %add3A_1885 = arith.addf %add3A_1881, %mul3A_1884 : vector<16xf32>
        %slice3A_1886 = vector.extract_strided_slice %min3A_75 {offsets = [14], sizes = [1], strides = [1]} : vector<16xi32> to vector<1xi32>
        %squeeze3A_1887 = vector.extract %slice3A_1886[0] : i32 from vector<1xi32>
        %slice3A_1888 = vector.extract_strided_slice %sub3A {offsets = [14], sizes = [1], strides = [1]} : vector<16xf32> to vector<1xf32>
        %squeeze3A_1889 = vector.extract %slice3A_1888[0] : f32 from vector<1xf32>
        %add3A_1890 = arith.constant 448 : i32
        %add3A_1891 = arith.addi %add3A_1890, %squeeze3A_1887 : i32
        %shift_right_arithmetic3A_1892 = arith.constant 2 : i32
        %shift_right_arithmetic3A_1893 = arith.shrsi %add3A_1891, %shift_right_arithmetic3A_1892 : i32
        %and3A_1894 = arith.constant 3 : i32
        %and3A_1895 = arith.andi %add3A_1891, %and3A_1894 : i32
        %mul3A_1896 = arith.constant 32 : i32
        %mul3A_1897 = arith.muli %and3A_1895, %mul3A_1896 : i32
        %get3A_1898 = arith.index_cast %shift_right_arithmetic3A_1893 : i32 to index
        %get3A_1899 = arith.index_cast %mul3A_1897 : i32 to index
        %get3A_1900 = tpu.vector_load %arg6[%get3A_1898, %get3A_1899] {strides = array<i32>} : memref<128x128xi32, #tpu.memory_space<vmem>>, vector<1x16xi32>,
        %get3A_1901 = vector.shape_cast %get3A_1900 : vector<1x16xi32> to vector<16xi32>
        %add3A_1902 = arith.constant 16 : i32
        %add3A_1903 = arith.addi %mul3A_1897, %add3A_1902 : i32
        %get3A_1904 = arith.index_cast %shift_right_arithmetic3A_1893 : i32 to index
        %get3A_1905 = arith.index_cast %add3A_1903 : i32 to index
        %get3A_1906 = tpu.vector_load %arg6[%get3A_1904, %get3A_1905] {strides = array<i32>} : memref<128x128xi32, #tpu.memory_space<vmem>>, vector<1x16xi32>,
        %get3A_1907 = vector.shape_cast %get3A_1906 : vector<1x16xi32> to vector<16xi32>
        %add3A_1908 = arith.constant 32 : i32
        %add3A_1909 = arith.addi %mul3A_1897, %add3A_1908 : i32
        %jit3A_1910 = arith.constant 128 : i32
        %div3A_1911 = arith.divsi %add3A_1909, %jit3A_1910 : i32
        %sign3A_1912 = arith.constant 0 : i32
        %sign3A_1913 = arith.cmpi sgt, %add3A_1909, %sign3A_1912 : i32
        %sign3A_1914 = arith.extui %sign3A_1913 : i1 to i32
        %sign3A_1915 = arith.constant 0 : i32
        %sign3A_1916 = arith.cmpi slt, %add3A_1909, %sign3A_1915 : i32
        %sign3A_1917 = arith.extui %sign3A_1916 : i1 to i32
        %sign3A_1918 = arith.subi %sign3A_1914, %sign3A_1917 : i32
        %sign3A_1919 = arith.constant 0 : i32
        %sign3A_1920 = arith.cmpi sgt, %jit3A_1910, %sign3A_1919 : i32
        %sign3A_1921 = arith.extui %sign3A_1920 : i1 to i32
        %sign3A_1922 = arith.constant 0 : i32
        %sign3A_1923 = arith.cmpi slt, %jit3A_1910, %sign3A_1922 : i32
        %sign3A_1924 = arith.extui %sign3A_1923 : i1 to i32
        %sign3A_1925 = arith.subi %sign3A_1921, %sign3A_1924 : i32
        %ne3A_1926 = arith.cmpi ne, %sign3A_1918, %sign3A_1925 : i32
        %rem3A_1927 = arith.remsi %add3A_1909, %jit3A_1910 : i32
        %ne3A_1928 = arith.constant 0 : i32
        %ne3A_1929 = arith.cmpi ne, %rem3A_1927, %ne3A_1928 : i32
        %and3A_1930 = arith.andi %ne3A_1926, %ne3A_1929 : i1
        %sub3A_1931 = arith.constant 1 : i32
        %sub3A_1932 = arith.subi %div3A_1911, %sub3A_1931 : i32
        %select_n3A_1933 = arith.select %and3A_1930, %sub3A_1932, %div3A_1911 : i32
        %add3A_1934 = arith.addi %shift_right_arithmetic3A_1893, %select_n3A_1933 : i32
        %add3A_1935 = arith.constant 32 : i32
        %add3A_1936 = arith.addi %mul3A_1897, %add3A_1935 : i32
        %jit3A_1937 = arith.constant 128 : i32
        %eq3A_1938 = arith.constant 0 : i32
        %eq3A_1939 = arith.cmpi eq, %jit3A_1937, %eq3A_1938 : i32
        %jit3A_1940 = arith.constant 1 : i32
        %select_n3A_1941 = arith.select %eq3A_1939, %jit3A_1940, %jit3A_1937 : i32
        %rem3A_1942 = arith.remsi %add3A_1936, %select_n3A_1941 : i32
        %ne3A_1943 = arith.constant 0 : i32
        %ne3A_1944 = arith.cmpi ne, %rem3A_1942, %ne3A_1943 : i32
        %lt3A_1945 = arith.constant 0 : i32
        %lt3A_1946 = arith.cmpi slt, %rem3A_1942, %lt3A_1945 : i32
        %lt3A_1947 = arith.constant 0 : i32
        %lt3A_1948 = arith.cmpi slt, %select_n3A_1941, %lt3A_1947 : i32
        %ne3A_1949 = arith.xori %lt3A_1946, %lt3A_1948 : i1
        %and3A_1950 = arith.andi %ne3A_1949, %ne3A_1944 : i1
        %add3A_1951 = arith.addi %rem3A_1942, %select_n3A_1941 : i32
        %select_n3A_1952 = arith.select %and3A_1950, %add3A_1951, %rem3A_1942 : i32
        %get3A_1953 = arith.index_cast %add3A_1934 : i32 to index
        %get3A_1954 = arith.index_cast %select_n3A_1952 : i32 to index
        %get3A_1955 = tpu.vector_load %arg6[%get3A_1953, %get3A_1954] {strides = array<i32>} : memref<128x128xi32, #tpu.memory_space<vmem>>, vector<1x16xi32>,
        %get3A_1956 = vector.shape_cast %get3A_1955 : vector<1x16xi32> to vector<16xi32>
        %add3A_1957 = arith.constant 16 : i32
        %add3A_1958 = arith.addi %select_n3A_1952, %add3A_1957 : i32
        %get3A_1959 = arith.index_cast %add3A_1934 : i32 to index
        %get3A_1960 = arith.index_cast %add3A_1958 : i32 to index
        %get3A_1961 = tpu.vector_load %arg6[%get3A_1959, %get3A_1960] {strides = array<i32>} : memref<128x128xi32, #tpu.memory_space<vmem>>, vector<1x16xi32>,
        %get3A_1962 = vector.shape_cast %get3A_1961 : vector<1x16xi32> to vector<16xi32>
        %shift_left3A_1963 = arith.constant 16 : i32
        %shift_left3A_1964 = vector.broadcast %shift_left3A_1963 : i32 to vector<16xi32>
        %shift_left3A_1965 = arith.shli %get3A_1901, %shift_left3A_1964 : vector<16xi32>
        %bitcast_convert_type3A_1966 = tpu.bitcast %shift_left3A_1965 : vector<16xi32> -> vector<16xf32>
        %and3A_1967 = arith.constant -65536 : i32
        %and3A_1968 = vector.broadcast %and3A_1967 : i32 to vector<16xi32>
        %and3A_1969 = arith.andi %get3A_1901, %and3A_1968 : vector<16xi32>
        %bitcast_convert_type3A_1970 = tpu.bitcast %and3A_1969 : vector<16xi32> -> vector<16xf32>
        %shift_left3A_1971 = arith.constant 16 : i32
        %shift_left3A_1972 = vector.broadcast %shift_left3A_1971 : i32 to vector<16xi32>
        %shift_left3A_1973 = arith.shli %get3A_1907, %shift_left3A_1972 : vector<16xi32>
        %bitcast_convert_type3A_1974 = tpu.bitcast %shift_left3A_1973 : vector<16xi32> -> vector<16xf32>
        %and3A_1975 = arith.constant -65536 : i32
        %and3A_1976 = vector.broadcast %and3A_1975 : i32 to vector<16xi32>
        %and3A_1977 = arith.andi %get3A_1907, %and3A_1976 : vector<16xi32>
        %bitcast_convert_type3A_1978 = tpu.bitcast %and3A_1977 : vector<16xi32> -> vector<16xf32>
        %shift_left3A_1979 = arith.constant 16 : i32
        %shift_left3A_1980 = vector.broadcast %shift_left3A_1979 : i32 to vector<16xi32>
        %shift_left3A_1981 = arith.shli %get3A_1956, %shift_left3A_1980 : vector<16xi32>
        %bitcast_convert_type3A_1982 = tpu.bitcast %shift_left3A_1981 : vector<16xi32> -> vector<16xf32>
        %and3A_1983 = arith.constant -65536 : i32
        %and3A_1984 = vector.broadcast %and3A_1983 : i32 to vector<16xi32>
        %and3A_1985 = arith.andi %get3A_1956, %and3A_1984 : vector<16xi32>
        %bitcast_convert_type3A_1986 = tpu.bitcast %and3A_1985 : vector<16xi32> -> vector<16xf32>
        %shift_left3A_1987 = arith.constant 16 : i32
        %shift_left3A_1988 = vector.broadcast %shift_left3A_1987 : i32 to vector<16xi32>
        %shift_left3A_1989 = arith.shli %get3A_1962, %shift_left3A_1988 : vector<16xi32>
        %bitcast_convert_type3A_1990 = tpu.bitcast %shift_left3A_1989 : vector<16xi32> -> vector<16xf32>
        %and3A_1991 = arith.constant -65536 : i32
        %and3A_1992 = vector.broadcast %and3A_1991 : i32 to vector<16xi32>
        %and3A_1993 = arith.andi %get3A_1962, %and3A_1992 : vector<16xi32>
        %bitcast_convert_type3A_1994 = tpu.bitcast %and3A_1993 : vector<16xi32> -> vector<16xf32>
        %add3A_1995 = arith.addf %add3A_1870, %bitcast_convert_type3A_1966 : vector<16xf32>
        %sub3A_1996 = arith.subf %bitcast_convert_type3A_1982, %bitcast_convert_type3A_1966 : vector<16xf32>
        %mul3A_1997 = vector.broadcast %squeeze3A_1889 : f32 to vector<16xf32>
        %mul3A_1998 = arith.mulf %mul3A_1997, %sub3A_1996 : vector<16xf32>
        %add3A_1999 = arith.addf %add3A_1995, %mul3A_1998 : vector<16xf32>
        %add3A_2000 = arith.addf %add3A_1875, %bitcast_convert_type3A_1970 : vector<16xf32>
        %sub3A_2001 = arith.subf %bitcast_convert_type3A_1986, %bitcast_convert_type3A_1970 : vector<16xf32>
        %mul3A_2002 = vector.broadcast %squeeze3A_1889 : f32 to vector<16xf32>
        %mul3A_2003 = arith.mulf %mul3A_2002, %sub3A_2001 : vector<16xf32>
        %add3A_2004 = arith.addf %add3A_2000, %mul3A_2003 : vector<16xf32>
        %add3A_2005 = arith.addf %add3A_1880, %bitcast_convert_type3A_1974 : vector<16xf32>
        %sub3A_2006 = arith.subf %bitcast_convert_type3A_1990, %bitcast_convert_type3A_1974 : vector<16xf32>
        %mul3A_2007 = vector.broadcast %squeeze3A_1889 : f32 to vector<16xf32>
        %mul3A_2008 = arith.mulf %mul3A_2007, %sub3A_2006 : vector<16xf32>
        %add3A_2009 = arith.addf %add3A_2005, %mul3A_2008 : vector<16xf32>
        %add3A_2010 = arith.addf %add3A_1885, %bitcast_convert_type3A_1978 : vector<16xf32>
        %sub3A_2011 = arith.subf %bitcast_convert_type3A_1994, %bitcast_convert_type3A_1978 : vector<16xf32>
        %mul3A_2012 = vector.broadcast %squeeze3A_1889 : f32 to vector<16xf32>
        %mul3A_2013 = arith.mulf %mul3A_2012, %sub3A_2011 : vector<16xf32>
        %add3A_2014 = arith.addf %add3A_2010, %mul3A_2013 : vector<16xf32>
        %slice3A_2015 = vector.extract_strided_slice %min3A_75 {offsets = [15], sizes = [1], strides = [1]} : vector<16xi32> to vector<1xi32>
        %squeeze3A_2016 = vector.extract %slice3A_2015[0] : i32 from vector<1xi32>
        %slice3A_2017 = vector.extract_strided_slice %sub3A {offsets = [15], sizes = [1], strides = [1]} : vector<16xf32> to vector<1xf32>
        %squeeze3A_2018 = vector.extract %slice3A_2017[0] : f32 from vector<1xf32>
        %add3A_2019 = arith.constant 480 : i32
        %add3A_2020 = arith.addi %add3A_2019, %squeeze3A_2016 : i32
        %shift_right_arithmetic3A_2021 = arith.constant 2 : i32
        %shift_right_arithmetic3A_2022 = arith.shrsi %add3A_2020, %shift_right_arithmetic3A_2021 : i32
        %and3A_2023 = arith.constant 3 : i32
        %and3A_2024 = arith.andi %add3A_2020, %and3A_2023 : i32
        %mul3A_2025 = arith.constant 32 : i32
        %mul3A_2026 = arith.muli %and3A_2024, %mul3A_2025 : i32
        %get3A_2027 = arith.index_cast %shift_right_arithmetic3A_2022 : i32 to index
        %get3A_2028 = arith.index_cast %mul3A_2026 : i32 to index
        %get3A_2029 = tpu.vector_load %arg6[%get3A_2027, %get3A_2028] {strides = array<i32>} : memref<128x128xi32, #tpu.memory_space<vmem>>, vector<1x16xi32>,
        %get3A_2030 = vector.shape_cast %get3A_2029 : vector<1x16xi32> to vector<16xi32>
        %add3A_2031 = arith.constant 16 : i32
        %add3A_2032 = arith.addi %mul3A_2026, %add3A_2031 : i32
        %get3A_2033 = arith.index_cast %shift_right_arithmetic3A_2022 : i32 to index
        %get3A_2034 = arith.index_cast %add3A_2032 : i32 to index
        %get3A_2035 = tpu.vector_load %arg6[%get3A_2033, %get3A_2034] {strides = array<i32>} : memref<128x128xi32, #tpu.memory_space<vmem>>, vector<1x16xi32>,
        %get3A_2036 = vector.shape_cast %get3A_2035 : vector<1x16xi32> to vector<16xi32>
        %add3A_2037 = arith.constant 32 : i32
        %add3A_2038 = arith.addi %mul3A_2026, %add3A_2037 : i32
        %jit3A_2039 = arith.constant 128 : i32
        %div3A_2040 = arith.divsi %add3A_2038, %jit3A_2039 : i32
        %sign3A_2041 = arith.constant 0 : i32
        %sign3A_2042 = arith.cmpi sgt, %add3A_2038, %sign3A_2041 : i32
        %sign3A_2043 = arith.extui %sign3A_2042 : i1 to i32
        %sign3A_2044 = arith.constant 0 : i32
        %sign3A_2045 = arith.cmpi slt, %add3A_2038, %sign3A_2044 : i32
        %sign3A_2046 = arith.extui %sign3A_2045 : i1 to i32
        %sign3A_2047 = arith.subi %sign3A_2043, %sign3A_2046 : i32
        %sign3A_2048 = arith.constant 0 : i32
        %sign3A_2049 = arith.cmpi sgt, %jit3A_2039, %sign3A_2048 : i32
        %sign3A_2050 = arith.extui %sign3A_2049 : i1 to i32
        %sign3A_2051 = arith.constant 0 : i32
        %sign3A_2052 = arith.cmpi slt, %jit3A_2039, %sign3A_2051 : i32
        %sign3A_2053 = arith.extui %sign3A_2052 : i1 to i32
        %sign3A_2054 = arith.subi %sign3A_2050, %sign3A_2053 : i32
        %ne3A_2055 = arith.cmpi ne, %sign3A_2047, %sign3A_2054 : i32
        %rem3A_2056 = arith.remsi %add3A_2038, %jit3A_2039 : i32
        %ne3A_2057 = arith.constant 0 : i32
        %ne3A_2058 = arith.cmpi ne, %rem3A_2056, %ne3A_2057 : i32
        %and3A_2059 = arith.andi %ne3A_2055, %ne3A_2058 : i1
        %sub3A_2060 = arith.constant 1 : i32
        %sub3A_2061 = arith.subi %div3A_2040, %sub3A_2060 : i32
        %select_n3A_2062 = arith.select %and3A_2059, %sub3A_2061, %div3A_2040 : i32
        %add3A_2063 = arith.addi %shift_right_arithmetic3A_2022, %select_n3A_2062 : i32
        %add3A_2064 = arith.constant 32 : i32
        %add3A_2065 = arith.addi %mul3A_2026, %add3A_2064 : i32
        %jit3A_2066 = arith.constant 128 : i32
        %eq3A_2067 = arith.constant 0 : i32
        %eq3A_2068 = arith.cmpi eq, %jit3A_2066, %eq3A_2067 : i32
        %jit3A_2069 = arith.constant 1 : i32
        %select_n3A_2070 = arith.select %eq3A_2068, %jit3A_2069, %jit3A_2066 : i32
        %rem3A_2071 = arith.remsi %add3A_2065, %select_n3A_2070 : i32
        %ne3A_2072 = arith.constant 0 : i32
        %ne3A_2073 = arith.cmpi ne, %rem3A_2071, %ne3A_2072 : i32
        %lt3A_2074 = arith.constant 0 : i32
        %lt3A_2075 = arith.cmpi slt, %rem3A_2071, %lt3A_2074 : i32
        %lt3A_2076 = arith.constant 0 : i32
        %lt3A_2077 = arith.cmpi slt, %select_n3A_2070, %lt3A_2076 : i32
        %ne3A_2078 = arith.xori %lt3A_2075, %lt3A_2077 : i1
        %and3A_2079 = arith.andi %ne3A_2078, %ne3A_2073 : i1
        %add3A_2080 = arith.addi %rem3A_2071, %select_n3A_2070 : i32
        %select_n3A_2081 = arith.select %and3A_2079, %add3A_2080, %rem3A_2071 : i32
        %get3A_2082 = arith.index_cast %add3A_2063 : i32 to index
        %get3A_2083 = arith.index_cast %select_n3A_2081 : i32 to index
        %get3A_2084 = tpu.vector_load %arg6[%get3A_2082, %get3A_2083] {strides = array<i32>} : memref<128x128xi32, #tpu.memory_space<vmem>>, vector<1x16xi32>,
        %get3A_2085 = vector.shape_cast %get3A_2084 : vector<1x16xi32> to vector<16xi32>
        %add3A_2086 = arith.constant 16 : i32
        %add3A_2087 = arith.addi %select_n3A_2081, %add3A_2086 : i32
        %get3A_2088 = arith.index_cast %add3A_2063 : i32 to index
        %get3A_2089 = arith.index_cast %add3A_2087 : i32 to index
        %get3A_2090 = tpu.vector_load %arg6[%get3A_2088, %get3A_2089] {strides = array<i32>} : memref<128x128xi32, #tpu.memory_space<vmem>>, vector<1x16xi32>,
        %get3A_2091 = vector.shape_cast %get3A_2090 : vector<1x16xi32> to vector<16xi32>
        %shift_left3A_2092 = arith.constant 16 : i32
        %shift_left3A_2093 = vector.broadcast %shift_left3A_2092 : i32 to vector<16xi32>
        %shift_left3A_2094 = arith.shli %get3A_2030, %shift_left3A_2093 : vector<16xi32>
        %bitcast_convert_type3A_2095 = tpu.bitcast %shift_left3A_2094 : vector<16xi32> -> vector<16xf32>
        %and3A_2096 = arith.constant -65536 : i32
        %and3A_2097 = vector.broadcast %and3A_2096 : i32 to vector<16xi32>
        %and3A_2098 = arith.andi %get3A_2030, %and3A_2097 : vector<16xi32>
        %bitcast_convert_type3A_2099 = tpu.bitcast %and3A_2098 : vector<16xi32> -> vector<16xf32>
        %shift_left3A_2100 = arith.constant 16 : i32
        %shift_left3A_2101 = vector.broadcast %shift_left3A_2100 : i32 to vector<16xi32>
        %shift_left3A_2102 = arith.shli %get3A_2036, %shift_left3A_2101 : vector<16xi32>
        %bitcast_convert_type3A_2103 = tpu.bitcast %shift_left3A_2102 : vector<16xi32> -> vector<16xf32>
        %and3A_2104 = arith.constant -65536 : i32
        %and3A_2105 = vector.broadcast %and3A_2104 : i32 to vector<16xi32>
        %and3A_2106 = arith.andi %get3A_2036, %and3A_2105 : vector<16xi32>
        %bitcast_convert_type3A_2107 = tpu.bitcast %and3A_2106 : vector<16xi32> -> vector<16xf32>
        %shift_left3A_2108 = arith.constant 16 : i32
        %shift_left3A_2109 = vector.broadcast %shift_left3A_2108 : i32 to vector<16xi32>
        %shift_left3A_2110 = arith.shli %get3A_2085, %shift_left3A_2109 : vector<16xi32>
        %bitcast_convert_type3A_2111 = tpu.bitcast %shift_left3A_2110 : vector<16xi32> -> vector<16xf32>
        %and3A_2112 = arith.constant -65536 : i32
        %and3A_2113 = vector.broadcast %and3A_2112 : i32 to vector<16xi32>
        %and3A_2114 = arith.andi %get3A_2085, %and3A_2113 : vector<16xi32>
        %bitcast_convert_type3A_2115 = tpu.bitcast %and3A_2114 : vector<16xi32> -> vector<16xf32>
        %shift_left3A_2116 = arith.constant 16 : i32
        %shift_left3A_2117 = vector.broadcast %shift_left3A_2116 : i32 to vector<16xi32>
        %shift_left3A_2118 = arith.shli %get3A_2091, %shift_left3A_2117 : vector<16xi32>
        %bitcast_convert_type3A_2119 = tpu.bitcast %shift_left3A_2118 : vector<16xi32> -> vector<16xf32>
        %and3A_2120 = arith.constant -65536 : i32
        %and3A_2121 = vector.broadcast %and3A_2120 : i32 to vector<16xi32>
        %and3A_2122 = arith.andi %get3A_2091, %and3A_2121 : vector<16xi32>
        %bitcast_convert_type3A_2123 = tpu.bitcast %and3A_2122 : vector<16xi32> -> vector<16xf32>
        %add3A_2124 = arith.addf %add3A_1999, %bitcast_convert_type3A_2095 : vector<16xf32>
        %sub3A_2125 = arith.subf %bitcast_convert_type3A_2111, %bitcast_convert_type3A_2095 : vector<16xf32>
        %mul3A_2126 = vector.broadcast %squeeze3A_2018 : f32 to vector<16xf32>
        %mul3A_2127 = arith.mulf %mul3A_2126, %sub3A_2125 : vector<16xf32>
        %add3A_2128 = arith.addf %add3A_2124, %mul3A_2127 : vector<16xf32>
        %add3A_2129 = arith.addf %add3A_2004, %bitcast_convert_type3A_2099 : vector<16xf32>
        %sub3A_2130 = arith.subf %bitcast_convert_type3A_2115, %bitcast_convert_type3A_2099 : vector<16xf32>
        %mul3A_2131 = vector.broadcast %squeeze3A_2018 : f32 to vector<16xf32>
        %mul3A_2132 = arith.mulf %mul3A_2131, %sub3A_2130 : vector<16xf32>
        %add3A_2133 = arith.addf %add3A_2129, %mul3A_2132 : vector<16xf32>
        %add3A_2134 = arith.addf %add3A_2009, %bitcast_convert_type3A_2103 : vector<16xf32>
        %sub3A_2135 = arith.subf %bitcast_convert_type3A_2119, %bitcast_convert_type3A_2103 : vector<16xf32>
        %mul3A_2136 = vector.broadcast %squeeze3A_2018 : f32 to vector<16xf32>
        %mul3A_2137 = arith.mulf %mul3A_2136, %sub3A_2135 : vector<16xf32>
        %add3A_2138 = arith.addf %add3A_2134, %mul3A_2137 : vector<16xf32>
        %add3A_2139 = arith.addf %add3A_2014, %bitcast_convert_type3A_2107 : vector<16xf32>
        %sub3A_2140 = arith.subf %bitcast_convert_type3A_2123, %bitcast_convert_type3A_2107 : vector<16xf32>
        %mul3A_2141 = vector.broadcast %squeeze3A_2018 : f32 to vector<16xf32>
        %mul3A_2142 = arith.mulf %mul3A_2141, %sub3A_2140 : vector<16xf32>
        %add3A_2143 = arith.addf %add3A_2139, %mul3A_2142 : vector<16xf32>
        %swap3A = arith.index_cast %scan3A_61 : i32 to index
        %swap3A_2144 = arith.constant 0 : index
        %swap3A_2145 = tpu.vector_load %arg8[%swap3A, %swap3A_2144] {strides = array<i32>} : memref<32x64xf32, #tpu.memory_space<vmem>>, vector<1x16xf32>,
        %swap3A_2146 = vector.shape_cast %swap3A_2145 : vector<1x16xf32> to vector<16xf32>
        %swap3A_2147 = vector.shape_cast %add3A_2128 : vector<16xf32> to vector<1x16xf32>
        tpu.vector_store %arg8[%swap3A, %swap3A_2144], %swap3A_2147 {strides = array<i32>} : memref<32x64xf32, #tpu.memory_space<vmem>>, vector<1x16xf32>,
        %swap3A_2148 = arith.index_cast %scan3A_61 : i32 to index
        %swap3A_2149 = arith.constant 16 : index
        %swap3A_2150 = tpu.vector_load %arg8[%swap3A_2148, %swap3A_2149] {strides = array<i32>} : memref<32x64xf32, #tpu.memory_space<vmem>>, vector<1x16xf32>,
        %swap3A_2151 = vector.shape_cast %swap3A_2150 : vector<1x16xf32> to vector<16xf32>
        %swap3A_2152 = vector.shape_cast %add3A_2133 : vector<16xf32> to vector<1x16xf32>
        tpu.vector_store %arg8[%swap3A_2148, %swap3A_2149], %swap3A_2152 {strides = array<i32>} : memref<32x64xf32, #tpu.memory_space<vmem>>, vector<1x16xf32>,
        %swap3A_2153 = arith.index_cast %scan3A_61 : i32 to index
        %swap3A_2154 = arith.constant 32 : index
        %swap3A_2155 = tpu.vector_load %arg8[%swap3A_2153, %swap3A_2154] {strides = array<i32>} : memref<32x64xf32, #tpu.memory_space<vmem>>, vector<1x16xf32>,
        %swap3A_2156 = vector.shape_cast %swap3A_2155 : vector<1x16xf32> to vector<16xf32>
        %swap3A_2157 = vector.shape_cast %add3A_2138 : vector<16xf32> to vector<1x16xf32>
        tpu.vector_store %arg8[%swap3A_2153, %swap3A_2154], %swap3A_2157 {strides = array<i32>} : memref<32x64xf32, #tpu.memory_space<vmem>>, vector<1x16xf32>,
        %swap3A_2158 = arith.index_cast %scan3A_61 : i32 to index
        %swap3A_2159 = arith.constant 48 : index
        %swap3A_2160 = tpu.vector_load %arg8[%swap3A_2158, %swap3A_2159] {strides = array<i32>} : memref<32x64xf32, #tpu.memory_space<vmem>>, vector<1x16xf32>,
        %swap3A_2161 = vector.shape_cast %swap3A_2160 : vector<1x16xf32> to vector<16xf32>
        %swap3A_2162 = vector.shape_cast %add3A_2143 : vector<16xf32> to vector<1x16xf32>
        tpu.vector_store %arg8[%swap3A_2158, %swap3A_2159], %swap3A_2162 {strides = array<i32>} : memref<32x64xf32, #tpu.memory_space<vmem>>, vector<1x16xf32>,
      }
      %scan3A_44 = arith.constant 32 : i32
      %lt3A = arith.constant 7 : i32
      %lt3A_45 = arith.cmpi slt, %scan3A_19, %lt3A : i32
      %convert_element_type3A = arith.extui %lt3A_45 : i1 to i32
      %cond3A = arith.constant 0 : i32
      %cond3A_46 = arith.cmpi ne, %convert_element_type3A, %cond3A : i32
      scf.if %cond3A_46 {
        %add3A_61 = arith.constant 2 : i32
        %add3A_62 = arith.addi %mul3A_21, %add3A_61 : i32
        %mul3A_63 = arith.constant 128 : i32
        %mul3A_64 = arith.muli %add3A_62, %mul3A_63 : i32
        %dma_start3A_65 = arith.constant 0 : i32
        %dma_start3A_66 = tpu.memref_slice %arg3[%mul3A_64, %dma_start3A_65] : memref<2048x128xi32, #tpu.memory_space<hbm>> -> memref<128x128xi32, #tpu.memory_space<hbm>>
        %dma_start3A_67 = arith.constant 0 : i32
        %dma_start3A_68 = tpu.memref_slice %arg3[%mul3A_64, %dma_start3A_67] : memref<2048x128xi32, #tpu.memory_space<hbm>> -> memref<128x128xi32, #tpu.memory_space<hbm>>
        tpu.enqueue_dma source(%dma_start3A_68 : memref<128x128xi32, #tpu.memory_space<hbm>>) target(%arg6 : memref<128x128xi32, #tpu.memory_space<vmem>>) target_semaphore(%arg9 : memref<!tpu.dma_semaphore, #tpu.memory_space<semaphore_mem>>)
      } else {
      }
      %mul3A_47 = arith.constant 128 : i32
      %mul3A_48 = arith.muli %add3A_25, %mul3A_47 : i32
      %dma_wait3A_49 = arith.constant 0 : i32
      %dma_wait3A_50 = tpu.memref_slice %arg3[%mul3A_48, %dma_wait3A_49] : memref<2048x128xi32, #tpu.memory_space<hbm>> -> memref<128x128xi32, #tpu.memory_space<hbm>>
      %dma_wait3A_51 = arith.constant 0 : i32
      %dma_wait3A_52 = tpu.memref_slice %arg3[%mul3A_48, %dma_wait3A_51] : memref<2048x128xi32, #tpu.memory_space<hbm>> -> memref<128x128xi32, #tpu.memory_space<hbm>>
      tpu.wait_dma2 semaphore(%arg10 : memref<!tpu.dma_semaphore, #tpu.memory_space<semaphore_mem>>) src(%dma_wait3A_52 : memref<128x128xi32, #tpu.memory_space<hbm>>) dst(%arg7 : memref<128x128xi32, #tpu.memory_space<vmem>>)
      %mul3A_53 = arith.constant 16 : i32
      %mul3A_54 = arith.muli %add3A_25, %mul3A_53 : i32
      %scan3A_55 = arith.constant 0 : i32
      %scan3A_56 = arith.constant 0 : i32
      %scan3A_57 = arith.constant 32 : i32
      %scan3A_58 = arith.addi %scan3A_56, %scan3A_57 : i32
      %scan3A_59 = arith.constant 1 : i32
      scf.for %scan3A_61 = %scan3A_56 to %scan3A_58 step %scan3A_59  : i32 {
        %get3A = arith.index_cast %scan3A_61 : i32 to index
        %get3A_62 = arith.index_cast %mul3A_54 : i32 to index
        %get3A_63 = tpu.vector_load %arg5[%get3A, %get3A_62] {strides = array<i32>} : memref<32x256xf32, #tpu.memory_space<vmem>>, vector<1x16xf32>,
        %get3A_64 = vector.shape_cast %get3A_63 : vector<1x16xf32> to vector<16xf32>
        %add3A_65 = arith.constant 2.000000e+00 : f32
        %add3A_66 = vector.broadcast %add3A_65 : f32 to vector<16xf32>
        %add3A_67 = arith.addf %get3A_64, %add3A_66 : vector<16xf32>
        %mul3A_68 = arith.constant 7.750000e+00 : f32
        %mul3A_69 = vector.broadcast %mul3A_68 : f32 to vector<16xf32>
        %mul3A_70 = arith.mulf %add3A_67, %mul3A_69 : vector<16xf32>
        %max3A = arith.constant 0.000000e+00 : f32
        %max3A_71 = vector.broadcast %max3A : f32 to vector<16xf32>
        %max3A_72 = arith.maximumf %mul3A_70, %max3A_71 : vector<16xf32>
        %convert_element_type3A_73 = arith.fptosi %max3A_72 : vector<16xf32> to vector<16xi32>
        %min3A = arith.constant 30 : i32
        %min3A_74 = vector.broadcast %min3A : i32 to vector<16xi32>
        %min3A_75 = arith.minsi %convert_element_type3A_73, %min3A_74 : vector<16xi32>
        %convert_element_type3A_76 = arith.sitofp %min3A_75 : vector<16xi32> to vector<16xf32>
        %sub3A = arith.subf %mul3A_70, %convert_element_type3A_76 : vector<16xf32>
        %get3A_77 = arith.index_cast %scan3A_61 : i32 to index
        %get3A_78 = arith.constant 0 : index
        %get3A_79 = tpu.vector_load %arg8[%get3A_77, %get3A_78] {strides = array<i32>} : memref<32x64xf32, #tpu.memory_space<vmem>>, vector<1x16xf32>,
        %get3A_80 = vector.shape_cast %get3A_79 : vector<1x16xf32> to vector<16xf32>
        %get3A_81 = arith.index_cast %scan3A_61 : i32 to index
        %get3A_82 = arith.constant 16 : index
        %get3A_83 = tpu.vector_load %arg8[%get3A_81, %get3A_82] {strides = array<i32>} : memref<32x64xf32, #tpu.memory_space<vmem>>, vector<1x16xf32>,
        %get3A_84 = vector.shape_cast %get3A_83 : vector<1x16xf32> to vector<16xf32>
        %get3A_85 = arith.index_cast %scan3A_61 : i32 to index
        %get3A_86 = arith.constant 32 : index
        %get3A_87 = tpu.vector_load %arg8[%get3A_85, %get3A_86] {strides = array<i32>} : memref<32x64xf32, #tpu.memory_space<vmem>>, vector<1x16xf32>,
        %get3A_88 = vector.shape_cast %get3A_87 : vector<1x16xf32> to vector<16xf32>
        %get3A_89 = arith.index_cast %scan3A_61 : i32 to index
        %get3A_90 = arith.constant 48 : index
        %get3A_91 = tpu.vector_load %arg8[%get3A_89, %get3A_90] {strides = array<i32>} : memref<32x64xf32, #tpu.memory_space<vmem>>, vector<1x16xf32>,
        %get3A_92 = vector.shape_cast %get3A_91 : vector<1x16xf32> to vector<16xf32>
        %slice3A = vector.extract_strided_slice %min3A_75 {offsets = [0], sizes = [1], strides = [1]} : vector<16xi32> to vector<1xi32>
        %squeeze3A = vector.extract %slice3A[0] : i32 from vector<1xi32>
        %slice3A_93 = vector.extract_strided_slice %sub3A {offsets = [0], sizes = [1], strides = [1]} : vector<16xf32> to vector<1xf32>
        %squeeze3A_94 = vector.extract %slice3A_93[0] : f32 from vector<1xf32>
        %add3A_95 = arith.constant 0 : i32
        %add3A_96 = arith.addi %add3A_95, %squeeze3A : i32
        %shift_right_arithmetic3A = arith.constant 2 : i32
        %shift_right_arithmetic3A_97 = arith.shrsi %add3A_96, %shift_right_arithmetic3A : i32
        %and3A = arith.constant 3 : i32
        %and3A_98 = arith.andi %add3A_96, %and3A : i32
        %mul3A_99 = arith.constant 32 : i32
        %mul3A_100 = arith.muli %and3A_98, %mul3A_99 : i32
        %get3A_101 = arith.index_cast %shift_right_arithmetic3A_97 : i32 to index
        %get3A_102 = arith.index_cast %mul3A_100 : i32 to index
        %get3A_103 = tpu.vector_load %arg7[%get3A_101, %get3A_102] {strides = array<i32>} : memref<128x128xi32, #tpu.memory_space<vmem>>, vector<1x16xi32>,
        %get3A_104 = vector.shape_cast %get3A_103 : vector<1x16xi32> to vector<16xi32>
        %add3A_105 = arith.constant 16 : i32
        %add3A_106 = arith.addi %mul3A_100, %add3A_105 : i32
        %get3A_107 = arith.index_cast %shift_right_arithmetic3A_97 : i32 to index
        %get3A_108 = arith.index_cast %add3A_106 : i32 to index
        %get3A_109 = tpu.vector_load %arg7[%get3A_107, %get3A_108] {strides = array<i32>} : memref<128x128xi32, #tpu.memory_space<vmem>>, vector<1x16xi32>,
        %get3A_110 = vector.shape_cast %get3A_109 : vector<1x16xi32> to vector<16xi32>
        %add3A_111 = arith.constant 32 : i32
        %add3A_112 = arith.addi %mul3A_100, %add3A_111 : i32
        %jit3A = arith.constant 128 : i32
        %div3A = arith.divsi %add3A_112, %jit3A : i32
        %sign3A = arith.constant 0 : i32
        %sign3A_113 = arith.cmpi sgt, %add3A_112, %sign3A : i32
        %sign3A_114 = arith.extui %sign3A_113 : i1 to i32
        %sign3A_115 = arith.constant 0 : i32
        %sign3A_116 = arith.cmpi slt, %add3A_112, %sign3A_115 : i32
        %sign3A_117 = arith.extui %sign3A_116 : i1 to i32
        %sign3A_118 = arith.subi %sign3A_114, %sign3A_117 : i32
        %sign3A_119 = arith.constant 0 : i32
        %sign3A_120 = arith.cmpi sgt, %jit3A, %sign3A_119 : i32
        %sign3A_121 = arith.extui %sign3A_120 : i1 to i32
        %sign3A_122 = arith.constant 0 : i32
        %sign3A_123 = arith.cmpi slt, %jit3A, %sign3A_122 : i32
        %sign3A_124 = arith.extui %sign3A_123 : i1 to i32
        %sign3A_125 = arith.subi %sign3A_121, %sign3A_124 : i32
        %ne3A = arith.cmpi ne, %sign3A_118, %sign3A_125 : i32
        %rem3A = arith.remsi %add3A_112, %jit3A : i32
        %ne3A_126 = arith.constant 0 : i32
        %ne3A_127 = arith.cmpi ne, %rem3A, %ne3A_126 : i32
        %and3A_128 = arith.andi %ne3A, %ne3A_127 : i1
        %sub3A_129 = arith.constant 1 : i32
        %sub3A_130 = arith.subi %div3A, %sub3A_129 : i32
        %select_n3A = arith.select %and3A_128, %sub3A_130, %div3A : i32
        %add3A_131 = arith.addi %shift_right_arithmetic3A_97, %select_n3A : i32
        %add3A_132 = arith.constant 32 : i32
        %add3A_133 = arith.addi %mul3A_100, %add3A_132 : i32
        %jit3A_134 = arith.constant 128 : i32
        %eq3A = arith.constant 0 : i32
        %eq3A_135 = arith.cmpi eq, %jit3A_134, %eq3A : i32
        %jit3A_136 = arith.constant 1 : i32
        %select_n3A_137 = arith.select %eq3A_135, %jit3A_136, %jit3A_134 : i32
        %rem3A_138 = arith.remsi %add3A_133, %select_n3A_137 : i32
        %ne3A_139 = arith.constant 0 : i32
        %ne3A_140 = arith.cmpi ne, %rem3A_138, %ne3A_139 : i32
        %lt3A_141 = arith.constant 0 : i32
        %lt3A_142 = arith.cmpi slt, %rem3A_138, %lt3A_141 : i32
        %lt3A_143 = arith.constant 0 : i32
        %lt3A_144 = arith.cmpi slt, %select_n3A_137, %lt3A_143 : i32
        %ne3A_145 = arith.xori %lt3A_142, %lt3A_144 : i1
        %and3A_146 = arith.andi %ne3A_145, %ne3A_140 : i1
        %add3A_147 = arith.addi %rem3A_138, %select_n3A_137 : i32
        %select_n3A_148 = arith.select %and3A_146, %add3A_147, %rem3A_138 : i32
        %get3A_149 = arith.index_cast %add3A_131 : i32 to index
        %get3A_150 = arith.index_cast %select_n3A_148 : i32 to index
        %get3A_151 = tpu.vector_load %arg7[%get3A_149, %get3A_150] {strides = array<i32>} : memref<128x128xi32, #tpu.memory_space<vmem>>, vector<1x16xi32>,
        %get3A_152 = vector.shape_cast %get3A_151 : vector<1x16xi32> to vector<16xi32>
        %add3A_153 = arith.constant 16 : i32
        %add3A_154 = arith.addi %select_n3A_148, %add3A_153 : i32
        %get3A_155 = arith.index_cast %add3A_131 : i32 to index
        %get3A_156 = arith.index_cast %add3A_154 : i32 to index
        %get3A_157 = tpu.vector_load %arg7[%get3A_155, %get3A_156] {strides = array<i32>} : memref<128x128xi32, #tpu.memory_space<vmem>>, vector<1x16xi32>,
        %get3A_158 = vector.shape_cast %get3A_157 : vector<1x16xi32> to vector<16xi32>
        %shift_left3A = arith.constant 16 : i32
        %shift_left3A_159 = vector.broadcast %shift_left3A : i32 to vector<16xi32>
        %shift_left3A_160 = arith.shli %get3A_104, %shift_left3A_159 : vector<16xi32>
        %bitcast_convert_type3A = tpu.bitcast %shift_left3A_160 : vector<16xi32> -> vector<16xf32>
        %and3A_161 = arith.constant -65536 : i32
        %and3A_162 = vector.broadcast %and3A_161 : i32 to vector<16xi32>
        %and3A_163 = arith.andi %get3A_104, %and3A_162 : vector<16xi32>
        %bitcast_convert_type3A_164 = tpu.bitcast %and3A_163 : vector<16xi32> -> vector<16xf32>
        %shift_left3A_165 = arith.constant 16 : i32
        %shift_left3A_166 = vector.broadcast %shift_left3A_165 : i32 to vector<16xi32>
        %shift_left3A_167 = arith.shli %get3A_110, %shift_left3A_166 : vector<16xi32>
        %bitcast_convert_type3A_168 = tpu.bitcast %shift_left3A_167 : vector<16xi32> -> vector<16xf32>
        %and3A_169 = arith.constant -65536 : i32
        %and3A_170 = vector.broadcast %and3A_169 : i32 to vector<16xi32>
        %and3A_171 = arith.andi %get3A_110, %and3A_170 : vector<16xi32>
        %bitcast_convert_type3A_172 = tpu.bitcast %and3A_171 : vector<16xi32> -> vector<16xf32>
        %shift_left3A_173 = arith.constant 16 : i32
        %shift_left3A_174 = vector.broadcast %shift_left3A_173 : i32 to vector<16xi32>
        %shift_left3A_175 = arith.shli %get3A_152, %shift_left3A_174 : vector<16xi32>
        %bitcast_convert_type3A_176 = tpu.bitcast %shift_left3A_175 : vector<16xi32> -> vector<16xf32>
        %and3A_177 = arith.constant -65536 : i32
        %and3A_178 = vector.broadcast %and3A_177 : i32 to vector<16xi32>
        %and3A_179 = arith.andi %get3A_152, %and3A_178 : vector<16xi32>
        %bitcast_convert_type3A_180 = tpu.bitcast %and3A_179 : vector<16xi32> -> vector<16xf32>
        %shift_left3A_181 = arith.constant 16 : i32
        %shift_left3A_182 = vector.broadcast %shift_left3A_181 : i32 to vector<16xi32>
        %shift_left3A_183 = arith.shli %get3A_158, %shift_left3A_182 : vector<16xi32>
        %bitcast_convert_type3A_184 = tpu.bitcast %shift_left3A_183 : vector<16xi32> -> vector<16xf32>
        %and3A_185 = arith.constant -65536 : i32
        %and3A_186 = vector.broadcast %and3A_185 : i32 to vector<16xi32>
        %and3A_187 = arith.andi %get3A_158, %and3A_186 : vector<16xi32>
        %bitcast_convert_type3A_188 = tpu.bitcast %and3A_187 : vector<16xi32> -> vector<16xf32>
        %add3A_189 = arith.addf %get3A_80, %bitcast_convert_type3A : vector<16xf32>
        %sub3A_190 = arith.subf %bitcast_convert_type3A_176, %bitcast_convert_type3A : vector<16xf32>
        %mul3A_191 = vector.broadcast %squeeze3A_94 : f32 to vector<16xf32>
        %mul3A_192 = arith.mulf %mul3A_191, %sub3A_190 : vector<16xf32>
        %add3A_193 = arith.addf %add3A_189, %mul3A_192 : vector<16xf32>
        %add3A_194 = arith.addf %get3A_84, %bitcast_convert_type3A_164 : vector<16xf32>
        %sub3A_195 = arith.subf %bitcast_convert_type3A_180, %bitcast_convert_type3A_164 : vector<16xf32>
        %mul3A_196 = vector.broadcast %squeeze3A_94 : f32 to vector<16xf32>
        %mul3A_197 = arith.mulf %mul3A_196, %sub3A_195 : vector<16xf32>
        %add3A_198 = arith.addf %add3A_194, %mul3A_197 : vector<16xf32>
        %add3A_199 = arith.addf %get3A_88, %bitcast_convert_type3A_168 : vector<16xf32>
        %sub3A_200 = arith.subf %bitcast_convert_type3A_184, %bitcast_convert_type3A_168 : vector<16xf32>
        %mul3A_201 = vector.broadcast %squeeze3A_94 : f32 to vector<16xf32>
        %mul3A_202 = arith.mulf %mul3A_201, %sub3A_200 : vector<16xf32>
        %add3A_203 = arith.addf %add3A_199, %mul3A_202 : vector<16xf32>
        %add3A_204 = arith.addf %get3A_92, %bitcast_convert_type3A_172 : vector<16xf32>
        %sub3A_205 = arith.subf %bitcast_convert_type3A_188, %bitcast_convert_type3A_172 : vector<16xf32>
        %mul3A_206 = vector.broadcast %squeeze3A_94 : f32 to vector<16xf32>
        %mul3A_207 = arith.mulf %mul3A_206, %sub3A_205 : vector<16xf32>
        %add3A_208 = arith.addf %add3A_204, %mul3A_207 : vector<16xf32>
        %slice3A_209 = vector.extract_strided_slice %min3A_75 {offsets = [1], sizes = [1], strides = [1]} : vector<16xi32> to vector<1xi32>
        %squeeze3A_210 = vector.extract %slice3A_209[0] : i32 from vector<1xi32>
        %slice3A_211 = vector.extract_strided_slice %sub3A {offsets = [1], sizes = [1], strides = [1]} : vector<16xf32> to vector<1xf32>
        %squeeze3A_212 = vector.extract %slice3A_211[0] : f32 from vector<1xf32>
        %add3A_213 = arith.constant 32 : i32
        %add3A_214 = arith.addi %add3A_213, %squeeze3A_210 : i32
        %shift_right_arithmetic3A_215 = arith.constant 2 : i32
        %shift_right_arithmetic3A_216 = arith.shrsi %add3A_214, %shift_right_arithmetic3A_215 : i32
        %and3A_217 = arith.constant 3 : i32
        %and3A_218 = arith.andi %add3A_214, %and3A_217 : i32
        %mul3A_219 = arith.constant 32 : i32
        %mul3A_220 = arith.muli %and3A_218, %mul3A_219 : i32
        %get3A_221 = arith.index_cast %shift_right_arithmetic3A_216 : i32 to index
        %get3A_222 = arith.index_cast %mul3A_220 : i32 to index
        %get3A_223 = tpu.vector_load %arg7[%get3A_221, %get3A_222] {strides = array<i32>} : memref<128x128xi32, #tpu.memory_space<vmem>>, vector<1x16xi32>,
        %get3A_224 = vector.shape_cast %get3A_223 : vector<1x16xi32> to vector<16xi32>
        %add3A_225 = arith.constant 16 : i32
        %add3A_226 = arith.addi %mul3A_220, %add3A_225 : i32
        %get3A_227 = arith.index_cast %shift_right_arithmetic3A_216 : i32 to index
        %get3A_228 = arith.index_cast %add3A_226 : i32 to index
        %get3A_229 = tpu.vector_load %arg7[%get3A_227, %get3A_228] {strides = array<i32>} : memref<128x128xi32, #tpu.memory_space<vmem>>, vector<1x16xi32>,
        %get3A_230 = vector.shape_cast %get3A_229 : vector<1x16xi32> to vector<16xi32>
        %add3A_231 = arith.constant 32 : i32
        %add3A_232 = arith.addi %mul3A_220, %add3A_231 : i32
        %jit3A_233 = arith.constant 128 : i32
        %div3A_234 = arith.divsi %add3A_232, %jit3A_233 : i32
        %sign3A_235 = arith.constant 0 : i32
        %sign3A_236 = arith.cmpi sgt, %add3A_232, %sign3A_235 : i32
        %sign3A_237 = arith.extui %sign3A_236 : i1 to i32
        %sign3A_238 = arith.constant 0 : i32
        %sign3A_239 = arith.cmpi slt, %add3A_232, %sign3A_238 : i32
        %sign3A_240 = arith.extui %sign3A_239 : i1 to i32
        %sign3A_241 = arith.subi %sign3A_237, %sign3A_240 : i32
        %sign3A_242 = arith.constant 0 : i32
        %sign3A_243 = arith.cmpi sgt, %jit3A_233, %sign3A_242 : i32
        %sign3A_244 = arith.extui %sign3A_243 : i1 to i32
        %sign3A_245 = arith.constant 0 : i32
        %sign3A_246 = arith.cmpi slt, %jit3A_233, %sign3A_245 : i32
        %sign3A_247 = arith.extui %sign3A_246 : i1 to i32
        %sign3A_248 = arith.subi %sign3A_244, %sign3A_247 : i32
        %ne3A_249 = arith.cmpi ne, %sign3A_241, %sign3A_248 : i32
        %rem3A_250 = arith.remsi %add3A_232, %jit3A_233 : i32
        %ne3A_251 = arith.constant 0 : i32
        %ne3A_252 = arith.cmpi ne, %rem3A_250, %ne3A_251 : i32
        %and3A_253 = arith.andi %ne3A_249, %ne3A_252 : i1
        %sub3A_254 = arith.constant 1 : i32
        %sub3A_255 = arith.subi %div3A_234, %sub3A_254 : i32
        %select_n3A_256 = arith.select %and3A_253, %sub3A_255, %div3A_234 : i32
        %add3A_257 = arith.addi %shift_right_arithmetic3A_216, %select_n3A_256 : i32
        %add3A_258 = arith.constant 32 : i32
        %add3A_259 = arith.addi %mul3A_220, %add3A_258 : i32
        %jit3A_260 = arith.constant 128 : i32
        %eq3A_261 = arith.constant 0 : i32
        %eq3A_262 = arith.cmpi eq, %jit3A_260, %eq3A_261 : i32
        %jit3A_263 = arith.constant 1 : i32
        %select_n3A_264 = arith.select %eq3A_262, %jit3A_263, %jit3A_260 : i32
        %rem3A_265 = arith.remsi %add3A_259, %select_n3A_264 : i32
        %ne3A_266 = arith.constant 0 : i32
        %ne3A_267 = arith.cmpi ne, %rem3A_265, %ne3A_266 : i32
        %lt3A_268 = arith.constant 0 : i32
        %lt3A_269 = arith.cmpi slt, %rem3A_265, %lt3A_268 : i32
        %lt3A_270 = arith.constant 0 : i32
        %lt3A_271 = arith.cmpi slt, %select_n3A_264, %lt3A_270 : i32
        %ne3A_272 = arith.xori %lt3A_269, %lt3A_271 : i1
        %and3A_273 = arith.andi %ne3A_272, %ne3A_267 : i1
        %add3A_274 = arith.addi %rem3A_265, %select_n3A_264 : i32
        %select_n3A_275 = arith.select %and3A_273, %add3A_274, %rem3A_265 : i32
        %get3A_276 = arith.index_cast %add3A_257 : i32 to index
        %get3A_277 = arith.index_cast %select_n3A_275 : i32 to index
        %get3A_278 = tpu.vector_load %arg7[%get3A_276, %get3A_277] {strides = array<i32>} : memref<128x128xi32, #tpu.memory_space<vmem>>, vector<1x16xi32>,
        %get3A_279 = vector.shape_cast %get3A_278 : vector<1x16xi32> to vector<16xi32>
        %add3A_280 = arith.constant 16 : i32
        %add3A_281 = arith.addi %select_n3A_275, %add3A_280 : i32
        %get3A_282 = arith.index_cast %add3A_257 : i32 to index
        %get3A_283 = arith.index_cast %add3A_281 : i32 to index
        %get3A_284 = tpu.vector_load %arg7[%get3A_282, %get3A_283] {strides = array<i32>} : memref<128x128xi32, #tpu.memory_space<vmem>>, vector<1x16xi32>,
        %get3A_285 = vector.shape_cast %get3A_284 : vector<1x16xi32> to vector<16xi32>
        %shift_left3A_286 = arith.constant 16 : i32
        %shift_left3A_287 = vector.broadcast %shift_left3A_286 : i32 to vector<16xi32>
        %shift_left3A_288 = arith.shli %get3A_224, %shift_left3A_287 : vector<16xi32>
        %bitcast_convert_type3A_289 = tpu.bitcast %shift_left3A_288 : vector<16xi32> -> vector<16xf32>
        %and3A_290 = arith.constant -65536 : i32
        %and3A_291 = vector.broadcast %and3A_290 : i32 to vector<16xi32>
        %and3A_292 = arith.andi %get3A_224, %and3A_291 : vector<16xi32>
        %bitcast_convert_type3A_293 = tpu.bitcast %and3A_292 : vector<16xi32> -> vector<16xf32>
        %shift_left3A_294 = arith.constant 16 : i32
        %shift_left3A_295 = vector.broadcast %shift_left3A_294 : i32 to vector<16xi32>
        %shift_left3A_296 = arith.shli %get3A_230, %shift_left3A_295 : vector<16xi32>
        %bitcast_convert_type3A_297 = tpu.bitcast %shift_left3A_296 : vector<16xi32> -> vector<16xf32>
        %and3A_298 = arith.constant -65536 : i32
        %and3A_299 = vector.broadcast %and3A_298 : i32 to vector<16xi32>
        %and3A_300 = arith.andi %get3A_230, %and3A_299 : vector<16xi32>
        %bitcast_convert_type3A_301 = tpu.bitcast %and3A_300 : vector<16xi32> -> vector<16xf32>
        %shift_left3A_302 = arith.constant 16 : i32
        %shift_left3A_303 = vector.broadcast %shift_left3A_302 : i32 to vector<16xi32>
        %shift_left3A_304 = arith.shli %get3A_279, %shift_left3A_303 : vector<16xi32>
        %bitcast_convert_type3A_305 = tpu.bitcast %shift_left3A_304 : vector<16xi32> -> vector<16xf32>
        %and3A_306 = arith.constant -65536 : i32
        %and3A_307 = vector.broadcast %and3A_306 : i32 to vector<16xi32>
        %and3A_308 = arith.andi %get3A_279, %and3A_307 : vector<16xi32>
        %bitcast_convert_type3A_309 = tpu.bitcast %and3A_308 : vector<16xi32> -> vector<16xf32>
        %shift_left3A_310 = arith.constant 16 : i32
        %shift_left3A_311 = vector.broadcast %shift_left3A_310 : i32 to vector<16xi32>
        %shift_left3A_312 = arith.shli %get3A_285, %shift_left3A_311 : vector<16xi32>
        %bitcast_convert_type3A_313 = tpu.bitcast %shift_left3A_312 : vector<16xi32> -> vector<16xf32>
        %and3A_314 = arith.constant -65536 : i32
        %and3A_315 = vector.broadcast %and3A_314 : i32 to vector<16xi32>
        %and3A_316 = arith.andi %get3A_285, %and3A_315 : vector<16xi32>
        %bitcast_convert_type3A_317 = tpu.bitcast %and3A_316 : vector<16xi32> -> vector<16xf32>
        %add3A_318 = arith.addf %add3A_193, %bitcast_convert_type3A_289 : vector<16xf32>
        %sub3A_319 = arith.subf %bitcast_convert_type3A_305, %bitcast_convert_type3A_289 : vector<16xf32>
        %mul3A_320 = vector.broadcast %squeeze3A_212 : f32 to vector<16xf32>
        %mul3A_321 = arith.mulf %mul3A_320, %sub3A_319 : vector<16xf32>
        %add3A_322 = arith.addf %add3A_318, %mul3A_321 : vector<16xf32>
        %add3A_323 = arith.addf %add3A_198, %bitcast_convert_type3A_293 : vector<16xf32>
        %sub3A_324 = arith.subf %bitcast_convert_type3A_309, %bitcast_convert_type3A_293 : vector<16xf32>
        %mul3A_325 = vector.broadcast %squeeze3A_212 : f32 to vector<16xf32>
        %mul3A_326 = arith.mulf %mul3A_325, %sub3A_324 : vector<16xf32>
        %add3A_327 = arith.addf %add3A_323, %mul3A_326 : vector<16xf32>
        %add3A_328 = arith.addf %add3A_203, %bitcast_convert_type3A_297 : vector<16xf32>
        %sub3A_329 = arith.subf %bitcast_convert_type3A_313, %bitcast_convert_type3A_297 : vector<16xf32>
        %mul3A_330 = vector.broadcast %squeeze3A_212 : f32 to vector<16xf32>
        %mul3A_331 = arith.mulf %mul3A_330, %sub3A_329 : vector<16xf32>
        %add3A_332 = arith.addf %add3A_328, %mul3A_331 : vector<16xf32>
        %add3A_333 = arith.addf %add3A_208, %bitcast_convert_type3A_301 : vector<16xf32>
        %sub3A_334 = arith.subf %bitcast_convert_type3A_317, %bitcast_convert_type3A_301 : vector<16xf32>
        %mul3A_335 = vector.broadcast %squeeze3A_212 : f32 to vector<16xf32>
        %mul3A_336 = arith.mulf %mul3A_335, %sub3A_334 : vector<16xf32>
        %add3A_337 = arith.addf %add3A_333, %mul3A_336 : vector<16xf32>
        %slice3A_338 = vector.extract_strided_slice %min3A_75 {offsets = [2], sizes = [1], strides = [1]} : vector<16xi32> to vector<1xi32>
        %squeeze3A_339 = vector.extract %slice3A_338[0] : i32 from vector<1xi32>
        %slice3A_340 = vector.extract_strided_slice %sub3A {offsets = [2], sizes = [1], strides = [1]} : vector<16xf32> to vector<1xf32>
        %squeeze3A_341 = vector.extract %slice3A_340[0] : f32 from vector<1xf32>
        %add3A_342 = arith.constant 64 : i32
        %add3A_343 = arith.addi %add3A_342, %squeeze3A_339 : i32
        %shift_right_arithmetic3A_344 = arith.constant 2 : i32
        %shift_right_arithmetic3A_345 = arith.shrsi %add3A_343, %shift_right_arithmetic3A_344 : i32
        %and3A_346 = arith.constant 3 : i32
        %and3A_347 = arith.andi %add3A_343, %and3A_346 : i32
        %mul3A_348 = arith.constant 32 : i32
        %mul3A_349 = arith.muli %and3A_347, %mul3A_348 : i32
        %get3A_350 = arith.index_cast %shift_right_arithmetic3A_345 : i32 to index
        %get3A_351 = arith.index_cast %mul3A_349 : i32 to index
        %get3A_352 = tpu.vector_load %arg7[%get3A_350, %get3A_351] {strides = array<i32>} : memref<128x128xi32, #tpu.memory_space<vmem>>, vector<1x16xi32>,
        %get3A_353 = vector.shape_cast %get3A_352 : vector<1x16xi32> to vector<16xi32>
        %add3A_354 = arith.constant 16 : i32
        %add3A_355 = arith.addi %mul3A_349, %add3A_354 : i32
        %get3A_356 = arith.index_cast %shift_right_arithmetic3A_345 : i32 to index
        %get3A_357 = arith.index_cast %add3A_355 : i32 to index
        %get3A_358 = tpu.vector_load %arg7[%get3A_356, %get3A_357] {strides = array<i32>} : memref<128x128xi32, #tpu.memory_space<vmem>>, vector<1x16xi32>,
        %get3A_359 = vector.shape_cast %get3A_358 : vector<1x16xi32> to vector<16xi32>
        %add3A_360 = arith.constant 32 : i32
        %add3A_361 = arith.addi %mul3A_349, %add3A_360 : i32
        %jit3A_362 = arith.constant 128 : i32
        %div3A_363 = arith.divsi %add3A_361, %jit3A_362 : i32
        %sign3A_364 = arith.constant 0 : i32
        %sign3A_365 = arith.cmpi sgt, %add3A_361, %sign3A_364 : i32
        %sign3A_366 = arith.extui %sign3A_365 : i1 to i32
        %sign3A_367 = arith.constant 0 : i32
        %sign3A_368 = arith.cmpi slt, %add3A_361, %sign3A_367 : i32
        %sign3A_369 = arith.extui %sign3A_368 : i1 to i32
        %sign3A_370 = arith.subi %sign3A_366, %sign3A_369 : i32
        %sign3A_371 = arith.constant 0 : i32
        %sign3A_372 = arith.cmpi sgt, %jit3A_362, %sign3A_371 : i32
        %sign3A_373 = arith.extui %sign3A_372 : i1 to i32
        %sign3A_374 = arith.constant 0 : i32
        %sign3A_375 = arith.cmpi slt, %jit3A_362, %sign3A_374 : i32
        %sign3A_376 = arith.extui %sign3A_375 : i1 to i32
        %sign3A_377 = arith.subi %sign3A_373, %sign3A_376 : i32
        %ne3A_378 = arith.cmpi ne, %sign3A_370, %sign3A_377 : i32
        %rem3A_379 = arith.remsi %add3A_361, %jit3A_362 : i32
        %ne3A_380 = arith.constant 0 : i32
        %ne3A_381 = arith.cmpi ne, %rem3A_379, %ne3A_380 : i32
        %and3A_382 = arith.andi %ne3A_378, %ne3A_381 : i1
        %sub3A_383 = arith.constant 1 : i32
        %sub3A_384 = arith.subi %div3A_363, %sub3A_383 : i32
        %select_n3A_385 = arith.select %and3A_382, %sub3A_384, %div3A_363 : i32
        %add3A_386 = arith.addi %shift_right_arithmetic3A_345, %select_n3A_385 : i32
        %add3A_387 = arith.constant 32 : i32
        %add3A_388 = arith.addi %mul3A_349, %add3A_387 : i32
        %jit3A_389 = arith.constant 128 : i32
        %eq3A_390 = arith.constant 0 : i32
        %eq3A_391 = arith.cmpi eq, %jit3A_389, %eq3A_390 : i32
        %jit3A_392 = arith.constant 1 : i32
        %select_n3A_393 = arith.select %eq3A_391, %jit3A_392, %jit3A_389 : i32
        %rem3A_394 = arith.remsi %add3A_388, %select_n3A_393 : i32
        %ne3A_395 = arith.constant 0 : i32
        %ne3A_396 = arith.cmpi ne, %rem3A_394, %ne3A_395 : i32
        %lt3A_397 = arith.constant 0 : i32
        %lt3A_398 = arith.cmpi slt, %rem3A_394, %lt3A_397 : i32
        %lt3A_399 = arith.constant 0 : i32
        %lt3A_400 = arith.cmpi slt, %select_n3A_393, %lt3A_399 : i32
        %ne3A_401 = arith.xori %lt3A_398, %lt3A_400 : i1
        %and3A_402 = arith.andi %ne3A_401, %ne3A_396 : i1
        %add3A_403 = arith.addi %rem3A_394, %select_n3A_393 : i32
        %select_n3A_404 = arith.select %and3A_402, %add3A_403, %rem3A_394 : i32
        %get3A_405 = arith.index_cast %add3A_386 : i32 to index
        %get3A_406 = arith.index_cast %select_n3A_404 : i32 to index
        %get3A_407 = tpu.vector_load %arg7[%get3A_405, %get3A_406] {strides = array<i32>} : memref<128x128xi32, #tpu.memory_space<vmem>>, vector<1x16xi32>,
        %get3A_408 = vector.shape_cast %get3A_407 : vector<1x16xi32> to vector<16xi32>
        %add3A_409 = arith.constant 16 : i32
        %add3A_410 = arith.addi %select_n3A_404, %add3A_409 : i32
        %get3A_411 = arith.index_cast %add3A_386 : i32 to index
        %get3A_412 = arith.index_cast %add3A_410 : i32 to index
        %get3A_413 = tpu.vector_load %arg7[%get3A_411, %get3A_412] {strides = array<i32>} : memref<128x128xi32, #tpu.memory_space<vmem>>, vector<1x16xi32>,
        %get3A_414 = vector.shape_cast %get3A_413 : vector<1x16xi32> to vector<16xi32>
        %shift_left3A_415 = arith.constant 16 : i32
        %shift_left3A_416 = vector.broadcast %shift_left3A_415 : i32 to vector<16xi32>
        %shift_left3A_417 = arith.shli %get3A_353, %shift_left3A_416 : vector<16xi32>
        %bitcast_convert_type3A_418 = tpu.bitcast %shift_left3A_417 : vector<16xi32> -> vector<16xf32>
        %and3A_419 = arith.constant -65536 : i32
        %and3A_420 = vector.broadcast %and3A_419 : i32 to vector<16xi32>
        %and3A_421 = arith.andi %get3A_353, %and3A_420 : vector<16xi32>
        %bitcast_convert_type3A_422 = tpu.bitcast %and3A_421 : vector<16xi32> -> vector<16xf32>
        %shift_left3A_423 = arith.constant 16 : i32
        %shift_left3A_424 = vector.broadcast %shift_left3A_423 : i32 to vector<16xi32>
        %shift_left3A_425 = arith.shli %get3A_359, %shift_left3A_424 : vector<16xi32>
        %bitcast_convert_type3A_426 = tpu.bitcast %shift_left3A_425 : vector<16xi32> -> vector<16xf32>
        %and3A_427 = arith.constant -65536 : i32
        %and3A_428 = vector.broadcast %and3A_427 : i32 to vector<16xi32>
        %and3A_429 = arith.andi %get3A_359, %and3A_428 : vector<16xi32>
        %bitcast_convert_type3A_430 = tpu.bitcast %and3A_429 : vector<16xi32> -> vector<16xf32>
        %shift_left3A_431 = arith.constant 16 : i32
        %shift_left3A_432 = vector.broadcast %shift_left3A_431 : i32 to vector<16xi32>
        %shift_left3A_433 = arith.shli %get3A_408, %shift_left3A_432 : vector<16xi32>
        %bitcast_convert_type3A_434 = tpu.bitcast %shift_left3A_433 : vector<16xi32> -> vector<16xf32>
        %and3A_435 = arith.constant -65536 : i32
        %and3A_436 = vector.broadcast %and3A_435 : i32 to vector<16xi32>
        %and3A_437 = arith.andi %get3A_408, %and3A_436 : vector<16xi32>
        %bitcast_convert_type3A_438 = tpu.bitcast %and3A_437 : vector<16xi32> -> vector<16xf32>
        %shift_left3A_439 = arith.constant 16 : i32
        %shift_left3A_440 = vector.broadcast %shift_left3A_439 : i32 to vector<16xi32>
        %shift_left3A_441 = arith.shli %get3A_414, %shift_left3A_440 : vector<16xi32>
        %bitcast_convert_type3A_442 = tpu.bitcast %shift_left3A_441 : vector<16xi32> -> vector<16xf32>
        %and3A_443 = arith.constant -65536 : i32
        %and3A_444 = vector.broadcast %and3A_443 : i32 to vector<16xi32>
        %and3A_445 = arith.andi %get3A_414, %and3A_444 : vector<16xi32>
        %bitcast_convert_type3A_446 = tpu.bitcast %and3A_445 : vector<16xi32> -> vector<16xf32>
        %add3A_447 = arith.addf %add3A_322, %bitcast_convert_type3A_418 : vector<16xf32>
        %sub3A_448 = arith.subf %bitcast_convert_type3A_434, %bitcast_convert_type3A_418 : vector<16xf32>
        %mul3A_449 = vector.broadcast %squeeze3A_341 : f32 to vector<16xf32>
        %mul3A_450 = arith.mulf %mul3A_449, %sub3A_448 : vector<16xf32>
        %add3A_451 = arith.addf %add3A_447, %mul3A_450 : vector<16xf32>
        %add3A_452 = arith.addf %add3A_327, %bitcast_convert_type3A_422 : vector<16xf32>
        %sub3A_453 = arith.subf %bitcast_convert_type3A_438, %bitcast_convert_type3A_422 : vector<16xf32>
        %mul3A_454 = vector.broadcast %squeeze3A_341 : f32 to vector<16xf32>
        %mul3A_455 = arith.mulf %mul3A_454, %sub3A_453 : vector<16xf32>
        %add3A_456 = arith.addf %add3A_452, %mul3A_455 : vector<16xf32>
        %add3A_457 = arith.addf %add3A_332, %bitcast_convert_type3A_426 : vector<16xf32>
        %sub3A_458 = arith.subf %bitcast_convert_type3A_442, %bitcast_convert_type3A_426 : vector<16xf32>
        %mul3A_459 = vector.broadcast %squeeze3A_341 : f32 to vector<16xf32>
        %mul3A_460 = arith.mulf %mul3A_459, %sub3A_458 : vector<16xf32>
        %add3A_461 = arith.addf %add3A_457, %mul3A_460 : vector<16xf32>
        %add3A_462 = arith.addf %add3A_337, %bitcast_convert_type3A_430 : vector<16xf32>
        %sub3A_463 = arith.subf %bitcast_convert_type3A_446, %bitcast_convert_type3A_430 : vector<16xf32>
        %mul3A_464 = vector.broadcast %squeeze3A_341 : f32 to vector<16xf32>
        %mul3A_465 = arith.mulf %mul3A_464, %sub3A_463 : vector<16xf32>
        %add3A_466 = arith.addf %add3A_462, %mul3A_465 : vector<16xf32>
        %slice3A_467 = vector.extract_strided_slice %min3A_75 {offsets = [3], sizes = [1], strides = [1]} : vector<16xi32> to vector<1xi32>
        %squeeze3A_468 = vector.extract %slice3A_467[0] : i32 from vector<1xi32>
        %slice3A_469 = vector.extract_strided_slice %sub3A {offsets = [3], sizes = [1], strides = [1]} : vector<16xf32> to vector<1xf32>
        %squeeze3A_470 = vector.extract %slice3A_469[0] : f32 from vector<1xf32>
        %add3A_471 = arith.constant 96 : i32
        %add3A_472 = arith.addi %add3A_471, %squeeze3A_468 : i32
        %shift_right_arithmetic3A_473 = arith.constant 2 : i32
        %shift_right_arithmetic3A_474 = arith.shrsi %add3A_472, %shift_right_arithmetic3A_473 : i32
        %and3A_475 = arith.constant 3 : i32
        %and3A_476 = arith.andi %add3A_472, %and3A_475 : i32
        %mul3A_477 = arith.constant 32 : i32
        %mul3A_478 = arith.muli %and3A_476, %mul3A_477 : i32
        %get3A_479 = arith.index_cast %shift_right_arithmetic3A_474 : i32 to index
        %get3A_480 = arith.index_cast %mul3A_478 : i32 to index
        %get3A_481 = tpu.vector_load %arg7[%get3A_479, %get3A_480] {strides = array<i32>} : memref<128x128xi32, #tpu.memory_space<vmem>>, vector<1x16xi32>,
        %get3A_482 = vector.shape_cast %get3A_481 : vector<1x16xi32> to vector<16xi32>
        %add3A_483 = arith.constant 16 : i32
        %add3A_484 = arith.addi %mul3A_478, %add3A_483 : i32
        %get3A_485 = arith.index_cast %shift_right_arithmetic3A_474 : i32 to index
        %get3A_486 = arith.index_cast %add3A_484 : i32 to index
        %get3A_487 = tpu.vector_load %arg7[%get3A_485, %get3A_486] {strides = array<i32>} : memref<128x128xi32, #tpu.memory_space<vmem>>, vector<1x16xi32>,
        %get3A_488 = vector.shape_cast %get3A_487 : vector<1x16xi32> to vector<16xi32>
        %add3A_489 = arith.constant 32 : i32
        %add3A_490 = arith.addi %mul3A_478, %add3A_489 : i32
        %jit3A_491 = arith.constant 128 : i32
        %div3A_492 = arith.divsi %add3A_490, %jit3A_491 : i32
        %sign3A_493 = arith.constant 0 : i32
        %sign3A_494 = arith.cmpi sgt, %add3A_490, %sign3A_493 : i32
        %sign3A_495 = arith.extui %sign3A_494 : i1 to i32
        %sign3A_496 = arith.constant 0 : i32
        %sign3A_497 = arith.cmpi slt, %add3A_490, %sign3A_496 : i32
        %sign3A_498 = arith.extui %sign3A_497 : i1 to i32
        %sign3A_499 = arith.subi %sign3A_495, %sign3A_498 : i32
        %sign3A_500 = arith.constant 0 : i32
        %sign3A_501 = arith.cmpi sgt, %jit3A_491, %sign3A_500 : i32
        %sign3A_502 = arith.extui %sign3A_501 : i1 to i32
        %sign3A_503 = arith.constant 0 : i32
        %sign3A_504 = arith.cmpi slt, %jit3A_491, %sign3A_503 : i32
        %sign3A_505 = arith.extui %sign3A_504 : i1 to i32
        %sign3A_506 = arith.subi %sign3A_502, %sign3A_505 : i32
        %ne3A_507 = arith.cmpi ne, %sign3A_499, %sign3A_506 : i32
        %rem3A_508 = arith.remsi %add3A_490, %jit3A_491 : i32
        %ne3A_509 = arith.constant 0 : i32
        %ne3A_510 = arith.cmpi ne, %rem3A_508, %ne3A_509 : i32
        %and3A_511 = arith.andi %ne3A_507, %ne3A_510 : i1
        %sub3A_512 = arith.constant 1 : i32
        %sub3A_513 = arith.subi %div3A_492, %sub3A_512 : i32
        %select_n3A_514 = arith.select %and3A_511, %sub3A_513, %div3A_492 : i32
        %add3A_515 = arith.addi %shift_right_arithmetic3A_474, %select_n3A_514 : i32
        %add3A_516 = arith.constant 32 : i32
        %add3A_517 = arith.addi %mul3A_478, %add3A_516 : i32
        %jit3A_518 = arith.constant 128 : i32
        %eq3A_519 = arith.constant 0 : i32
        %eq3A_520 = arith.cmpi eq, %jit3A_518, %eq3A_519 : i32
        %jit3A_521 = arith.constant 1 : i32
        %select_n3A_522 = arith.select %eq3A_520, %jit3A_521, %jit3A_518 : i32
        %rem3A_523 = arith.remsi %add3A_517, %select_n3A_522 : i32
        %ne3A_524 = arith.constant 0 : i32
        %ne3A_525 = arith.cmpi ne, %rem3A_523, %ne3A_524 : i32
        %lt3A_526 = arith.constant 0 : i32
        %lt3A_527 = arith.cmpi slt, %rem3A_523, %lt3A_526 : i32
        %lt3A_528 = arith.constant 0 : i32
        %lt3A_529 = arith.cmpi slt, %select_n3A_522, %lt3A_528 : i32
        %ne3A_530 = arith.xori %lt3A_527, %lt3A_529 : i1
        %and3A_531 = arith.andi %ne3A_530, %ne3A_525 : i1
        %add3A_532 = arith.addi %rem3A_523, %select_n3A_522 : i32
        %select_n3A_533 = arith.select %and3A_531, %add3A_532, %rem3A_523 : i32
        %get3A_534 = arith.index_cast %add3A_515 : i32 to index
        %get3A_535 = arith.index_cast %select_n3A_533 : i32 to index
        %get3A_536 = tpu.vector_load %arg7[%get3A_534, %get3A_535] {strides = array<i32>} : memref<128x128xi32, #tpu.memory_space<vmem>>, vector<1x16xi32>,
        %get3A_537 = vector.shape_cast %get3A_536 : vector<1x16xi32> to vector<16xi32>
        %add3A_538 = arith.constant 16 : i32
        %add3A_539 = arith.addi %select_n3A_533, %add3A_538 : i32
        %get3A_540 = arith.index_cast %add3A_515 : i32 to index
        %get3A_541 = arith.index_cast %add3A_539 : i32 to index
        %get3A_542 = tpu.vector_load %arg7[%get3A_540, %get3A_541] {strides = array<i32>} : memref<128x128xi32, #tpu.memory_space<vmem>>, vector<1x16xi32>,
        %get3A_543 = vector.shape_cast %get3A_542 : vector<1x16xi32> to vector<16xi32>
        %shift_left3A_544 = arith.constant 16 : i32
        %shift_left3A_545 = vector.broadcast %shift_left3A_544 : i32 to vector<16xi32>
        %shift_left3A_546 = arith.shli %get3A_482, %shift_left3A_545 : vector<16xi32>
        %bitcast_convert_type3A_547 = tpu.bitcast %shift_left3A_546 : vector<16xi32> -> vector<16xf32>
        %and3A_548 = arith.constant -65536 : i32
        %and3A_549 = vector.broadcast %and3A_548 : i32 to vector<16xi32>
        %and3A_550 = arith.andi %get3A_482, %and3A_549 : vector<16xi32>
        %bitcast_convert_type3A_551 = tpu.bitcast %and3A_550 : vector<16xi32> -> vector<16xf32>
        %shift_left3A_552 = arith.constant 16 : i32
        %shift_left3A_553 = vector.broadcast %shift_left3A_552 : i32 to vector<16xi32>
        %shift_left3A_554 = arith.shli %get3A_488, %shift_left3A_553 : vector<16xi32>
        %bitcast_convert_type3A_555 = tpu.bitcast %shift_left3A_554 : vector<16xi32> -> vector<16xf32>
        %and3A_556 = arith.constant -65536 : i32
        %and3A_557 = vector.broadcast %and3A_556 : i32 to vector<16xi32>
        %and3A_558 = arith.andi %get3A_488, %and3A_557 : vector<16xi32>
        %bitcast_convert_type3A_559 = tpu.bitcast %and3A_558 : vector<16xi32> -> vector<16xf32>
        %shift_left3A_560 = arith.constant 16 : i32
        %shift_left3A_561 = vector.broadcast %shift_left3A_560 : i32 to vector<16xi32>
        %shift_left3A_562 = arith.shli %get3A_537, %shift_left3A_561 : vector<16xi32>
        %bitcast_convert_type3A_563 = tpu.bitcast %shift_left3A_562 : vector<16xi32> -> vector<16xf32>
        %and3A_564 = arith.constant -65536 : i32
        %and3A_565 = vector.broadcast %and3A_564 : i32 to vector<16xi32>
        %and3A_566 = arith.andi %get3A_537, %and3A_565 : vector<16xi32>
        %bitcast_convert_type3A_567 = tpu.bitcast %and3A_566 : vector<16xi32> -> vector<16xf32>
        %shift_left3A_568 = arith.constant 16 : i32
        %shift_left3A_569 = vector.broadcast %shift_left3A_568 : i32 to vector<16xi32>
        %shift_left3A_570 = arith.shli %get3A_543, %shift_left3A_569 : vector<16xi32>
        %bitcast_convert_type3A_571 = tpu.bitcast %shift_left3A_570 : vector<16xi32> -> vector<16xf32>
        %and3A_572 = arith.constant -65536 : i32
        %and3A_573 = vector.broadcast %and3A_572 : i32 to vector<16xi32>
        %and3A_574 = arith.andi %get3A_543, %and3A_573 : vector<16xi32>
        %bitcast_convert_type3A_575 = tpu.bitcast %and3A_574 : vector<16xi32> -> vector<16xf32>
        %add3A_576 = arith.addf %add3A_451, %bitcast_convert_type3A_547 : vector<16xf32>
        %sub3A_577 = arith.subf %bitcast_convert_type3A_563, %bitcast_convert_type3A_547 : vector<16xf32>
        %mul3A_578 = vector.broadcast %squeeze3A_470 : f32 to vector<16xf32>
        %mul3A_579 = arith.mulf %mul3A_578, %sub3A_577 : vector<16xf32>
        %add3A_580 = arith.addf %add3A_576, %mul3A_579 : vector<16xf32>
        %add3A_581 = arith.addf %add3A_456, %bitcast_convert_type3A_551 : vector<16xf32>
        %sub3A_582 = arith.subf %bitcast_convert_type3A_567, %bitcast_convert_type3A_551 : vector<16xf32>
        %mul3A_583 = vector.broadcast %squeeze3A_470 : f32 to vector<16xf32>
        %mul3A_584 = arith.mulf %mul3A_583, %sub3A_582 : vector<16xf32>
        %add3A_585 = arith.addf %add3A_581, %mul3A_584 : vector<16xf32>
        %add3A_586 = arith.addf %add3A_461, %bitcast_convert_type3A_555 : vector<16xf32>
        %sub3A_587 = arith.subf %bitcast_convert_type3A_571, %bitcast_convert_type3A_555 : vector<16xf32>
        %mul3A_588 = vector.broadcast %squeeze3A_470 : f32 to vector<16xf32>
        %mul3A_589 = arith.mulf %mul3A_588, %sub3A_587 : vector<16xf32>
        %add3A_590 = arith.addf %add3A_586, %mul3A_589 : vector<16xf32>
        %add3A_591 = arith.addf %add3A_466, %bitcast_convert_type3A_559 : vector<16xf32>
        %sub3A_592 = arith.subf %bitcast_convert_type3A_575, %bitcast_convert_type3A_559 : vector<16xf32>
        %mul3A_593 = vector.broadcast %squeeze3A_470 : f32 to vector<16xf32>
        %mul3A_594 = arith.mulf %mul3A_593, %sub3A_592 : vector<16xf32>
        %add3A_595 = arith.addf %add3A_591, %mul3A_594 : vector<16xf32>
        %slice3A_596 = vector.extract_strided_slice %min3A_75 {offsets = [4], sizes = [1], strides = [1]} : vector<16xi32> to vector<1xi32>
        %squeeze3A_597 = vector.extract %slice3A_596[0] : i32 from vector<1xi32>
        %slice3A_598 = vector.extract_strided_slice %sub3A {offsets = [4], sizes = [1], strides = [1]} : vector<16xf32> to vector<1xf32>
        %squeeze3A_599 = vector.extract %slice3A_598[0] : f32 from vector<1xf32>
        %add3A_600 = arith.constant 128 : i32
        %add3A_601 = arith.addi %add3A_600, %squeeze3A_597 : i32
        %shift_right_arithmetic3A_602 = arith.constant 2 : i32
        %shift_right_arithmetic3A_603 = arith.shrsi %add3A_601, %shift_right_arithmetic3A_602 : i32
        %and3A_604 = arith.constant 3 : i32
        %and3A_605 = arith.andi %add3A_601, %and3A_604 : i32
        %mul3A_606 = arith.constant 32 : i32
        %mul3A_607 = arith.muli %and3A_605, %mul3A_606 : i32
        %get3A_608 = arith.index_cast %shift_right_arithmetic3A_603 : i32 to index
        %get3A_609 = arith.index_cast %mul3A_607 : i32 to index
        %get3A_610 = tpu.vector_load %arg7[%get3A_608, %get3A_609] {strides = array<i32>} : memref<128x128xi32, #tpu.memory_space<vmem>>, vector<1x16xi32>,
        %get3A_611 = vector.shape_cast %get3A_610 : vector<1x16xi32> to vector<16xi32>
        %add3A_612 = arith.constant 16 : i32
        %add3A_613 = arith.addi %mul3A_607, %add3A_612 : i32
        %get3A_614 = arith.index_cast %shift_right_arithmetic3A_603 : i32 to index
        %get3A_615 = arith.index_cast %add3A_613 : i32 to index
        %get3A_616 = tpu.vector_load %arg7[%get3A_614, %get3A_615] {strides = array<i32>} : memref<128x128xi32, #tpu.memory_space<vmem>>, vector<1x16xi32>,
        %get3A_617 = vector.shape_cast %get3A_616 : vector<1x16xi32> to vector<16xi32>
        %add3A_618 = arith.constant 32 : i32
        %add3A_619 = arith.addi %mul3A_607, %add3A_618 : i32
        %jit3A_620 = arith.constant 128 : i32
        %div3A_621 = arith.divsi %add3A_619, %jit3A_620 : i32
        %sign3A_622 = arith.constant 0 : i32
        %sign3A_623 = arith.cmpi sgt, %add3A_619, %sign3A_622 : i32
        %sign3A_624 = arith.extui %sign3A_623 : i1 to i32
        %sign3A_625 = arith.constant 0 : i32
        %sign3A_626 = arith.cmpi slt, %add3A_619, %sign3A_625 : i32
        %sign3A_627 = arith.extui %sign3A_626 : i1 to i32
        %sign3A_628 = arith.subi %sign3A_624, %sign3A_627 : i32
        %sign3A_629 = arith.constant 0 : i32
        %sign3A_630 = arith.cmpi sgt, %jit3A_620, %sign3A_629 : i32
        %sign3A_631 = arith.extui %sign3A_630 : i1 to i32
        %sign3A_632 = arith.constant 0 : i32
        %sign3A_633 = arith.cmpi slt, %jit3A_620, %sign3A_632 : i32
        %sign3A_634 = arith.extui %sign3A_633 : i1 to i32
        %sign3A_635 = arith.subi %sign3A_631, %sign3A_634 : i32
        %ne3A_636 = arith.cmpi ne, %sign3A_628, %sign3A_635 : i32
        %rem3A_637 = arith.remsi %add3A_619, %jit3A_620 : i32
        %ne3A_638 = arith.constant 0 : i32
        %ne3A_639 = arith.cmpi ne, %rem3A_637, %ne3A_638 : i32
        %and3A_640 = arith.andi %ne3A_636, %ne3A_639 : i1
        %sub3A_641 = arith.constant 1 : i32
        %sub3A_642 = arith.subi %div3A_621, %sub3A_641 : i32
        %select_n3A_643 = arith.select %and3A_640, %sub3A_642, %div3A_621 : i32
        %add3A_644 = arith.addi %shift_right_arithmetic3A_603, %select_n3A_643 : i32
        %add3A_645 = arith.constant 32 : i32
        %add3A_646 = arith.addi %mul3A_607, %add3A_645 : i32
        %jit3A_647 = arith.constant 128 : i32
        %eq3A_648 = arith.constant 0 : i32
        %eq3A_649 = arith.cmpi eq, %jit3A_647, %eq3A_648 : i32
        %jit3A_650 = arith.constant 1 : i32
        %select_n3A_651 = arith.select %eq3A_649, %jit3A_650, %jit3A_647 : i32
        %rem3A_652 = arith.remsi %add3A_646, %select_n3A_651 : i32
        %ne3A_653 = arith.constant 0 : i32
        %ne3A_654 = arith.cmpi ne, %rem3A_652, %ne3A_653 : i32
        %lt3A_655 = arith.constant 0 : i32
        %lt3A_656 = arith.cmpi slt, %rem3A_652, %lt3A_655 : i32
        %lt3A_657 = arith.constant 0 : i32
        %lt3A_658 = arith.cmpi slt, %select_n3A_651, %lt3A_657 : i32
        %ne3A_659 = arith.xori %lt3A_656, %lt3A_658 : i1
        %and3A_660 = arith.andi %ne3A_659, %ne3A_654 : i1
        %add3A_661 = arith.addi %rem3A_652, %select_n3A_651 : i32
        %select_n3A_662 = arith.select %and3A_660, %add3A_661, %rem3A_652 : i32
        %get3A_663 = arith.index_cast %add3A_644 : i32 to index
        %get3A_664 = arith.index_cast %select_n3A_662 : i32 to index
        %get3A_665 = tpu.vector_load %arg7[%get3A_663, %get3A_664] {strides = array<i32>} : memref<128x128xi32, #tpu.memory_space<vmem>>, vector<1x16xi32>,
        %get3A_666 = vector.shape_cast %get3A_665 : vector<1x16xi32> to vector<16xi32>
        %add3A_667 = arith.constant 16 : i32
        %add3A_668 = arith.addi %select_n3A_662, %add3A_667 : i32
        %get3A_669 = arith.index_cast %add3A_644 : i32 to index
        %get3A_670 = arith.index_cast %add3A_668 : i32 to index
        %get3A_671 = tpu.vector_load %arg7[%get3A_669, %get3A_670] {strides = array<i32>} : memref<128x128xi32, #tpu.memory_space<vmem>>, vector<1x16xi32>,
        %get3A_672 = vector.shape_cast %get3A_671 : vector<1x16xi32> to vector<16xi32>
        %shift_left3A_673 = arith.constant 16 : i32
        %shift_left3A_674 = vector.broadcast %shift_left3A_673 : i32 to vector<16xi32>
        %shift_left3A_675 = arith.shli %get3A_611, %shift_left3A_674 : vector<16xi32>
        %bitcast_convert_type3A_676 = tpu.bitcast %shift_left3A_675 : vector<16xi32> -> vector<16xf32>
        %and3A_677 = arith.constant -65536 : i32
        %and3A_678 = vector.broadcast %and3A_677 : i32 to vector<16xi32>
        %and3A_679 = arith.andi %get3A_611, %and3A_678 : vector<16xi32>
        %bitcast_convert_type3A_680 = tpu.bitcast %and3A_679 : vector<16xi32> -> vector<16xf32>
        %shift_left3A_681 = arith.constant 16 : i32
        %shift_left3A_682 = vector.broadcast %shift_left3A_681 : i32 to vector<16xi32>
        %shift_left3A_683 = arith.shli %get3A_617, %shift_left3A_682 : vector<16xi32>
        %bitcast_convert_type3A_684 = tpu.bitcast %shift_left3A_683 : vector<16xi32> -> vector<16xf32>
        %and3A_685 = arith.constant -65536 : i32
        %and3A_686 = vector.broadcast %and3A_685 : i32 to vector<16xi32>
        %and3A_687 = arith.andi %get3A_617, %and3A_686 : vector<16xi32>
        %bitcast_convert_type3A_688 = tpu.bitcast %and3A_687 : vector<16xi32> -> vector<16xf32>
        %shift_left3A_689 = arith.constant 16 : i32
        %shift_left3A_690 = vector.broadcast %shift_left3A_689 : i32 to vector<16xi32>
        %shift_left3A_691 = arith.shli %get3A_666, %shift_left3A_690 : vector<16xi32>
        %bitcast_convert_type3A_692 = tpu.bitcast %shift_left3A_691 : vector<16xi32> -> vector<16xf32>
        %and3A_693 = arith.constant -65536 : i32
        %and3A_694 = vector.broadcast %and3A_693 : i32 to vector<16xi32>
        %and3A_695 = arith.andi %get3A_666, %and3A_694 : vector<16xi32>
        %bitcast_convert_type3A_696 = tpu.bitcast %and3A_695 : vector<16xi32> -> vector<16xf32>
        %shift_left3A_697 = arith.constant 16 : i32
        %shift_left3A_698 = vector.broadcast %shift_left3A_697 : i32 to vector<16xi32>
        %shift_left3A_699 = arith.shli %get3A_672, %shift_left3A_698 : vector<16xi32>
        %bitcast_convert_type3A_700 = tpu.bitcast %shift_left3A_699 : vector<16xi32> -> vector<16xf32>
        %and3A_701 = arith.constant -65536 : i32
        %and3A_702 = vector.broadcast %and3A_701 : i32 to vector<16xi32>
        %and3A_703 = arith.andi %get3A_672, %and3A_702 : vector<16xi32>
        %bitcast_convert_type3A_704 = tpu.bitcast %and3A_703 : vector<16xi32> -> vector<16xf32>
        %add3A_705 = arith.addf %add3A_580, %bitcast_convert_type3A_676 : vector<16xf32>
        %sub3A_706 = arith.subf %bitcast_convert_type3A_692, %bitcast_convert_type3A_676 : vector<16xf32>
        %mul3A_707 = vector.broadcast %squeeze3A_599 : f32 to vector<16xf32>
        %mul3A_708 = arith.mulf %mul3A_707, %sub3A_706 : vector<16xf32>
        %add3A_709 = arith.addf %add3A_705, %mul3A_708 : vector<16xf32>
        %add3A_710 = arith.addf %add3A_585, %bitcast_convert_type3A_680 : vector<16xf32>
        %sub3A_711 = arith.subf %bitcast_convert_type3A_696, %bitcast_convert_type3A_680 : vector<16xf32>
        %mul3A_712 = vector.broadcast %squeeze3A_599 : f32 to vector<16xf32>
        %mul3A_713 = arith.mulf %mul3A_712, %sub3A_711 : vector<16xf32>
        %add3A_714 = arith.addf %add3A_710, %mul3A_713 : vector<16xf32>
        %add3A_715 = arith.addf %add3A_590, %bitcast_convert_type3A_684 : vector<16xf32>
        %sub3A_716 = arith.subf %bitcast_convert_type3A_700, %bitcast_convert_type3A_684 : vector<16xf32>
        %mul3A_717 = vector.broadcast %squeeze3A_599 : f32 to vector<16xf32>
        %mul3A_718 = arith.mulf %mul3A_717, %sub3A_716 : vector<16xf32>
        %add3A_719 = arith.addf %add3A_715, %mul3A_718 : vector<16xf32>
        %add3A_720 = arith.addf %add3A_595, %bitcast_convert_type3A_688 : vector<16xf32>
        %sub3A_721 = arith.subf %bitcast_convert_type3A_704, %bitcast_convert_type3A_688 : vector<16xf32>
        %mul3A_722 = vector.broadcast %squeeze3A_599 : f32 to vector<16xf32>
        %mul3A_723 = arith.mulf %mul3A_722, %sub3A_721 : vector<16xf32>
        %add3A_724 = arith.addf %add3A_720, %mul3A_723 : vector<16xf32>
        %slice3A_725 = vector.extract_strided_slice %min3A_75 {offsets = [5], sizes = [1], strides = [1]} : vector<16xi32> to vector<1xi32>
        %squeeze3A_726 = vector.extract %slice3A_725[0] : i32 from vector<1xi32>
        %slice3A_727 = vector.extract_strided_slice %sub3A {offsets = [5], sizes = [1], strides = [1]} : vector<16xf32> to vector<1xf32>
        %squeeze3A_728 = vector.extract %slice3A_727[0] : f32 from vector<1xf32>
        %add3A_729 = arith.constant 160 : i32
        %add3A_730 = arith.addi %add3A_729, %squeeze3A_726 : i32
        %shift_right_arithmetic3A_731 = arith.constant 2 : i32
        %shift_right_arithmetic3A_732 = arith.shrsi %add3A_730, %shift_right_arithmetic3A_731 : i32
        %and3A_733 = arith.constant 3 : i32
        %and3A_734 = arith.andi %add3A_730, %and3A_733 : i32
        %mul3A_735 = arith.constant 32 : i32
        %mul3A_736 = arith.muli %and3A_734, %mul3A_735 : i32
        %get3A_737 = arith.index_cast %shift_right_arithmetic3A_732 : i32 to index
        %get3A_738 = arith.index_cast %mul3A_736 : i32 to index
        %get3A_739 = tpu.vector_load %arg7[%get3A_737, %get3A_738] {strides = array<i32>} : memref<128x128xi32, #tpu.memory_space<vmem>>, vector<1x16xi32>,
        %get3A_740 = vector.shape_cast %get3A_739 : vector<1x16xi32> to vector<16xi32>
        %add3A_741 = arith.constant 16 : i32
        %add3A_742 = arith.addi %mul3A_736, %add3A_741 : i32
        %get3A_743 = arith.index_cast %shift_right_arithmetic3A_732 : i32 to index
        %get3A_744 = arith.index_cast %add3A_742 : i32 to index
        %get3A_745 = tpu.vector_load %arg7[%get3A_743, %get3A_744] {strides = array<i32>} : memref<128x128xi32, #tpu.memory_space<vmem>>, vector<1x16xi32>,
        %get3A_746 = vector.shape_cast %get3A_745 : vector<1x16xi32> to vector<16xi32>
        %add3A_747 = arith.constant 32 : i32
        %add3A_748 = arith.addi %mul3A_736, %add3A_747 : i32
        %jit3A_749 = arith.constant 128 : i32
        %div3A_750 = arith.divsi %add3A_748, %jit3A_749 : i32
        %sign3A_751 = arith.constant 0 : i32
        %sign3A_752 = arith.cmpi sgt, %add3A_748, %sign3A_751 : i32
        %sign3A_753 = arith.extui %sign3A_752 : i1 to i32
        %sign3A_754 = arith.constant 0 : i32
        %sign3A_755 = arith.cmpi slt, %add3A_748, %sign3A_754 : i32
        %sign3A_756 = arith.extui %sign3A_755 : i1 to i32
        %sign3A_757 = arith.subi %sign3A_753, %sign3A_756 : i32
        %sign3A_758 = arith.constant 0 : i32
        %sign3A_759 = arith.cmpi sgt, %jit3A_749, %sign3A_758 : i32
        %sign3A_760 = arith.extui %sign3A_759 : i1 to i32
        %sign3A_761 = arith.constant 0 : i32
        %sign3A_762 = arith.cmpi slt, %jit3A_749, %sign3A_761 : i32
        %sign3A_763 = arith.extui %sign3A_762 : i1 to i32
        %sign3A_764 = arith.subi %sign3A_760, %sign3A_763 : i32
        %ne3A_765 = arith.cmpi ne, %sign3A_757, %sign3A_764 : i32
        %rem3A_766 = arith.remsi %add3A_748, %jit3A_749 : i32
        %ne3A_767 = arith.constant 0 : i32
        %ne3A_768 = arith.cmpi ne, %rem3A_766, %ne3A_767 : i32
        %and3A_769 = arith.andi %ne3A_765, %ne3A_768 : i1
        %sub3A_770 = arith.constant 1 : i32
        %sub3A_771 = arith.subi %div3A_750, %sub3A_770 : i32
        %select_n3A_772 = arith.select %and3A_769, %sub3A_771, %div3A_750 : i32
        %add3A_773 = arith.addi %shift_right_arithmetic3A_732, %select_n3A_772 : i32
        %add3A_774 = arith.constant 32 : i32
        %add3A_775 = arith.addi %mul3A_736, %add3A_774 : i32
        %jit3A_776 = arith.constant 128 : i32
        %eq3A_777 = arith.constant 0 : i32
        %eq3A_778 = arith.cmpi eq, %jit3A_776, %eq3A_777 : i32
        %jit3A_779 = arith.constant 1 : i32
        %select_n3A_780 = arith.select %eq3A_778, %jit3A_779, %jit3A_776 : i32
        %rem3A_781 = arith.remsi %add3A_775, %select_n3A_780 : i32
        %ne3A_782 = arith.constant 0 : i32
        %ne3A_783 = arith.cmpi ne, %rem3A_781, %ne3A_782 : i32
        %lt3A_784 = arith.constant 0 : i32
        %lt3A_785 = arith.cmpi slt, %rem3A_781, %lt3A_784 : i32
        %lt3A_786 = arith.constant 0 : i32
        %lt3A_787 = arith.cmpi slt, %select_n3A_780, %lt3A_786 : i32
        %ne3A_788 = arith.xori %lt3A_785, %lt3A_787 : i1
        %and3A_789 = arith.andi %ne3A_788, %ne3A_783 : i1
        %add3A_790 = arith.addi %rem3A_781, %select_n3A_780 : i32
        %select_n3A_791 = arith.select %and3A_789, %add3A_790, %rem3A_781 : i32
        %get3A_792 = arith.index_cast %add3A_773 : i32 to index
        %get3A_793 = arith.index_cast %select_n3A_791 : i32 to index
        %get3A_794 = tpu.vector_load %arg7[%get3A_792, %get3A_793] {strides = array<i32>} : memref<128x128xi32, #tpu.memory_space<vmem>>, vector<1x16xi32>,
        %get3A_795 = vector.shape_cast %get3A_794 : vector<1x16xi32> to vector<16xi32>
        %add3A_796 = arith.constant 16 : i32
        %add3A_797 = arith.addi %select_n3A_791, %add3A_796 : i32
        %get3A_798 = arith.index_cast %add3A_773 : i32 to index
        %get3A_799 = arith.index_cast %add3A_797 : i32 to index
        %get3A_800 = tpu.vector_load %arg7[%get3A_798, %get3A_799] {strides = array<i32>} : memref<128x128xi32, #tpu.memory_space<vmem>>, vector<1x16xi32>,
        %get3A_801 = vector.shape_cast %get3A_800 : vector<1x16xi32> to vector<16xi32>
        %shift_left3A_802 = arith.constant 16 : i32
        %shift_left3A_803 = vector.broadcast %shift_left3A_802 : i32 to vector<16xi32>
        %shift_left3A_804 = arith.shli %get3A_740, %shift_left3A_803 : vector<16xi32>
        %bitcast_convert_type3A_805 = tpu.bitcast %shift_left3A_804 : vector<16xi32> -> vector<16xf32>
        %and3A_806 = arith.constant -65536 : i32
        %and3A_807 = vector.broadcast %and3A_806 : i32 to vector<16xi32>
        %and3A_808 = arith.andi %get3A_740, %and3A_807 : vector<16xi32>
        %bitcast_convert_type3A_809 = tpu.bitcast %and3A_808 : vector<16xi32> -> vector<16xf32>
        %shift_left3A_810 = arith.constant 16 : i32
        %shift_left3A_811 = vector.broadcast %shift_left3A_810 : i32 to vector<16xi32>
        %shift_left3A_812 = arith.shli %get3A_746, %shift_left3A_811 : vector<16xi32>
        %bitcast_convert_type3A_813 = tpu.bitcast %shift_left3A_812 : vector<16xi32> -> vector<16xf32>
        %and3A_814 = arith.constant -65536 : i32
        %and3A_815 = vector.broadcast %and3A_814 : i32 to vector<16xi32>
        %and3A_816 = arith.andi %get3A_746, %and3A_815 : vector<16xi32>
        %bitcast_convert_type3A_817 = tpu.bitcast %and3A_816 : vector<16xi32> -> vector<16xf32>
        %shift_left3A_818 = arith.constant 16 : i32
        %shift_left3A_819 = vector.broadcast %shift_left3A_818 : i32 to vector<16xi32>
        %shift_left3A_820 = arith.shli %get3A_795, %shift_left3A_819 : vector<16xi32>
        %bitcast_convert_type3A_821 = tpu.bitcast %shift_left3A_820 : vector<16xi32> -> vector<16xf32>
        %and3A_822 = arith.constant -65536 : i32
        %and3A_823 = vector.broadcast %and3A_822 : i32 to vector<16xi32>
        %and3A_824 = arith.andi %get3A_795, %and3A_823 : vector<16xi32>
        %bitcast_convert_type3A_825 = tpu.bitcast %and3A_824 : vector<16xi32> -> vector<16xf32>
        %shift_left3A_826 = arith.constant 16 : i32
        %shift_left3A_827 = vector.broadcast %shift_left3A_826 : i32 to vector<16xi32>
        %shift_left3A_828 = arith.shli %get3A_801, %shift_left3A_827 : vector<16xi32>
        %bitcast_convert_type3A_829 = tpu.bitcast %shift_left3A_828 : vector<16xi32> -> vector<16xf32>
        %and3A_830 = arith.constant -65536 : i32
        %and3A_831 = vector.broadcast %and3A_830 : i32 to vector<16xi32>
        %and3A_832 = arith.andi %get3A_801, %and3A_831 : vector<16xi32>
        %bitcast_convert_type3A_833 = tpu.bitcast %and3A_832 : vector<16xi32> -> vector<16xf32>
        %add3A_834 = arith.addf %add3A_709, %bitcast_convert_type3A_805 : vector<16xf32>
        %sub3A_835 = arith.subf %bitcast_convert_type3A_821, %bitcast_convert_type3A_805 : vector<16xf32>
        %mul3A_836 = vector.broadcast %squeeze3A_728 : f32 to vector<16xf32>
        %mul3A_837 = arith.mulf %mul3A_836, %sub3A_835 : vector<16xf32>
        %add3A_838 = arith.addf %add3A_834, %mul3A_837 : vector<16xf32>
        %add3A_839 = arith.addf %add3A_714, %bitcast_convert_type3A_809 : vector<16xf32>
        %sub3A_840 = arith.subf %bitcast_convert_type3A_825, %bitcast_convert_type3A_809 : vector<16xf32>
        %mul3A_841 = vector.broadcast %squeeze3A_728 : f32 to vector<16xf32>
        %mul3A_842 = arith.mulf %mul3A_841, %sub3A_840 : vector<16xf32>
        %add3A_843 = arith.addf %add3A_839, %mul3A_842 : vector<16xf32>
        %add3A_844 = arith.addf %add3A_719, %bitcast_convert_type3A_813 : vector<16xf32>
        %sub3A_845 = arith.subf %bitcast_convert_type3A_829, %bitcast_convert_type3A_813 : vector<16xf32>
        %mul3A_846 = vector.broadcast %squeeze3A_728 : f32 to vector<16xf32>
        %mul3A_847 = arith.mulf %mul3A_846, %sub3A_845 : vector<16xf32>
        %add3A_848 = arith.addf %add3A_844, %mul3A_847 : vector<16xf32>
        %add3A_849 = arith.addf %add3A_724, %bitcast_convert_type3A_817 : vector<16xf32>
        %sub3A_850 = arith.subf %bitcast_convert_type3A_833, %bitcast_convert_type3A_817 : vector<16xf32>
        %mul3A_851 = vector.broadcast %squeeze3A_728 : f32 to vector<16xf32>
        %mul3A_852 = arith.mulf %mul3A_851, %sub3A_850 : vector<16xf32>
        %add3A_853 = arith.addf %add3A_849, %mul3A_852 : vector<16xf32>
        %slice3A_854 = vector.extract_strided_slice %min3A_75 {offsets = [6], sizes = [1], strides = [1]} : vector<16xi32> to vector<1xi32>
        %squeeze3A_855 = vector.extract %slice3A_854[0] : i32 from vector<1xi32>
        %slice3A_856 = vector.extract_strided_slice %sub3A {offsets = [6], sizes = [1], strides = [1]} : vector<16xf32> to vector<1xf32>
        %squeeze3A_857 = vector.extract %slice3A_856[0] : f32 from vector<1xf32>
        %add3A_858 = arith.constant 192 : i32
        %add3A_859 = arith.addi %add3A_858, %squeeze3A_855 : i32
        %shift_right_arithmetic3A_860 = arith.constant 2 : i32
        %shift_right_arithmetic3A_861 = arith.shrsi %add3A_859, %shift_right_arithmetic3A_860 : i32
        %and3A_862 = arith.constant 3 : i32
        %and3A_863 = arith.andi %add3A_859, %and3A_862 : i32
        %mul3A_864 = arith.constant 32 : i32
        %mul3A_865 = arith.muli %and3A_863, %mul3A_864 : i32
        %get3A_866 = arith.index_cast %shift_right_arithmetic3A_861 : i32 to index
        %get3A_867 = arith.index_cast %mul3A_865 : i32 to index
        %get3A_868 = tpu.vector_load %arg7[%get3A_866, %get3A_867] {strides = array<i32>} : memref<128x128xi32, #tpu.memory_space<vmem>>, vector<1x16xi32>,
        %get3A_869 = vector.shape_cast %get3A_868 : vector<1x16xi32> to vector<16xi32>
        %add3A_870 = arith.constant 16 : i32
        %add3A_871 = arith.addi %mul3A_865, %add3A_870 : i32
        %get3A_872 = arith.index_cast %shift_right_arithmetic3A_861 : i32 to index
        %get3A_873 = arith.index_cast %add3A_871 : i32 to index
        %get3A_874 = tpu.vector_load %arg7[%get3A_872, %get3A_873] {strides = array<i32>} : memref<128x128xi32, #tpu.memory_space<vmem>>, vector<1x16xi32>,
        %get3A_875 = vector.shape_cast %get3A_874 : vector<1x16xi32> to vector<16xi32>
        %add3A_876 = arith.constant 32 : i32
        %add3A_877 = arith.addi %mul3A_865, %add3A_876 : i32
        %jit3A_878 = arith.constant 128 : i32
        %div3A_879 = arith.divsi %add3A_877, %jit3A_878 : i32
        %sign3A_880 = arith.constant 0 : i32
        %sign3A_881 = arith.cmpi sgt, %add3A_877, %sign3A_880 : i32
        %sign3A_882 = arith.extui %sign3A_881 : i1 to i32
        %sign3A_883 = arith.constant 0 : i32
        %sign3A_884 = arith.cmpi slt, %add3A_877, %sign3A_883 : i32
        %sign3A_885 = arith.extui %sign3A_884 : i1 to i32
        %sign3A_886 = arith.subi %sign3A_882, %sign3A_885 : i32
        %sign3A_887 = arith.constant 0 : i32
        %sign3A_888 = arith.cmpi sgt, %jit3A_878, %sign3A_887 : i32
        %sign3A_889 = arith.extui %sign3A_888 : i1 to i32
        %sign3A_890 = arith.constant 0 : i32
        %sign3A_891 = arith.cmpi slt, %jit3A_878, %sign3A_890 : i32
        %sign3A_892 = arith.extui %sign3A_891 : i1 to i32
        %sign3A_893 = arith.subi %sign3A_889, %sign3A_892 : i32
        %ne3A_894 = arith.cmpi ne, %sign3A_886, %sign3A_893 : i32
        %rem3A_895 = arith.remsi %add3A_877, %jit3A_878 : i32
        %ne3A_896 = arith.constant 0 : i32
        %ne3A_897 = arith.cmpi ne, %rem3A_895, %ne3A_896 : i32
        %and3A_898 = arith.andi %ne3A_894, %ne3A_897 : i1
        %sub3A_899 = arith.constant 1 : i32
        %sub3A_900 = arith.subi %div3A_879, %sub3A_899 : i32
        %select_n3A_901 = arith.select %and3A_898, %sub3A_900, %div3A_879 : i32
        %add3A_902 = arith.addi %shift_right_arithmetic3A_861, %select_n3A_901 : i32
        %add3A_903 = arith.constant 32 : i32
        %add3A_904 = arith.addi %mul3A_865, %add3A_903 : i32
        %jit3A_905 = arith.constant 128 : i32
        %eq3A_906 = arith.constant 0 : i32
        %eq3A_907 = arith.cmpi eq, %jit3A_905, %eq3A_906 : i32
        %jit3A_908 = arith.constant 1 : i32
        %select_n3A_909 = arith.select %eq3A_907, %jit3A_908, %jit3A_905 : i32
        %rem3A_910 = arith.remsi %add3A_904, %select_n3A_909 : i32
        %ne3A_911 = arith.constant 0 : i32
        %ne3A_912 = arith.cmpi ne, %rem3A_910, %ne3A_911 : i32
        %lt3A_913 = arith.constant 0 : i32
        %lt3A_914 = arith.cmpi slt, %rem3A_910, %lt3A_913 : i32
        %lt3A_915 = arith.constant 0 : i32
        %lt3A_916 = arith.cmpi slt, %select_n3A_909, %lt3A_915 : i32
        %ne3A_917 = arith.xori %lt3A_914, %lt3A_916 : i1
        %and3A_918 = arith.andi %ne3A_917, %ne3A_912 : i1
        %add3A_919 = arith.addi %rem3A_910, %select_n3A_909 : i32
        %select_n3A_920 = arith.select %and3A_918, %add3A_919, %rem3A_910 : i32
        %get3A_921 = arith.index_cast %add3A_902 : i32 to index
        %get3A_922 = arith.index_cast %select_n3A_920 : i32 to index
        %get3A_923 = tpu.vector_load %arg7[%get3A_921, %get3A_922] {strides = array<i32>} : memref<128x128xi32, #tpu.memory_space<vmem>>, vector<1x16xi32>,
        %get3A_924 = vector.shape_cast %get3A_923 : vector<1x16xi32> to vector<16xi32>
        %add3A_925 = arith.constant 16 : i32
        %add3A_926 = arith.addi %select_n3A_920, %add3A_925 : i32
        %get3A_927 = arith.index_cast %add3A_902 : i32 to index
        %get3A_928 = arith.index_cast %add3A_926 : i32 to index
        %get3A_929 = tpu.vector_load %arg7[%get3A_927, %get3A_928] {strides = array<i32>} : memref<128x128xi32, #tpu.memory_space<vmem>>, vector<1x16xi32>,
        %get3A_930 = vector.shape_cast %get3A_929 : vector<1x16xi32> to vector<16xi32>
        %shift_left3A_931 = arith.constant 16 : i32
        %shift_left3A_932 = vector.broadcast %shift_left3A_931 : i32 to vector<16xi32>
        %shift_left3A_933 = arith.shli %get3A_869, %shift_left3A_932 : vector<16xi32>
        %bitcast_convert_type3A_934 = tpu.bitcast %shift_left3A_933 : vector<16xi32> -> vector<16xf32>
        %and3A_935 = arith.constant -65536 : i32
        %and3A_936 = vector.broadcast %and3A_935 : i32 to vector<16xi32>
        %and3A_937 = arith.andi %get3A_869, %and3A_936 : vector<16xi32>
        %bitcast_convert_type3A_938 = tpu.bitcast %and3A_937 : vector<16xi32> -> vector<16xf32>
        %shift_left3A_939 = arith.constant 16 : i32
        %shift_left3A_940 = vector.broadcast %shift_left3A_939 : i32 to vector<16xi32>
        %shift_left3A_941 = arith.shli %get3A_875, %shift_left3A_940 : vector<16xi32>
        %bitcast_convert_type3A_942 = tpu.bitcast %shift_left3A_941 : vector<16xi32> -> vector<16xf32>
        %and3A_943 = arith.constant -65536 : i32
        %and3A_944 = vector.broadcast %and3A_943 : i32 to vector<16xi32>
        %and3A_945 = arith.andi %get3A_875, %and3A_944 : vector<16xi32>
        %bitcast_convert_type3A_946 = tpu.bitcast %and3A_945 : vector<16xi32> -> vector<16xf32>
        %shift_left3A_947 = arith.constant 16 : i32
        %shift_left3A_948 = vector.broadcast %shift_left3A_947 : i32 to vector<16xi32>
        %shift_left3A_949 = arith.shli %get3A_924, %shift_left3A_948 : vector<16xi32>
        %bitcast_convert_type3A_950 = tpu.bitcast %shift_left3A_949 : vector<16xi32> -> vector<16xf32>
        %and3A_951 = arith.constant -65536 : i32
        %and3A_952 = vector.broadcast %and3A_951 : i32 to vector<16xi32>
        %and3A_953 = arith.andi %get3A_924, %and3A_952 : vector<16xi32>
        %bitcast_convert_type3A_954 = tpu.bitcast %and3A_953 : vector<16xi32> -> vector<16xf32>
        %shift_left3A_955 = arith.constant 16 : i32
        %shift_left3A_956 = vector.broadcast %shift_left3A_955 : i32 to vector<16xi32>
        %shift_left3A_957 = arith.shli %get3A_930, %shift_left3A_956 : vector<16xi32>
        %bitcast_convert_type3A_958 = tpu.bitcast %shift_left3A_957 : vector<16xi32> -> vector<16xf32>
        %and3A_959 = arith.constant -65536 : i32
        %and3A_960 = vector.broadcast %and3A_959 : i32 to vector<16xi32>
        %and3A_961 = arith.andi %get3A_930, %and3A_960 : vector<16xi32>
        %bitcast_convert_type3A_962 = tpu.bitcast %and3A_961 : vector<16xi32> -> vector<16xf32>
        %add3A_963 = arith.addf %add3A_838, %bitcast_convert_type3A_934 : vector<16xf32>
        %sub3A_964 = arith.subf %bitcast_convert_type3A_950, %bitcast_convert_type3A_934 : vector<16xf32>
        %mul3A_965 = vector.broadcast %squeeze3A_857 : f32 to vector<16xf32>
        %mul3A_966 = arith.mulf %mul3A_965, %sub3A_964 : vector<16xf32>
        %add3A_967 = arith.addf %add3A_963, %mul3A_966 : vector<16xf32>
        %add3A_968 = arith.addf %add3A_843, %bitcast_convert_type3A_938 : vector<16xf32>
        %sub3A_969 = arith.subf %bitcast_convert_type3A_954, %bitcast_convert_type3A_938 : vector<16xf32>
        %mul3A_970 = vector.broadcast %squeeze3A_857 : f32 to vector<16xf32>
        %mul3A_971 = arith.mulf %mul3A_970, %sub3A_969 : vector<16xf32>
        %add3A_972 = arith.addf %add3A_968, %mul3A_971 : vector<16xf32>
        %add3A_973 = arith.addf %add3A_848, %bitcast_convert_type3A_942 : vector<16xf32>
        %sub3A_974 = arith.subf %bitcast_convert_type3A_958, %bitcast_convert_type3A_942 : vector<16xf32>
        %mul3A_975 = vector.broadcast %squeeze3A_857 : f32 to vector<16xf32>
        %mul3A_976 = arith.mulf %mul3A_975, %sub3A_974 : vector<16xf32>
        %add3A_977 = arith.addf %add3A_973, %mul3A_976 : vector<16xf32>
        %add3A_978 = arith.addf %add3A_853, %bitcast_convert_type3A_946 : vector<16xf32>
        %sub3A_979 = arith.subf %bitcast_convert_type3A_962, %bitcast_convert_type3A_946 : vector<16xf32>
        %mul3A_980 = vector.broadcast %squeeze3A_857 : f32 to vector<16xf32>
        %mul3A_981 = arith.mulf %mul3A_980, %sub3A_979 : vector<16xf32>
        %add3A_982 = arith.addf %add3A_978, %mul3A_981 : vector<16xf32>
        %slice3A_983 = vector.extract_strided_slice %min3A_75 {offsets = [7], sizes = [1], strides = [1]} : vector<16xi32> to vector<1xi32>
        %squeeze3A_984 = vector.extract %slice3A_983[0] : i32 from vector<1xi32>
        %slice3A_985 = vector.extract_strided_slice %sub3A {offsets = [7], sizes = [1], strides = [1]} : vector<16xf32> to vector<1xf32>
        %squeeze3A_986 = vector.extract %slice3A_985[0] : f32 from vector<1xf32>
        %add3A_987 = arith.constant 224 : i32
        %add3A_988 = arith.addi %add3A_987, %squeeze3A_984 : i32
        %shift_right_arithmetic3A_989 = arith.constant 2 : i32
        %shift_right_arithmetic3A_990 = arith.shrsi %add3A_988, %shift_right_arithmetic3A_989 : i32
        %and3A_991 = arith.constant 3 : i32
        %and3A_992 = arith.andi %add3A_988, %and3A_991 : i32
        %mul3A_993 = arith.constant 32 : i32
        %mul3A_994 = arith.muli %and3A_992, %mul3A_993 : i32
        %get3A_995 = arith.index_cast %shift_right_arithmetic3A_990 : i32 to index
        %get3A_996 = arith.index_cast %mul3A_994 : i32 to index
        %get3A_997 = tpu.vector_load %arg7[%get3A_995, %get3A_996] {strides = array<i32>} : memref<128x128xi32, #tpu.memory_space<vmem>>, vector<1x16xi32>,
        %get3A_998 = vector.shape_cast %get3A_997 : vector<1x16xi32> to vector<16xi32>
        %add3A_999 = arith.constant 16 : i32
        %add3A_1000 = arith.addi %mul3A_994, %add3A_999 : i32
        %get3A_1001 = arith.index_cast %shift_right_arithmetic3A_990 : i32 to index
        %get3A_1002 = arith.index_cast %add3A_1000 : i32 to index
        %get3A_1003 = tpu.vector_load %arg7[%get3A_1001, %get3A_1002] {strides = array<i32>} : memref<128x128xi32, #tpu.memory_space<vmem>>, vector<1x16xi32>,
        %get3A_1004 = vector.shape_cast %get3A_1003 : vector<1x16xi32> to vector<16xi32>
        %add3A_1005 = arith.constant 32 : i32
        %add3A_1006 = arith.addi %mul3A_994, %add3A_1005 : i32
        %jit3A_1007 = arith.constant 128 : i32
        %div3A_1008 = arith.divsi %add3A_1006, %jit3A_1007 : i32
        %sign3A_1009 = arith.constant 0 : i32
        %sign3A_1010 = arith.cmpi sgt, %add3A_1006, %sign3A_1009 : i32
        %sign3A_1011 = arith.extui %sign3A_1010 : i1 to i32
        %sign3A_1012 = arith.constant 0 : i32
        %sign3A_1013 = arith.cmpi slt, %add3A_1006, %sign3A_1012 : i32
        %sign3A_1014 = arith.extui %sign3A_1013 : i1 to i32
        %sign3A_1015 = arith.subi %sign3A_1011, %sign3A_1014 : i32
        %sign3A_1016 = arith.constant 0 : i32
        %sign3A_1017 = arith.cmpi sgt, %jit3A_1007, %sign3A_1016 : i32
        %sign3A_1018 = arith.extui %sign3A_1017 : i1 to i32
        %sign3A_1019 = arith.constant 0 : i32
        %sign3A_1020 = arith.cmpi slt, %jit3A_1007, %sign3A_1019 : i32
        %sign3A_1021 = arith.extui %sign3A_1020 : i1 to i32
        %sign3A_1022 = arith.subi %sign3A_1018, %sign3A_1021 : i32
        %ne3A_1023 = arith.cmpi ne, %sign3A_1015, %sign3A_1022 : i32
        %rem3A_1024 = arith.remsi %add3A_1006, %jit3A_1007 : i32
        %ne3A_1025 = arith.constant 0 : i32
        %ne3A_1026 = arith.cmpi ne, %rem3A_1024, %ne3A_1025 : i32
        %and3A_1027 = arith.andi %ne3A_1023, %ne3A_1026 : i1
        %sub3A_1028 = arith.constant 1 : i32
        %sub3A_1029 = arith.subi %div3A_1008, %sub3A_1028 : i32
        %select_n3A_1030 = arith.select %and3A_1027, %sub3A_1029, %div3A_1008 : i32
        %add3A_1031 = arith.addi %shift_right_arithmetic3A_990, %select_n3A_1030 : i32
        %add3A_1032 = arith.constant 32 : i32
        %add3A_1033 = arith.addi %mul3A_994, %add3A_1032 : i32
        %jit3A_1034 = arith.constant 128 : i32
        %eq3A_1035 = arith.constant 0 : i32
        %eq3A_1036 = arith.cmpi eq, %jit3A_1034, %eq3A_1035 : i32
        %jit3A_1037 = arith.constant 1 : i32
        %select_n3A_1038 = arith.select %eq3A_1036, %jit3A_1037, %jit3A_1034 : i32
        %rem3A_1039 = arith.remsi %add3A_1033, %select_n3A_1038 : i32
        %ne3A_1040 = arith.constant 0 : i32
        %ne3A_1041 = arith.cmpi ne, %rem3A_1039, %ne3A_1040 : i32
        %lt3A_1042 = arith.constant 0 : i32
        %lt3A_1043 = arith.cmpi slt, %rem3A_1039, %lt3A_1042 : i32
        %lt3A_1044 = arith.constant 0 : i32
        %lt3A_1045 = arith.cmpi slt, %select_n3A_1038, %lt3A_1044 : i32
        %ne3A_1046 = arith.xori %lt3A_1043, %lt3A_1045 : i1
        %and3A_1047 = arith.andi %ne3A_1046, %ne3A_1041 : i1
        %add3A_1048 = arith.addi %rem3A_1039, %select_n3A_1038 : i32
        %select_n3A_1049 = arith.select %and3A_1047, %add3A_1048, %rem3A_1039 : i32
        %get3A_1050 = arith.index_cast %add3A_1031 : i32 to index
        %get3A_1051 = arith.index_cast %select_n3A_1049 : i32 to index
        %get3A_1052 = tpu.vector_load %arg7[%get3A_1050, %get3A_1051] {strides = array<i32>} : memref<128x128xi32, #tpu.memory_space<vmem>>, vector<1x16xi32>,
        %get3A_1053 = vector.shape_cast %get3A_1052 : vector<1x16xi32> to vector<16xi32>
        %add3A_1054 = arith.constant 16 : i32
        %add3A_1055 = arith.addi %select_n3A_1049, %add3A_1054 : i32
        %get3A_1056 = arith.index_cast %add3A_1031 : i32 to index
        %get3A_1057 = arith.index_cast %add3A_1055 : i32 to index
        %get3A_1058 = tpu.vector_load %arg7[%get3A_1056, %get3A_1057] {strides = array<i32>} : memref<128x128xi32, #tpu.memory_space<vmem>>, vector<1x16xi32>,
        %get3A_1059 = vector.shape_cast %get3A_1058 : vector<1x16xi32> to vector<16xi32>
        %shift_left3A_1060 = arith.constant 16 : i32
        %shift_left3A_1061 = vector.broadcast %shift_left3A_1060 : i32 to vector<16xi32>
        %shift_left3A_1062 = arith.shli %get3A_998, %shift_left3A_1061 : vector<16xi32>
        %bitcast_convert_type3A_1063 = tpu.bitcast %shift_left3A_1062 : vector<16xi32> -> vector<16xf32>
        %and3A_1064 = arith.constant -65536 : i32
        %and3A_1065 = vector.broadcast %and3A_1064 : i32 to vector<16xi32>
        %and3A_1066 = arith.andi %get3A_998, %and3A_1065 : vector<16xi32>
        %bitcast_convert_type3A_1067 = tpu.bitcast %and3A_1066 : vector<16xi32> -> vector<16xf32>
        %shift_left3A_1068 = arith.constant 16 : i32
        %shift_left3A_1069 = vector.broadcast %shift_left3A_1068 : i32 to vector<16xi32>
        %shift_left3A_1070 = arith.shli %get3A_1004, %shift_left3A_1069 : vector<16xi32>
        %bitcast_convert_type3A_1071 = tpu.bitcast %shift_left3A_1070 : vector<16xi32> -> vector<16xf32>
        %and3A_1072 = arith.constant -65536 : i32
        %and3A_1073 = vector.broadcast %and3A_1072 : i32 to vector<16xi32>
        %and3A_1074 = arith.andi %get3A_1004, %and3A_1073 : vector<16xi32>
        %bitcast_convert_type3A_1075 = tpu.bitcast %and3A_1074 : vector<16xi32> -> vector<16xf32>
        %shift_left3A_1076 = arith.constant 16 : i32
        %shift_left3A_1077 = vector.broadcast %shift_left3A_1076 : i32 to vector<16xi32>
        %shift_left3A_1078 = arith.shli %get3A_1053, %shift_left3A_1077 : vector<16xi32>
        %bitcast_convert_type3A_1079 = tpu.bitcast %shift_left3A_1078 : vector<16xi32> -> vector<16xf32>
        %and3A_1080 = arith.constant -65536 : i32
        %and3A_1081 = vector.broadcast %and3A_1080 : i32 to vector<16xi32>
        %and3A_1082 = arith.andi %get3A_1053, %and3A_1081 : vector<16xi32>
        %bitcast_convert_type3A_1083 = tpu.bitcast %and3A_1082 : vector<16xi32> -> vector<16xf32>
        %shift_left3A_1084 = arith.constant 16 : i32
        %shift_left3A_1085 = vector.broadcast %shift_left3A_1084 : i32 to vector<16xi32>
        %shift_left3A_1086 = arith.shli %get3A_1059, %shift_left3A_1085 : vector<16xi32>
        %bitcast_convert_type3A_1087 = tpu.bitcast %shift_left3A_1086 : vector<16xi32> -> vector<16xf32>
        %and3A_1088 = arith.constant -65536 : i32
        %and3A_1089 = vector.broadcast %and3A_1088 : i32 to vector<16xi32>
        %and3A_1090 = arith.andi %get3A_1059, %and3A_1089 : vector<16xi32>
        %bitcast_convert_type3A_1091 = tpu.bitcast %and3A_1090 : vector<16xi32> -> vector<16xf32>
        %add3A_1092 = arith.addf %add3A_967, %bitcast_convert_type3A_1063 : vector<16xf32>
        %sub3A_1093 = arith.subf %bitcast_convert_type3A_1079, %bitcast_convert_type3A_1063 : vector<16xf32>
        %mul3A_1094 = vector.broadcast %squeeze3A_986 : f32 to vector<16xf32>
        %mul3A_1095 = arith.mulf %mul3A_1094, %sub3A_1093 : vector<16xf32>
        %add3A_1096 = arith.addf %add3A_1092, %mul3A_1095 : vector<16xf32>
        %add3A_1097 = arith.addf %add3A_972, %bitcast_convert_type3A_1067 : vector<16xf32>
        %sub3A_1098 = arith.subf %bitcast_convert_type3A_1083, %bitcast_convert_type3A_1067 : vector<16xf32>
        %mul3A_1099 = vector.broadcast %squeeze3A_986 : f32 to vector<16xf32>
        %mul3A_1100 = arith.mulf %mul3A_1099, %sub3A_1098 : vector<16xf32>
        %add3A_1101 = arith.addf %add3A_1097, %mul3A_1100 : vector<16xf32>
        %add3A_1102 = arith.addf %add3A_977, %bitcast_convert_type3A_1071 : vector<16xf32>
        %sub3A_1103 = arith.subf %bitcast_convert_type3A_1087, %bitcast_convert_type3A_1071 : vector<16xf32>
        %mul3A_1104 = vector.broadcast %squeeze3A_986 : f32 to vector<16xf32>
        %mul3A_1105 = arith.mulf %mul3A_1104, %sub3A_1103 : vector<16xf32>
        %add3A_1106 = arith.addf %add3A_1102, %mul3A_1105 : vector<16xf32>
        %add3A_1107 = arith.addf %add3A_982, %bitcast_convert_type3A_1075 : vector<16xf32>
        %sub3A_1108 = arith.subf %bitcast_convert_type3A_1091, %bitcast_convert_type3A_1075 : vector<16xf32>
        %mul3A_1109 = vector.broadcast %squeeze3A_986 : f32 to vector<16xf32>
        %mul3A_1110 = arith.mulf %mul3A_1109, %sub3A_1108 : vector<16xf32>
        %add3A_1111 = arith.addf %add3A_1107, %mul3A_1110 : vector<16xf32>
        %slice3A_1112 = vector.extract_strided_slice %min3A_75 {offsets = [8], sizes = [1], strides = [1]} : vector<16xi32> to vector<1xi32>
        %squeeze3A_1113 = vector.extract %slice3A_1112[0] : i32 from vector<1xi32>
        %slice3A_1114 = vector.extract_strided_slice %sub3A {offsets = [8], sizes = [1], strides = [1]} : vector<16xf32> to vector<1xf32>
        %squeeze3A_1115 = vector.extract %slice3A_1114[0] : f32 from vector<1xf32>
        %add3A_1116 = arith.constant 256 : i32
        %add3A_1117 = arith.addi %add3A_1116, %squeeze3A_1113 : i32
        %shift_right_arithmetic3A_1118 = arith.constant 2 : i32
        %shift_right_arithmetic3A_1119 = arith.shrsi %add3A_1117, %shift_right_arithmetic3A_1118 : i32
        %and3A_1120 = arith.constant 3 : i32
        %and3A_1121 = arith.andi %add3A_1117, %and3A_1120 : i32
        %mul3A_1122 = arith.constant 32 : i32
        %mul3A_1123 = arith.muli %and3A_1121, %mul3A_1122 : i32
        %get3A_1124 = arith.index_cast %shift_right_arithmetic3A_1119 : i32 to index
        %get3A_1125 = arith.index_cast %mul3A_1123 : i32 to index
        %get3A_1126 = tpu.vector_load %arg7[%get3A_1124, %get3A_1125] {strides = array<i32>} : memref<128x128xi32, #tpu.memory_space<vmem>>, vector<1x16xi32>,
        %get3A_1127 = vector.shape_cast %get3A_1126 : vector<1x16xi32> to vector<16xi32>
        %add3A_1128 = arith.constant 16 : i32
        %add3A_1129 = arith.addi %mul3A_1123, %add3A_1128 : i32
        %get3A_1130 = arith.index_cast %shift_right_arithmetic3A_1119 : i32 to index
        %get3A_1131 = arith.index_cast %add3A_1129 : i32 to index
        %get3A_1132 = tpu.vector_load %arg7[%get3A_1130, %get3A_1131] {strides = array<i32>} : memref<128x128xi32, #tpu.memory_space<vmem>>, vector<1x16xi32>,
        %get3A_1133 = vector.shape_cast %get3A_1132 : vector<1x16xi32> to vector<16xi32>
        %add3A_1134 = arith.constant 32 : i32
        %add3A_1135 = arith.addi %mul3A_1123, %add3A_1134 : i32
        %jit3A_1136 = arith.constant 128 : i32
        %div3A_1137 = arith.divsi %add3A_1135, %jit3A_1136 : i32
        %sign3A_1138 = arith.constant 0 : i32
        %sign3A_1139 = arith.cmpi sgt, %add3A_1135, %sign3A_1138 : i32
        %sign3A_1140 = arith.extui %sign3A_1139 : i1 to i32
        %sign3A_1141 = arith.constant 0 : i32
        %sign3A_1142 = arith.cmpi slt, %add3A_1135, %sign3A_1141 : i32
        %sign3A_1143 = arith.extui %sign3A_1142 : i1 to i32
        %sign3A_1144 = arith.subi %sign3A_1140, %sign3A_1143 : i32
        %sign3A_1145 = arith.constant 0 : i32
        %sign3A_1146 = arith.cmpi sgt, %jit3A_1136, %sign3A_1145 : i32
        %sign3A_1147 = arith.extui %sign3A_1146 : i1 to i32
        %sign3A_1148 = arith.constant 0 : i32
        %sign3A_1149 = arith.cmpi slt, %jit3A_1136, %sign3A_1148 : i32
        %sign3A_1150 = arith.extui %sign3A_1149 : i1 to i32
        %sign3A_1151 = arith.subi %sign3A_1147, %sign3A_1150 : i32
        %ne3A_1152 = arith.cmpi ne, %sign3A_1144, %sign3A_1151 : i32
        %rem3A_1153 = arith.remsi %add3A_1135, %jit3A_1136 : i32
        %ne3A_1154 = arith.constant 0 : i32
        %ne3A_1155 = arith.cmpi ne, %rem3A_1153, %ne3A_1154 : i32
        %and3A_1156 = arith.andi %ne3A_1152, %ne3A_1155 : i1
        %sub3A_1157 = arith.constant 1 : i32
        %sub3A_1158 = arith.subi %div3A_1137, %sub3A_1157 : i32
        %select_n3A_1159 = arith.select %and3A_1156, %sub3A_1158, %div3A_1137 : i32
        %add3A_1160 = arith.addi %shift_right_arithmetic3A_1119, %select_n3A_1159 : i32
        %add3A_1161 = arith.constant 32 : i32
        %add3A_1162 = arith.addi %mul3A_1123, %add3A_1161 : i32
        %jit3A_1163 = arith.constant 128 : i32
        %eq3A_1164 = arith.constant 0 : i32
        %eq3A_1165 = arith.cmpi eq, %jit3A_1163, %eq3A_1164 : i32
        %jit3A_1166 = arith.constant 1 : i32
        %select_n3A_1167 = arith.select %eq3A_1165, %jit3A_1166, %jit3A_1163 : i32
        %rem3A_1168 = arith.remsi %add3A_1162, %select_n3A_1167 : i32
        %ne3A_1169 = arith.constant 0 : i32
        %ne3A_1170 = arith.cmpi ne, %rem3A_1168, %ne3A_1169 : i32
        %lt3A_1171 = arith.constant 0 : i32
        %lt3A_1172 = arith.cmpi slt, %rem3A_1168, %lt3A_1171 : i32
        %lt3A_1173 = arith.constant 0 : i32
        %lt3A_1174 = arith.cmpi slt, %select_n3A_1167, %lt3A_1173 : i32
        %ne3A_1175 = arith.xori %lt3A_1172, %lt3A_1174 : i1
        %and3A_1176 = arith.andi %ne3A_1175, %ne3A_1170 : i1
        %add3A_1177 = arith.addi %rem3A_1168, %select_n3A_1167 : i32
        %select_n3A_1178 = arith.select %and3A_1176, %add3A_1177, %rem3A_1168 : i32
        %get3A_1179 = arith.index_cast %add3A_1160 : i32 to index
        %get3A_1180 = arith.index_cast %select_n3A_1178 : i32 to index
        %get3A_1181 = tpu.vector_load %arg7[%get3A_1179, %get3A_1180] {strides = array<i32>} : memref<128x128xi32, #tpu.memory_space<vmem>>, vector<1x16xi32>,
        %get3A_1182 = vector.shape_cast %get3A_1181 : vector<1x16xi32> to vector<16xi32>
        %add3A_1183 = arith.constant 16 : i32
        %add3A_1184 = arith.addi %select_n3A_1178, %add3A_1183 : i32
        %get3A_1185 = arith.index_cast %add3A_1160 : i32 to index
        %get3A_1186 = arith.index_cast %add3A_1184 : i32 to index
        %get3A_1187 = tpu.vector_load %arg7[%get3A_1185, %get3A_1186] {strides = array<i32>} : memref<128x128xi32, #tpu.memory_space<vmem>>, vector<1x16xi32>,
        %get3A_1188 = vector.shape_cast %get3A_1187 : vector<1x16xi32> to vector<16xi32>
        %shift_left3A_1189 = arith.constant 16 : i32
        %shift_left3A_1190 = vector.broadcast %shift_left3A_1189 : i32 to vector<16xi32>
        %shift_left3A_1191 = arith.shli %get3A_1127, %shift_left3A_1190 : vector<16xi32>
        %bitcast_convert_type3A_1192 = tpu.bitcast %shift_left3A_1191 : vector<16xi32> -> vector<16xf32>
        %and3A_1193 = arith.constant -65536 : i32
        %and3A_1194 = vector.broadcast %and3A_1193 : i32 to vector<16xi32>
        %and3A_1195 = arith.andi %get3A_1127, %and3A_1194 : vector<16xi32>
        %bitcast_convert_type3A_1196 = tpu.bitcast %and3A_1195 : vector<16xi32> -> vector<16xf32>
        %shift_left3A_1197 = arith.constant 16 : i32
        %shift_left3A_1198 = vector.broadcast %shift_left3A_1197 : i32 to vector<16xi32>
        %shift_left3A_1199 = arith.shli %get3A_1133, %shift_left3A_1198 : vector<16xi32>
        %bitcast_convert_type3A_1200 = tpu.bitcast %shift_left3A_1199 : vector<16xi32> -> vector<16xf32>
        %and3A_1201 = arith.constant -65536 : i32
        %and3A_1202 = vector.broadcast %and3A_1201 : i32 to vector<16xi32>
        %and3A_1203 = arith.andi %get3A_1133, %and3A_1202 : vector<16xi32>
        %bitcast_convert_type3A_1204 = tpu.bitcast %and3A_1203 : vector<16xi32> -> vector<16xf32>
        %shift_left3A_1205 = arith.constant 16 : i32
        %shift_left3A_1206 = vector.broadcast %shift_left3A_1205 : i32 to vector<16xi32>
        %shift_left3A_1207 = arith.shli %get3A_1182, %shift_left3A_1206 : vector<16xi32>
        %bitcast_convert_type3A_1208 = tpu.bitcast %shift_left3A_1207 : vector<16xi32> -> vector<16xf32>
        %and3A_1209 = arith.constant -65536 : i32
        %and3A_1210 = vector.broadcast %and3A_1209 : i32 to vector<16xi32>
        %and3A_1211 = arith.andi %get3A_1182, %and3A_1210 : vector<16xi32>
        %bitcast_convert_type3A_1212 = tpu.bitcast %and3A_1211 : vector<16xi32> -> vector<16xf32>
        %shift_left3A_1213 = arith.constant 16 : i32
        %shift_left3A_1214 = vector.broadcast %shift_left3A_1213 : i32 to vector<16xi32>
        %shift_left3A_1215 = arith.shli %get3A_1188, %shift_left3A_1214 : vector<16xi32>
        %bitcast_convert_type3A_1216 = tpu.bitcast %shift_left3A_1215 : vector<16xi32> -> vector<16xf32>
        %and3A_1217 = arith.constant -65536 : i32
        %and3A_1218 = vector.broadcast %and3A_1217 : i32 to vector<16xi32>
        %and3A_1219 = arith.andi %get3A_1188, %and3A_1218 : vector<16xi32>
        %bitcast_convert_type3A_1220 = tpu.bitcast %and3A_1219 : vector<16xi32> -> vector<16xf32>
        %add3A_1221 = arith.addf %add3A_1096, %bitcast_convert_type3A_1192 : vector<16xf32>
        %sub3A_1222 = arith.subf %bitcast_convert_type3A_1208, %bitcast_convert_type3A_1192 : vector<16xf32>
        %mul3A_1223 = vector.broadcast %squeeze3A_1115 : f32 to vector<16xf32>
        %mul3A_1224 = arith.mulf %mul3A_1223, %sub3A_1222 : vector<16xf32>
        %add3A_1225 = arith.addf %add3A_1221, %mul3A_1224 : vector<16xf32>
        %add3A_1226 = arith.addf %add3A_1101, %bitcast_convert_type3A_1196 : vector<16xf32>
        %sub3A_1227 = arith.subf %bitcast_convert_type3A_1212, %bitcast_convert_type3A_1196 : vector<16xf32>
        %mul3A_1228 = vector.broadcast %squeeze3A_1115 : f32 to vector<16xf32>
        %mul3A_1229 = arith.mulf %mul3A_1228, %sub3A_1227 : vector<16xf32>
        %add3A_1230 = arith.addf %add3A_1226, %mul3A_1229 : vector<16xf32>
        %add3A_1231 = arith.addf %add3A_1106, %bitcast_convert_type3A_1200 : vector<16xf32>
        %sub3A_1232 = arith.subf %bitcast_convert_type3A_1216, %bitcast_convert_type3A_1200 : vector<16xf32>
        %mul3A_1233 = vector.broadcast %squeeze3A_1115 : f32 to vector<16xf32>
        %mul3A_1234 = arith.mulf %mul3A_1233, %sub3A_1232 : vector<16xf32>
        %add3A_1235 = arith.addf %add3A_1231, %mul3A_1234 : vector<16xf32>
        %add3A_1236 = arith.addf %add3A_1111, %bitcast_convert_type3A_1204 : vector<16xf32>
        %sub3A_1237 = arith.subf %bitcast_convert_type3A_1220, %bitcast_convert_type3A_1204 : vector<16xf32>
        %mul3A_1238 = vector.broadcast %squeeze3A_1115 : f32 to vector<16xf32>
        %mul3A_1239 = arith.mulf %mul3A_1238, %sub3A_1237 : vector<16xf32>
        %add3A_1240 = arith.addf %add3A_1236, %mul3A_1239 : vector<16xf32>
        %slice3A_1241 = vector.extract_strided_slice %min3A_75 {offsets = [9], sizes = [1], strides = [1]} : vector<16xi32> to vector<1xi32>
        %squeeze3A_1242 = vector.extract %slice3A_1241[0] : i32 from vector<1xi32>
        %slice3A_1243 = vector.extract_strided_slice %sub3A {offsets = [9], sizes = [1], strides = [1]} : vector<16xf32> to vector<1xf32>
        %squeeze3A_1244 = vector.extract %slice3A_1243[0] : f32 from vector<1xf32>
        %add3A_1245 = arith.constant 288 : i32
        %add3A_1246 = arith.addi %add3A_1245, %squeeze3A_1242 : i32
        %shift_right_arithmetic3A_1247 = arith.constant 2 : i32
        %shift_right_arithmetic3A_1248 = arith.shrsi %add3A_1246, %shift_right_arithmetic3A_1247 : i32
        %and3A_1249 = arith.constant 3 : i32
        %and3A_1250 = arith.andi %add3A_1246, %and3A_1249 : i32
        %mul3A_1251 = arith.constant 32 : i32
        %mul3A_1252 = arith.muli %and3A_1250, %mul3A_1251 : i32
        %get3A_1253 = arith.index_cast %shift_right_arithmetic3A_1248 : i32 to index
        %get3A_1254 = arith.index_cast %mul3A_1252 : i32 to index
        %get3A_1255 = tpu.vector_load %arg7[%get3A_1253, %get3A_1254] {strides = array<i32>} : memref<128x128xi32, #tpu.memory_space<vmem>>, vector<1x16xi32>,
        %get3A_1256 = vector.shape_cast %get3A_1255 : vector<1x16xi32> to vector<16xi32>
        %add3A_1257 = arith.constant 16 : i32
        %add3A_1258 = arith.addi %mul3A_1252, %add3A_1257 : i32
        %get3A_1259 = arith.index_cast %shift_right_arithmetic3A_1248 : i32 to index
        %get3A_1260 = arith.index_cast %add3A_1258 : i32 to index
        %get3A_1261 = tpu.vector_load %arg7[%get3A_1259, %get3A_1260] {strides = array<i32>} : memref<128x128xi32, #tpu.memory_space<vmem>>, vector<1x16xi32>,
        %get3A_1262 = vector.shape_cast %get3A_1261 : vector<1x16xi32> to vector<16xi32>
        %add3A_1263 = arith.constant 32 : i32
        %add3A_1264 = arith.addi %mul3A_1252, %add3A_1263 : i32
        %jit3A_1265 = arith.constant 128 : i32
        %div3A_1266 = arith.divsi %add3A_1264, %jit3A_1265 : i32
        %sign3A_1267 = arith.constant 0 : i32
        %sign3A_1268 = arith.cmpi sgt, %add3A_1264, %sign3A_1267 : i32
        %sign3A_1269 = arith.extui %sign3A_1268 : i1 to i32
        %sign3A_1270 = arith.constant 0 : i32
        %sign3A_1271 = arith.cmpi slt, %add3A_1264, %sign3A_1270 : i32
        %sign3A_1272 = arith.extui %sign3A_1271 : i1 to i32
        %sign3A_1273 = arith.subi %sign3A_1269, %sign3A_1272 : i32
        %sign3A_1274 = arith.constant 0 : i32
        %sign3A_1275 = arith.cmpi sgt, %jit3A_1265, %sign3A_1274 : i32
        %sign3A_1276 = arith.extui %sign3A_1275 : i1 to i32
        %sign3A_1277 = arith.constant 0 : i32
        %sign3A_1278 = arith.cmpi slt, %jit3A_1265, %sign3A_1277 : i32
        %sign3A_1279 = arith.extui %sign3A_1278 : i1 to i32
        %sign3A_1280 = arith.subi %sign3A_1276, %sign3A_1279 : i32
        %ne3A_1281 = arith.cmpi ne, %sign3A_1273, %sign3A_1280 : i32
        %rem3A_1282 = arith.remsi %add3A_1264, %jit3A_1265 : i32
        %ne3A_1283 = arith.constant 0 : i32
        %ne3A_1284 = arith.cmpi ne, %rem3A_1282, %ne3A_1283 : i32
        %and3A_1285 = arith.andi %ne3A_1281, %ne3A_1284 : i1
        %sub3A_1286 = arith.constant 1 : i32
        %sub3A_1287 = arith.subi %div3A_1266, %sub3A_1286 : i32
        %select_n3A_1288 = arith.select %and3A_1285, %sub3A_1287, %div3A_1266 : i32
        %add3A_1289 = arith.addi %shift_right_arithmetic3A_1248, %select_n3A_1288 : i32
        %add3A_1290 = arith.constant 32 : i32
        %add3A_1291 = arith.addi %mul3A_1252, %add3A_1290 : i32
        %jit3A_1292 = arith.constant 128 : i32
        %eq3A_1293 = arith.constant 0 : i32
        %eq3A_1294 = arith.cmpi eq, %jit3A_1292, %eq3A_1293 : i32
        %jit3A_1295 = arith.constant 1 : i32
        %select_n3A_1296 = arith.select %eq3A_1294, %jit3A_1295, %jit3A_1292 : i32
        %rem3A_1297 = arith.remsi %add3A_1291, %select_n3A_1296 : i32
        %ne3A_1298 = arith.constant 0 : i32
        %ne3A_1299 = arith.cmpi ne, %rem3A_1297, %ne3A_1298 : i32
        %lt3A_1300 = arith.constant 0 : i32
        %lt3A_1301 = arith.cmpi slt, %rem3A_1297, %lt3A_1300 : i32
        %lt3A_1302 = arith.constant 0 : i32
        %lt3A_1303 = arith.cmpi slt, %select_n3A_1296, %lt3A_1302 : i32
        %ne3A_1304 = arith.xori %lt3A_1301, %lt3A_1303 : i1
        %and3A_1305 = arith.andi %ne3A_1304, %ne3A_1299 : i1
        %add3A_1306 = arith.addi %rem3A_1297, %select_n3A_1296 : i32
        %select_n3A_1307 = arith.select %and3A_1305, %add3A_1306, %rem3A_1297 : i32
        %get3A_1308 = arith.index_cast %add3A_1289 : i32 to index
        %get3A_1309 = arith.index_cast %select_n3A_1307 : i32 to index
        %get3A_1310 = tpu.vector_load %arg7[%get3A_1308, %get3A_1309] {strides = array<i32>} : memref<128x128xi32, #tpu.memory_space<vmem>>, vector<1x16xi32>,
        %get3A_1311 = vector.shape_cast %get3A_1310 : vector<1x16xi32> to vector<16xi32>
        %add3A_1312 = arith.constant 16 : i32
        %add3A_1313 = arith.addi %select_n3A_1307, %add3A_1312 : i32
        %get3A_1314 = arith.index_cast %add3A_1289 : i32 to index
        %get3A_1315 = arith.index_cast %add3A_1313 : i32 to index
        %get3A_1316 = tpu.vector_load %arg7[%get3A_1314, %get3A_1315] {strides = array<i32>} : memref<128x128xi32, #tpu.memory_space<vmem>>, vector<1x16xi32>,
        %get3A_1317 = vector.shape_cast %get3A_1316 : vector<1x16xi32> to vector<16xi32>
        %shift_left3A_1318 = arith.constant 16 : i32
        %shift_left3A_1319 = vector.broadcast %shift_left3A_1318 : i32 to vector<16xi32>
        %shift_left3A_1320 = arith.shli %get3A_1256, %shift_left3A_1319 : vector<16xi32>
        %bitcast_convert_type3A_1321 = tpu.bitcast %shift_left3A_1320 : vector<16xi32> -> vector<16xf32>
        %and3A_1322 = arith.constant -65536 : i32
        %and3A_1323 = vector.broadcast %and3A_1322 : i32 to vector<16xi32>
        %and3A_1324 = arith.andi %get3A_1256, %and3A_1323 : vector<16xi32>
        %bitcast_convert_type3A_1325 = tpu.bitcast %and3A_1324 : vector<16xi32> -> vector<16xf32>
        %shift_left3A_1326 = arith.constant 16 : i32
        %shift_left3A_1327 = vector.broadcast %shift_left3A_1326 : i32 to vector<16xi32>
        %shift_left3A_1328 = arith.shli %get3A_1262, %shift_left3A_1327 : vector<16xi32>
        %bitcast_convert_type3A_1329 = tpu.bitcast %shift_left3A_1328 : vector<16xi32> -> vector<16xf32>
        %and3A_1330 = arith.constant -65536 : i32
        %and3A_1331 = vector.broadcast %and3A_1330 : i32 to vector<16xi32>
        %and3A_1332 = arith.andi %get3A_1262, %and3A_1331 : vector<16xi32>
        %bitcast_convert_type3A_1333 = tpu.bitcast %and3A_1332 : vector<16xi32> -> vector<16xf32>
        %shift_left3A_1334 = arith.constant 16 : i32
        %shift_left3A_1335 = vector.broadcast %shift_left3A_1334 : i32 to vector<16xi32>
        %shift_left3A_1336 = arith.shli %get3A_1311, %shift_left3A_1335 : vector<16xi32>
        %bitcast_convert_type3A_1337 = tpu.bitcast %shift_left3A_1336 : vector<16xi32> -> vector<16xf32>
        %and3A_1338 = arith.constant -65536 : i32
        %and3A_1339 = vector.broadcast %and3A_1338 : i32 to vector<16xi32>
        %and3A_1340 = arith.andi %get3A_1311, %and3A_1339 : vector<16xi32>
        %bitcast_convert_type3A_1341 = tpu.bitcast %and3A_1340 : vector<16xi32> -> vector<16xf32>
        %shift_left3A_1342 = arith.constant 16 : i32
        %shift_left3A_1343 = vector.broadcast %shift_left3A_1342 : i32 to vector<16xi32>
        %shift_left3A_1344 = arith.shli %get3A_1317, %shift_left3A_1343 : vector<16xi32>
        %bitcast_convert_type3A_1345 = tpu.bitcast %shift_left3A_1344 : vector<16xi32> -> vector<16xf32>
        %and3A_1346 = arith.constant -65536 : i32
        %and3A_1347 = vector.broadcast %and3A_1346 : i32 to vector<16xi32>
        %and3A_1348 = arith.andi %get3A_1317, %and3A_1347 : vector<16xi32>
        %bitcast_convert_type3A_1349 = tpu.bitcast %and3A_1348 : vector<16xi32> -> vector<16xf32>
        %add3A_1350 = arith.addf %add3A_1225, %bitcast_convert_type3A_1321 : vector<16xf32>
        %sub3A_1351 = arith.subf %bitcast_convert_type3A_1337, %bitcast_convert_type3A_1321 : vector<16xf32>
        %mul3A_1352 = vector.broadcast %squeeze3A_1244 : f32 to vector<16xf32>
        %mul3A_1353 = arith.mulf %mul3A_1352, %sub3A_1351 : vector<16xf32>
        %add3A_1354 = arith.addf %add3A_1350, %mul3A_1353 : vector<16xf32>
        %add3A_1355 = arith.addf %add3A_1230, %bitcast_convert_type3A_1325 : vector<16xf32>
        %sub3A_1356 = arith.subf %bitcast_convert_type3A_1341, %bitcast_convert_type3A_1325 : vector<16xf32>
        %mul3A_1357 = vector.broadcast %squeeze3A_1244 : f32 to vector<16xf32>
        %mul3A_1358 = arith.mulf %mul3A_1357, %sub3A_1356 : vector<16xf32>
        %add3A_1359 = arith.addf %add3A_1355, %mul3A_1358 : vector<16xf32>
        %add3A_1360 = arith.addf %add3A_1235, %bitcast_convert_type3A_1329 : vector<16xf32>
        %sub3A_1361 = arith.subf %bitcast_convert_type3A_1345, %bitcast_convert_type3A_1329 : vector<16xf32>
        %mul3A_1362 = vector.broadcast %squeeze3A_1244 : f32 to vector<16xf32>
        %mul3A_1363 = arith.mulf %mul3A_1362, %sub3A_1361 : vector<16xf32>
        %add3A_1364 = arith.addf %add3A_1360, %mul3A_1363 : vector<16xf32>
        %add3A_1365 = arith.addf %add3A_1240, %bitcast_convert_type3A_1333 : vector<16xf32>
        %sub3A_1366 = arith.subf %bitcast_convert_type3A_1349, %bitcast_convert_type3A_1333 : vector<16xf32>
        %mul3A_1367 = vector.broadcast %squeeze3A_1244 : f32 to vector<16xf32>
        %mul3A_1368 = arith.mulf %mul3A_1367, %sub3A_1366 : vector<16xf32>
        %add3A_1369 = arith.addf %add3A_1365, %mul3A_1368 : vector<16xf32>
        %slice3A_1370 = vector.extract_strided_slice %min3A_75 {offsets = [10], sizes = [1], strides = [1]} : vector<16xi32> to vector<1xi32>
        %squeeze3A_1371 = vector.extract %slice3A_1370[0] : i32 from vector<1xi32>
        %slice3A_1372 = vector.extract_strided_slice %sub3A {offsets = [10], sizes = [1], strides = [1]} : vector<16xf32> to vector<1xf32>
        %squeeze3A_1373 = vector.extract %slice3A_1372[0] : f32 from vector<1xf32>
        %add3A_1374 = arith.constant 320 : i32
        %add3A_1375 = arith.addi %add3A_1374, %squeeze3A_1371 : i32
        %shift_right_arithmetic3A_1376 = arith.constant 2 : i32
        %shift_right_arithmetic3A_1377 = arith.shrsi %add3A_1375, %shift_right_arithmetic3A_1376 : i32
        %and3A_1378 = arith.constant 3 : i32
        %and3A_1379 = arith.andi %add3A_1375, %and3A_1378 : i32
        %mul3A_1380 = arith.constant 32 : i32
        %mul3A_1381 = arith.muli %and3A_1379, %mul3A_1380 : i32
        %get3A_1382 = arith.index_cast %shift_right_arithmetic3A_1377 : i32 to index
        %get3A_1383 = arith.index_cast %mul3A_1381 : i32 to index
        %get3A_1384 = tpu.vector_load %arg7[%get3A_1382, %get3A_1383] {strides = array<i32>} : memref<128x128xi32, #tpu.memory_space<vmem>>, vector<1x16xi32>,
        %get3A_1385 = vector.shape_cast %get3A_1384 : vector<1x16xi32> to vector<16xi32>
        %add3A_1386 = arith.constant 16 : i32
        %add3A_1387 = arith.addi %mul3A_1381, %add3A_1386 : i32
        %get3A_1388 = arith.index_cast %shift_right_arithmetic3A_1377 : i32 to index
        %get3A_1389 = arith.index_cast %add3A_1387 : i32 to index
        %get3A_1390 = tpu.vector_load %arg7[%get3A_1388, %get3A_1389] {strides = array<i32>} : memref<128x128xi32, #tpu.memory_space<vmem>>, vector<1x16xi32>,
        %get3A_1391 = vector.shape_cast %get3A_1390 : vector<1x16xi32> to vector<16xi32>
        %add3A_1392 = arith.constant 32 : i32
        %add3A_1393 = arith.addi %mul3A_1381, %add3A_1392 : i32
        %jit3A_1394 = arith.constant 128 : i32
        %div3A_1395 = arith.divsi %add3A_1393, %jit3A_1394 : i32
        %sign3A_1396 = arith.constant 0 : i32
        %sign3A_1397 = arith.cmpi sgt, %add3A_1393, %sign3A_1396 : i32
        %sign3A_1398 = arith.extui %sign3A_1397 : i1 to i32
        %sign3A_1399 = arith.constant 0 : i32
        %sign3A_1400 = arith.cmpi slt, %add3A_1393, %sign3A_1399 : i32
        %sign3A_1401 = arith.extui %sign3A_1400 : i1 to i32
        %sign3A_1402 = arith.subi %sign3A_1398, %sign3A_1401 : i32
        %sign3A_1403 = arith.constant 0 : i32
        %sign3A_1404 = arith.cmpi sgt, %jit3A_1394, %sign3A_1403 : i32
        %sign3A_1405 = arith.extui %sign3A_1404 : i1 to i32
        %sign3A_1406 = arith.constant 0 : i32
        %sign3A_1407 = arith.cmpi slt, %jit3A_1394, %sign3A_1406 : i32
        %sign3A_1408 = arith.extui %sign3A_1407 : i1 to i32
        %sign3A_1409 = arith.subi %sign3A_1405, %sign3A_1408 : i32
        %ne3A_1410 = arith.cmpi ne, %sign3A_1402, %sign3A_1409 : i32
        %rem3A_1411 = arith.remsi %add3A_1393, %jit3A_1394 : i32
        %ne3A_1412 = arith.constant 0 : i32
        %ne3A_1413 = arith.cmpi ne, %rem3A_1411, %ne3A_1412 : i32
        %and3A_1414 = arith.andi %ne3A_1410, %ne3A_1413 : i1
        %sub3A_1415 = arith.constant 1 : i32
        %sub3A_1416 = arith.subi %div3A_1395, %sub3A_1415 : i32
        %select_n3A_1417 = arith.select %and3A_1414, %sub3A_1416, %div3A_1395 : i32
        %add3A_1418 = arith.addi %shift_right_arithmetic3A_1377, %select_n3A_1417 : i32
        %add3A_1419 = arith.constant 32 : i32
        %add3A_1420 = arith.addi %mul3A_1381, %add3A_1419 : i32
        %jit3A_1421 = arith.constant 128 : i32
        %eq3A_1422 = arith.constant 0 : i32
        %eq3A_1423 = arith.cmpi eq, %jit3A_1421, %eq3A_1422 : i32
        %jit3A_1424 = arith.constant 1 : i32
        %select_n3A_1425 = arith.select %eq3A_1423, %jit3A_1424, %jit3A_1421 : i32
        %rem3A_1426 = arith.remsi %add3A_1420, %select_n3A_1425 : i32
        %ne3A_1427 = arith.constant 0 : i32
        %ne3A_1428 = arith.cmpi ne, %rem3A_1426, %ne3A_1427 : i32
        %lt3A_1429 = arith.constant 0 : i32
        %lt3A_1430 = arith.cmpi slt, %rem3A_1426, %lt3A_1429 : i32
        %lt3A_1431 = arith.constant 0 : i32
        %lt3A_1432 = arith.cmpi slt, %select_n3A_1425, %lt3A_1431 : i32
        %ne3A_1433 = arith.xori %lt3A_1430, %lt3A_1432 : i1
        %and3A_1434 = arith.andi %ne3A_1433, %ne3A_1428 : i1
        %add3A_1435 = arith.addi %rem3A_1426, %select_n3A_1425 : i32
        %select_n3A_1436 = arith.select %and3A_1434, %add3A_1435, %rem3A_1426 : i32
        %get3A_1437 = arith.index_cast %add3A_1418 : i32 to index
        %get3A_1438 = arith.index_cast %select_n3A_1436 : i32 to index
        %get3A_1439 = tpu.vector_load %arg7[%get3A_1437, %get3A_1438] {strides = array<i32>} : memref<128x128xi32, #tpu.memory_space<vmem>>, vector<1x16xi32>,
        %get3A_1440 = vector.shape_cast %get3A_1439 : vector<1x16xi32> to vector<16xi32>
        %add3A_1441 = arith.constant 16 : i32
        %add3A_1442 = arith.addi %select_n3A_1436, %add3A_1441 : i32
        %get3A_1443 = arith.index_cast %add3A_1418 : i32 to index
        %get3A_1444 = arith.index_cast %add3A_1442 : i32 to index
        %get3A_1445 = tpu.vector_load %arg7[%get3A_1443, %get3A_1444] {strides = array<i32>} : memref<128x128xi32, #tpu.memory_space<vmem>>, vector<1x16xi32>,
        %get3A_1446 = vector.shape_cast %get3A_1445 : vector<1x16xi32> to vector<16xi32>
        %shift_left3A_1447 = arith.constant 16 : i32
        %shift_left3A_1448 = vector.broadcast %shift_left3A_1447 : i32 to vector<16xi32>
        %shift_left3A_1449 = arith.shli %get3A_1385, %shift_left3A_1448 : vector<16xi32>
        %bitcast_convert_type3A_1450 = tpu.bitcast %shift_left3A_1449 : vector<16xi32> -> vector<16xf32>
        %and3A_1451 = arith.constant -65536 : i32
        %and3A_1452 = vector.broadcast %and3A_1451 : i32 to vector<16xi32>
        %and3A_1453 = arith.andi %get3A_1385, %and3A_1452 : vector<16xi32>
        %bitcast_convert_type3A_1454 = tpu.bitcast %and3A_1453 : vector<16xi32> -> vector<16xf32>
        %shift_left3A_1455 = arith.constant 16 : i32
        %shift_left3A_1456 = vector.broadcast %shift_left3A_1455 : i32 to vector<16xi32>
        %shift_left3A_1457 = arith.shli %get3A_1391, %shift_left3A_1456 : vector<16xi32>
        %bitcast_convert_type3A_1458 = tpu.bitcast %shift_left3A_1457 : vector<16xi32> -> vector<16xf32>
        %and3A_1459 = arith.constant -65536 : i32
        %and3A_1460 = vector.broadcast %and3A_1459 : i32 to vector<16xi32>
        %and3A_1461 = arith.andi %get3A_1391, %and3A_1460 : vector<16xi32>
        %bitcast_convert_type3A_1462 = tpu.bitcast %and3A_1461 : vector<16xi32> -> vector<16xf32>
        %shift_left3A_1463 = arith.constant 16 : i32
        %shift_left3A_1464 = vector.broadcast %shift_left3A_1463 : i32 to vector<16xi32>
        %shift_left3A_1465 = arith.shli %get3A_1440, %shift_left3A_1464 : vector<16xi32>
        %bitcast_convert_type3A_1466 = tpu.bitcast %shift_left3A_1465 : vector<16xi32> -> vector<16xf32>
        %and3A_1467 = arith.constant -65536 : i32
        %and3A_1468 = vector.broadcast %and3A_1467 : i32 to vector<16xi32>
        %and3A_1469 = arith.andi %get3A_1440, %and3A_1468 : vector<16xi32>
        %bitcast_convert_type3A_1470 = tpu.bitcast %and3A_1469 : vector<16xi32> -> vector<16xf32>
        %shift_left3A_1471 = arith.constant 16 : i32
        %shift_left3A_1472 = vector.broadcast %shift_left3A_1471 : i32 to vector<16xi32>
        %shift_left3A_1473 = arith.shli %get3A_1446, %shift_left3A_1472 : vector<16xi32>
        %bitcast_convert_type3A_1474 = tpu.bitcast %shift_left3A_1473 : vector<16xi32> -> vector<16xf32>
        %and3A_1475 = arith.constant -65536 : i32
        %and3A_1476 = vector.broadcast %and3A_1475 : i32 to vector<16xi32>
        %and3A_1477 = arith.andi %get3A_1446, %and3A_1476 : vector<16xi32>
        %bitcast_convert_type3A_1478 = tpu.bitcast %and3A_1477 : vector<16xi32> -> vector<16xf32>
        %add3A_1479 = arith.addf %add3A_1354, %bitcast_convert_type3A_1450 : vector<16xf32>
        %sub3A_1480 = arith.subf %bitcast_convert_type3A_1466, %bitcast_convert_type3A_1450 : vector<16xf32>
        %mul3A_1481 = vector.broadcast %squeeze3A_1373 : f32 to vector<16xf32>
        %mul3A_1482 = arith.mulf %mul3A_1481, %sub3A_1480 : vector<16xf32>
        %add3A_1483 = arith.addf %add3A_1479, %mul3A_1482 : vector<16xf32>
        %add3A_1484 = arith.addf %add3A_1359, %bitcast_convert_type3A_1454 : vector<16xf32>
        %sub3A_1485 = arith.subf %bitcast_convert_type3A_1470, %bitcast_convert_type3A_1454 : vector<16xf32>
        %mul3A_1486 = vector.broadcast %squeeze3A_1373 : f32 to vector<16xf32>
        %mul3A_1487 = arith.mulf %mul3A_1486, %sub3A_1485 : vector<16xf32>
        %add3A_1488 = arith.addf %add3A_1484, %mul3A_1487 : vector<16xf32>
        %add3A_1489 = arith.addf %add3A_1364, %bitcast_convert_type3A_1458 : vector<16xf32>
        %sub3A_1490 = arith.subf %bitcast_convert_type3A_1474, %bitcast_convert_type3A_1458 : vector<16xf32>
        %mul3A_1491 = vector.broadcast %squeeze3A_1373 : f32 to vector<16xf32>
        %mul3A_1492 = arith.mulf %mul3A_1491, %sub3A_1490 : vector<16xf32>
        %add3A_1493 = arith.addf %add3A_1489, %mul3A_1492 : vector<16xf32>
        %add3A_1494 = arith.addf %add3A_1369, %bitcast_convert_type3A_1462 : vector<16xf32>
        %sub3A_1495 = arith.subf %bitcast_convert_type3A_1478, %bitcast_convert_type3A_1462 : vector<16xf32>
        %mul3A_1496 = vector.broadcast %squeeze3A_1373 : f32 to vector<16xf32>
        %mul3A_1497 = arith.mulf %mul3A_1496, %sub3A_1495 : vector<16xf32>
        %add3A_1498 = arith.addf %add3A_1494, %mul3A_1497 : vector<16xf32>
        %slice3A_1499 = vector.extract_strided_slice %min3A_75 {offsets = [11], sizes = [1], strides = [1]} : vector<16xi32> to vector<1xi32>
        %squeeze3A_1500 = vector.extract %slice3A_1499[0] : i32 from vector<1xi32>
        %slice3A_1501 = vector.extract_strided_slice %sub3A {offsets = [11], sizes = [1], strides = [1]} : vector<16xf32> to vector<1xf32>
        %squeeze3A_1502 = vector.extract %slice3A_1501[0] : f32 from vector<1xf32>
        %add3A_1503 = arith.constant 352 : i32
        %add3A_1504 = arith.addi %add3A_1503, %squeeze3A_1500 : i32
        %shift_right_arithmetic3A_1505 = arith.constant 2 : i32
        %shift_right_arithmetic3A_1506 = arith.shrsi %add3A_1504, %shift_right_arithmetic3A_1505 : i32
        %and3A_1507 = arith.constant 3 : i32
        %and3A_1508 = arith.andi %add3A_1504, %and3A_1507 : i32
        %mul3A_1509 = arith.constant 32 : i32
        %mul3A_1510 = arith.muli %and3A_1508, %mul3A_1509 : i32
        %get3A_1511 = arith.index_cast %shift_right_arithmetic3A_1506 : i32 to index
        %get3A_1512 = arith.index_cast %mul3A_1510 : i32 to index
        %get3A_1513 = tpu.vector_load %arg7[%get3A_1511, %get3A_1512] {strides = array<i32>} : memref<128x128xi32, #tpu.memory_space<vmem>>, vector<1x16xi32>,
        %get3A_1514 = vector.shape_cast %get3A_1513 : vector<1x16xi32> to vector<16xi32>
        %add3A_1515 = arith.constant 16 : i32
        %add3A_1516 = arith.addi %mul3A_1510, %add3A_1515 : i32
        %get3A_1517 = arith.index_cast %shift_right_arithmetic3A_1506 : i32 to index
        %get3A_1518 = arith.index_cast %add3A_1516 : i32 to index
        %get3A_1519 = tpu.vector_load %arg7[%get3A_1517, %get3A_1518] {strides = array<i32>} : memref<128x128xi32, #tpu.memory_space<vmem>>, vector<1x16xi32>,
        %get3A_1520 = vector.shape_cast %get3A_1519 : vector<1x16xi32> to vector<16xi32>
        %add3A_1521 = arith.constant 32 : i32
        %add3A_1522 = arith.addi %mul3A_1510, %add3A_1521 : i32
        %jit3A_1523 = arith.constant 128 : i32
        %div3A_1524 = arith.divsi %add3A_1522, %jit3A_1523 : i32
        %sign3A_1525 = arith.constant 0 : i32
        %sign3A_1526 = arith.cmpi sgt, %add3A_1522, %sign3A_1525 : i32
        %sign3A_1527 = arith.extui %sign3A_1526 : i1 to i32
        %sign3A_1528 = arith.constant 0 : i32
        %sign3A_1529 = arith.cmpi slt, %add3A_1522, %sign3A_1528 : i32
        %sign3A_1530 = arith.extui %sign3A_1529 : i1 to i32
        %sign3A_1531 = arith.subi %sign3A_1527, %sign3A_1530 : i32
        %sign3A_1532 = arith.constant 0 : i32
        %sign3A_1533 = arith.cmpi sgt, %jit3A_1523, %sign3A_1532 : i32
        %sign3A_1534 = arith.extui %sign3A_1533 : i1 to i32
        %sign3A_1535 = arith.constant 0 : i32
        %sign3A_1536 = arith.cmpi slt, %jit3A_1523, %sign3A_1535 : i32
        %sign3A_1537 = arith.extui %sign3A_1536 : i1 to i32
        %sign3A_1538 = arith.subi %sign3A_1534, %sign3A_1537 : i32
        %ne3A_1539 = arith.cmpi ne, %sign3A_1531, %sign3A_1538 : i32
        %rem3A_1540 = arith.remsi %add3A_1522, %jit3A_1523 : i32
        %ne3A_1541 = arith.constant 0 : i32
        %ne3A_1542 = arith.cmpi ne, %rem3A_1540, %ne3A_1541 : i32
        %and3A_1543 = arith.andi %ne3A_1539, %ne3A_1542 : i1
        %sub3A_1544 = arith.constant 1 : i32
        %sub3A_1545 = arith.subi %div3A_1524, %sub3A_1544 : i32
        %select_n3A_1546 = arith.select %and3A_1543, %sub3A_1545, %div3A_1524 : i32
        %add3A_1547 = arith.addi %shift_right_arithmetic3A_1506, %select_n3A_1546 : i32
        %add3A_1548 = arith.constant 32 : i32
        %add3A_1549 = arith.addi %mul3A_1510, %add3A_1548 : i32
        %jit3A_1550 = arith.constant 128 : i32
        %eq3A_1551 = arith.constant 0 : i32
        %eq3A_1552 = arith.cmpi eq, %jit3A_1550, %eq3A_1551 : i32
        %jit3A_1553 = arith.constant 1 : i32
        %select_n3A_1554 = arith.select %eq3A_1552, %jit3A_1553, %jit3A_1550 : i32
        %rem3A_1555 = arith.remsi %add3A_1549, %select_n3A_1554 : i32
        %ne3A_1556 = arith.constant 0 : i32
        %ne3A_1557 = arith.cmpi ne, %rem3A_1555, %ne3A_1556 : i32
        %lt3A_1558 = arith.constant 0 : i32
        %lt3A_1559 = arith.cmpi slt, %rem3A_1555, %lt3A_1558 : i32
        %lt3A_1560 = arith.constant 0 : i32
        %lt3A_1561 = arith.cmpi slt, %select_n3A_1554, %lt3A_1560 : i32
        %ne3A_1562 = arith.xori %lt3A_1559, %lt3A_1561 : i1
        %and3A_1563 = arith.andi %ne3A_1562, %ne3A_1557 : i1
        %add3A_1564 = arith.addi %rem3A_1555, %select_n3A_1554 : i32
        %select_n3A_1565 = arith.select %and3A_1563, %add3A_1564, %rem3A_1555 : i32
        %get3A_1566 = arith.index_cast %add3A_1547 : i32 to index
        %get3A_1567 = arith.index_cast %select_n3A_1565 : i32 to index
        %get3A_1568 = tpu.vector_load %arg7[%get3A_1566, %get3A_1567] {strides = array<i32>} : memref<128x128xi32, #tpu.memory_space<vmem>>, vector<1x16xi32>,
        %get3A_1569 = vector.shape_cast %get3A_1568 : vector<1x16xi32> to vector<16xi32>
        %add3A_1570 = arith.constant 16 : i32
        %add3A_1571 = arith.addi %select_n3A_1565, %add3A_1570 : i32
        %get3A_1572 = arith.index_cast %add3A_1547 : i32 to index
        %get3A_1573 = arith.index_cast %add3A_1571 : i32 to index
        %get3A_1574 = tpu.vector_load %arg7[%get3A_1572, %get3A_1573] {strides = array<i32>} : memref<128x128xi32, #tpu.memory_space<vmem>>, vector<1x16xi32>,
        %get3A_1575 = vector.shape_cast %get3A_1574 : vector<1x16xi32> to vector<16xi32>
        %shift_left3A_1576 = arith.constant 16 : i32
        %shift_left3A_1577 = vector.broadcast %shift_left3A_1576 : i32 to vector<16xi32>
        %shift_left3A_1578 = arith.shli %get3A_1514, %shift_left3A_1577 : vector<16xi32>
        %bitcast_convert_type3A_1579 = tpu.bitcast %shift_left3A_1578 : vector<16xi32> -> vector<16xf32>
        %and3A_1580 = arith.constant -65536 : i32
        %and3A_1581 = vector.broadcast %and3A_1580 : i32 to vector<16xi32>
        %and3A_1582 = arith.andi %get3A_1514, %and3A_1581 : vector<16xi32>
        %bitcast_convert_type3A_1583 = tpu.bitcast %and3A_1582 : vector<16xi32> -> vector<16xf32>
        %shift_left3A_1584 = arith.constant 16 : i32
        %shift_left3A_1585 = vector.broadcast %shift_left3A_1584 : i32 to vector<16xi32>
        %shift_left3A_1586 = arith.shli %get3A_1520, %shift_left3A_1585 : vector<16xi32>
        %bitcast_convert_type3A_1587 = tpu.bitcast %shift_left3A_1586 : vector<16xi32> -> vector<16xf32>
        %and3A_1588 = arith.constant -65536 : i32
        %and3A_1589 = vector.broadcast %and3A_1588 : i32 to vector<16xi32>
        %and3A_1590 = arith.andi %get3A_1520, %and3A_1589 : vector<16xi32>
        %bitcast_convert_type3A_1591 = tpu.bitcast %and3A_1590 : vector<16xi32> -> vector<16xf32>
        %shift_left3A_1592 = arith.constant 16 : i32
        %shift_left3A_1593 = vector.broadcast %shift_left3A_1592 : i32 to vector<16xi32>
        %shift_left3A_1594 = arith.shli %get3A_1569, %shift_left3A_1593 : vector<16xi32>
        %bitcast_convert_type3A_1595 = tpu.bitcast %shift_left3A_1594 : vector<16xi32> -> vector<16xf32>
        %and3A_1596 = arith.constant -65536 : i32
        %and3A_1597 = vector.broadcast %and3A_1596 : i32 to vector<16xi32>
        %and3A_1598 = arith.andi %get3A_1569, %and3A_1597 : vector<16xi32>
        %bitcast_convert_type3A_1599 = tpu.bitcast %and3A_1598 : vector<16xi32> -> vector<16xf32>
        %shift_left3A_1600 = arith.constant 16 : i32
        %shift_left3A_1601 = vector.broadcast %shift_left3A_1600 : i32 to vector<16xi32>
        %shift_left3A_1602 = arith.shli %get3A_1575, %shift_left3A_1601 : vector<16xi32>
        %bitcast_convert_type3A_1603 = tpu.bitcast %shift_left3A_1602 : vector<16xi32> -> vector<16xf32>
        %and3A_1604 = arith.constant -65536 : i32
        %and3A_1605 = vector.broadcast %and3A_1604 : i32 to vector<16xi32>
        %and3A_1606 = arith.andi %get3A_1575, %and3A_1605 : vector<16xi32>
        %bitcast_convert_type3A_1607 = tpu.bitcast %and3A_1606 : vector<16xi32> -> vector<16xf32>
        %add3A_1608 = arith.addf %add3A_1483, %bitcast_convert_type3A_1579 : vector<16xf32>
        %sub3A_1609 = arith.subf %bitcast_convert_type3A_1595, %bitcast_convert_type3A_1579 : vector<16xf32>
        %mul3A_1610 = vector.broadcast %squeeze3A_1502 : f32 to vector<16xf32>
        %mul3A_1611 = arith.mulf %mul3A_1610, %sub3A_1609 : vector<16xf32>
        %add3A_1612 = arith.addf %add3A_1608, %mul3A_1611 : vector<16xf32>
        %add3A_1613 = arith.addf %add3A_1488, %bitcast_convert_type3A_1583 : vector<16xf32>
        %sub3A_1614 = arith.subf %bitcast_convert_type3A_1599, %bitcast_convert_type3A_1583 : vector<16xf32>
        %mul3A_1615 = vector.broadcast %squeeze3A_1502 : f32 to vector<16xf32>
        %mul3A_1616 = arith.mulf %mul3A_1615, %sub3A_1614 : vector<16xf32>
        %add3A_1617 = arith.addf %add3A_1613, %mul3A_1616 : vector<16xf32>
        %add3A_1618 = arith.addf %add3A_1493, %bitcast_convert_type3A_1587 : vector<16xf32>
        %sub3A_1619 = arith.subf %bitcast_convert_type3A_1603, %bitcast_convert_type3A_1587 : vector<16xf32>
        %mul3A_1620 = vector.broadcast %squeeze3A_1502 : f32 to vector<16xf32>
        %mul3A_1621 = arith.mulf %mul3A_1620, %sub3A_1619 : vector<16xf32>
        %add3A_1622 = arith.addf %add3A_1618, %mul3A_1621 : vector<16xf32>
        %add3A_1623 = arith.addf %add3A_1498, %bitcast_convert_type3A_1591 : vector<16xf32>
        %sub3A_1624 = arith.subf %bitcast_convert_type3A_1607, %bitcast_convert_type3A_1591 : vector<16xf32>
        %mul3A_1625 = vector.broadcast %squeeze3A_1502 : f32 to vector<16xf32>
        %mul3A_1626 = arith.mulf %mul3A_1625, %sub3A_1624 : vector<16xf32>
        %add3A_1627 = arith.addf %add3A_1623, %mul3A_1626 : vector<16xf32>
        %slice3A_1628 = vector.extract_strided_slice %min3A_75 {offsets = [12], sizes = [1], strides = [1]} : vector<16xi32> to vector<1xi32>
        %squeeze3A_1629 = vector.extract %slice3A_1628[0] : i32 from vector<1xi32>
        %slice3A_1630 = vector.extract_strided_slice %sub3A {offsets = [12], sizes = [1], strides = [1]} : vector<16xf32> to vector<1xf32>
        %squeeze3A_1631 = vector.extract %slice3A_1630[0] : f32 from vector<1xf32>
        %add3A_1632 = arith.constant 384 : i32
        %add3A_1633 = arith.addi %add3A_1632, %squeeze3A_1629 : i32
        %shift_right_arithmetic3A_1634 = arith.constant 2 : i32
        %shift_right_arithmetic3A_1635 = arith.shrsi %add3A_1633, %shift_right_arithmetic3A_1634 : i32
        %and3A_1636 = arith.constant 3 : i32
        %and3A_1637 = arith.andi %add3A_1633, %and3A_1636 : i32
        %mul3A_1638 = arith.constant 32 : i32
        %mul3A_1639 = arith.muli %and3A_1637, %mul3A_1638 : i32
        %get3A_1640 = arith.index_cast %shift_right_arithmetic3A_1635 : i32 to index
        %get3A_1641 = arith.index_cast %mul3A_1639 : i32 to index
        %get3A_1642 = tpu.vector_load %arg7[%get3A_1640, %get3A_1641] {strides = array<i32>} : memref<128x128xi32, #tpu.memory_space<vmem>>, vector<1x16xi32>,
        %get3A_1643 = vector.shape_cast %get3A_1642 : vector<1x16xi32> to vector<16xi32>
        %add3A_1644 = arith.constant 16 : i32
        %add3A_1645 = arith.addi %mul3A_1639, %add3A_1644 : i32
        %get3A_1646 = arith.index_cast %shift_right_arithmetic3A_1635 : i32 to index
        %get3A_1647 = arith.index_cast %add3A_1645 : i32 to index
        %get3A_1648 = tpu.vector_load %arg7[%get3A_1646, %get3A_1647] {strides = array<i32>} : memref<128x128xi32, #tpu.memory_space<vmem>>, vector<1x16xi32>,
        %get3A_1649 = vector.shape_cast %get3A_1648 : vector<1x16xi32> to vector<16xi32>
        %add3A_1650 = arith.constant 32 : i32
        %add3A_1651 = arith.addi %mul3A_1639, %add3A_1650 : i32
        %jit3A_1652 = arith.constant 128 : i32
        %div3A_1653 = arith.divsi %add3A_1651, %jit3A_1652 : i32
        %sign3A_1654 = arith.constant 0 : i32
        %sign3A_1655 = arith.cmpi sgt, %add3A_1651, %sign3A_1654 : i32
        %sign3A_1656 = arith.extui %sign3A_1655 : i1 to i32
        %sign3A_1657 = arith.constant 0 : i32
        %sign3A_1658 = arith.cmpi slt, %add3A_1651, %sign3A_1657 : i32
        %sign3A_1659 = arith.extui %sign3A_1658 : i1 to i32
        %sign3A_1660 = arith.subi %sign3A_1656, %sign3A_1659 : i32
        %sign3A_1661 = arith.constant 0 : i32
        %sign3A_1662 = arith.cmpi sgt, %jit3A_1652, %sign3A_1661 : i32
        %sign3A_1663 = arith.extui %sign3A_1662 : i1 to i32
        %sign3A_1664 = arith.constant 0 : i32
        %sign3A_1665 = arith.cmpi slt, %jit3A_1652, %sign3A_1664 : i32
        %sign3A_1666 = arith.extui %sign3A_1665 : i1 to i32
        %sign3A_1667 = arith.subi %sign3A_1663, %sign3A_1666 : i32
        %ne3A_1668 = arith.cmpi ne, %sign3A_1660, %sign3A_1667 : i32
        %rem3A_1669 = arith.remsi %add3A_1651, %jit3A_1652 : i32
        %ne3A_1670 = arith.constant 0 : i32
        %ne3A_1671 = arith.cmpi ne, %rem3A_1669, %ne3A_1670 : i32
        %and3A_1672 = arith.andi %ne3A_1668, %ne3A_1671 : i1
        %sub3A_1673 = arith.constant 1 : i32
        %sub3A_1674 = arith.subi %div3A_1653, %sub3A_1673 : i32
        %select_n3A_1675 = arith.select %and3A_1672, %sub3A_1674, %div3A_1653 : i32
        %add3A_1676 = arith.addi %shift_right_arithmetic3A_1635, %select_n3A_1675 : i32
        %add3A_1677 = arith.constant 32 : i32
        %add3A_1678 = arith.addi %mul3A_1639, %add3A_1677 : i32
        %jit3A_1679 = arith.constant 128 : i32
        %eq3A_1680 = arith.constant 0 : i32
        %eq3A_1681 = arith.cmpi eq, %jit3A_1679, %eq3A_1680 : i32
        %jit3A_1682 = arith.constant 1 : i32
        %select_n3A_1683 = arith.select %eq3A_1681, %jit3A_1682, %jit3A_1679 : i32
        %rem3A_1684 = arith.remsi %add3A_1678, %select_n3A_1683 : i32
        %ne3A_1685 = arith.constant 0 : i32
        %ne3A_1686 = arith.cmpi ne, %rem3A_1684, %ne3A_1685 : i32
        %lt3A_1687 = arith.constant 0 : i32
        %lt3A_1688 = arith.cmpi slt, %rem3A_1684, %lt3A_1687 : i32
        %lt3A_1689 = arith.constant 0 : i32
        %lt3A_1690 = arith.cmpi slt, %select_n3A_1683, %lt3A_1689 : i32
        %ne3A_1691 = arith.xori %lt3A_1688, %lt3A_1690 : i1
        %and3A_1692 = arith.andi %ne3A_1691, %ne3A_1686 : i1
        %add3A_1693 = arith.addi %rem3A_1684, %select_n3A_1683 : i32
        %select_n3A_1694 = arith.select %and3A_1692, %add3A_1693, %rem3A_1684 : i32
        %get3A_1695 = arith.index_cast %add3A_1676 : i32 to index
        %get3A_1696 = arith.index_cast %select_n3A_1694 : i32 to index
        %get3A_1697 = tpu.vector_load %arg7[%get3A_1695, %get3A_1696] {strides = array<i32>} : memref<128x128xi32, #tpu.memory_space<vmem>>, vector<1x16xi32>,
        %get3A_1698 = vector.shape_cast %get3A_1697 : vector<1x16xi32> to vector<16xi32>
        %add3A_1699 = arith.constant 16 : i32
        %add3A_1700 = arith.addi %select_n3A_1694, %add3A_1699 : i32
        %get3A_1701 = arith.index_cast %add3A_1676 : i32 to index
        %get3A_1702 = arith.index_cast %add3A_1700 : i32 to index
        %get3A_1703 = tpu.vector_load %arg7[%get3A_1701, %get3A_1702] {strides = array<i32>} : memref<128x128xi32, #tpu.memory_space<vmem>>, vector<1x16xi32>,
        %get3A_1704 = vector.shape_cast %get3A_1703 : vector<1x16xi32> to vector<16xi32>
        %shift_left3A_1705 = arith.constant 16 : i32
        %shift_left3A_1706 = vector.broadcast %shift_left3A_1705 : i32 to vector<16xi32>
        %shift_left3A_1707 = arith.shli %get3A_1643, %shift_left3A_1706 : vector<16xi32>
        %bitcast_convert_type3A_1708 = tpu.bitcast %shift_left3A_1707 : vector<16xi32> -> vector<16xf32>
        %and3A_1709 = arith.constant -65536 : i32
        %and3A_1710 = vector.broadcast %and3A_1709 : i32 to vector<16xi32>
        %and3A_1711 = arith.andi %get3A_1643, %and3A_1710 : vector<16xi32>
        %bitcast_convert_type3A_1712 = tpu.bitcast %and3A_1711 : vector<16xi32> -> vector<16xf32>
        %shift_left3A_1713 = arith.constant 16 : i32
        %shift_left3A_1714 = vector.broadcast %shift_left3A_1713 : i32 to vector<16xi32>
        %shift_left3A_1715 = arith.shli %get3A_1649, %shift_left3A_1714 : vector<16xi32>
        %bitcast_convert_type3A_1716 = tpu.bitcast %shift_left3A_1715 : vector<16xi32> -> vector<16xf32>
        %and3A_1717 = arith.constant -65536 : i32
        %and3A_1718 = vector.broadcast %and3A_1717 : i32 to vector<16xi32>
        %and3A_1719 = arith.andi %get3A_1649, %and3A_1718 : vector<16xi32>
        %bitcast_convert_type3A_1720 = tpu.bitcast %and3A_1719 : vector<16xi32> -> vector<16xf32>
        %shift_left3A_1721 = arith.constant 16 : i32
        %shift_left3A_1722 = vector.broadcast %shift_left3A_1721 : i32 to vector<16xi32>
        %shift_left3A_1723 = arith.shli %get3A_1698, %shift_left3A_1722 : vector<16xi32>
        %bitcast_convert_type3A_1724 = tpu.bitcast %shift_left3A_1723 : vector<16xi32> -> vector<16xf32>
        %and3A_1725 = arith.constant -65536 : i32
        %and3A_1726 = vector.broadcast %and3A_1725 : i32 to vector<16xi32>
        %and3A_1727 = arith.andi %get3A_1698, %and3A_1726 : vector<16xi32>
        %bitcast_convert_type3A_1728 = tpu.bitcast %and3A_1727 : vector<16xi32> -> vector<16xf32>
        %shift_left3A_1729 = arith.constant 16 : i32
        %shift_left3A_1730 = vector.broadcast %shift_left3A_1729 : i32 to vector<16xi32>
        %shift_left3A_1731 = arith.shli %get3A_1704, %shift_left3A_1730 : vector<16xi32>
        %bitcast_convert_type3A_1732 = tpu.bitcast %shift_left3A_1731 : vector<16xi32> -> vector<16xf32>
        %and3A_1733 = arith.constant -65536 : i32
        %and3A_1734 = vector.broadcast %and3A_1733 : i32 to vector<16xi32>
        %and3A_1735 = arith.andi %get3A_1704, %and3A_1734 : vector<16xi32>
        %bitcast_convert_type3A_1736 = tpu.bitcast %and3A_1735 : vector<16xi32> -> vector<16xf32>
        %add3A_1737 = arith.addf %add3A_1612, %bitcast_convert_type3A_1708 : vector<16xf32>
        %sub3A_1738 = arith.subf %bitcast_convert_type3A_1724, %bitcast_convert_type3A_1708 : vector<16xf32>
        %mul3A_1739 = vector.broadcast %squeeze3A_1631 : f32 to vector<16xf32>
        %mul3A_1740 = arith.mulf %mul3A_1739, %sub3A_1738 : vector<16xf32>
        %add3A_1741 = arith.addf %add3A_1737, %mul3A_1740 : vector<16xf32>
        %add3A_1742 = arith.addf %add3A_1617, %bitcast_convert_type3A_1712 : vector<16xf32>
        %sub3A_1743 = arith.subf %bitcast_convert_type3A_1728, %bitcast_convert_type3A_1712 : vector<16xf32>
        %mul3A_1744 = vector.broadcast %squeeze3A_1631 : f32 to vector<16xf32>
        %mul3A_1745 = arith.mulf %mul3A_1744, %sub3A_1743 : vector<16xf32>
        %add3A_1746 = arith.addf %add3A_1742, %mul3A_1745 : vector<16xf32>
        %add3A_1747 = arith.addf %add3A_1622, %bitcast_convert_type3A_1716 : vector<16xf32>
        %sub3A_1748 = arith.subf %bitcast_convert_type3A_1732, %bitcast_convert_type3A_1716 : vector<16xf32>
        %mul3A_1749 = vector.broadcast %squeeze3A_1631 : f32 to vector<16xf32>
        %mul3A_1750 = arith.mulf %mul3A_1749, %sub3A_1748 : vector<16xf32>
        %add3A_1751 = arith.addf %add3A_1747, %mul3A_1750 : vector<16xf32>
        %add3A_1752 = arith.addf %add3A_1627, %bitcast_convert_type3A_1720 : vector<16xf32>
        %sub3A_1753 = arith.subf %bitcast_convert_type3A_1736, %bitcast_convert_type3A_1720 : vector<16xf32>
        %mul3A_1754 = vector.broadcast %squeeze3A_1631 : f32 to vector<16xf32>
        %mul3A_1755 = arith.mulf %mul3A_1754, %sub3A_1753 : vector<16xf32>
        %add3A_1756 = arith.addf %add3A_1752, %mul3A_1755 : vector<16xf32>
        %slice3A_1757 = vector.extract_strided_slice %min3A_75 {offsets = [13], sizes = [1], strides = [1]} : vector<16xi32> to vector<1xi32>
        %squeeze3A_1758 = vector.extract %slice3A_1757[0] : i32 from vector<1xi32>
        %slice3A_1759 = vector.extract_strided_slice %sub3A {offsets = [13], sizes = [1], strides = [1]} : vector<16xf32> to vector<1xf32>
        %squeeze3A_1760 = vector.extract %slice3A_1759[0] : f32 from vector<1xf32>
        %add3A_1761 = arith.constant 416 : i32
        %add3A_1762 = arith.addi %add3A_1761, %squeeze3A_1758 : i32
        %shift_right_arithmetic3A_1763 = arith.constant 2 : i32
        %shift_right_arithmetic3A_1764 = arith.shrsi %add3A_1762, %shift_right_arithmetic3A_1763 : i32
        %and3A_1765 = arith.constant 3 : i32
        %and3A_1766 = arith.andi %add3A_1762, %and3A_1765 : i32
        %mul3A_1767 = arith.constant 32 : i32
        %mul3A_1768 = arith.muli %and3A_1766, %mul3A_1767 : i32
        %get3A_1769 = arith.index_cast %shift_right_arithmetic3A_1764 : i32 to index
        %get3A_1770 = arith.index_cast %mul3A_1768 : i32 to index
        %get3A_1771 = tpu.vector_load %arg7[%get3A_1769, %get3A_1770] {strides = array<i32>} : memref<128x128xi32, #tpu.memory_space<vmem>>, vector<1x16xi32>,
        %get3A_1772 = vector.shape_cast %get3A_1771 : vector<1x16xi32> to vector<16xi32>
        %add3A_1773 = arith.constant 16 : i32
        %add3A_1774 = arith.addi %mul3A_1768, %add3A_1773 : i32
        %get3A_1775 = arith.index_cast %shift_right_arithmetic3A_1764 : i32 to index
        %get3A_1776 = arith.index_cast %add3A_1774 : i32 to index
        %get3A_1777 = tpu.vector_load %arg7[%get3A_1775, %get3A_1776] {strides = array<i32>} : memref<128x128xi32, #tpu.memory_space<vmem>>, vector<1x16xi32>,
        %get3A_1778 = vector.shape_cast %get3A_1777 : vector<1x16xi32> to vector<16xi32>
        %add3A_1779 = arith.constant 32 : i32
        %add3A_1780 = arith.addi %mul3A_1768, %add3A_1779 : i32
        %jit3A_1781 = arith.constant 128 : i32
        %div3A_1782 = arith.divsi %add3A_1780, %jit3A_1781 : i32
        %sign3A_1783 = arith.constant 0 : i32
        %sign3A_1784 = arith.cmpi sgt, %add3A_1780, %sign3A_1783 : i32
        %sign3A_1785 = arith.extui %sign3A_1784 : i1 to i32
        %sign3A_1786 = arith.constant 0 : i32
        %sign3A_1787 = arith.cmpi slt, %add3A_1780, %sign3A_1786 : i32
        %sign3A_1788 = arith.extui %sign3A_1787 : i1 to i32
        %sign3A_1789 = arith.subi %sign3A_1785, %sign3A_1788 : i32
        %sign3A_1790 = arith.constant 0 : i32
        %sign3A_1791 = arith.cmpi sgt, %jit3A_1781, %sign3A_1790 : i32
        %sign3A_1792 = arith.extui %sign3A_1791 : i1 to i32
        %sign3A_1793 = arith.constant 0 : i32
        %sign3A_1794 = arith.cmpi slt, %jit3A_1781, %sign3A_1793 : i32
        %sign3A_1795 = arith.extui %sign3A_1794 : i1 to i32
        %sign3A_1796 = arith.subi %sign3A_1792, %sign3A_1795 : i32
        %ne3A_1797 = arith.cmpi ne, %sign3A_1789, %sign3A_1796 : i32
        %rem3A_1798 = arith.remsi %add3A_1780, %jit3A_1781 : i32
        %ne3A_1799 = arith.constant 0 : i32
        %ne3A_1800 = arith.cmpi ne, %rem3A_1798, %ne3A_1799 : i32
        %and3A_1801 = arith.andi %ne3A_1797, %ne3A_1800 : i1
        %sub3A_1802 = arith.constant 1 : i32
        %sub3A_1803 = arith.subi %div3A_1782, %sub3A_1802 : i32
        %select_n3A_1804 = arith.select %and3A_1801, %sub3A_1803, %div3A_1782 : i32
        %add3A_1805 = arith.addi %shift_right_arithmetic3A_1764, %select_n3A_1804 : i32
        %add3A_1806 = arith.constant 32 : i32
        %add3A_1807 = arith.addi %mul3A_1768, %add3A_1806 : i32
        %jit3A_1808 = arith.constant 128 : i32
        %eq3A_1809 = arith.constant 0 : i32
        %eq3A_1810 = arith.cmpi eq, %jit3A_1808, %eq3A_1809 : i32
        %jit3A_1811 = arith.constant 1 : i32
        %select_n3A_1812 = arith.select %eq3A_1810, %jit3A_1811, %jit3A_1808 : i32
        %rem3A_1813 = arith.remsi %add3A_1807, %select_n3A_1812 : i32
        %ne3A_1814 = arith.constant 0 : i32
        %ne3A_1815 = arith.cmpi ne, %rem3A_1813, %ne3A_1814 : i32
        %lt3A_1816 = arith.constant 0 : i32
        %lt3A_1817 = arith.cmpi slt, %rem3A_1813, %lt3A_1816 : i32
        %lt3A_1818 = arith.constant 0 : i32
        %lt3A_1819 = arith.cmpi slt, %select_n3A_1812, %lt3A_1818 : i32
        %ne3A_1820 = arith.xori %lt3A_1817, %lt3A_1819 : i1
        %and3A_1821 = arith.andi %ne3A_1820, %ne3A_1815 : i1
        %add3A_1822 = arith.addi %rem3A_1813, %select_n3A_1812 : i32
        %select_n3A_1823 = arith.select %and3A_1821, %add3A_1822, %rem3A_1813 : i32
        %get3A_1824 = arith.index_cast %add3A_1805 : i32 to index
        %get3A_1825 = arith.index_cast %select_n3A_1823 : i32 to index
        %get3A_1826 = tpu.vector_load %arg7[%get3A_1824, %get3A_1825] {strides = array<i32>} : memref<128x128xi32, #tpu.memory_space<vmem>>, vector<1x16xi32>,
        %get3A_1827 = vector.shape_cast %get3A_1826 : vector<1x16xi32> to vector<16xi32>
        %add3A_1828 = arith.constant 16 : i32
        %add3A_1829 = arith.addi %select_n3A_1823, %add3A_1828 : i32
        %get3A_1830 = arith.index_cast %add3A_1805 : i32 to index
        %get3A_1831 = arith.index_cast %add3A_1829 : i32 to index
        %get3A_1832 = tpu.vector_load %arg7[%get3A_1830, %get3A_1831] {strides = array<i32>} : memref<128x128xi32, #tpu.memory_space<vmem>>, vector<1x16xi32>,
        %get3A_1833 = vector.shape_cast %get3A_1832 : vector<1x16xi32> to vector<16xi32>
        %shift_left3A_1834 = arith.constant 16 : i32
        %shift_left3A_1835 = vector.broadcast %shift_left3A_1834 : i32 to vector<16xi32>
        %shift_left3A_1836 = arith.shli %get3A_1772, %shift_left3A_1835 : vector<16xi32>
        %bitcast_convert_type3A_1837 = tpu.bitcast %shift_left3A_1836 : vector<16xi32> -> vector<16xf32>
        %and3A_1838 = arith.constant -65536 : i32
        %and3A_1839 = vector.broadcast %and3A_1838 : i32 to vector<16xi32>
        %and3A_1840 = arith.andi %get3A_1772, %and3A_1839 : vector<16xi32>
        %bitcast_convert_type3A_1841 = tpu.bitcast %and3A_1840 : vector<16xi32> -> vector<16xf32>
        %shift_left3A_1842 = arith.constant 16 : i32
        %shift_left3A_1843 = vector.broadcast %shift_left3A_1842 : i32 to vector<16xi32>
        %shift_left3A_1844 = arith.shli %get3A_1778, %shift_left3A_1843 : vector<16xi32>
        %bitcast_convert_type3A_1845 = tpu.bitcast %shift_left3A_1844 : vector<16xi32> -> vector<16xf32>
        %and3A_1846 = arith.constant -65536 : i32
        %and3A_1847 = vector.broadcast %and3A_1846 : i32 to vector<16xi32>
        %and3A_1848 = arith.andi %get3A_1778, %and3A_1847 : vector<16xi32>
        %bitcast_convert_type3A_1849 = tpu.bitcast %and3A_1848 : vector<16xi32> -> vector<16xf32>
        %shift_left3A_1850 = arith.constant 16 : i32
        %shift_left3A_1851 = vector.broadcast %shift_left3A_1850 : i32 to vector<16xi32>
        %shift_left3A_1852 = arith.shli %get3A_1827, %shift_left3A_1851 : vector<16xi32>
        %bitcast_convert_type3A_1853 = tpu.bitcast %shift_left3A_1852 : vector<16xi32> -> vector<16xf32>
        %and3A_1854 = arith.constant -65536 : i32
        %and3A_1855 = vector.broadcast %and3A_1854 : i32 to vector<16xi32>
        %and3A_1856 = arith.andi %get3A_1827, %and3A_1855 : vector<16xi32>
        %bitcast_convert_type3A_1857 = tpu.bitcast %and3A_1856 : vector<16xi32> -> vector<16xf32>
        %shift_left3A_1858 = arith.constant 16 : i32
        %shift_left3A_1859 = vector.broadcast %shift_left3A_1858 : i32 to vector<16xi32>
        %shift_left3A_1860 = arith.shli %get3A_1833, %shift_left3A_1859 : vector<16xi32>
        %bitcast_convert_type3A_1861 = tpu.bitcast %shift_left3A_1860 : vector<16xi32> -> vector<16xf32>
        %and3A_1862 = arith.constant -65536 : i32
        %and3A_1863 = vector.broadcast %and3A_1862 : i32 to vector<16xi32>
        %and3A_1864 = arith.andi %get3A_1833, %and3A_1863 : vector<16xi32>
        %bitcast_convert_type3A_1865 = tpu.bitcast %and3A_1864 : vector<16xi32> -> vector<16xf32>
        %add3A_1866 = arith.addf %add3A_1741, %bitcast_convert_type3A_1837 : vector<16xf32>
        %sub3A_1867 = arith.subf %bitcast_convert_type3A_1853, %bitcast_convert_type3A_1837 : vector<16xf32>
        %mul3A_1868 = vector.broadcast %squeeze3A_1760 : f32 to vector<16xf32>
        %mul3A_1869 = arith.mulf %mul3A_1868, %sub3A_1867 : vector<16xf32>
        %add3A_1870 = arith.addf %add3A_1866, %mul3A_1869 : vector<16xf32>
        %add3A_1871 = arith.addf %add3A_1746, %bitcast_convert_type3A_1841 : vector<16xf32>
        %sub3A_1872 = arith.subf %bitcast_convert_type3A_1857, %bitcast_convert_type3A_1841 : vector<16xf32>
        %mul3A_1873 = vector.broadcast %squeeze3A_1760 : f32 to vector<16xf32>
        %mul3A_1874 = arith.mulf %mul3A_1873, %sub3A_1872 : vector<16xf32>
        %add3A_1875 = arith.addf %add3A_1871, %mul3A_1874 : vector<16xf32>
        %add3A_1876 = arith.addf %add3A_1751, %bitcast_convert_type3A_1845 : vector<16xf32>
        %sub3A_1877 = arith.subf %bitcast_convert_type3A_1861, %bitcast_convert_type3A_1845 : vector<16xf32>
        %mul3A_1878 = vector.broadcast %squeeze3A_1760 : f32 to vector<16xf32>
        %mul3A_1879 = arith.mulf %mul3A_1878, %sub3A_1877 : vector<16xf32>
        %add3A_1880 = arith.addf %add3A_1876, %mul3A_1879 : vector<16xf32>
        %add3A_1881 = arith.addf %add3A_1756, %bitcast_convert_type3A_1849 : vector<16xf32>
        %sub3A_1882 = arith.subf %bitcast_convert_type3A_1865, %bitcast_convert_type3A_1849 : vector<16xf32>
        %mul3A_1883 = vector.broadcast %squeeze3A_1760 : f32 to vector<16xf32>
        %mul3A_1884 = arith.mulf %mul3A_1883, %sub3A_1882 : vector<16xf32>
        %add3A_1885 = arith.addf %add3A_1881, %mul3A_1884 : vector<16xf32>
        %slice3A_1886 = vector.extract_strided_slice %min3A_75 {offsets = [14], sizes = [1], strides = [1]} : vector<16xi32> to vector<1xi32>
        %squeeze3A_1887 = vector.extract %slice3A_1886[0] : i32 from vector<1xi32>
        %slice3A_1888 = vector.extract_strided_slice %sub3A {offsets = [14], sizes = [1], strides = [1]} : vector<16xf32> to vector<1xf32>
        %squeeze3A_1889 = vector.extract %slice3A_1888[0] : f32 from vector<1xf32>
        %add3A_1890 = arith.constant 448 : i32
        %add3A_1891 = arith.addi %add3A_1890, %squeeze3A_1887 : i32
        %shift_right_arithmetic3A_1892 = arith.constant 2 : i32
        %shift_right_arithmetic3A_1893 = arith.shrsi %add3A_1891, %shift_right_arithmetic3A_1892 : i32
        %and3A_1894 = arith.constant 3 : i32
        %and3A_1895 = arith.andi %add3A_1891, %and3A_1894 : i32
        %mul3A_1896 = arith.constant 32 : i32
        %mul3A_1897 = arith.muli %and3A_1895, %mul3A_1896 : i32
        %get3A_1898 = arith.index_cast %shift_right_arithmetic3A_1893 : i32 to index
        %get3A_1899 = arith.index_cast %mul3A_1897 : i32 to index
        %get3A_1900 = tpu.vector_load %arg7[%get3A_1898, %get3A_1899] {strides = array<i32>} : memref<128x128xi32, #tpu.memory_space<vmem>>, vector<1x16xi32>,
        %get3A_1901 = vector.shape_cast %get3A_1900 : vector<1x16xi32> to vector<16xi32>
        %add3A_1902 = arith.constant 16 : i32
        %add3A_1903 = arith.addi %mul3A_1897, %add3A_1902 : i32
        %get3A_1904 = arith.index_cast %shift_right_arithmetic3A_1893 : i32 to index
        %get3A_1905 = arith.index_cast %add3A_1903 : i32 to index
        %get3A_1906 = tpu.vector_load %arg7[%get3A_1904, %get3A_1905] {strides = array<i32>} : memref<128x128xi32, #tpu.memory_space<vmem>>, vector<1x16xi32>,
        %get3A_1907 = vector.shape_cast %get3A_1906 : vector<1x16xi32> to vector<16xi32>
        %add3A_1908 = arith.constant 32 : i32
        %add3A_1909 = arith.addi %mul3A_1897, %add3A_1908 : i32
        %jit3A_1910 = arith.constant 128 : i32
        %div3A_1911 = arith.divsi %add3A_1909, %jit3A_1910 : i32
        %sign3A_1912 = arith.constant 0 : i32
        %sign3A_1913 = arith.cmpi sgt, %add3A_1909, %sign3A_1912 : i32
        %sign3A_1914 = arith.extui %sign3A_1913 : i1 to i32
        %sign3A_1915 = arith.constant 0 : i32
        %sign3A_1916 = arith.cmpi slt, %add3A_1909, %sign3A_1915 : i32
        %sign3A_1917 = arith.extui %sign3A_1916 : i1 to i32
        %sign3A_1918 = arith.subi %sign3A_1914, %sign3A_1917 : i32
        %sign3A_1919 = arith.constant 0 : i32
        %sign3A_1920 = arith.cmpi sgt, %jit3A_1910, %sign3A_1919 : i32
        %sign3A_1921 = arith.extui %sign3A_1920 : i1 to i32
        %sign3A_1922 = arith.constant 0 : i32
        %sign3A_1923 = arith.cmpi slt, %jit3A_1910, %sign3A_1922 : i32
        %sign3A_1924 = arith.extui %sign3A_1923 : i1 to i32
        %sign3A_1925 = arith.subi %sign3A_1921, %sign3A_1924 : i32
        %ne3A_1926 = arith.cmpi ne, %sign3A_1918, %sign3A_1925 : i32
        %rem3A_1927 = arith.remsi %add3A_1909, %jit3A_1910 : i32
        %ne3A_1928 = arith.constant 0 : i32
        %ne3A_1929 = arith.cmpi ne, %rem3A_1927, %ne3A_1928 : i32
        %and3A_1930 = arith.andi %ne3A_1926, %ne3A_1929 : i1
        %sub3A_1931 = arith.constant 1 : i32
        %sub3A_1932 = arith.subi %div3A_1911, %sub3A_1931 : i32
        %select_n3A_1933 = arith.select %and3A_1930, %sub3A_1932, %div3A_1911 : i32
        %add3A_1934 = arith.addi %shift_right_arithmetic3A_1893, %select_n3A_1933 : i32
        %add3A_1935 = arith.constant 32 : i32
        %add3A_1936 = arith.addi %mul3A_1897, %add3A_1935 : i32
        %jit3A_1937 = arith.constant 128 : i32
        %eq3A_1938 = arith.constant 0 : i32
        %eq3A_1939 = arith.cmpi eq, %jit3A_1937, %eq3A_1938 : i32
        %jit3A_1940 = arith.constant 1 : i32
        %select_n3A_1941 = arith.select %eq3A_1939, %jit3A_1940, %jit3A_1937 : i32
        %rem3A_1942 = arith.remsi %add3A_1936, %select_n3A_1941 : i32
        %ne3A_1943 = arith.constant 0 : i32
        %ne3A_1944 = arith.cmpi ne, %rem3A_1942, %ne3A_1943 : i32
        %lt3A_1945 = arith.constant 0 : i32
        %lt3A_1946 = arith.cmpi slt, %rem3A_1942, %lt3A_1945 : i32
        %lt3A_1947 = arith.constant 0 : i32
        %lt3A_1948 = arith.cmpi slt, %select_n3A_1941, %lt3A_1947 : i32
        %ne3A_1949 = arith.xori %lt3A_1946, %lt3A_1948 : i1
        %and3A_1950 = arith.andi %ne3A_1949, %ne3A_1944 : i1
        %add3A_1951 = arith.addi %rem3A_1942, %select_n3A_1941 : i32
        %select_n3A_1952 = arith.select %and3A_1950, %add3A_1951, %rem3A_1942 : i32
        %get3A_1953 = arith.index_cast %add3A_1934 : i32 to index
        %get3A_1954 = arith.index_cast %select_n3A_1952 : i32 to index
        %get3A_1955 = tpu.vector_load %arg7[%get3A_1953, %get3A_1954] {strides = array<i32>} : memref<128x128xi32, #tpu.memory_space<vmem>>, vector<1x16xi32>,
        %get3A_1956 = vector.shape_cast %get3A_1955 : vector<1x16xi32> to vector<16xi32>
        %add3A_1957 = arith.constant 16 : i32
        %add3A_1958 = arith.addi %select_n3A_1952, %add3A_1957 : i32
        %get3A_1959 = arith.index_cast %add3A_1934 : i32 to index
        %get3A_1960 = arith.index_cast %add3A_1958 : i32 to index
        %get3A_1961 = tpu.vector_load %arg7[%get3A_1959, %get3A_1960] {strides = array<i32>} : memref<128x128xi32, #tpu.memory_space<vmem>>, vector<1x16xi32>,
        %get3A_1962 = vector.shape_cast %get3A_1961 : vector<1x16xi32> to vector<16xi32>
        %shift_left3A_1963 = arith.constant 16 : i32
        %shift_left3A_1964 = vector.broadcast %shift_left3A_1963 : i32 to vector<16xi32>
        %shift_left3A_1965 = arith.shli %get3A_1901, %shift_left3A_1964 : vector<16xi32>
        %bitcast_convert_type3A_1966 = tpu.bitcast %shift_left3A_1965 : vector<16xi32> -> vector<16xf32>
        %and3A_1967 = arith.constant -65536 : i32
        %and3A_1968 = vector.broadcast %and3A_1967 : i32 to vector<16xi32>
        %and3A_1969 = arith.andi %get3A_1901, %and3A_1968 : vector<16xi32>
        %bitcast_convert_type3A_1970 = tpu.bitcast %and3A_1969 : vector<16xi32> -> vector<16xf32>
        %shift_left3A_1971 = arith.constant 16 : i32
        %shift_left3A_1972 = vector.broadcast %shift_left3A_1971 : i32 to vector<16xi32>
        %shift_left3A_1973 = arith.shli %get3A_1907, %shift_left3A_1972 : vector<16xi32>
        %bitcast_convert_type3A_1974 = tpu.bitcast %shift_left3A_1973 : vector<16xi32> -> vector<16xf32>
        %and3A_1975 = arith.constant -65536 : i32
        %and3A_1976 = vector.broadcast %and3A_1975 : i32 to vector<16xi32>
        %and3A_1977 = arith.andi %get3A_1907, %and3A_1976 : vector<16xi32>
        %bitcast_convert_type3A_1978 = tpu.bitcast %and3A_1977 : vector<16xi32> -> vector<16xf32>
        %shift_left3A_1979 = arith.constant 16 : i32
        %shift_left3A_1980 = vector.broadcast %shift_left3A_1979 : i32 to vector<16xi32>
        %shift_left3A_1981 = arith.shli %get3A_1956, %shift_left3A_1980 : vector<16xi32>
        %bitcast_convert_type3A_1982 = tpu.bitcast %shift_left3A_1981 : vector<16xi32> -> vector<16xf32>
        %and3A_1983 = arith.constant -65536 : i32
        %and3A_1984 = vector.broadcast %and3A_1983 : i32 to vector<16xi32>
        %and3A_1985 = arith.andi %get3A_1956, %and3A_1984 : vector<16xi32>
        %bitcast_convert_type3A_1986 = tpu.bitcast %and3A_1985 : vector<16xi32> -> vector<16xf32>
        %shift_left3A_1987 = arith.constant 16 : i32
        %shift_left3A_1988 = vector.broadcast %shift_left3A_1987 : i32 to vector<16xi32>
        %shift_left3A_1989 = arith.shli %get3A_1962, %shift_left3A_1988 : vector<16xi32>
        %bitcast_convert_type3A_1990 = tpu.bitcast %shift_left3A_1989 : vector<16xi32> -> vector<16xf32>
        %and3A_1991 = arith.constant -65536 : i32
        %and3A_1992 = vector.broadcast %and3A_1991 : i32 to vector<16xi32>
        %and3A_1993 = arith.andi %get3A_1962, %and3A_1992 : vector<16xi32>
        %bitcast_convert_type3A_1994 = tpu.bitcast %and3A_1993 : vector<16xi32> -> vector<16xf32>
        %add3A_1995 = arith.addf %add3A_1870, %bitcast_convert_type3A_1966 : vector<16xf32>
        %sub3A_1996 = arith.subf %bitcast_convert_type3A_1982, %bitcast_convert_type3A_1966 : vector<16xf32>
        %mul3A_1997 = vector.broadcast %squeeze3A_1889 : f32 to vector<16xf32>
        %mul3A_1998 = arith.mulf %mul3A_1997, %sub3A_1996 : vector<16xf32>
        %add3A_1999 = arith.addf %add3A_1995, %mul3A_1998 : vector<16xf32>
        %add3A_2000 = arith.addf %add3A_1875, %bitcast_convert_type3A_1970 : vector<16xf32>
        %sub3A_2001 = arith.subf %bitcast_convert_type3A_1986, %bitcast_convert_type3A_1970 : vector<16xf32>
        %mul3A_2002 = vector.broadcast %squeeze3A_1889 : f32 to vector<16xf32>
        %mul3A_2003 = arith.mulf %mul3A_2002, %sub3A_2001 : vector<16xf32>
        %add3A_2004 = arith.addf %add3A_2000, %mul3A_2003 : vector<16xf32>
        %add3A_2005 = arith.addf %add3A_1880, %bitcast_convert_type3A_1974 : vector<16xf32>
        %sub3A_2006 = arith.subf %bitcast_convert_type3A_1990, %bitcast_convert_type3A_1974 : vector<16xf32>
        %mul3A_2007 = vector.broadcast %squeeze3A_1889 : f32 to vector<16xf32>
        %mul3A_2008 = arith.mulf %mul3A_2007, %sub3A_2006 : vector<16xf32>
        %add3A_2009 = arith.addf %add3A_2005, %mul3A_2008 : vector<16xf32>
        %add3A_2010 = arith.addf %add3A_1885, %bitcast_convert_type3A_1978 : vector<16xf32>
        %sub3A_2011 = arith.subf %bitcast_convert_type3A_1994, %bitcast_convert_type3A_1978 : vector<16xf32>
        %mul3A_2012 = vector.broadcast %squeeze3A_1889 : f32 to vector<16xf32>
        %mul3A_2013 = arith.mulf %mul3A_2012, %sub3A_2011 : vector<16xf32>
        %add3A_2014 = arith.addf %add3A_2010, %mul3A_2013 : vector<16xf32>
        %slice3A_2015 = vector.extract_strided_slice %min3A_75 {offsets = [15], sizes = [1], strides = [1]} : vector<16xi32> to vector<1xi32>
        %squeeze3A_2016 = vector.extract %slice3A_2015[0] : i32 from vector<1xi32>
        %slice3A_2017 = vector.extract_strided_slice %sub3A {offsets = [15], sizes = [1], strides = [1]} : vector<16xf32> to vector<1xf32>
        %squeeze3A_2018 = vector.extract %slice3A_2017[0] : f32 from vector<1xf32>
        %add3A_2019 = arith.constant 480 : i32
        %add3A_2020 = arith.addi %add3A_2019, %squeeze3A_2016 : i32
        %shift_right_arithmetic3A_2021 = arith.constant 2 : i32
        %shift_right_arithmetic3A_2022 = arith.shrsi %add3A_2020, %shift_right_arithmetic3A_2021 : i32
        %and3A_2023 = arith.constant 3 : i32
        %and3A_2024 = arith.andi %add3A_2020, %and3A_2023 : i32
        %mul3A_2025 = arith.constant 32 : i32
        %mul3A_2026 = arith.muli %and3A_2024, %mul3A_2025 : i32
        %get3A_2027 = arith.index_cast %shift_right_arithmetic3A_2022 : i32 to index
        %get3A_2028 = arith.index_cast %mul3A_2026 : i32 to index
        %get3A_2029 = tpu.vector_load %arg7[%get3A_2027, %get3A_2028] {strides = array<i32>} : memref<128x128xi32, #tpu.memory_space<vmem>>, vector<1x16xi32>,
        %get3A_2030 = vector.shape_cast %get3A_2029 : vector<1x16xi32> to vector<16xi32>
        %add3A_2031 = arith.constant 16 : i32
        %add3A_2032 = arith.addi %mul3A_2026, %add3A_2031 : i32
        %get3A_2033 = arith.index_cast %shift_right_arithmetic3A_2022 : i32 to index
        %get3A_2034 = arith.index_cast %add3A_2032 : i32 to index
        %get3A_2035 = tpu.vector_load %arg7[%get3A_2033, %get3A_2034] {strides = array<i32>} : memref<128x128xi32, #tpu.memory_space<vmem>>, vector<1x16xi32>,
        %get3A_2036 = vector.shape_cast %get3A_2035 : vector<1x16xi32> to vector<16xi32>
        %add3A_2037 = arith.constant 32 : i32
        %add3A_2038 = arith.addi %mul3A_2026, %add3A_2037 : i32
        %jit3A_2039 = arith.constant 128 : i32
        %div3A_2040 = arith.divsi %add3A_2038, %jit3A_2039 : i32
        %sign3A_2041 = arith.constant 0 : i32
        %sign3A_2042 = arith.cmpi sgt, %add3A_2038, %sign3A_2041 : i32
        %sign3A_2043 = arith.extui %sign3A_2042 : i1 to i32
        %sign3A_2044 = arith.constant 0 : i32
        %sign3A_2045 = arith.cmpi slt, %add3A_2038, %sign3A_2044 : i32
        %sign3A_2046 = arith.extui %sign3A_2045 : i1 to i32
        %sign3A_2047 = arith.subi %sign3A_2043, %sign3A_2046 : i32
        %sign3A_2048 = arith.constant 0 : i32
        %sign3A_2049 = arith.cmpi sgt, %jit3A_2039, %sign3A_2048 : i32
        %sign3A_2050 = arith.extui %sign3A_2049 : i1 to i32
        %sign3A_2051 = arith.constant 0 : i32
        %sign3A_2052 = arith.cmpi slt, %jit3A_2039, %sign3A_2051 : i32
        %sign3A_2053 = arith.extui %sign3A_2052 : i1 to i32
        %sign3A_2054 = arith.subi %sign3A_2050, %sign3A_2053 : i32
        %ne3A_2055 = arith.cmpi ne, %sign3A_2047, %sign3A_2054 : i32
        %rem3A_2056 = arith.remsi %add3A_2038, %jit3A_2039 : i32
        %ne3A_2057 = arith.constant 0 : i32
        %ne3A_2058 = arith.cmpi ne, %rem3A_2056, %ne3A_2057 : i32
        %and3A_2059 = arith.andi %ne3A_2055, %ne3A_2058 : i1
        %sub3A_2060 = arith.constant 1 : i32
        %sub3A_2061 = arith.subi %div3A_2040, %sub3A_2060 : i32
        %select_n3A_2062 = arith.select %and3A_2059, %sub3A_2061, %div3A_2040 : i32
        %add3A_2063 = arith.addi %shift_right_arithmetic3A_2022, %select_n3A_2062 : i32
        %add3A_2064 = arith.constant 32 : i32
        %add3A_2065 = arith.addi %mul3A_2026, %add3A_2064 : i32
        %jit3A_2066 = arith.constant 128 : i32
        %eq3A_2067 = arith.constant 0 : i32
        %eq3A_2068 = arith.cmpi eq, %jit3A_2066, %eq3A_2067 : i32
        %jit3A_2069 = arith.constant 1 : i32
        %select_n3A_2070 = arith.select %eq3A_2068, %jit3A_2069, %jit3A_2066 : i32
        %rem3A_2071 = arith.remsi %add3A_2065, %select_n3A_2070 : i32
        %ne3A_2072 = arith.constant 0 : i32
        %ne3A_2073 = arith.cmpi ne, %rem3A_2071, %ne3A_2072 : i32
        %lt3A_2074 = arith.constant 0 : i32
        %lt3A_2075 = arith.cmpi slt, %rem3A_2071, %lt3A_2074 : i32
        %lt3A_2076 = arith.constant 0 : i32
        %lt3A_2077 = arith.cmpi slt, %select_n3A_2070, %lt3A_2076 : i32
        %ne3A_2078 = arith.xori %lt3A_2075, %lt3A_2077 : i1
        %and3A_2079 = arith.andi %ne3A_2078, %ne3A_2073 : i1
        %add3A_2080 = arith.addi %rem3A_2071, %select_n3A_2070 : i32
        %select_n3A_2081 = arith.select %and3A_2079, %add3A_2080, %rem3A_2071 : i32
        %get3A_2082 = arith.index_cast %add3A_2063 : i32 to index
        %get3A_2083 = arith.index_cast %select_n3A_2081 : i32 to index
        %get3A_2084 = tpu.vector_load %arg7[%get3A_2082, %get3A_2083] {strides = array<i32>} : memref<128x128xi32, #tpu.memory_space<vmem>>, vector<1x16xi32>,
        %get3A_2085 = vector.shape_cast %get3A_2084 : vector<1x16xi32> to vector<16xi32>
        %add3A_2086 = arith.constant 16 : i32
        %add3A_2087 = arith.addi %select_n3A_2081, %add3A_2086 : i32
        %get3A_2088 = arith.index_cast %add3A_2063 : i32 to index
        %get3A_2089 = arith.index_cast %add3A_2087 : i32 to index
        %get3A_2090 = tpu.vector_load %arg7[%get3A_2088, %get3A_2089] {strides = array<i32>} : memref<128x128xi32, #tpu.memory_space<vmem>>, vector<1x16xi32>,
        %get3A_2091 = vector.shape_cast %get3A_2090 : vector<1x16xi32> to vector<16xi32>
        %shift_left3A_2092 = arith.constant 16 : i32
        %shift_left3A_2093 = vector.broadcast %shift_left3A_2092 : i32 to vector<16xi32>
        %shift_left3A_2094 = arith.shli %get3A_2030, %shift_left3A_2093 : vector<16xi32>
        %bitcast_convert_type3A_2095 = tpu.bitcast %shift_left3A_2094 : vector<16xi32> -> vector<16xf32>
        %and3A_2096 = arith.constant -65536 : i32
        %and3A_2097 = vector.broadcast %and3A_2096 : i32 to vector<16xi32>
        %and3A_2098 = arith.andi %get3A_2030, %and3A_2097 : vector<16xi32>
        %bitcast_convert_type3A_2099 = tpu.bitcast %and3A_2098 : vector<16xi32> -> vector<16xf32>
        %shift_left3A_2100 = arith.constant 16 : i32
        %shift_left3A_2101 = vector.broadcast %shift_left3A_2100 : i32 to vector<16xi32>
        %shift_left3A_2102 = arith.shli %get3A_2036, %shift_left3A_2101 : vector<16xi32>
        %bitcast_convert_type3A_2103 = tpu.bitcast %shift_left3A_2102 : vector<16xi32> -> vector<16xf32>
        %and3A_2104 = arith.constant -65536 : i32
        %and3A_2105 = vector.broadcast %and3A_2104 : i32 to vector<16xi32>
        %and3A_2106 = arith.andi %get3A_2036, %and3A_2105 : vector<16xi32>
        %bitcast_convert_type3A_2107 = tpu.bitcast %and3A_2106 : vector<16xi32> -> vector<16xf32>
        %shift_left3A_2108 = arith.constant 16 : i32
        %shift_left3A_2109 = vector.broadcast %shift_left3A_2108 : i32 to vector<16xi32>
        %shift_left3A_2110 = arith.shli %get3A_2085, %shift_left3A_2109 : vector<16xi32>
        %bitcast_convert_type3A_2111 = tpu.bitcast %shift_left3A_2110 : vector<16xi32> -> vector<16xf32>
        %and3A_2112 = arith.constant -65536 : i32
        %and3A_2113 = vector.broadcast %and3A_2112 : i32 to vector<16xi32>
        %and3A_2114 = arith.andi %get3A_2085, %and3A_2113 : vector<16xi32>
        %bitcast_convert_type3A_2115 = tpu.bitcast %and3A_2114 : vector<16xi32> -> vector<16xf32>
        %shift_left3A_2116 = arith.constant 16 : i32
        %shift_left3A_2117 = vector.broadcast %shift_left3A_2116 : i32 to vector<16xi32>
        %shift_left3A_2118 = arith.shli %get3A_2091, %shift_left3A_2117 : vector<16xi32>
        %bitcast_convert_type3A_2119 = tpu.bitcast %shift_left3A_2118 : vector<16xi32> -> vector<16xf32>
        %and3A_2120 = arith.constant -65536 : i32
        %and3A_2121 = vector.broadcast %and3A_2120 : i32 to vector<16xi32>
        %and3A_2122 = arith.andi %get3A_2091, %and3A_2121 : vector<16xi32>
        %bitcast_convert_type3A_2123 = tpu.bitcast %and3A_2122 : vector<16xi32> -> vector<16xf32>
        %add3A_2124 = arith.addf %add3A_1999, %bitcast_convert_type3A_2095 : vector<16xf32>
        %sub3A_2125 = arith.subf %bitcast_convert_type3A_2111, %bitcast_convert_type3A_2095 : vector<16xf32>
        %mul3A_2126 = vector.broadcast %squeeze3A_2018 : f32 to vector<16xf32>
        %mul3A_2127 = arith.mulf %mul3A_2126, %sub3A_2125 : vector<16xf32>
        %add3A_2128 = arith.addf %add3A_2124, %mul3A_2127 : vector<16xf32>
        %add3A_2129 = arith.addf %add3A_2004, %bitcast_convert_type3A_2099 : vector<16xf32>
        %sub3A_2130 = arith.subf %bitcast_convert_type3A_2115, %bitcast_convert_type3A_2099 : vector<16xf32>
        %mul3A_2131 = vector.broadcast %squeeze3A_2018 : f32 to vector<16xf32>
        %mul3A_2132 = arith.mulf %mul3A_2131, %sub3A_2130 : vector<16xf32>
        %add3A_2133 = arith.addf %add3A_2129, %mul3A_2132 : vector<16xf32>
        %add3A_2134 = arith.addf %add3A_2009, %bitcast_convert_type3A_2103 : vector<16xf32>
        %sub3A_2135 = arith.subf %bitcast_convert_type3A_2119, %bitcast_convert_type3A_2103 : vector<16xf32>
        %mul3A_2136 = vector.broadcast %squeeze3A_2018 : f32 to vector<16xf32>
        %mul3A_2137 = arith.mulf %mul3A_2136, %sub3A_2135 : vector<16xf32>
        %add3A_2138 = arith.addf %add3A_2134, %mul3A_2137 : vector<16xf32>
        %add3A_2139 = arith.addf %add3A_2014, %bitcast_convert_type3A_2107 : vector<16xf32>
        %sub3A_2140 = arith.subf %bitcast_convert_type3A_2123, %bitcast_convert_type3A_2107 : vector<16xf32>
        %mul3A_2141 = vector.broadcast %squeeze3A_2018 : f32 to vector<16xf32>
        %mul3A_2142 = arith.mulf %mul3A_2141, %sub3A_2140 : vector<16xf32>
        %add3A_2143 = arith.addf %add3A_2139, %mul3A_2142 : vector<16xf32>
        %swap3A = arith.index_cast %scan3A_61 : i32 to index
        %swap3A_2144 = arith.constant 0 : index
        %swap3A_2145 = tpu.vector_load %arg8[%swap3A, %swap3A_2144] {strides = array<i32>} : memref<32x64xf32, #tpu.memory_space<vmem>>, vector<1x16xf32>,
        %swap3A_2146 = vector.shape_cast %swap3A_2145 : vector<1x16xf32> to vector<16xf32>
        %swap3A_2147 = vector.shape_cast %add3A_2128 : vector<16xf32> to vector<1x16xf32>
        tpu.vector_store %arg8[%swap3A, %swap3A_2144], %swap3A_2147 {strides = array<i32>} : memref<32x64xf32, #tpu.memory_space<vmem>>, vector<1x16xf32>,
        %swap3A_2148 = arith.index_cast %scan3A_61 : i32 to index
        %swap3A_2149 = arith.constant 16 : index
        %swap3A_2150 = tpu.vector_load %arg8[%swap3A_2148, %swap3A_2149] {strides = array<i32>} : memref<32x64xf32, #tpu.memory_space<vmem>>, vector<1x16xf32>,
        %swap3A_2151 = vector.shape_cast %swap3A_2150 : vector<1x16xf32> to vector<16xf32>
        %swap3A_2152 = vector.shape_cast %add3A_2133 : vector<16xf32> to vector<1x16xf32>
        tpu.vector_store %arg8[%swap3A_2148, %swap3A_2149], %swap3A_2152 {strides = array<i32>} : memref<32x64xf32, #tpu.memory_space<vmem>>, vector<1x16xf32>,
        %swap3A_2153 = arith.index_cast %scan3A_61 : i32 to index
        %swap3A_2154 = arith.constant 32 : index
        %swap3A_2155 = tpu.vector_load %arg8[%swap3A_2153, %swap3A_2154] {strides = array<i32>} : memref<32x64xf32, #tpu.memory_space<vmem>>, vector<1x16xf32>,
        %swap3A_2156 = vector.shape_cast %swap3A_2155 : vector<1x16xf32> to vector<16xf32>
        %swap3A_2157 = vector.shape_cast %add3A_2138 : vector<16xf32> to vector<1x16xf32>
        tpu.vector_store %arg8[%swap3A_2153, %swap3A_2154], %swap3A_2157 {strides = array<i32>} : memref<32x64xf32, #tpu.memory_space<vmem>>, vector<1x16xf32>,
        %swap3A_2158 = arith.index_cast %scan3A_61 : i32 to index
        %swap3A_2159 = arith.constant 48 : index
        %swap3A_2160 = tpu.vector_load %arg8[%swap3A_2158, %swap3A_2159] {strides = array<i32>} : memref<32x64xf32, #tpu.memory_space<vmem>>, vector<1x16xf32>,
        %swap3A_2161 = vector.shape_cast %swap3A_2160 : vector<1x16xf32> to vector<16xf32>
        %swap3A_2162 = vector.shape_cast %add3A_2143 : vector<16xf32> to vector<1x16xf32>
        tpu.vector_store %arg8[%swap3A_2158, %swap3A_2159], %swap3A_2162 {strides = array<i32>} : memref<32x64xf32, #tpu.memory_space<vmem>>, vector<1x16xf32>,
      }
      %scan3A_60 = arith.constant 32 : i32
    }
    %scan3A_18 = arith.constant 8 : i32
    "tpu.region"() ({
      %run_scoped3A = tpu.sem_alloc : memref<!tpu.dma_semaphore, #tpu.memory_space<semaphore_mem>>
      %dma_start3A_19 = arith.constant 0 : i32
      %dma_start3A_20 = tpu.memref_slice %arg4[%mul3A_2, %dma_start3A_19] : memref<1024x64xf32, #tpu.memory_space<hbm>> -> memref<32x64xf32, #tpu.memory_space<hbm>>
      %dma_start3A_21 = arith.constant 0 : i32
      %dma_start3A_22 = tpu.memref_slice %arg4[%mul3A_2, %dma_start3A_21] : memref<1024x64xf32, #tpu.memory_space<hbm>> -> memref<32x64xf32, #tpu.memory_space<hbm>>
      tpu.enqueue_dma source(%arg8 : memref<32x64xf32, #tpu.memory_space<vmem>>) target(%dma_start3A_22 : memref<32x64xf32, #tpu.memory_space<hbm>>) target_semaphore(%run_scoped3A : memref<!tpu.dma_semaphore, #tpu.memory_space<semaphore_mem>>)
      %dma_wait3A = arith.constant 0 : i32
      %dma_wait3A_23 = tpu.memref_slice %arg4[%mul3A_2, %dma_wait3A] : memref<1024x64xf32, #tpu.memory_space<hbm>> -> memref<32x64xf32, #tpu.memory_space<hbm>>
      %dma_wait3A_24 = arith.constant 0 : i32
      %dma_wait3A_25 = tpu.memref_slice %arg4[%mul3A_2, %dma_wait3A_24] : memref<1024x64xf32, #tpu.memory_space<hbm>> -> memref<32x64xf32, #tpu.memory_space<hbm>>
      tpu.wait_dma2 semaphore(%run_scoped3A : memref<!tpu.dma_semaphore, #tpu.memory_space<semaphore_mem>>) src(%arg8 : memref<32x64xf32, #tpu.memory_space<vmem>>) dst(%dma_wait3A_25 : memref<32x64xf32, #tpu.memory_space<hbm>>)
      tpu.yield
    }) : () -> ()
    return
  }
}

module attributes {stable_mosaic.version = 14 : i64} {
  func.func @_tc_body(%arg0: i32, %arg1: memref<512x256xf32, #tpu.memory_space<vmem>>, %arg2: memref<256x2048xf32, #tpu.memory_space<vmem>>, %arg3: memref<8x64xf32, #tpu.memory_space<vmem>>, %arg4: memref<512x64xf32, #tpu.memory_space<vmem>>) attributes {dimension_semantics = [#tpu.dimension_semantics<arbitrary>], iteration_bounds = array<i64: 30>, scalar_prefetch = 0 : i64, scratch_operands = 0 : i64, tpu.core_type = #tpu.core_type<tc>, window_params = [{transform_indices = @transform_0, window_bounds = array<i64: 512, 256>}, {pipeline_mode = #tpu.pipeline_mode<synchronous>, transform_indices = @transform_1, window_bounds = array<i64: 256, 2048>}, {pipeline_mode = #tpu.pipeline_mode<synchronous>, transform_indices = @transform_2, window_bounds = array<i64: 8, 64>}, {transform_indices = @transform_3, window_bounds = array<i64: 512, 64>}]} {
    %get3A = arith.constant 0 : index
    %get3A_0 = arith.constant 0 : index
    %get3A_1 = vector.load %arg1[%get3A, %get3A_0] : memref<512x256xf32, #tpu.memory_space<vmem>>, vector<512x256xf32>
    %add3A = arith.constant 2.000000e+00 : f32
    %add3A_2 = vector.broadcast %add3A : f32 to vector<512x256xf32>
    %add3A_3 = arith.addf %get3A_1, %add3A_2 : vector<512x256xf32>
    %mul3A = arith.constant 7.750000e+00 : f32
    %mul3A_4 = vector.broadcast %mul3A : f32 to vector<512x256xf32>
    %mul3A_5 = arith.mulf %add3A_3, %mul3A_4 : vector<512x256xf32>
    %get3A_6 = arith.constant 0 : index
    %get3A_7 = arith.constant 0 : index
    %get3A_8 = vector.load %arg3[%get3A_6, %get3A_7] : memref<8x64xf32, #tpu.memory_space<vmem>>, vector<1x64xf32>
    %get3A_9 = arith.constant 0 : index
    %get3A_10 = arith.constant 0 : index
    %get3A_11 = vector.load %arg2[%get3A_9, %get3A_10] : memref<256x2048xf32, #tpu.memory_space<vmem>>, vector<256x64xf32>
    %dot_general3A = arith.constant dense<0.000000e+00> : vector<512x64xf32>
    %dot_general3A_12 = tpu.matmul %mul3A_5, %get3A_11, %dot_general3A {dimension_numbers = #tpu.dot_dimension_numbers<[1], [0], [0], [1], [0, 0, 1, 1], [], []>, transpose_lhs_hint = false} : vector<512x256xf32>, vector<256x64xf32>, vector<512x64xf32> -> vector<512x64xf32>
    %add3A_13 = vector.broadcast %get3A_8 : vector<1x64xf32> to vector<512x64xf32>
    %add3A_14 = arith.addf %add3A_13, %dot_general3A_12 : vector<512x64xf32>
    %sub3A = arith.constant 1.000000e+00 : f32
    %sub3A_15 = vector.broadcast %sub3A : f32 to vector<512x256xf32>
    %sub3A_16 = arith.subf %mul3A_5, %sub3A_15 : vector<512x256xf32>
    %max3A = arith.constant 0.000000e+00 : f32
    %max3A_17 = vector.broadcast %max3A : f32 to vector<512x256xf32>
    %max3A_18 = arith.maximumf %sub3A_16, %max3A_17 : vector<512x256xf32>
    %get3A_19 = arith.constant 0 : index
    %get3A_20 = arith.constant 64 : index
    %get3A_21 = vector.load %arg2[%get3A_19, %get3A_20] : memref<256x2048xf32, #tpu.memory_space<vmem>>, vector<256x64xf32>
    %dot_general3A_22 = arith.constant dense<0.000000e+00> : vector<512x64xf32>
    %dot_general3A_23 = tpu.matmul %max3A_18, %get3A_21, %dot_general3A_22 {dimension_numbers = #tpu.dot_dimension_numbers<[1], [0], [0], [1], [0, 0, 1, 1], [], []>, transpose_lhs_hint = false} : vector<512x256xf32>, vector<256x64xf32>, vector<512x64xf32> -> vector<512x64xf32>
    %add3A_24 = arith.addf %add3A_14, %dot_general3A_23 : vector<512x64xf32>
    %sub3A_25 = arith.constant 2.000000e+00 : f32
    %sub3A_26 = vector.broadcast %sub3A_25 : f32 to vector<512x256xf32>
    %sub3A_27 = arith.subf %mul3A_5, %sub3A_26 : vector<512x256xf32>
    %max3A_28 = arith.constant 0.000000e+00 : f32
    %max3A_29 = vector.broadcast %max3A_28 : f32 to vector<512x256xf32>
    %max3A_30 = arith.maximumf %sub3A_27, %max3A_29 : vector<512x256xf32>
    %get3A_31 = arith.constant 0 : index
    %get3A_32 = arith.constant 128 : index
    %get3A_33 = vector.load %arg2[%get3A_31, %get3A_32] : memref<256x2048xf32, #tpu.memory_space<vmem>>, vector<256x64xf32>
    %dot_general3A_34 = arith.constant dense<0.000000e+00> : vector<512x64xf32>
    %dot_general3A_35 = tpu.matmul %max3A_30, %get3A_33, %dot_general3A_34 {dimension_numbers = #tpu.dot_dimension_numbers<[1], [0], [0], [1], [0, 0, 1, 1], [], []>, transpose_lhs_hint = false} : vector<512x256xf32>, vector<256x64xf32>, vector<512x64xf32> -> vector<512x64xf32>
    %add3A_36 = arith.addf %add3A_24, %dot_general3A_35 : vector<512x64xf32>
    %sub3A_37 = arith.constant 3.000000e+00 : f32
    %sub3A_38 = vector.broadcast %sub3A_37 : f32 to vector<512x256xf32>
    %sub3A_39 = arith.subf %mul3A_5, %sub3A_38 : vector<512x256xf32>
    %max3A_40 = arith.constant 0.000000e+00 : f32
    %max3A_41 = vector.broadcast %max3A_40 : f32 to vector<512x256xf32>
    %max3A_42 = arith.maximumf %sub3A_39, %max3A_41 : vector<512x256xf32>
    %get3A_43 = arith.constant 0 : index
    %get3A_44 = arith.constant 192 : index
    %get3A_45 = vector.load %arg2[%get3A_43, %get3A_44] : memref<256x2048xf32, #tpu.memory_space<vmem>>, vector<256x64xf32>
    %dot_general3A_46 = arith.constant dense<0.000000e+00> : vector<512x64xf32>
    %dot_general3A_47 = tpu.matmul %max3A_42, %get3A_45, %dot_general3A_46 {dimension_numbers = #tpu.dot_dimension_numbers<[1], [0], [0], [1], [0, 0, 1, 1], [], []>, transpose_lhs_hint = false} : vector<512x256xf32>, vector<256x64xf32>, vector<512x64xf32> -> vector<512x64xf32>
    %add3A_48 = arith.addf %add3A_36, %dot_general3A_47 : vector<512x64xf32>
    %sub3A_49 = arith.constant 4.000000e+00 : f32
    %sub3A_50 = vector.broadcast %sub3A_49 : f32 to vector<512x256xf32>
    %sub3A_51 = arith.subf %mul3A_5, %sub3A_50 : vector<512x256xf32>
    %max3A_52 = arith.constant 0.000000e+00 : f32
    %max3A_53 = vector.broadcast %max3A_52 : f32 to vector<512x256xf32>
    %max3A_54 = arith.maximumf %sub3A_51, %max3A_53 : vector<512x256xf32>
    %get3A_55 = arith.constant 0 : index
    %get3A_56 = arith.constant 256 : index
    %get3A_57 = vector.load %arg2[%get3A_55, %get3A_56] : memref<256x2048xf32, #tpu.memory_space<vmem>>, vector<256x64xf32>
    %dot_general3A_58 = arith.constant dense<0.000000e+00> : vector<512x64xf32>
    %dot_general3A_59 = tpu.matmul %max3A_54, %get3A_57, %dot_general3A_58 {dimension_numbers = #tpu.dot_dimension_numbers<[1], [0], [0], [1], [0, 0, 1, 1], [], []>, transpose_lhs_hint = false} : vector<512x256xf32>, vector<256x64xf32>, vector<512x64xf32> -> vector<512x64xf32>
    %add3A_60 = arith.addf %add3A_48, %dot_general3A_59 : vector<512x64xf32>
    %sub3A_61 = arith.constant 5.000000e+00 : f32
    %sub3A_62 = vector.broadcast %sub3A_61 : f32 to vector<512x256xf32>
    %sub3A_63 = arith.subf %mul3A_5, %sub3A_62 : vector<512x256xf32>
    %max3A_64 = arith.constant 0.000000e+00 : f32
    %max3A_65 = vector.broadcast %max3A_64 : f32 to vector<512x256xf32>
    %max3A_66 = arith.maximumf %sub3A_63, %max3A_65 : vector<512x256xf32>
    %get3A_67 = arith.constant 0 : index
    %get3A_68 = arith.constant 320 : index
    %get3A_69 = vector.load %arg2[%get3A_67, %get3A_68] : memref<256x2048xf32, #tpu.memory_space<vmem>>, vector<256x64xf32>
    %dot_general3A_70 = arith.constant dense<0.000000e+00> : vector<512x64xf32>
    %dot_general3A_71 = tpu.matmul %max3A_66, %get3A_69, %dot_general3A_70 {dimension_numbers = #tpu.dot_dimension_numbers<[1], [0], [0], [1], [0, 0, 1, 1], [], []>, transpose_lhs_hint = false} : vector<512x256xf32>, vector<256x64xf32>, vector<512x64xf32> -> vector<512x64xf32>
    %add3A_72 = arith.addf %add3A_60, %dot_general3A_71 : vector<512x64xf32>
    %sub3A_73 = arith.constant 6.000000e+00 : f32
    %sub3A_74 = vector.broadcast %sub3A_73 : f32 to vector<512x256xf32>
    %sub3A_75 = arith.subf %mul3A_5, %sub3A_74 : vector<512x256xf32>
    %max3A_76 = arith.constant 0.000000e+00 : f32
    %max3A_77 = vector.broadcast %max3A_76 : f32 to vector<512x256xf32>
    %max3A_78 = arith.maximumf %sub3A_75, %max3A_77 : vector<512x256xf32>
    %get3A_79 = arith.constant 0 : index
    %get3A_80 = arith.constant 384 : index
    %get3A_81 = vector.load %arg2[%get3A_79, %get3A_80] : memref<256x2048xf32, #tpu.memory_space<vmem>>, vector<256x64xf32>
    %dot_general3A_82 = arith.constant dense<0.000000e+00> : vector<512x64xf32>
    %dot_general3A_83 = tpu.matmul %max3A_78, %get3A_81, %dot_general3A_82 {dimension_numbers = #tpu.dot_dimension_numbers<[1], [0], [0], [1], [0, 0, 1, 1], [], []>, transpose_lhs_hint = false} : vector<512x256xf32>, vector<256x64xf32>, vector<512x64xf32> -> vector<512x64xf32>
    %add3A_84 = arith.addf %add3A_72, %dot_general3A_83 : vector<512x64xf32>
    %sub3A_85 = arith.constant 7.000000e+00 : f32
    %sub3A_86 = vector.broadcast %sub3A_85 : f32 to vector<512x256xf32>
    %sub3A_87 = arith.subf %mul3A_5, %sub3A_86 : vector<512x256xf32>
    %max3A_88 = arith.constant 0.000000e+00 : f32
    %max3A_89 = vector.broadcast %max3A_88 : f32 to vector<512x256xf32>
    %max3A_90 = arith.maximumf %sub3A_87, %max3A_89 : vector<512x256xf32>
    %get3A_91 = arith.constant 0 : index
    %get3A_92 = arith.constant 448 : index
    %get3A_93 = vector.load %arg2[%get3A_91, %get3A_92] : memref<256x2048xf32, #tpu.memory_space<vmem>>, vector<256x64xf32>
    %dot_general3A_94 = arith.constant dense<0.000000e+00> : vector<512x64xf32>
    %dot_general3A_95 = tpu.matmul %max3A_90, %get3A_93, %dot_general3A_94 {dimension_numbers = #tpu.dot_dimension_numbers<[1], [0], [0], [1], [0, 0, 1, 1], [], []>, transpose_lhs_hint = false} : vector<512x256xf32>, vector<256x64xf32>, vector<512x64xf32> -> vector<512x64xf32>
    %add3A_96 = arith.addf %add3A_84, %dot_general3A_95 : vector<512x64xf32>
    %sub3A_97 = arith.constant 8.000000e+00 : f32
    %sub3A_98 = vector.broadcast %sub3A_97 : f32 to vector<512x256xf32>
    %sub3A_99 = arith.subf %mul3A_5, %sub3A_98 : vector<512x256xf32>
    %max3A_100 = arith.constant 0.000000e+00 : f32
    %max3A_101 = vector.broadcast %max3A_100 : f32 to vector<512x256xf32>
    %max3A_102 = arith.maximumf %sub3A_99, %max3A_101 : vector<512x256xf32>
    %get3A_103 = arith.constant 0 : index
    %get3A_104 = arith.constant 512 : index
    %get3A_105 = vector.load %arg2[%get3A_103, %get3A_104] : memref<256x2048xf32, #tpu.memory_space<vmem>>, vector<256x64xf32>
    %dot_general3A_106 = arith.constant dense<0.000000e+00> : vector<512x64xf32>
    %dot_general3A_107 = tpu.matmul %max3A_102, %get3A_105, %dot_general3A_106 {dimension_numbers = #tpu.dot_dimension_numbers<[1], [0], [0], [1], [0, 0, 1, 1], [], []>, transpose_lhs_hint = false} : vector<512x256xf32>, vector<256x64xf32>, vector<512x64xf32> -> vector<512x64xf32>
    %add3A_108 = arith.addf %add3A_96, %dot_general3A_107 : vector<512x64xf32>
    %sub3A_109 = arith.constant 9.000000e+00 : f32
    %sub3A_110 = vector.broadcast %sub3A_109 : f32 to vector<512x256xf32>
    %sub3A_111 = arith.subf %mul3A_5, %sub3A_110 : vector<512x256xf32>
    %max3A_112 = arith.constant 0.000000e+00 : f32
    %max3A_113 = vector.broadcast %max3A_112 : f32 to vector<512x256xf32>
    %max3A_114 = arith.maximumf %sub3A_111, %max3A_113 : vector<512x256xf32>
    %get3A_115 = arith.constant 0 : index
    %get3A_116 = arith.constant 576 : index
    %get3A_117 = vector.load %arg2[%get3A_115, %get3A_116] : memref<256x2048xf32, #tpu.memory_space<vmem>>, vector<256x64xf32>
    %dot_general3A_118 = arith.constant dense<0.000000e+00> : vector<512x64xf32>
    %dot_general3A_119 = tpu.matmul %max3A_114, %get3A_117, %dot_general3A_118 {dimension_numbers = #tpu.dot_dimension_numbers<[1], [0], [0], [1], [0, 0, 1, 1], [], []>, transpose_lhs_hint = false} : vector<512x256xf32>, vector<256x64xf32>, vector<512x64xf32> -> vector<512x64xf32>
    %add3A_120 = arith.addf %add3A_108, %dot_general3A_119 : vector<512x64xf32>
    %sub3A_121 = arith.constant 1.000000e+01 : f32
    %sub3A_122 = vector.broadcast %sub3A_121 : f32 to vector<512x256xf32>
    %sub3A_123 = arith.subf %mul3A_5, %sub3A_122 : vector<512x256xf32>
    %max3A_124 = arith.constant 0.000000e+00 : f32
    %max3A_125 = vector.broadcast %max3A_124 : f32 to vector<512x256xf32>
    %max3A_126 = arith.maximumf %sub3A_123, %max3A_125 : vector<512x256xf32>
    %get3A_127 = arith.constant 0 : index
    %get3A_128 = arith.constant 640 : index
    %get3A_129 = vector.load %arg2[%get3A_127, %get3A_128] : memref<256x2048xf32, #tpu.memory_space<vmem>>, vector<256x64xf32>
    %dot_general3A_130 = arith.constant dense<0.000000e+00> : vector<512x64xf32>
    %dot_general3A_131 = tpu.matmul %max3A_126, %get3A_129, %dot_general3A_130 {dimension_numbers = #tpu.dot_dimension_numbers<[1], [0], [0], [1], [0, 0, 1, 1], [], []>, transpose_lhs_hint = false} : vector<512x256xf32>, vector<256x64xf32>, vector<512x64xf32> -> vector<512x64xf32>
    %add3A_132 = arith.addf %add3A_120, %dot_general3A_131 : vector<512x64xf32>
    %sub3A_133 = arith.constant 1.100000e+01 : f32
    %sub3A_134 = vector.broadcast %sub3A_133 : f32 to vector<512x256xf32>
    %sub3A_135 = arith.subf %mul3A_5, %sub3A_134 : vector<512x256xf32>
    %max3A_136 = arith.constant 0.000000e+00 : f32
    %max3A_137 = vector.broadcast %max3A_136 : f32 to vector<512x256xf32>
    %max3A_138 = arith.maximumf %sub3A_135, %max3A_137 : vector<512x256xf32>
    %get3A_139 = arith.constant 0 : index
    %get3A_140 = arith.constant 704 : index
    %get3A_141 = vector.load %arg2[%get3A_139, %get3A_140] : memref<256x2048xf32, #tpu.memory_space<vmem>>, vector<256x64xf32>
    %dot_general3A_142 = arith.constant dense<0.000000e+00> : vector<512x64xf32>
    %dot_general3A_143 = tpu.matmul %max3A_138, %get3A_141, %dot_general3A_142 {dimension_numbers = #tpu.dot_dimension_numbers<[1], [0], [0], [1], [0, 0, 1, 1], [], []>, transpose_lhs_hint = false} : vector<512x256xf32>, vector<256x64xf32>, vector<512x64xf32> -> vector<512x64xf32>
    %add3A_144 = arith.addf %add3A_132, %dot_general3A_143 : vector<512x64xf32>
    %sub3A_145 = arith.constant 1.200000e+01 : f32
    %sub3A_146 = vector.broadcast %sub3A_145 : f32 to vector<512x256xf32>
    %sub3A_147 = arith.subf %mul3A_5, %sub3A_146 : vector<512x256xf32>
    %max3A_148 = arith.constant 0.000000e+00 : f32
    %max3A_149 = vector.broadcast %max3A_148 : f32 to vector<512x256xf32>
    %max3A_150 = arith.maximumf %sub3A_147, %max3A_149 : vector<512x256xf32>
    %get3A_151 = arith.constant 0 : index
    %get3A_152 = arith.constant 768 : index
    %get3A_153 = vector.load %arg2[%get3A_151, %get3A_152] : memref<256x2048xf32, #tpu.memory_space<vmem>>, vector<256x64xf32>
    %dot_general3A_154 = arith.constant dense<0.000000e+00> : vector<512x64xf32>
    %dot_general3A_155 = tpu.matmul %max3A_150, %get3A_153, %dot_general3A_154 {dimension_numbers = #tpu.dot_dimension_numbers<[1], [0], [0], [1], [0, 0, 1, 1], [], []>, transpose_lhs_hint = false} : vector<512x256xf32>, vector<256x64xf32>, vector<512x64xf32> -> vector<512x64xf32>
    %add3A_156 = arith.addf %add3A_144, %dot_general3A_155 : vector<512x64xf32>
    %sub3A_157 = arith.constant 1.300000e+01 : f32
    %sub3A_158 = vector.broadcast %sub3A_157 : f32 to vector<512x256xf32>
    %sub3A_159 = arith.subf %mul3A_5, %sub3A_158 : vector<512x256xf32>
    %max3A_160 = arith.constant 0.000000e+00 : f32
    %max3A_161 = vector.broadcast %max3A_160 : f32 to vector<512x256xf32>
    %max3A_162 = arith.maximumf %sub3A_159, %max3A_161 : vector<512x256xf32>
    %get3A_163 = arith.constant 0 : index
    %get3A_164 = arith.constant 832 : index
    %get3A_165 = vector.load %arg2[%get3A_163, %get3A_164] : memref<256x2048xf32, #tpu.memory_space<vmem>>, vector<256x64xf32>
    %dot_general3A_166 = arith.constant dense<0.000000e+00> : vector<512x64xf32>
    %dot_general3A_167 = tpu.matmul %max3A_162, %get3A_165, %dot_general3A_166 {dimension_numbers = #tpu.dot_dimension_numbers<[1], [0], [0], [1], [0, 0, 1, 1], [], []>, transpose_lhs_hint = false} : vector<512x256xf32>, vector<256x64xf32>, vector<512x64xf32> -> vector<512x64xf32>
    %add3A_168 = arith.addf %add3A_156, %dot_general3A_167 : vector<512x64xf32>
    %sub3A_169 = arith.constant 1.400000e+01 : f32
    %sub3A_170 = vector.broadcast %sub3A_169 : f32 to vector<512x256xf32>
    %sub3A_171 = arith.subf %mul3A_5, %sub3A_170 : vector<512x256xf32>
    %max3A_172 = arith.constant 0.000000e+00 : f32
    %max3A_173 = vector.broadcast %max3A_172 : f32 to vector<512x256xf32>
    %max3A_174 = arith.maximumf %sub3A_171, %max3A_173 : vector<512x256xf32>
    %get3A_175 = arith.constant 0 : index
    %get3A_176 = arith.constant 896 : index
    %get3A_177 = vector.load %arg2[%get3A_175, %get3A_176] : memref<256x2048xf32, #tpu.memory_space<vmem>>, vector<256x64xf32>
    %dot_general3A_178 = arith.constant dense<0.000000e+00> : vector<512x64xf32>
    %dot_general3A_179 = tpu.matmul %max3A_174, %get3A_177, %dot_general3A_178 {dimension_numbers = #tpu.dot_dimension_numbers<[1], [0], [0], [1], [0, 0, 1, 1], [], []>, transpose_lhs_hint = false} : vector<512x256xf32>, vector<256x64xf32>, vector<512x64xf32> -> vector<512x64xf32>
    %add3A_180 = arith.addf %add3A_168, %dot_general3A_179 : vector<512x64xf32>
    %sub3A_181 = arith.constant 1.500000e+01 : f32
    %sub3A_182 = vector.broadcast %sub3A_181 : f32 to vector<512x256xf32>
    %sub3A_183 = arith.subf %mul3A_5, %sub3A_182 : vector<512x256xf32>
    %max3A_184 = arith.constant 0.000000e+00 : f32
    %max3A_185 = vector.broadcast %max3A_184 : f32 to vector<512x256xf32>
    %max3A_186 = arith.maximumf %sub3A_183, %max3A_185 : vector<512x256xf32>
    %get3A_187 = arith.constant 0 : index
    %get3A_188 = arith.constant 960 : index
    %get3A_189 = vector.load %arg2[%get3A_187, %get3A_188] : memref<256x2048xf32, #tpu.memory_space<vmem>>, vector<256x64xf32>
    %dot_general3A_190 = arith.constant dense<0.000000e+00> : vector<512x64xf32>
    %dot_general3A_191 = tpu.matmul %max3A_186, %get3A_189, %dot_general3A_190 {dimension_numbers = #tpu.dot_dimension_numbers<[1], [0], [0], [1], [0, 0, 1, 1], [], []>, transpose_lhs_hint = false} : vector<512x256xf32>, vector<256x64xf32>, vector<512x64xf32> -> vector<512x64xf32>
    %add3A_192 = arith.addf %add3A_180, %dot_general3A_191 : vector<512x64xf32>
    %sub3A_193 = arith.constant 1.600000e+01 : f32
    %sub3A_194 = vector.broadcast %sub3A_193 : f32 to vector<512x256xf32>
    %sub3A_195 = arith.subf %mul3A_5, %sub3A_194 : vector<512x256xf32>
    %max3A_196 = arith.constant 0.000000e+00 : f32
    %max3A_197 = vector.broadcast %max3A_196 : f32 to vector<512x256xf32>
    %max3A_198 = arith.maximumf %sub3A_195, %max3A_197 : vector<512x256xf32>
    %get3A_199 = arith.constant 0 : index
    %get3A_200 = arith.constant 1024 : index
    %get3A_201 = vector.load %arg2[%get3A_199, %get3A_200] : memref<256x2048xf32, #tpu.memory_space<vmem>>, vector<256x64xf32>
    %dot_general3A_202 = arith.constant dense<0.000000e+00> : vector<512x64xf32>
    %dot_general3A_203 = tpu.matmul %max3A_198, %get3A_201, %dot_general3A_202 {dimension_numbers = #tpu.dot_dimension_numbers<[1], [0], [0], [1], [0, 0, 1, 1], [], []>, transpose_lhs_hint = false} : vector<512x256xf32>, vector<256x64xf32>, vector<512x64xf32> -> vector<512x64xf32>
    %add3A_204 = arith.addf %add3A_192, %dot_general3A_203 : vector<512x64xf32>
    %sub3A_205 = arith.constant 1.700000e+01 : f32
    %sub3A_206 = vector.broadcast %sub3A_205 : f32 to vector<512x256xf32>
    %sub3A_207 = arith.subf %mul3A_5, %sub3A_206 : vector<512x256xf32>
    %max3A_208 = arith.constant 0.000000e+00 : f32
    %max3A_209 = vector.broadcast %max3A_208 : f32 to vector<512x256xf32>
    %max3A_210 = arith.maximumf %sub3A_207, %max3A_209 : vector<512x256xf32>
    %get3A_211 = arith.constant 0 : index
    %get3A_212 = arith.constant 1088 : index
    %get3A_213 = vector.load %arg2[%get3A_211, %get3A_212] : memref<256x2048xf32, #tpu.memory_space<vmem>>, vector<256x64xf32>
    %dot_general3A_214 = arith.constant dense<0.000000e+00> : vector<512x64xf32>
    %dot_general3A_215 = tpu.matmul %max3A_210, %get3A_213, %dot_general3A_214 {dimension_numbers = #tpu.dot_dimension_numbers<[1], [0], [0], [1], [0, 0, 1, 1], [], []>, transpose_lhs_hint = false} : vector<512x256xf32>, vector<256x64xf32>, vector<512x64xf32> -> vector<512x64xf32>
    %add3A_216 = arith.addf %add3A_204, %dot_general3A_215 : vector<512x64xf32>
    %sub3A_217 = arith.constant 1.800000e+01 : f32
    %sub3A_218 = vector.broadcast %sub3A_217 : f32 to vector<512x256xf32>
    %sub3A_219 = arith.subf %mul3A_5, %sub3A_218 : vector<512x256xf32>
    %max3A_220 = arith.constant 0.000000e+00 : f32
    %max3A_221 = vector.broadcast %max3A_220 : f32 to vector<512x256xf32>
    %max3A_222 = arith.maximumf %sub3A_219, %max3A_221 : vector<512x256xf32>
    %get3A_223 = arith.constant 0 : index
    %get3A_224 = arith.constant 1152 : index
    %get3A_225 = vector.load %arg2[%get3A_223, %get3A_224] : memref<256x2048xf32, #tpu.memory_space<vmem>>, vector<256x64xf32>
    %dot_general3A_226 = arith.constant dense<0.000000e+00> : vector<512x64xf32>
    %dot_general3A_227 = tpu.matmul %max3A_222, %get3A_225, %dot_general3A_226 {dimension_numbers = #tpu.dot_dimension_numbers<[1], [0], [0], [1], [0, 0, 1, 1], [], []>, transpose_lhs_hint = false} : vector<512x256xf32>, vector<256x64xf32>, vector<512x64xf32> -> vector<512x64xf32>
    %add3A_228 = arith.addf %add3A_216, %dot_general3A_227 : vector<512x64xf32>
    %sub3A_229 = arith.constant 1.900000e+01 : f32
    %sub3A_230 = vector.broadcast %sub3A_229 : f32 to vector<512x256xf32>
    %sub3A_231 = arith.subf %mul3A_5, %sub3A_230 : vector<512x256xf32>
    %max3A_232 = arith.constant 0.000000e+00 : f32
    %max3A_233 = vector.broadcast %max3A_232 : f32 to vector<512x256xf32>
    %max3A_234 = arith.maximumf %sub3A_231, %max3A_233 : vector<512x256xf32>
    %get3A_235 = arith.constant 0 : index
    %get3A_236 = arith.constant 1216 : index
    %get3A_237 = vector.load %arg2[%get3A_235, %get3A_236] : memref<256x2048xf32, #tpu.memory_space<vmem>>, vector<256x64xf32>
    %dot_general3A_238 = arith.constant dense<0.000000e+00> : vector<512x64xf32>
    %dot_general3A_239 = tpu.matmul %max3A_234, %get3A_237, %dot_general3A_238 {dimension_numbers = #tpu.dot_dimension_numbers<[1], [0], [0], [1], [0, 0, 1, 1], [], []>, transpose_lhs_hint = false} : vector<512x256xf32>, vector<256x64xf32>, vector<512x64xf32> -> vector<512x64xf32>
    %add3A_240 = arith.addf %add3A_228, %dot_general3A_239 : vector<512x64xf32>
    %sub3A_241 = arith.constant 2.000000e+01 : f32
    %sub3A_242 = vector.broadcast %sub3A_241 : f32 to vector<512x256xf32>
    %sub3A_243 = arith.subf %mul3A_5, %sub3A_242 : vector<512x256xf32>
    %max3A_244 = arith.constant 0.000000e+00 : f32
    %max3A_245 = vector.broadcast %max3A_244 : f32 to vector<512x256xf32>
    %max3A_246 = arith.maximumf %sub3A_243, %max3A_245 : vector<512x256xf32>
    %get3A_247 = arith.constant 0 : index
    %get3A_248 = arith.constant 1280 : index
    %get3A_249 = vector.load %arg2[%get3A_247, %get3A_248] : memref<256x2048xf32, #tpu.memory_space<vmem>>, vector<256x64xf32>
    %dot_general3A_250 = arith.constant dense<0.000000e+00> : vector<512x64xf32>
    %dot_general3A_251 = tpu.matmul %max3A_246, %get3A_249, %dot_general3A_250 {dimension_numbers = #tpu.dot_dimension_numbers<[1], [0], [0], [1], [0, 0, 1, 1], [], []>, transpose_lhs_hint = false} : vector<512x256xf32>, vector<256x64xf32>, vector<512x64xf32> -> vector<512x64xf32>
    %add3A_252 = arith.addf %add3A_240, %dot_general3A_251 : vector<512x64xf32>
    %sub3A_253 = arith.constant 2.100000e+01 : f32
    %sub3A_254 = vector.broadcast %sub3A_253 : f32 to vector<512x256xf32>
    %sub3A_255 = arith.subf %mul3A_5, %sub3A_254 : vector<512x256xf32>
    %max3A_256 = arith.constant 0.000000e+00 : f32
    %max3A_257 = vector.broadcast %max3A_256 : f32 to vector<512x256xf32>
    %max3A_258 = arith.maximumf %sub3A_255, %max3A_257 : vector<512x256xf32>
    %get3A_259 = arith.constant 0 : index
    %get3A_260 = arith.constant 1344 : index
    %get3A_261 = vector.load %arg2[%get3A_259, %get3A_260] : memref<256x2048xf32, #tpu.memory_space<vmem>>, vector<256x64xf32>
    %dot_general3A_262 = arith.constant dense<0.000000e+00> : vector<512x64xf32>
    %dot_general3A_263 = tpu.matmul %max3A_258, %get3A_261, %dot_general3A_262 {dimension_numbers = #tpu.dot_dimension_numbers<[1], [0], [0], [1], [0, 0, 1, 1], [], []>, transpose_lhs_hint = false} : vector<512x256xf32>, vector<256x64xf32>, vector<512x64xf32> -> vector<512x64xf32>
    %add3A_264 = arith.addf %add3A_252, %dot_general3A_263 : vector<512x64xf32>
    %sub3A_265 = arith.constant 2.200000e+01 : f32
    %sub3A_266 = vector.broadcast %sub3A_265 : f32 to vector<512x256xf32>
    %sub3A_267 = arith.subf %mul3A_5, %sub3A_266 : vector<512x256xf32>
    %max3A_268 = arith.constant 0.000000e+00 : f32
    %max3A_269 = vector.broadcast %max3A_268 : f32 to vector<512x256xf32>
    %max3A_270 = arith.maximumf %sub3A_267, %max3A_269 : vector<512x256xf32>
    %get3A_271 = arith.constant 0 : index
    %get3A_272 = arith.constant 1408 : index
    %get3A_273 = vector.load %arg2[%get3A_271, %get3A_272] : memref<256x2048xf32, #tpu.memory_space<vmem>>, vector<256x64xf32>
    %dot_general3A_274 = arith.constant dense<0.000000e+00> : vector<512x64xf32>
    %dot_general3A_275 = tpu.matmul %max3A_270, %get3A_273, %dot_general3A_274 {dimension_numbers = #tpu.dot_dimension_numbers<[1], [0], [0], [1], [0, 0, 1, 1], [], []>, transpose_lhs_hint = false} : vector<512x256xf32>, vector<256x64xf32>, vector<512x64xf32> -> vector<512x64xf32>
    %add3A_276 = arith.addf %add3A_264, %dot_general3A_275 : vector<512x64xf32>
    %sub3A_277 = arith.constant 2.300000e+01 : f32
    %sub3A_278 = vector.broadcast %sub3A_277 : f32 to vector<512x256xf32>
    %sub3A_279 = arith.subf %mul3A_5, %sub3A_278 : vector<512x256xf32>
    %max3A_280 = arith.constant 0.000000e+00 : f32
    %max3A_281 = vector.broadcast %max3A_280 : f32 to vector<512x256xf32>
    %max3A_282 = arith.maximumf %sub3A_279, %max3A_281 : vector<512x256xf32>
    %get3A_283 = arith.constant 0 : index
    %get3A_284 = arith.constant 1472 : index
    %get3A_285 = vector.load %arg2[%get3A_283, %get3A_284] : memref<256x2048xf32, #tpu.memory_space<vmem>>, vector<256x64xf32>
    %dot_general3A_286 = arith.constant dense<0.000000e+00> : vector<512x64xf32>
    %dot_general3A_287 = tpu.matmul %max3A_282, %get3A_285, %dot_general3A_286 {dimension_numbers = #tpu.dot_dimension_numbers<[1], [0], [0], [1], [0, 0, 1, 1], [], []>, transpose_lhs_hint = false} : vector<512x256xf32>, vector<256x64xf32>, vector<512x64xf32> -> vector<512x64xf32>
    %add3A_288 = arith.addf %add3A_276, %dot_general3A_287 : vector<512x64xf32>
    %sub3A_289 = arith.constant 2.400000e+01 : f32
    %sub3A_290 = vector.broadcast %sub3A_289 : f32 to vector<512x256xf32>
    %sub3A_291 = arith.subf %mul3A_5, %sub3A_290 : vector<512x256xf32>
    %max3A_292 = arith.constant 0.000000e+00 : f32
    %max3A_293 = vector.broadcast %max3A_292 : f32 to vector<512x256xf32>
    %max3A_294 = arith.maximumf %sub3A_291, %max3A_293 : vector<512x256xf32>
    %get3A_295 = arith.constant 0 : index
    %get3A_296 = arith.constant 1536 : index
    %get3A_297 = vector.load %arg2[%get3A_295, %get3A_296] : memref<256x2048xf32, #tpu.memory_space<vmem>>, vector<256x64xf32>
    %dot_general3A_298 = arith.constant dense<0.000000e+00> : vector<512x64xf32>
    %dot_general3A_299 = tpu.matmul %max3A_294, %get3A_297, %dot_general3A_298 {dimension_numbers = #tpu.dot_dimension_numbers<[1], [0], [0], [1], [0, 0, 1, 1], [], []>, transpose_lhs_hint = false} : vector<512x256xf32>, vector<256x64xf32>, vector<512x64xf32> -> vector<512x64xf32>
    %add3A_300 = arith.addf %add3A_288, %dot_general3A_299 : vector<512x64xf32>
    %sub3A_301 = arith.constant 2.500000e+01 : f32
    %sub3A_302 = vector.broadcast %sub3A_301 : f32 to vector<512x256xf32>
    %sub3A_303 = arith.subf %mul3A_5, %sub3A_302 : vector<512x256xf32>
    %max3A_304 = arith.constant 0.000000e+00 : f32
    %max3A_305 = vector.broadcast %max3A_304 : f32 to vector<512x256xf32>
    %max3A_306 = arith.maximumf %sub3A_303, %max3A_305 : vector<512x256xf32>
    %get3A_307 = arith.constant 0 : index
    %get3A_308 = arith.constant 1600 : index
    %get3A_309 = vector.load %arg2[%get3A_307, %get3A_308] : memref<256x2048xf32, #tpu.memory_space<vmem>>, vector<256x64xf32>
    %dot_general3A_310 = arith.constant dense<0.000000e+00> : vector<512x64xf32>
    %dot_general3A_311 = tpu.matmul %max3A_306, %get3A_309, %dot_general3A_310 {dimension_numbers = #tpu.dot_dimension_numbers<[1], [0], [0], [1], [0, 0, 1, 1], [], []>, transpose_lhs_hint = false} : vector<512x256xf32>, vector<256x64xf32>, vector<512x64xf32> -> vector<512x64xf32>
    %add3A_312 = arith.addf %add3A_300, %dot_general3A_311 : vector<512x64xf32>
    %sub3A_313 = arith.constant 2.600000e+01 : f32
    %sub3A_314 = vector.broadcast %sub3A_313 : f32 to vector<512x256xf32>
    %sub3A_315 = arith.subf %mul3A_5, %sub3A_314 : vector<512x256xf32>
    %max3A_316 = arith.constant 0.000000e+00 : f32
    %max3A_317 = vector.broadcast %max3A_316 : f32 to vector<512x256xf32>
    %max3A_318 = arith.maximumf %sub3A_315, %max3A_317 : vector<512x256xf32>
    %get3A_319 = arith.constant 0 : index
    %get3A_320 = arith.constant 1664 : index
    %get3A_321 = vector.load %arg2[%get3A_319, %get3A_320] : memref<256x2048xf32, #tpu.memory_space<vmem>>, vector<256x64xf32>
    %dot_general3A_322 = arith.constant dense<0.000000e+00> : vector<512x64xf32>
    %dot_general3A_323 = tpu.matmul %max3A_318, %get3A_321, %dot_general3A_322 {dimension_numbers = #tpu.dot_dimension_numbers<[1], [0], [0], [1], [0, 0, 1, 1], [], []>, transpose_lhs_hint = false} : vector<512x256xf32>, vector<256x64xf32>, vector<512x64xf32> -> vector<512x64xf32>
    %add3A_324 = arith.addf %add3A_312, %dot_general3A_323 : vector<512x64xf32>
    %sub3A_325 = arith.constant 2.700000e+01 : f32
    %sub3A_326 = vector.broadcast %sub3A_325 : f32 to vector<512x256xf32>
    %sub3A_327 = arith.subf %mul3A_5, %sub3A_326 : vector<512x256xf32>
    %max3A_328 = arith.constant 0.000000e+00 : f32
    %max3A_329 = vector.broadcast %max3A_328 : f32 to vector<512x256xf32>
    %max3A_330 = arith.maximumf %sub3A_327, %max3A_329 : vector<512x256xf32>
    %get3A_331 = arith.constant 0 : index
    %get3A_332 = arith.constant 1728 : index
    %get3A_333 = vector.load %arg2[%get3A_331, %get3A_332] : memref<256x2048xf32, #tpu.memory_space<vmem>>, vector<256x64xf32>
    %dot_general3A_334 = arith.constant dense<0.000000e+00> : vector<512x64xf32>
    %dot_general3A_335 = tpu.matmul %max3A_330, %get3A_333, %dot_general3A_334 {dimension_numbers = #tpu.dot_dimension_numbers<[1], [0], [0], [1], [0, 0, 1, 1], [], []>, transpose_lhs_hint = false} : vector<512x256xf32>, vector<256x64xf32>, vector<512x64xf32> -> vector<512x64xf32>
    %add3A_336 = arith.addf %add3A_324, %dot_general3A_335 : vector<512x64xf32>
    %sub3A_337 = arith.constant 2.800000e+01 : f32
    %sub3A_338 = vector.broadcast %sub3A_337 : f32 to vector<512x256xf32>
    %sub3A_339 = arith.subf %mul3A_5, %sub3A_338 : vector<512x256xf32>
    %max3A_340 = arith.constant 0.000000e+00 : f32
    %max3A_341 = vector.broadcast %max3A_340 : f32 to vector<512x256xf32>
    %max3A_342 = arith.maximumf %sub3A_339, %max3A_341 : vector<512x256xf32>
    %get3A_343 = arith.constant 0 : index
    %get3A_344 = arith.constant 1792 : index
    %get3A_345 = vector.load %arg2[%get3A_343, %get3A_344] : memref<256x2048xf32, #tpu.memory_space<vmem>>, vector<256x64xf32>
    %dot_general3A_346 = arith.constant dense<0.000000e+00> : vector<512x64xf32>
    %dot_general3A_347 = tpu.matmul %max3A_342, %get3A_345, %dot_general3A_346 {dimension_numbers = #tpu.dot_dimension_numbers<[1], [0], [0], [1], [0, 0, 1, 1], [], []>, transpose_lhs_hint = false} : vector<512x256xf32>, vector<256x64xf32>, vector<512x64xf32> -> vector<512x64xf32>
    %add3A_348 = arith.addf %add3A_336, %dot_general3A_347 : vector<512x64xf32>
    %sub3A_349 = arith.constant 2.900000e+01 : f32
    %sub3A_350 = vector.broadcast %sub3A_349 : f32 to vector<512x256xf32>
    %sub3A_351 = arith.subf %mul3A_5, %sub3A_350 : vector<512x256xf32>
    %max3A_352 = arith.constant 0.000000e+00 : f32
    %max3A_353 = vector.broadcast %max3A_352 : f32 to vector<512x256xf32>
    %max3A_354 = arith.maximumf %sub3A_351, %max3A_353 : vector<512x256xf32>
    %get3A_355 = arith.constant 0 : index
    %get3A_356 = arith.constant 1856 : index
    %get3A_357 = vector.load %arg2[%get3A_355, %get3A_356] : memref<256x2048xf32, #tpu.memory_space<vmem>>, vector<256x64xf32>
    %dot_general3A_358 = arith.constant dense<0.000000e+00> : vector<512x64xf32>
    %dot_general3A_359 = tpu.matmul %max3A_354, %get3A_357, %dot_general3A_358 {dimension_numbers = #tpu.dot_dimension_numbers<[1], [0], [0], [1], [0, 0, 1, 1], [], []>, transpose_lhs_hint = false} : vector<512x256xf32>, vector<256x64xf32>, vector<512x64xf32> -> vector<512x64xf32>
    %add3A_360 = arith.addf %add3A_348, %dot_general3A_359 : vector<512x64xf32>
    %sub3A_361 = arith.constant 3.000000e+01 : f32
    %sub3A_362 = vector.broadcast %sub3A_361 : f32 to vector<512x256xf32>
    %sub3A_363 = arith.subf %mul3A_5, %sub3A_362 : vector<512x256xf32>
    %max3A_364 = arith.constant 0.000000e+00 : f32
    %max3A_365 = vector.broadcast %max3A_364 : f32 to vector<512x256xf32>
    %max3A_366 = arith.maximumf %sub3A_363, %max3A_365 : vector<512x256xf32>
    %get3A_367 = arith.constant 0 : index
    %get3A_368 = arith.constant 1920 : index
    %get3A_369 = vector.load %arg2[%get3A_367, %get3A_368] : memref<256x2048xf32, #tpu.memory_space<vmem>>, vector<256x64xf32>
    %dot_general3A_370 = arith.constant dense<0.000000e+00> : vector<512x64xf32>
    %dot_general3A_371 = tpu.matmul %max3A_366, %get3A_369, %dot_general3A_370 {dimension_numbers = #tpu.dot_dimension_numbers<[1], [0], [0], [1], [0, 0, 1, 1], [], []>, transpose_lhs_hint = false} : vector<512x256xf32>, vector<256x64xf32>, vector<512x64xf32> -> vector<512x64xf32>
    %add3A_372 = arith.addf %add3A_360, %dot_general3A_371 : vector<512x64xf32>
    %swap3A = arith.constant 0 : index
    %swap3A_373 = arith.constant 0 : index
    %swap3A_374 = vector.load %arg4[%swap3A, %swap3A_373] : memref<512x64xf32, #tpu.memory_space<vmem>>, vector<512x64xf32>
    tpu.vector_store %arg4[%swap3A, %swap3A_373], %add3A_372 {strides = array<i32>} : memref<512x64xf32, #tpu.memory_space<vmem>>, vector<512x64xf32>,
    return
  }
  func.func @transform_0(%arg0: i32) -> (i32, i32) {
    %add3A = arith.constant 2 : i32
    %add3A_0 = arith.addi %arg0, %add3A : i32
    %c0_i32 = arith.constant 0 : i32
    %c0_i32_1 = arith.constant 0 : i32
    return %add3A_0, %c0_i32 : i32, i32
  }
  func.func @transform_1(%arg0: i32) -> (i32, i32) {
    %c0_i32 = arith.constant 0 : i32
    %c0_i32_0 = arith.constant 0 : i32
    %c0_i32_1 = arith.constant 0 : i32
    return %c0_i32, %c0_i32_0 : i32, i32
  }
  func.func @transform_2(%arg0: i32) -> (i32, i32) {
    %c0_i32 = arith.constant 0 : i32
    %c0_i32_0 = arith.constant 0 : i32
    %c0_i32_1 = arith.constant 0 : i32
    return %c0_i32, %c0_i32_0 : i32, i32
  }
  func.func @transform_3(%arg0: i32) -> (i32, i32) {
    %add3A = arith.constant 2 : i32
    %add3A_0 = arith.addi %arg0, %add3A : i32
    %c0_i32 = arith.constant 0 : i32
    %c0_i32_1 = arith.constant 0 : i32
    return %add3A_0, %c0_i32 : i32, i32
  }
}

</mosaic_0001>

<sc_bundles>
// kernel: kernel.4.cloned.1.call-start
scs
__scs_entry_jumppad:
0x0: {  	(pc) =	sbr.rel $0x88, $3  }
0x1: {  	(tag) =	ssettag $0x0;
	lr =	simm.s32 $0x1  }
0x2: {  	[smem:$0x3F9F] =	sst lr;
	_ =	strace $0xD0000000  }
0x3: {  	_ = 	snop  }
0x4: {  	_ = 	snop  }
0x5: {  	_ = 	snop  }
0x6: {  	_ = 	snop  }
0x7: {  	_ = 	snop  }
__scs_overlays_trampoline_lowered:
0x8: {  	[smem:$0x3FAE] =	sst s0  }
0x9: {  	[smem:$0x3FAF] =	sst s1  }
0xa: {  	[smem:$0x3FB0] =	sst s2  }
0xb: {  	[smem:$0x3FB1] =	sst s3  }
0xc: {  	[smem:$0x3FB2] =	sst s4  }
0xd: {  	[smem:$0x3FB3] =	sst s5  }
0xe: {  	[smem:$0x3FB4] =	sst s6  }
0xf: {  	[smem:$0x3FB5] =	sst s7  }
0x10: {  	[smem:$0x3FB6] =	sst s8  }
0x11: {  	[smem:$0x3FB7] =	sst s9;
	s0 =	simm.s32 @!p0 $0x0  }
0x12: {  	s1 =	sld [smem:$0x3F9D];
	s0 =	simm.s32 @p0 $0x1  }
0x13: {  	[smem:$0x3FB8] =	sst s0;
	s0 =	simm.s32 @!p1 $0x0  }
0x14: {  	s2 =	sld [smem:$0x3F9C];
	s0 =	simm.s32 @p1 $0x1  }
0x15: {  	[smem:$0x3FB9] =	sst s0;
	s0 =	simm.s32 @!p2 $0x0  }
0x16: {  	s3 =	sld [smem:$0x3FDB];
	s0 =	simm.s32 @p2 $0x1  }
0x17: {  	s4 =	simm.s32 $0x1BF5;
	[smem:$0x3FBB] =	sst s0  }
0x18: {  	s0 =	sld [smem:$0x3F9E];
	_ =	swait.ge [sflag:s4], $0x0  }
0x19: {  	s7 =	sld [smem:$0x3F9F]  }
0x1a: {  	s8 =	sadd.s32 $0xFFFFE003, lr  }
0x1b: {  	s9 =	sadd.s32 $0xFFFFFEF7, lr;
	s5 =	simm.s32 $0xFFFFFFFF;
	p2 =	slt.u32 s8, $0xFFFFF086  }
0x1c: {  	p1 =	slt.u32 s9, $0xF7A;
	s5 =	simm.s32 @!p2 $0x0  }
0x1d: {  	s5 =	simm.s32 @p1 $0x1;
	p0 =	seq.s32 s7, s2  }
0x1e: {  	s7 =	smul.u32 @!p0 $0xF7A, s2;
	p2 =	seq.s32 @!p0 s5, $0x0  }
0x1f: {  	s9 =	smul.u32 $0xF7A, s1;
	s8 =	simm.s32 @!p0 $0x1BF5;
	p2 =	por !p2, p0  }
0x20: {  	[sflag:s8] =	ssyncset.s32 @!p0 $0xFFFFF086;
	s6 =	sadd.s32 @!p0 s3, s7;
	s7 =	simm.s32 @!p0 $0x108  }
0x21: {  	s3 =	sadd.s32 s3, s9;
	s6 =	sadd.s32 @!p0 $0x88, s6;
	s7 =	simm.s32 @p2 $0x1082  }
0x22: {  	[simem:s7], [sflag:s8] =	dma.local @!p0 [hbm:s6], $0xF7A  }
0x23: {  	s9 =	sor.u32 $0xD0000000, s2;
	s6 =	simm.s32 $0x108;
	_ =	swait.ge @!p0 [sflag:s8], $0x0  }
0x24: {  	s3 =	sadd.s32 $0x88, s3;
	s6 =	simm.s32 @!p1 $0x1082;
	[sflag:s4] =	ssyncset.s32 $0xFFFFF086  }
0x25: {  	[simem:s6], [sflag:s4] =	dma.local [hbm:s3], $0xF7A  }
0x26: {  	[smem:$0x3F9F] =	sst s1;
	(tag) =	ssettag s2;
	_ =	strace s9  }
0x27: {  	s1 =	sld [smem:$0x3FAF]  }
0x28: {  	s2 =	sld [smem:$0x3FB0]  }
0x29: {  	s4 =	sld [smem:$0x3FB2]  }
0x2a: {  	p0 =	seq.s32 s5, $0x0;
	s5 =	sld [smem:$0x3FB3]  }
0x2b: {  	s6 =	sld [smem:$0x3FB4]  }
0x2c: {  	s7 =	sld [smem:$0x3FB5]  }
0x2d: {  	s3 =	simm.s32 $0x108;
	s8 =	sld [smem:$0x3FB6]  }
0x2e: {  	s3 =	simm.s32 @!p0 $0x1082;
	s9 =	sld [smem:$0x3FB7]  }
0x2f: {  	lr =	sadd.s32 s0, s3;
	s0 =	sld [smem:$0x3FAE]  }
0x30: {  	s3 =	sld [smem:$0x3FB1]  }
0x31: {  	[smem:$0x3FBA] =	sst s10  }
0x32: {  	s10 =	sld [smem:$0x3FB8];
	_ =	sdelay $0x3  }
0x33: {  	p0 =	seq.s32 s10, $0x1;
	s10 =	sld [smem:$0x3FBA];
	_ =	sdelay $0x3  }
0x34: {  	[smem:$0x3FBA] =	sst s10  }
0x35: {  	s10 =	sld [smem:$0x3FB9];
	_ =	sdelay $0x3  }
0x36: {  	p1 =	seq.s32 s10, $0x1;
	s10 =	sld [smem:$0x3FBA];
	_ =	sdelay $0x3  }
0x37: {  	[smem:$0x3FBA] =	sst s10  }
0x38: {  	s10 =	sld [smem:$0x3FBB]  }
0x39: {  	_ = 	snop;
	(pc) =	sbr.ind lr, $3  }
0x3a: {  	_ = 	snop  }
0x3b: {  	_ = 	snop  }
0x3c: {  	p2 =	seq.s32 s10, $0x1;
	s10 =	sld [smem:$0x3FBA]  }
0x3d: {  	_ =	shalt  }
0x3e: {  	_ =	shalt  }
0x3f: {  	_ =	shalt  }
0x40: {  	_ =	shalt  }
0x41: {  	_ =	shalt  }
0x42: {  	_ =	shalt  }
0x43: {  	_ =	shalt  }
0x44: {  	_ =	shalt  }
0x45: {  	_ =	shalt  }
0x46: {  	_ =	shalt  }
0x47: {  	_ =	shalt  }
0x48: {  	_ =	shalt  }
0x49: {  	_ =	shalt  }
0x4a: {  	_ =	shalt  }
0x4b: {  	_ =	shalt  }
0x4c: {  	_ =	shalt  }
0x4d: {  	_ =	shalt  }
0x4e: {  	_ =	shalt  }
0x4f: {  	_ =	shalt  }
0x50: {  	_ =	shalt  }
0x51: {  	_ =	shalt  }
0x52: {  	_ =	shalt  }
0x53: {  	_ =	shalt  }
0x54: {  	_ =	shalt  }
0x55: {  	_ =	shalt  }
0x56: {  	_ =	shalt  }
0x57: {  	_ =	shalt  }
0x58: {  	_ =	shalt  }
0x59: {  	_ =	shalt  }
0x5a: {  	_ =	shalt  }
0x5b: {  	_ =	shalt  }
0x5c: {  	_ =	shalt  }
0x5d: {  	_ =	shalt  }
0x5e: {  	_ =	shalt  }
0x5f: {  	_ =	shalt  }
0x60: {  	_ =	shalt  }
0x61: {  	_ =	shalt  }
0x62: {  	_ =	shalt  }
0x63: {  	_ =	shalt  }
0x64: {  	_ =	shalt  }
0x65: {  	_ =	shalt  }
0x66: {  	_ =	shalt  }
0x67: {  	_ =	shalt  }
0x68: {  	_ =	shalt  }
0x69: {  	_ =	shalt  }
0x6a: {  	_ =	shalt  }
0x6b: {  	_ =	shalt  }
0x6c: {  	_ =	shalt  }
0x6d: {  	_ =	shalt  }
0x6e: {  	_ =	shalt  }
0x6f: {  	_ =	shalt  }
0x70: {  	_ =	shalt  }
0x71: {  	_ =	shalt  }
0x72: {  	_ =	shalt  }
0x73: {  	_ =	shalt  }
0x74: {  	_ =	shalt  }
0x75: {  	_ =	shalt  }
0x76: {  	_ =	shalt  }
0x77: {  	_ =	shalt  }
0x78: {  	_ =	shalt  }
0x79: {  	_ =	shalt  }
0x7a: {  	_ =	shalt  }
0x7b: {  	_ =	shalt  }
0x7c: {  	_ =	shalt  }
0x7d: {  	_ =	shalt  }
0x7e: {  	_ =	shalt  }
0x7f: {  	_ =	shalt  }
0x80: {  	_ =	shalt  }
0x81: {  	_ =	shalt  }
0x82: {  	_ =	shalt  }
0x83: {  	_ =	shalt  }
0x84: {  	_ =	shalt  }
0x85: {  	_ =	shalt  }
0x86: {  	_ =	shalt  }
0x87: {  	_ =	shalt  }
.Lfunc_end0:
.L_simem_size_0:
called_computation_lowered:
.L_overlay_start_0:
0x88: {  	s2 =	sld [smem:$0x3FD9]  }
0x89: {  	s3 =	sld [smem:$0x3FFE];
	_ =	sdelay $0x1  }
0x8a: {  	s1 =	srdreg.scid  }
0x8b: {  	s0 =	sand.u32 $0x1, s1  }
0x8c: {  	s17 =	sshll.u32 s0, $0xA;
	s2 =	sadd.s32 s3, s2  }
0x8d: {  	s2 =	sadd.s32 s2, s17  }
0x8e: {  	[smem:$0x3FC6] =	sst s2  }
0x8f: {  	_ = 	snop  }
0x90: {  	s2 =	sld [smem:$0x3FC9]  }
0x91: {  	s18 =	sld [smem:$0x3FD0];
	(tm) =	ssettm $0x1  }
0x92: {  	s4 =	sld [smem:$0x3FFB];
	_ =	sdelay $0x3  }
0x93: {  	_ =	strace s4  }
0x94: {  	s4 =	sld [smem:$0x3FFC];
	_ =	sdelay $0x3  }
0x95: {  	_ =	strace s4  }
0x96: {  	s4 =	sld [smem:$0x3FFD];
	_ =	sdelay $0x3  }
0x97: {  	_ =	strace s4  }
0x98: {  	_ =	strace $0x8FFFFFFF  }
0x99: {  	s19 =	sld [smem:$0x3FDB];
	_ =	sdelay $0x1  }
0x9a: {  	s5 =	simm.s32 $_scs_section_size  }
0x9b: {  	s6 =	simm.s32 $_size__tile_overlayer_lowered;
	s7 =	simm.s32 $_tile_overlayer_lowered  }
0x9c: {  	s22 =	simm.s32 $0x1BFF;
	s21 =	sshll.u32 s7, $0x1;
	s4 =	sadd.s32 s5, s19  }
0x9d: {  	s8 =	simm.s32 $0x0;
	s20 =	sshll.u32 s6, $0x1;
	s6 =	sadd.s32 s21, s4  }
0x9e: {  	[timem:s8], [sflag:s22] =	dma.local [hbm:s6], s20  }
0x9f: {  	_ =	swait.ge [sflag:s22], s20  }
0xa0: {  	s5 =	ssub.s32 $0x0, s20;
	[sflag:s22] =	ssyncset.done $0x0  }
0xa1: {  	[sflag:s22] =	ssyncadd.s32 s5;
	_ =	sdelay $0x1  }
0xa2: {  	s23 =	simm.s32 $0x1B8B  }
0xa3: {  	_ =	swait.ge [sflag:s23], $0x1  }
0xa4: {  	[sflag:s23] =	ssyncset.done $0x0  }
0xa5: {  	s25 =	simm.s32 $0x1B8E;
	s24 =	sld [smem:$0x3FFE];
	[sflag:s23] =	ssyncadd.s32 $0xFFFFFFFF  }
0xa6: {  	s26 =	simm.s32 $execute0_lowered;
	[smem:$0x3FD2] =	sst s25  }
0xa7: {  	s6 =	sshll.u32 s26, $0x1;
	_ =	strace $0x80000046;
	[dreg:$0x1] =	wrdreg $0xFFFFFFFF  }
0xa8: {  	s28 =	simm.s32 $_size_execute0_lowered;
	s4 =	sadd.s32 s4, s6;
	[dreg:$0x0] =	wrdreg $0x0  }
0xa9: {  	s6 =	sshll.u32 s28, $0x1;
	[dreg:$0x2] =	wrdreg s4  }
0xaa: {  	[dreg:$0x3] =	wrdreg s6  }
0xab: {  	[dreg:$0x4] =	wrdreg $0xC0  }
0xac: {  	_ =	task [dreg:s8], $0x5FFFF  }
0xad: {  	[dreg:$0x1] =	wrdreg $0xFFFFFFFF  }
0xae: {  	[dreg:$0x0] =	wrdreg $0x60  }
0xaf: {  	[dreg:$0x2] =	wrdreg s2  }
0xb0: {  	[dreg:$0x3] =	wrdreg s18  }
0xb1: {  	[dreg:$0x4] =	wrdreg s24  }
0xb2: {  	[dreg:$0x5] =	wrdreg $0x9  }
0xb3: {  	_ =	task.clear_ibuf [dreg:s8], $0x6FFFF;
	_ =	strace $0x90000046  }
0xb4: {  	s29 =	simm.s32 $0x9;
	_ =	strace $0x80000048  }
0xb5: {  	_ =	swait.ge [sflag:s29], $0x1  }
0xb6: {  	[sflag:s29] =	ssyncadd.s32 $0xFFFFFFFF  }
0xb7: {  	_ =	strace $0x90000048  }
0xb8: {  	_ =	sfence  }
0xb9: {  	s30 =	sld [smem:$0x0];
	_ =	sdelay $0x2  }
0xba: {  	s31 =	sshll.u32 s1, $0xD;
	s1 =	sshrl.u32 s1, $0x2  }
0xbb: {  	s3 =	sand.u32 $0x4000, s31;
	s1 =	sadd.s32 s1, s30  }
0xbc: {  	s0 =	sor.u32 s3, s0;
	s1 =	sshll.u32 s1, $0x11  }
0xbd: {  	s0 =	sor.u32 s1, s0  }
0xbe: {  	s0 =	sadd.s32 $0x8F2B, s0  }
0xbf: {  	[sflag:s0] =	ssyncadd.remote.s32 $0x1  }
0xc0: {  	_ =	sfence.sel $0xFFFF  }
0xc1: {  	[dreg:$0x0] =	wrdreg $0xFFFFFFFF;
	(pc) =	sbr.abs _section_cstart, $3  }
0xc2: {  	[dreg:$0x1] =	wrdreg $0xFFFFFFFF  }
0xc3: {  	_ =	task.clear_ibuf [dreg:s8], $0x2FFFF;
	_ =	strace $0x9FFFFFFF  }
0xc4: {  	(tm) =	ssettm $0x7FFFFFFF  }
0xc5: {  	_ =	shalt  }
tec
execute0_lowered:
.L_overlay_start_1:
0x0: {  	(tag) =	ssettag $0x1  }
0x1: {  	s4 =	rddreg [dreg:$0x0]  }
0x2: {  	s2 =	rddreg [dreg:$0x1]  }
0x3: {  	s5 =	rddreg [dreg:$0x2];
	s3 =	srdreg.scid  }
0x4: {  	s0 =	rddreg [dreg:$0x3];
	s1 =	stileid.u32  }
0x5: {  	s10 =	simm.s32 $0x6000;
	s11 =	simm.s32 $0x1;
	s12 =	simm.s32 $0x2  }
0x6: {  	s13 =	simm.s32 $0xA000;
	s14 =	simm.s32 $0x0;
	s6 =	sand.u32 $0x1, s3  }
0x7: {  	s3 =	simm.s32 $0x0;
	s7 =	sshll.u32 s1, $0x6;
	s8 =	sshll.u32 s6, $0x5  }
0x8: {  	[smem:$0x7FF] =	sst s3;
	s6 =	ssub.s32 $0x2, s6;
	s7 =	sor.u32 s8, s7  }
0x9: {  	_ =	strace $0x80000047;
	s31 =	sshrl.u32 s6, $0x1;
	s8 =	sshll.u32 s7, $0x4  }
0xa: {  	s7 =	sshll.u32 s7, $0x5;
	s9 =	ssub.s32 s6, s31;
	s8 =	sadd.s32 s8, s5  }
0xb: {  	s4 =	sadd.s32 s4, s7;
	s5 =	sadd.s32 $0x1000, s2;
	s7 =	smax.u32 s9, $0x1  }
0xc: {  	v0 =	vimm.f32 $0.0e+00;
	s9 =	simm.s32 $0x2000;
	s6 =	sadd.s32 $0x600, s8;
	s8 =	simm.s32 $0x3  }
.LBB2_1:
0xd: {  	[tilespmem:s3], [sflag:$0x3] =	stream.linear.gather [hbm4b:s4+s3], $0x2000, $0x38;
	[tilespmem:$0xB000] =	vst v63  }
0xe: {  	_ =	swait.ge [sflag:s8], $0x2000  }
0xf: {  	[sflag:s8] =	ssyncset.done $0x0  }
0x10: {  	s16 =	simm.s32 $0x200;
	s15 =	simm.s32 $0x0;
	[sflag:s8] =	ssyncadd.s32 $0xFFFFE000  }
.LBB2_2:
0x11: {  	p0 =	sne.s32 s16, $0x3E00;
	[tilespmem:s15+$0xA030] =	vst v0;
	s17 =	smov.u32 s16;
	s16 =	sadd.s32 $0x200, s16  }
.Ltmp0:
0x12: {  	[tilespmem:s15+$0xA020] =	vst v0;
	(pc) =	sbr.rel @p0 .LBB2_2-.Ltmp0, $3  }
0x13: {  	[tilespmem:s15+$0xA000] =	vst v0  }
0x14: {  	[tilespmem:s15+$0xA010] =	vst v0;
	_ =	sdelay $0x1  }
0x15: {  	s15 =	sshra.s32 s17, $0x2  }
0x16: {  	[tilespmem:s15+$0xA030] =	vst v0  }
0x17: {  	[tilespmem:s15+$0xA020] =	vst v0  }
0x18: {  	[tilespmem:s15+$0xA000] =	vst v0  }
0x19: {  	[tilespmem:s15+$0xA010] =	vst v0;
	s15 =	simm.s32 $0x0;
	s16 =	simm.s32 $0x0  }
0x1a: {  	[tilespmem:s9], [sflag:$0x1] =	stream.linear.gather [hbm4b:s2+s15], $0x4000, $0x38;
	[tilespmem:$0xB000] =	vst v63  }
.LBB2_4:
0x1b: {  	s18 =	sshllo.u32 s16, $0x1  }
0x1c: {  	s17 =	sshll.u32 s18, $0xB  }
0x1d: {  	s31 =	sshll.u32 s16, $0x5;
	s17 =	sadd.s32 s2, s17  }
0x1e: {  	[tilespmem:s10], [sflag:$0x2] =	stream.linear.gather [hbm4b:s17+s15], $0x4000, $0x38;
	[tilespmem:$0xB000] =	vst v63  }
0x1f: {  	s19 =	sshll.u32 s16, $0x8;
	s20 =	sand.u32 $0x60, s31;
	_ =	swait.ge [sflag:s11], $0x4000  }
0x20: {  	s21 =	simm.s32 $0x0;
	v1 =	vmov s20;
	s20 =	simm.s32 $0x0;
	[sflag:s11] =	ssyncset.done $0x0  }
0x21: {  	s17 =	sand.u32 $0x400, s19;
	s19 =	simm.s32 $0xA020;
	[sflag:s11] =	ssyncadd.s32 $0xFFFFC000  }
.LBB2_5:
0x22: {  	s22 =	sand.u32 $0x1800, s21  }
0x23: {  	s23 =	sand.u32 $0x380, s20;
	s22 =	sor.u32 s22, s17  }
0x24: {  	s22 =	sadd.s32 s23, s22  }
0x25: {  	v2 =	vld.idx.msk [tilespmem:v1+s22+$0x0 ss:$0x1], $0xffff;
	_ =	sdelay $0x4  }
0x26: {  	v2 =	vadd.f32 $2.000000000e+00, v2;
	_ =	sdelay $0x1  }
0x27: {  	v2 =	vmul.f32 $7.750000000e+00, v2;
	_ =	sdelay $0x1  }
0x28: {  	v3 =	vmax.f32 v2, $0.0e+00  }
0x29: {  	v3 =	vtrunc.f32 v3  }
0x2a: {  	v3 =	vcvt.f32.s32 v3;
	_ =	sdelay $0x1  }
0x2b: {  	vm0 =	vlt.s32 v3, $0x1E  }
0x2c: {  	v4 =	vnsel vm0, $0x1E, v3  }
0x2d: {  	v3 =	vshll.u32 v4, $0x5  }
0x2e: {  	(v2sf) =	vpush v3, $0x0;
	_ =	sdelay $0x4  }
0x2f: {  	(v2sf) =	vpush v3, $0x1;
	_ =	sdelay $0x9  }
0x30: {  	s25 =	spop (v2sf)  }
0x31: {  	v9 =	vld [tilespmem:s19+$0xFFFFFFE0];
	s26 =	sand.u32 $0x60, s25  }
0x32: {  	v24 =	vld [tilespmem:s19+$0xFFFFFFF0];
	(v2sf) =	vpush v3, $0x2;
	s22 =	sand.u32 $0xFFFFFF80, s25;
	s24 =	sadd.s32 $0x20, s26  }
0x33: {  	v11 =	vld [tilespmem:s19+$0x0];
	s23 =	sor.u32 s26, s22;
	s22 =	sadd.s32 s22, s24  }
0x34: {  	v5 =	vld [tilespmem:s23+$0x2000];
	s24 =	sand.u32 $0x60, s24;
	s22 =	sand.u32 $0xFFFFFF80, s22  }
0x35: {  	s28 =	spop (v2sf);
	(v2sf) =	vpush v3, $0x3;
	v6 =	vld [tilespmem:s23+$0x2010];
	s22 =	sor.u32 s24, s22  }
0x36: {  	v7 =	vld [tilespmem:s22+$0x2000]  }
0x37: {  	v4 =	vcvt.s32.f32 v4;
	s29 =	sand.u32 $0x60, s28;
	v8 =	vld [tilespmem:s22+$0x2010]  }
0x38: {  	s30 =	sadd.s32 $0x20, s29;
	s22 =	sand.u32 $0xFFFFFF80, s28  }
0x39: {  	v13 =	vld [tilespmem:s19+$0x10];
	v2 =	vsub.f32 v2, v4;
	s25 =	sadd.s32 s30, s22;
	s22 =	sor.u32 s29, s22;
	v10 =	vshll.u32 v5, $0x10  }
0x3a: {  	v5 =	vand.u32 $0xFFFF0000, v5;
	v12 =	vshll.u32 v6, $0x10;
	v16 =	vld [tilespmem:s22+$0x2400];
	v9 =	vadd.f32 v10, v9  }
0x3b: {  	v6 =	vand.u32 $0xFFFF0000, v6;
	s31 =	sadd.s32 $0x400, s25;
	v17 =	vld [tilespmem:s22+$0x2410];
	v4 =	vadd.f32 v5, v24;
	v11 =	vadd.f32 v12, v11  }
0x3c: {  	s24 =	sand.u32 $0x60, s30;
	s23 =	sand.u32 $0xFFFFFF80, s31;
	v14 =	vshll.u32 v7, $0x10;
	v7 =	vand.u32 $0xFFFF0000, v7;
	v15 =	vshll.u32 v8, $0x10  }
0x3d: {  	s25 =	sor.u32 s24, s23;
	v8 =	vand.u32 $0xFFFF0000, v8;
	v10 =	vsub.f32 v14, v10;
	v7 =	vsub.f32 v7, v5  }
0x3e: {  	v25 =	vbroadcast v2, $0x0;
	v27 =	vld [tilespmem:s25+$0x2000];
	v15 =	vsub.f32 v15, v12;
	v26 =	vsub.f32 v8, v6  }
0x3f: {  	v29 =	vld [tilespmem:s25+$0x2010];
	v6 =	vadd.f32 v6, v13;
	v31 =	vshll.u32 v16, $0x10;
	v32 =	vand.u32 $0xFFFF0000, v16  }
0x40: {  	v33 =	vshll.u32 v17, $0x10;
	v10 =	vmul.f32 v10, v25;
	v7 =	vmul.f32 v7, v25  }
0x41: {  	v28 =	vmul.f32 v15, v25;
	v5 =	vmul.f32 v26, v25;
	s26 =	spop (v2sf);
	(v2sf) =	vpush v3, $0x4  }
0x42: {  	v34 =	vand.u32 $0xFFFF0000, v17;
	v9 =	vadd.f32 v10, v9;
	v4 =	vadd.f32 v7, v4;
	s28 =	sand.u32 $0x60, s26  }
0x43: {  	v30 =	vadd.f32 v28, v11;
	v5 =	vadd.f32 v5, v6;
	s22 =	sand.u32 $0xFFFFFF80, s26;
	v35 =	vshll.u32 v27, $0x10;
	s29 =	sadd.s32 $0x20, s28  }
0x44: {  	v8 =	vand.u32 $0xFFFF0000, v27;
	v36 =	vshll.u32 v29, $0x10;
	s26 =	spop (v2sf);
	(v2sf) =	vpush v3, $0x5;
	s30 =	sadd.s32 s29, s22;
	s22 =	sor.u32 s28, s22  }
0x45: {  	v15 =	vand.u32 $0xFFFF0000, v29;
	v6 =	vsub.f32 v35, v31;
	v8 =	vsub.f32 v8, v32;
	s28 =	sand.u32 $0x60, s26;
	v38 =	vld [tilespmem:s22+$0x2800]  }
0x46: {  	v37 =	vbroadcast v2, $0x1;
	v14 =	vsub.f32 v36, v33;
	v40 =	vsub.f32 v15, v34;
	s24 =	sand.u32 $0x60, s29;
	v39 =	vld [tilespmem:s22+$0x2810];
	s22 =	sand.u32 $0xFFFFFF80, s26;
	s29 =	sadd.s32 $0x20, s28  }
0x47: {  	v9 =	vadd.f32 v31, v9;
	v4 =	vadd.f32 v32, v4;
	s31 =	sadd.s32 $0x800, s30;
	s30 =	sadd.s32 s29, s22;
	s22 =	sor.u32 s28, s22  }
0x48: {  	v7 =	vadd.f32 v33, v30;
	v6 =	vmul.f32 v6, v37;
	v8 =	vmul.f32 v8, v37;
	s23 =	sand.u32 $0xFFFFFF80, s31;
	v53 =	vld [tilespmem:s22+$0x2C00]  }
0x49: {  	v5 =	vadd.f32 v34, v5;
	v42 =	vmul.f32 v14, v37;
	v44 =	vmul.f32 v40, v37;
	s25 =	sor.u32 s24, s23;
	v54 =	vld [tilespmem:s22+$0x2C10]  }
0x4a: {  	v6 =	vadd.f32 v6, v9;
	v4 =	vadd.f32 v8, v4;
	s31 =	sadd.s32 $0xC00, s30;
	v41 =	vld [tilespmem:s25+$0x2000]  }
0x4b: {  	v52 =	vbroadcast v2, $0x2;
	v7 =	vadd.f32 v42, v7;
	v5 =	vadd.f32 v44, v5;
	s24 =	sand.u32 $0x60, s29;
	v43 =	vld [tilespmem:s25+$0x2010];
	s23 =	sand.u32 $0xFFFFFF80, s31  }
0x4c: {  	s25 =	sor.u32 s24, s23;
	v45 =	vshll.u32 v38, $0x10;
	v46 =	vand.u32 $0xFFFF0000, v38;
	v47 =	vshll.u32 v39, $0x10  }
0x4d: {  	v48 =	vand.u32 $0xFFFF0000, v39;
	v56 =	vld [tilespmem:s25+$0x2000];
	v6 =	vadd.f32 v45, v6;
	v4 =	vadd.f32 v46, v4  }
0x4e: {  	v22 =	vbroadcast v2, $0x3;
	v58 =	vld [tilespmem:s25+$0x2010];
	v7 =	vadd.f32 v47, v7;
	v5 =	vadd.f32 v48, v5  }
0x4f: {  	v60 =	vshll.u32 v53, $0x10;
	v61 =	vand.u32 $0xFFFF0000, v53;
	v62 =	vshll.u32 v54, $0x10  }
0x50: {  	v49 =	vshll.u32 v41, $0x10;
	v50 =	vand.u32 $0xFFFF0000, v41;
	v51 =	vshll.u32 v43, $0x10  }
0x51: {  	v14 =	vand.u32 $0xFFFF0000, v43;
	v8 =	vsub.f32 v49, v45;
	v13 =	vsub.f32 v50, v46  }
0x52: {  	v63 =	vand.u32 $0xFFFF0000, v54;
	v15 =	vsub.f32 v51, v47;
	v55 =	vsub.f32 v14, v48  }
0x53: {  	v19 =	vshll.u32 v56, $0x10;
	v21 =	vshll.u32 v58, $0x10;
	v8 =	vmul.f32 v8, v52;
	s26 =	spop (v2sf)  }
0x54: {  	v57 =	vmul.f32 v15, v52;
	(v2sf) =	vpush v3, $0x6;
	v15 =	vand.u32 $0xFFFF0000, v58;
	s28 =	sand.u32 $0x60, s26  }
0x55: {  	v13 =	vmul.f32 v13, v52;
	v14 =	vsub.f32 v21, v62;
	s22 =	sand.u32 $0xFFFFFF80, s26;
	v25 =	vsub.f32 v15, v63;
	s29 =	sadd.s32 $0x20, s28  }
0x56: {  	v20 =	vand.u32 $0xFFFF0000, v56;
	s26 =	spop (v2sf);
	(v2sf) =	vpush v3, $0x7;
	v6 =	vadd.f32 v8, v6;
	s30 =	sadd.s32 s29, s22;
	s22 =	sor.u32 s28, s22  }
0x57: {  	v59 =	vmul.f32 v55, v52;
	v4 =	vadd.f32 v13, v4;
	v7 =	vadd.f32 v57, v7;
	s28 =	sand.u32 $0x60, s26;
	v23 =	vld [tilespmem:s22+$0x3000]  }
0x58: {  	v8 =	vsub.f32 v19, v60;
	v13 =	vsub.f32 v20, v61;
	s24 =	sand.u32 $0x60, s29;
	v24 =	vld [tilespmem:s22+$0x3010];
	s22 =	sand.u32 $0xFFFFFF80, s26;
	s29 =	sadd.s32 $0x20, s28  }
0x59: {  	v5 =	vadd.f32 v59, v5;
	v27 =	vmul.f32 v14, v22;
	s31 =	sadd.s32 $0x1000, s30;
	v6 =	vadd.f32 v60, v6;
	s30 =	sadd.s32 s29, s22;
	s22 =	sor.u32 s28, s22  }
0x5a: {  	v8 =	vmul.f32 v8, v22;
	v4 =	vadd.f32 v61, v4;
	v13 =	vmul.f32 v13, v22;
	s23 =	sand.u32 $0xFFFFFF80, s31;
	v38 =	vld [tilespmem:s22+$0x3400]  }
0x5b: {  	v29 =	vmul.f32 v25, v22;
	v7 =	vadd.f32 v62, v7;
	v5 =	vadd.f32 v63, v5;
	s25 =	sor.u32 s24, s23;
	v39 =	vld [tilespmem:s22+$0x3410]  }
0x5c: {  	v6 =	vadd.f32 v8, v6;
	v4 =	vadd.f32 v13, v4;
	s31 =	sadd.s32 $0x1400, s30;
	v26 =	vld [tilespmem:s25+$0x2000]  }
0x5d: {  	v37 =	vbroadcast v2, $0x4;
	v7 =	vadd.f32 v27, v7;
	v5 =	vadd.f32 v29, v5;
	s24 =	sand.u32 $0x60, s29;
	v28 =	vld [tilespmem:s25+$0x2010];
	s23 =	sand.u32 $0xFFFFFF80, s31  }
0x5e: {  	s25 =	sor.u32 s24, s23;
	v30 =	vshll.u32 v23, $0x10;
	v31 =	vand.u32 $0xFFFF0000, v23;
	v32 =	vshll.u32 v24, $0x10  }
0x5f: {  	v33 =	vand.u32 $0xFFFF0000, v24;
	v41 =	vld [tilespmem:s25+$0x2000];
	v6 =	vadd.f32 v30, v6;
	v4 =	vadd.f32 v31, v4  }
0x60: {  	v52 =	vbroadcast v2, $0x5;
	v43 =	vld [tilespmem:s25+$0x2010];
	v7 =	vadd.f32 v32, v7;
	v5 =	vadd.f32 v33, v5  }
0x61: {  	v45 =	vshll.u32 v38, $0x10;
	v46 =	vand.u32 $0xFFFF0000, v38;
	v47 =	vshll.u32 v39, $0x10  }
0x62: {  	v34 =	vshll.u32 v26, $0x10;
	v35 =	vand.u32 $0xFFFF0000, v26;
	v36 =	vshll.u32 v28, $0x10  }
0x63: {  	v14 =	vand.u32 $0xFFFF0000, v28;
	v8 =	vsub.f32 v34, v30;
	v13 =	vsub.f32 v35, v31  }
0x64: {  	v48 =	vand.u32 $0xFFFF0000, v39;
	v15 =	vsub.f32 v36, v32;
	v40 =	vsub.f32 v14, v33  }
0x65: {  	v49 =	vshll.u32 v41, $0x10;
	v51 =	vshll.u32 v43, $0x10;
	v8 =	vmul.f32 v8, v37;
	s26 =	spop (v2sf)  }
0x66: {  	v42 =	vmul.f32 v15, v37;
	(v2sf) =	vpush v3, $0x8;
	v15 =	vand.u32 $0xFFFF0000, v43;
	s28 =	sand.u32 $0x60, s26  }
0x67: {  	v13 =	vmul.f32 v13, v37;
	v14 =	vsub.f32 v51, v47;
	s22 =	sand.u32 $0xFFFFFF80, s26;
	v55 =	vsub.f32 v15, v48;
	s29 =	sadd.s32 $0x20, s28  }
0x68: {  	v50 =	vand.u32 $0xFFFF0000, v41;
	s26 =	spop (v2sf);
	(v2sf) =	vpush v3, $0x9;
	v6 =	vadd.f32 v8, v6;
	s30 =	sadd.s32 s29, s22;
	s22 =	sor.u32 s28, s22  }
0x69: {  	v44 =	vmul.f32 v40, v37;
	v4 =	vadd.f32 v13, v4;
	v7 =	vadd.f32 v42, v7;
	s28 =	sand.u32 $0x60, s26;
	v53 =	vld [tilespmem:s22+$0x3800]  }
0x6a: {  	v8 =	vsub.f32 v49, v45;
	v13 =	vsub.f32 v50, v46;
	s24 =	sand.u32 $0x60, s29;
	v54 =	vld [tilespmem:s22+$0x3810];
	s22 =	sand.u32 $0xFFFFFF80, s26;
	s29 =	sadd.s32 $0x20, s28  }
0x6b: {  	v5 =	vadd.f32 v44, v5;
	v57 =	vmul.f32 v14, v52;
	s31 =	sadd.s32 $0x1800, s30;
	v6 =	vadd.f32 v45, v6;
	s30 =	sadd.s32 s29, s22;
	s22 =	sor.u32 s28, s22  }
0x6c: {  	v8 =	vmul.f32 v8, v52;
	v4 =	vadd.f32 v46, v4;
	v13 =	vmul.f32 v13, v52;
	s23 =	sand.u32 $0xFFFFFF80, s31;
	v23 =	vld [tilespmem:s22+$0x3C00]  }
0x6d: {  	v59 =	vmul.f32 v55, v52;
	v7 =	vadd.f32 v47, v7;
	v5 =	vadd.f32 v48, v5;
	s25 =	sor.u32 s24, s23;
	v24 =	vld [tilespmem:s22+$0x3C10]  }
0x6e: {  	v6 =	vadd.f32 v8, v6;
	v4 =	vadd.f32 v13, v4;
	s31 =	sadd.s32 $0x1C00, s30;
	v56 =	vld [tilespmem:s25+$0x2000]  }
0x6f: {  	v22 =	vbroadcast v2, $0x6;
	v7 =	vadd.f32 v57, v7;
	v5 =	vadd.f32 v59, v5;
	s24 =	sand.u32 $0x60, s29;
	v58 =	vld [tilespmem:s25+$0x2010];
	s23 =	sand.u32 $0xFFFFFF80, s31  }
0x70: {  	s25 =	sor.u32 s24, s23;
	v60 =	vshll.u32 v53, $0x10;
	v61 =	vand.u32 $0xFFFF0000, v53;
	v62 =	vshll.u32 v54, $0x10  }
0x71: {  	v63 =	vand.u32 $0xFFFF0000, v54;
	v26 =	vld [tilespmem:s25+$0x2000];
	v6 =	vadd.f32 v60, v6;
	v4 =	vadd.f32 v61, v4  }
0x72: {  	v37 =	vbroadcast v2, $0x7;
	v28 =	vld [tilespmem:s25+$0x2010];
	v7 =	vadd.f32 v62, v7;
	v5 =	vadd.f32 v63, v5  }
0x73: {  	v30 =	vshll.u32 v23, $0x10;
	v31 =	vand.u32 $0xFFFF0000, v23;
	v32 =	vshll.u32 v24, $0x10  }
0x74: {  	v19 =	vshll.u32 v56, $0x10;
	v20 =	vand.u32 $0xFFFF0000, v56;
	v21 =	vshll.u32 v58, $0x10  }
0x75: {  	v14 =	vand.u32 $0xFFFF0000, v58;
	v8 =	vsub.f32 v19, v60;
	v13 =	vsub.f32 v20, v61  }
0x76: {  	v33 =	vand.u32 $0xFFFF0000, v24;
	v15 =	vsub.f32 v21, v62;
	v25 =	vsub.f32 v14, v63  }
0x77: {  	v34 =	vshll.u32 v26, $0x10;
	v36 =	vshll.u32 v28, $0x10;
	v8 =	vmul.f32 v8, v22;
	s26 =	spop (v2sf)  }
0x78: {  	v27 =	vmul.f32 v15, v22;
	(v2sf) =	vpush v3, $0xA;
	v15 =	vand.u32 $0xFFFF0000, v28;
	s28 =	sand.u32 $0x60, s26  }
0x79: {  	v13 =	vmul.f32 v13, v22;
	v14 =	vsub.f32 v36, v32;
	s22 =	sand.u32 $0xFFFFFF80, s26;
	v40 =	vsub.f32 v15, v33;
	s29 =	sadd.s32 $0x20, s28  }
0x7a: {  	v35 =	vand.u32 $0xFFFF0000, v26;
	s26 =	spop (v2sf);
	(v2sf) =	vpush v3, $0xB;
	v6 =	vadd.f32 v8, v6;
	s30 =	sadd.s32 s29, s22;
	s22 =	sor.u32 s28, s22  }
0x7b: {  	v29 =	vmul.f32 v25, v22;
	v4 =	vadd.f32 v13, v4;
	v7 =	vadd.f32 v27, v7;
	s28 =	sand.u32 $0x60, s26;
	v38 =	vld [tilespmem:s22+$0x4000]  }
0x7c: {  	v8 =	vsub.f32 v34, v30;
	v13 =	vsub.f32 v35, v31;
	s24 =	sand.u32 $0x60, s29;
	v39 =	vld [tilespmem:s22+$0x4010];
	s22 =	sand.u32 $0xFFFFFF80, s26;
	s29 =	sadd.s32 $0x20, s28  }
0x7d: {  	v5 =	vadd.f32 v29, v5;
	v42 =	vmul.f32 v14, v37;
	s31 =	sadd.s32 $0x2000, s30;
	v6 =	vadd.f32 v30, v6;
	s30 =	sadd.s32 s29, s22;
	s22 =	sor.u32 s28, s22  }
0x7e: {  	v8 =	vmul.f32 v8, v37;
	v4 =	vadd.f32 v31, v4;
	v13 =	vmul.f32 v13, v37;
	s23 =	sand.u32 $0xFFFFFF80, s31;
	v53 =	vld [tilespmem:s22+$0x4400]  }
0x7f: {  	v44 =	vmul.f32 v40, v37;
	v7 =	vadd.f32 v32, v7;
	v5 =	vadd.f32 v33, v5;
	s25 =	sor.u32 s24, s23;
	v54 =	vld [tilespmem:s22+$0x4410]  }
0x80: {  	v6 =	vadd.f32 v8, v6;
	v4 =	vadd.f32 v13, v4;
	s31 =	sadd.s32 $0x2400, s30;
	v41 =	vld [tilespmem:s25+$0x2000]  }
0x81: {  	v52 =	vbroadcast v2, $0x8;
	v7 =	vadd.f32 v42, v7;
	v5 =	vadd.f32 v44, v5;
	s24 =	sand.u32 $0x60, s29;
	v43 =	vld [tilespmem:s25+$0x2010];
	s23 =	sand.u32 $0xFFFFFF80, s31  }
0x82: {  	s25 =	sor.u32 s24, s23;
	v45 =	vshll.u32 v38, $0x10;
	v46 =	vand.u32 $0xFFFF0000, v38;
	v47 =	vshll.u32 v39, $0x10  }
0x83: {  	v48 =	vand.u32 $0xFFFF0000, v39;
	v56 =	vld [tilespmem:s25+$0x2000];
	v6 =	vadd.f32 v45, v6;
	v4 =	vadd.f32 v46, v4  }
0x84: {  	v22 =	vbroadcast v2, $0x9;
	v58 =	vld [tilespmem:s25+$0x2010];
	v7 =	vadd.f32 v47, v7;
	v5 =	vadd.f32 v48, v5  }
0x85: {  	v60 =	vshll.u32 v53, $0x10;
	v61 =	vand.u32 $0xFFFF0000, v53;
	v62 =	vshll.u32 v54, $0x10  }
0x86: {  	v49 =	vshll.u32 v41, $0x10;
	v50 =	vand.u32 $0xFFFF0000, v41;
	v51 =	vshll.u32 v43, $0x10  }
0x87: {  	v14 =	vand.u32 $0xFFFF0000, v43;
	v8 =	vsub.f32 v49, v45;
	v13 =	vsub.f32 v50, v46  }
0x88: {  	v63 =	vand.u32 $0xFFFF0000, v54;
	v15 =	vsub.f32 v51, v47;
	v55 =	vsub.f32 v14, v48  }
0x89: {  	v19 =	vshll.u32 v56, $0x10;
	v21 =	vshll.u32 v58, $0x10;
	v8 =	vmul.f32 v8, v52;
	s26 =	spop (v2sf)  }
0x8a: {  	v57 =	vmul.f32 v15, v52;
	(v2sf) =	vpush v3, $0xC;
	v15 =	vand.u32 $0xFFFF0000, v58;
	s28 =	sand.u32 $0x60, s26  }
0x8b: {  	v13 =	vmul.f32 v13, v52;
	v14 =	vsub.f32 v21, v62;
	s22 =	sand.u32 $0xFFFFFF80, s26;
	v25 =	vsub.f32 v15, v63;
	s29 =	sadd.s32 $0x20, s28  }
0x8c: {  	v20 =	vand.u32 $0xFFFF0000, v56;
	s26 =	spop (v2sf);
	(v2sf) =	vpush v3, $0xD;
	v6 =	vadd.f32 v8, v6;
	s30 =	sadd.s32 s29, s22;
	s22 =	sor.u32 s28, s22  }
0x8d: {  	v59 =	vmul.f32 v55, v52;
	v4 =	vadd.f32 v13, v4;
	v7 =	vadd.f32 v57, v7;
	s28 =	sand.u32 $0x60, s26;
	v23 =	vld [tilespmem:s22+$0x4800]  }
0x8e: {  	v8 =	vsub.f32 v19, v60;
	v13 =	vsub.f32 v20, v61;
	s24 =	sand.u32 $0x60, s29;
	v24 =	vld [tilespmem:s22+$0x4810];
	s22 =	sand.u32 $0xFFFFFF80, s26;
	s29 =	sadd.s32 $0x20, s28  }
0x8f: {  	v5 =	vadd.f32 v59, v5;
	v27 =	vmul.f32 v14, v22;
	s31 =	sadd.s32 $0x2800, s30;
	v6 =	vadd.f32 v60, v6;
	s30 =	sadd.s32 s29, s22;
	s22 =	sor.u32 s28, s22  }
0x90: {  	v8 =	vmul.f32 v8, v22;
	v4 =	vadd.f32 v61, v4;
	v13 =	vmul.f32 v13, v22;
	s23 =	sand.u32 $0xFFFFFF80, s31;
	v38 =	vld [tilespmem:s22+$0x4C00]  }
0x91: {  	v29 =	vmul.f32 v25, v22;
	v7 =	vadd.f32 v62, v7;
	v5 =	vadd.f32 v63, v5;
	s25 =	sor.u32 s24, s23;
	v39 =	vld [tilespmem:s22+$0x4C10]  }
0x92: {  	v6 =	vadd.f32 v8, v6;
	v4 =	vadd.f32 v13, v4;
	s31 =	sadd.s32 $0x2C00, s30;
	v26 =	vld [tilespmem:s25+$0x2000]  }
0x93: {  	v37 =	vbroadcast v2, $0xA;
	v7 =	vadd.f32 v27, v7;
	v5 =	vadd.f32 v29, v5;
	s24 =	sand.u32 $0x60, s29;
	v28 =	vld [tilespmem:s25+$0x2010];
	s23 =	sand.u32 $0xFFFFFF80, s31  }
0x94: {  	s25 =	sor.u32 s24, s23;
	v30 =	vshll.u32 v23, $0x10;
	v31 =	vand.u32 $0xFFFF0000, v23;
	v32 =	vshll.u32 v24, $0x10  }
0x95: {  	v33 =	vand.u32 $0xFFFF0000, v24;
	v41 =	vld [tilespmem:s25+$0x2000];
	v6 =	vadd.f32 v30, v6;
	v4 =	vadd.f32 v31, v4  }
0x96: {  	v52 =	vbroadcast v2, $0xB;
	v43 =	vld [tilespmem:s25+$0x2010];
	v7 =	vadd.f32 v32, v7;
	v5 =	vadd.f32 v33, v5  }
0x97: {  	v45 =	vshll.u32 v38, $0x10;
	v46 =	vand.u32 $0xFFFF0000, v38;
	v47 =	vshll.u32 v39, $0x10  }
0x98: {  	v34 =	vshll.u32 v26, $0x10;
	v35 =	vand.u32 $0xFFFF0000, v26;
	v36 =	vshll.u32 v28, $0x10  }
0x99: {  	v14 =	vand.u32 $0xFFFF0000, v28;
	v8 =	vsub.f32 v34, v30;
	v13 =	vsub.f32 v35, v31  }
0x9a: {  	v48 =	vand.u32 $0xFFFF0000, v39;
	v15 =	vsub.f32 v36, v32;
	v40 =	vsub.f32 v14, v33  }
0x9b: {  	v49 =	vshll.u32 v41, $0x10;
	v51 =	vshll.u32 v43, $0x10;
	v8 =	vmul.f32 v8, v37;
	s26 =	spop (v2sf)  }
0x9c: {  	v42 =	vmul.f32 v15, v37;
	(v2sf) =	vpush v3, $0xE;
	v15 =	vand.u32 $0xFFFF0000, v43;
	s28 =	sand.u32 $0x60, s26  }
0x9d: {  	v13 =	vmul.f32 v13, v37;
	v14 =	vsub.f32 v51, v47;
	s22 =	sand.u32 $0xFFFFFF80, s26;
	v55 =	vsub.f32 v15, v48;
	s29 =	sadd.s32 $0x20, s28  }
0x9e: {  	v50 =	vand.u32 $0xFFFF0000, v41;
	s26 =	spop (v2sf);
	(v2sf) =	vpush v3, $0xF;
	v6 =	vadd.f32 v8, v6;
	s30 =	sadd.s32 s29, s22;
	s22 =	sor.u32 s28, s22  }
0x9f: {  	v44 =	vmul.f32 v40, v37;
	v4 =	vadd.f32 v13, v4;
	v7 =	vadd.f32 v42, v7;
	s28 =	sand.u32 $0x60, s26;
	v53 =	vld [tilespmem:s22+$0x5000]  }
0xa0: {  	v8 =	vsub.f32 v49, v45;
	v13 =	vsub.f32 v50, v46;
	s24 =	sand.u32 $0x60, s29;
	v54 =	vld [tilespmem:s22+$0x5010];
	s22 =	sand.u32 $0xFFFFFF80, s26;
	s29 =	sadd.s32 $0x20, s28  }
0xa1: {  	v5 =	vadd.f32 v44, v5;
	v57 =	vmul.f32 v14, v52;
	s31 =	sadd.s32 $0x3000, s30;
	v6 =	vadd.f32 v45, v6;
	s30 =	sadd.s32 s29, s22;
	s22 =	sor.u32 s28, s22  }
0xa2: {  	v8 =	vmul.f32 v8, v52;
	v4 =	vadd.f32 v46, v4;
	v13 =	vmul.f32 v13, v52;
	s23 =	sand.u32 $0xFFFFFF80, s31;
	v21 =	vld [tilespmem:s22+$0x5400]  }
0xa3: {  	v59 =	vmul.f32 v55, v52;
	v7 =	vadd.f32 v47, v7;
	v5 =	vadd.f32 v48, v5;
	s25 =	sor.u32 s24, s23;
	v23 =	vld [tilespmem:s22+$0x5410]  }
0xa4: {  	v22 =	vbroadcast v2, $0xC;
	v6 =	vadd.f32 v8, v6;
	v4 =	vadd.f32 v13, v4;
	s31 =	sadd.s32 $0x3400, s30;
	v56 =	vld [tilespmem:s25+$0x2000]  }
0xa5: {  	v35 =	vbroadcast v2, $0xD;
	v7 =	vadd.f32 v57, v7;
	v5 =	vadd.f32 v59, v5;
	s24 =	sand.u32 $0x60, s29;
	v58 =	vld [tilespmem:s25+$0x2010];
	s23 =	sand.u32 $0xFFFFFF80, s31  }
0xa6: {  	s25 =	sor.u32 s24, s23;
	v60 =	vshll.u32 v53, $0x10;
	v61 =	vand.u32 $0xFFFF0000, v53;
	v62 =	vshll.u32 v54, $0x10  }
0xa7: {  	v63 =	vand.u32 $0xFFFF0000, v54;
	v25 =	vld [tilespmem:s25+$0x2010];
	v6 =	vadd.f32 v60, v6;
	v4 =	vadd.f32 v61, v4  }
0xa8: {  	v46 =	vbroadcast v2, $0xE;
	v7 =	vadd.f32 v62, v7;
	v5 =	vadd.f32 v63, v5  }
0xa9: {  	v28 =	vshll.u32 v21, $0x10;
	v29 =	vshll.u32 v23, $0x10;
	v30 =	vand.u32 $0xFFFF0000, v23  }
0xaa: {  	v3 =	vshll.u32 v56, $0x10;
	v19 =	vand.u32 $0xFFFF0000, v56;
	v20 =	vshll.u32 v58, $0x10  }
0xab: {  	v24 =	vld [tilespmem:s25+$0x2000];
	v14 =	vand.u32 $0xFFFF0000, v58;
	v3 =	vsub.f32 v3, v60;
	v9 =	vsub.f32 v19, v61  }
0xac: {  	v13 =	vsub.f32 v20, v62;
	v14 =	vsub.f32 v14, v63;
	v33 =	vshll.u32 v25, $0x10;
	s26 =	spop (v2sf)  }
0xad: {  	v10 =	vand.u32 $0xFFFF0000, v25;
	v3 =	vmul.f32 v3, v22;
	v9 =	vmul.f32 v9, v22;
	s28 =	sand.u32 $0x60, s26  }
0xae: {  	v13 =	vmul.f32 v13, v22;
	v26 =	vmul.f32 v14, v22;
	v14 =	vsub.f32 v33, v29;
	s22 =	sand.u32 $0xFFFFFF80, s26;
	s29 =	sadd.s32 $0x20, s28  }
0xaf: {  	v8 =	vand.u32 $0xFFFF0000, v21;
	v10 =	vsub.f32 v10, v30;
	s25 =	spop (v2sf);
	v3 =	vadd.f32 v3, v6;
	s30 =	sadd.s32 s29, s22;
	s22 =	sor.u32 s28, s22  }
0xb0: {  	v31 =	vshll.u32 v24, $0x10;
	v4 =	vadd.f32 v9, v4;
	v27 =	vadd.f32 v13, v7;
	s26 =	sand.u32 $0x60, s25;
	v34 =	vld [tilespmem:s22+$0x5800]  }
0xb1: {  	v32 =	vand.u32 $0xFFFF0000, v24;
	v5 =	vadd.f32 v26, v5;
	v7 =	vsub.f32 v31, v28;
	s24 =	sand.u32 $0x60, s29;
	s28 =	sadd.s32 $0x20, s26;
	v36 =	vld [tilespmem:s22+$0x5810];
	s22 =	sand.u32 $0xFFFFFF80, s25  }
0xb2: {  	v14 =	vmul.f32 v14, v35;
	s31 =	sadd.s32 $0x3800, s30;
	v4 =	vadd.f32 v8, v4;
	v8 =	vsub.f32 v32, v8;
	s29 =	sadd.s32 s28, s22;
	s22 =	sor.u32 s26, s22  }
0xb3: {  	v3 =	vadd.f32 v28, v3;
	v7 =	vmul.f32 v7, v35;
	v6 =	vadd.f32 v29, v27;
	s23 =	sand.u32 $0xFFFFFF80, s31;
	v47 =	vld [tilespmem:s22+$0x5C00]  }
0xb4: {  	v10 =	vmul.f32 v10, v35;
	v5 =	vadd.f32 v30, v5;
	s24 =	sor.u32 s24, s23;
	v8 =	vmul.f32 v8, v35;
	v48 =	vld [tilespmem:s22+$0x5C10]  }
0xb5: {  	v2 =	vbroadcast v2, $0xF;
	v3 =	vadd.f32 v7, v3;
	v6 =	vadd.f32 v14, v6;
	s30 =	sadd.s32 $0x3C00, s29;
	v37 =	vld [tilespmem:s24+$0x2000]  }
0xb6: {  	v5 =	vadd.f32 v10, v5;
	v38 =	vld [tilespmem:s24+$0x2010];
	s24 =	sand.u32 $0x60, s28;
	s23 =	sand.u32 $0xFFFFFF80, s30;
	v4 =	vadd.f32 v8, v4;
	v39 =	vshll.u32 v34, $0x10  }
0xb7: {  	s31 =	sor.u32 s24, s23;
	v40 =	vand.u32 $0xFFFF0000, v34;
	v41 =	vshll.u32 v36, $0x10;
	v3 =	vadd.f32 v39, v3  }
0xb8: {  	v42 =	vand.u32 $0xFFFF0000, v36;
	v50 =	vld [tilespmem:s31+$0x2000];
	v4 =	vadd.f32 v40, v4;
	v6 =	vadd.f32 v41, v6  }
0xb9: {  	v54 =	vld [tilespmem:s31+$0x2010];
	v5 =	vadd.f32 v42, v5;
	v55 =	vshll.u32 v47, $0x10;
	v56 =	vand.u32 $0xFFFF0000, v47  }
0xba: {  	v57 =	vshll.u32 v48, $0x10;
	v58 =	vand.u32 $0xFFFF0000, v48;
	v43 =	vshll.u32 v37, $0x10  }
0xbb: {  	v44 =	vand.u32 $0xFFFF0000, v37;
	v45 =	vshll.u32 v38, $0x10;
	v7 =	vsub.f32 v43, v39  }
0xbc: {  	v9 =	vand.u32 $0xFFFF0000, v38;
	v13 =	vsub.f32 v44, v40;
	v14 =	vsub.f32 v45, v41  }
0xbd: {  	v49 =	vsub.f32 v9, v42;
	v59 =	vshll.u32 v50, $0x10;
	v9 =	vand.u32 $0xFFFF0000, v50  }
0xbe: {  	v60 =	vshll.u32 v54, $0x10;
	v8 =	vand.u32 $0xFFFF0000, v54;
	v7 =	vmul.f32 v7, v46  }
0xbf: {  	v51 =	vmul.f32 v13, v46;
	v13 =	vsub.f32 v59, v55;
	v9 =	vsub.f32 v9, v56  }
0xc0: {  	v52 =	vmul.f32 v14, v46;
	v62 =	vsub.f32 v60, v57;
	v3 =	vadd.f32 v7, v3  }
0xc1: {  	v53 =	vmul.f32 v49, v46;
	v8 =	vsub.f32 v8, v58;
	v4 =	vadd.f32 v51, v4  }
0xc2: {  	v6 =	vadd.f32 v52, v6;
	v61 =	vmul.f32 v13, v2;
	v3 =	vadd.f32 v55, v3  }
0xc3: {  	v5 =	vadd.f32 v53, v5;
	v9 =	vmul.f32 v9, v2;
	v4 =	vadd.f32 v56, v4  }
0xc4: {  	p0 =	sne.s32 s21, $0x1F00;
	v63 =	vmul.f32 v62, v2;
	v6 =	vadd.f32 v57, v6;
	v3 =	vadd.f32 v61, v3  }
.Ltmp1:
0xc5: {  	v2 =	vmul.f32 v8, v2;
	v5 =	vadd.f32 v58, v5;
	v4 =	vadd.f32 v9, v4;
	(pc) =	sbr.rel @p0 .LBB2_5-.Ltmp1, $4  }
0xc6: {  	v6 =	vadd.f32 v63, v6;
	[tilespmem:s19+$0xFFFFFFE0] =	vst v3  }
0xc7: {  	v2 =	vadd.f32 v2, v5;
	[tilespmem:s19+$0xFFFFFFF0] =	vst v4  }
0xc8: {  	[tilespmem:s19+$0x0] =	vst v6  }
0xc9: {  	s20 =	sadd.s32 $0x80, s20;
	s21 =	sadd.s32 $0x100, s21;
	[tilespmem:s19+$0x10] =	vst v2;
	s19 =	sadd.s32 $0x80, s19  }
0xca: {  	p0 =	seq.s32 s16, $0x7  }
0xcb: {  	s18 =	sshll.u32 s18, $0x4;
	s19 =	sshll.u32 @!p0 s16, $0xC  }
0xcc: {  	s20 =	simm.s32 @!p0 $0x0;
	s21 =	simm.s32 @!p0 $0x2000;
	s19 =	sadd.s32 @!p0 s19, s5  }
0xcd: {  	[tilespmem:s21], [sflag:$0x1] =	stream.linear.gather @!p0 [hbm4b:s19+s20], $0x4000, $0x38;
	[tilespmem:$0xB000] =	vst v63  }
0xce: {  	s31 =	sand.u32 $0x70, s18;
	_ =	swait.ge [sflag:s12], $0x4000  }
0xcf: {  	s18 =	simm.s32 $0x0;
	v1 =	vmov s31;
	[sflag:s12] =	ssyncset.done $0x0  }
0xd0: {  	s19 =	simm.s32 $0xA020;
	s20 =	simm.s32 $0x0;
	[sflag:s12] =	ssyncadd.s32 $0xFFFFC000  }
.LBB2_7:
0xd1: {  	s21 =	sand.u32 $0x1800, s20  }
0xd2: {  	s22 =	sand.u32 $0x380, s18;
	s21 =	sor.u32 s21, s17  }
0xd3: {  	s21 =	sadd.s32 s22, s21  }
0xd4: {  	v2 =	vld.idx.msk [tilespmem:v1+s21+$0x0 ss:$0x1], $0xffff;
	_ =	sdelay $0x4  }
0xd5: {  	v2 =	vadd.f32 $2.000000000e+00, v2;
	_ =	sdelay $0x1  }
0xd6: {  	v2 =	vmul.f32 $7.750000000e+00, v2;
	_ =	sdelay $0x1  }
0xd7: {  	v3 =	vmax.f32 v2, $0.0e+00  }
0xd8: {  	v3 =	vtrunc.f32 v3  }
0xd9: {  	v3 =	vcvt.f32.s32 v3;
	_ =	sdelay $0x1  }
0xda: {  	vm0 =	vlt.s32 v3, $0x1E  }
0xdb: {  	v4 =	vnsel vm0, $0x1E, v3  }
0xdc: {  	v3 =	vshll.u32 v4, $0x5  }
0xdd: {  	(v2sf) =	vpush v3, $0x0;
	_ =	sdelay $0x4  }
0xde: {  	(v2sf) =	vpush v3, $0x1;
	_ =	sdelay $0x9  }
0xdf: {  	s26 =	spop (v2sf)  }
0xe0: {  	v9 =	vld [tilespmem:s19+$0xFFFFFFE0];
	s28 =	sand.u32 $0x60, s26  }
0xe1: {  	v24 =	vld [tilespmem:s19+$0xFFFFFFF0];
	(v2sf) =	vpush v3, $0x2;
	s21 =	sand.u32 $0xFFFFFF80, s26;
	s23 =	sadd.s32 $0x20, s28  }
0xe2: {  	v11 =	vld [tilespmem:s19+$0x0];
	s22 =	sor.u32 s28, s21;
	s21 =	sadd.s32 s21, s23  }
0xe3: {  	v5 =	vld [tilespmem:s22+$0x6000];
	s23 =	sand.u32 $0x60, s23;
	s21 =	sand.u32 $0xFFFFFF80, s21  }
0xe4: {  	s29 =	spop (v2sf);
	(v2sf) =	vpush v3, $0x3;
	v6 =	vld [tilespmem:s22+$0x6010];
	s21 =	sor.u32 s23, s21  }
0xe5: {  	v7 =	vld [tilespmem:s21+$0x6000]  }
0xe6: {  	v4 =	vcvt.s32.f32 v4;
	s30 =	sand.u32 $0x60, s29;
	v8 =	vld [tilespmem:s21+$0x6010]  }
0xe7: {  	s31 =	sadd.s32 $0x20, s30;
	s21 =	sand.u32 $0xFFFFFF80, s29  }
0xe8: {  	v13 =	vld [tilespmem:s19+$0x10];
	v2 =	vsub.f32 v2, v4;
	s24 =	sadd.s32 s31, s21;
	s21 =	sor.u32 s30, s21;
	v10 =	vshll.u32 v5, $0x10  }
0xe9: {  	v5 =	vand.u32 $0xFFFF0000, v5;
	v12 =	vshll.u32 v6, $0x10;
	v16 =	vld [tilespmem:s21+$0x6400];
	v9 =	vadd.f32 v10, v9  }
0xea: {  	v6 =	vand.u32 $0xFFFF0000, v6;
	s25 =	sadd.s32 $0x400, s24;
	v17 =	vld [tilespmem:s21+$0x6410];
	v4 =	vadd.f32 v5, v24;
	v11 =	vadd.f32 v12, v11  }
0xeb: {  	s23 =	sand.u32 $0x60, s31;
	s22 =	sand.u32 $0xFFFFFF80, s25;
	v14 =	vshll.u32 v7, $0x10;
	v7 =	vand.u32 $0xFFFF0000, v7;
	v15 =	vshll.u32 v8, $0x10  }
0xec: {  	s26 =	sor.u32 s23, s22;
	v8 =	vand.u32 $0xFFFF0000, v8;
	v10 =	vsub.f32 v14, v10;
	v7 =	vsub.f32 v7, v5  }
0xed: {  	v25 =	vbroadcast v2, $0x0;
	v27 =	vld [tilespmem:s26+$0x6000];
	v15 =	vsub.f32 v15, v12;
	v26 =	vsub.f32 v8, v6  }
0xee: {  	v29 =	vld [tilespmem:s26+$0x6010];
	v6 =	vadd.f32 v6, v13;
	v31 =	vshll.u32 v16, $0x10;
	v32 =	vand.u32 $0xFFFF0000, v16  }
0xef: {  	v33 =	vshll.u32 v17, $0x10;
	v10 =	vmul.f32 v10, v25;
	v7 =	vmul.f32 v7, v25  }
0xf0: {  	v28 =	vmul.f32 v15, v25;
	v5 =	vmul.f32 v26, v25;
	s28 =	spop (v2sf);
	(v2sf) =	vpush v3, $0x4  }
0xf1: {  	v34 =	vand.u32 $0xFFFF0000, v17;
	v9 =	vadd.f32 v10, v9;
	v4 =	vadd.f32 v7, v4;
	s29 =	sand.u32 $0x60, s28  }
0xf2: {  	v30 =	vadd.f32 v28, v11;
	v5 =	vadd.f32 v5, v6;
	s21 =	sand.u32 $0xFFFFFF80, s28;
	v35 =	vshll.u32 v27, $0x10;
	s30 =	sadd.s32 $0x20, s29  }
0xf3: {  	v8 =	vand.u32 $0xFFFF0000, v27;
	v36 =	vshll.u32 v29, $0x10;
	s28 =	spop (v2sf);
	(v2sf) =	vpush v3, $0x5;
	s31 =	sadd.s32 s30, s21;
	s21 =	sor.u32 s29, s21  }
0xf4: {  	v15 =	vand.u32 $0xFFFF0000, v29;
	v6 =	vsub.f32 v35, v31;
	v8 =	vsub.f32 v8, v32;
	s29 =	sand.u32 $0x60, s28;
	v38 =	vld [tilespmem:s21+$0x6800]  }
0xf5: {  	v37 =	vbroadcast v2, $0x1;
	v14 =	vsub.f32 v36, v33;
	v40 =	vsub.f32 v15, v34;
	s23 =	sand.u32 $0x60, s30;
	v39 =	vld [tilespmem:s21+$0x6810];
	s21 =	sand.u32 $0xFFFFFF80, s28;
	s30 =	sadd.s32 $0x20, s29  }
0xf6: {  	v9 =	vadd.f32 v31, v9;
	v4 =	vadd.f32 v32, v4;
	s25 =	sadd.s32 $0x800, s31;
	s31 =	sadd.s32 s30, s21;
	s21 =	sor.u32 s29, s21  }
0xf7: {  	v7 =	vadd.f32 v33, v30;
	v6 =	vmul.f32 v6, v37;
	v8 =	vmul.f32 v8, v37;
	s22 =	sand.u32 $0xFFFFFF80, s25;
	v53 =	vld [tilespmem:s21+$0x6C00]  }
0xf8: {  	v5 =	vadd.f32 v34, v5;
	v42 =	vmul.f32 v14, v37;
	v44 =	vmul.f32 v40, v37;
	s26 =	sor.u32 s23, s22;
	v54 =	vld [tilespmem:s21+$0x6C10]  }
0xf9: {  	v6 =	vadd.f32 v6, v9;
	v4 =	vadd.f32 v8, v4;
	s25 =	sadd.s32 $0xC00, s31;
	v41 =	vld [tilespmem:s26+$0x6000]  }
0xfa: {  	v52 =	vbroadcast v2, $0x2;
	v7 =	vadd.f32 v42, v7;
	v5 =	vadd.f32 v44, v5;
	s23 =	sand.u32 $0x60, s30;
	v43 =	vld [tilespmem:s26+$0x6010];
	s22 =	sand.u32 $0xFFFFFF80, s25  }
0xfb: {  	s26 =	sor.u32 s23, s22;
	v45 =	vshll.u32 v38, $0x10;
	v46 =	vand.u32 $0xFFFF0000, v38;
	v47 =	vshll.u32 v39, $0x10  }
0xfc: {  	v48 =	vand.u32 $0xFFFF0000, v39;
	v56 =	vld [tilespmem:s26+$0x6000];
	v6 =	vadd.f32 v45, v6;
	v4 =	vadd.f32 v46, v4  }
0xfd: {  	v22 =	vbroadcast v2, $0x3;
	v58 =	vld [tilespmem:s26+$0x6010];
	v7 =	vadd.f32 v47, v7;
	v5 =	vadd.f32 v48, v5  }
0xfe: {  	v60 =	vshll.u32 v53, $0x10;
	v61 =	vand.u32 $0xFFFF0000, v53;
	v62 =	vshll.u32 v54, $0x10  }
0xff: {  	v49 =	vshll.u32 v41, $0x10;
	v50 =	vand.u32 $0xFFFF0000, v41;
	v51 =	vshll.u32 v43, $0x10  }
0x100: {  	v14 =	vand.u32 $0xFFFF0000, v43;
	v8 =	vsub.f32 v49, v45;
	v13 =	vsub.f32 v50, v46  }
0x101: {  	v63 =	vand.u32 $0xFFFF0000, v54;
	v15 =	vsub.f32 v51, v47;
	v55 =	vsub.f32 v14, v48  }
0x102: {  	v19 =	vshll.u32 v56, $0x10;
	v21 =	vshll.u32 v58, $0x10;
	v8 =	vmul.f32 v8, v52;
	s28 =	spop (v2sf)  }
0x103: {  	v57 =	vmul.f32 v15, v52;
	(v2sf) =	vpush v3, $0x6;
	v15 =	vand.u32 $0xFFFF0000, v58;
	s29 =	sand.u32 $0x60, s28  }
0x104: {  	v13 =	vmul.f32 v13, v52;
	v14 =	vsub.f32 v21, v62;
	s21 =	sand.u32 $0xFFFFFF80, s28;
	v25 =	vsub.f32 v15, v63;
	s30 =	sadd.s32 $0x20, s29  }
0x105: {  	v20 =	vand.u32 $0xFFFF0000, v56;
	s28 =	spop (v2sf);
	(v2sf) =	vpush v3, $0x7;
	v6 =	vadd.f32 v8, v6;
	s31 =	sadd.s32 s30, s21;
	s21 =	sor.u32 s29, s21  }
0x106: {  	v59 =	vmul.f32 v55, v52;
	v4 =	vadd.f32 v13, v4;
	v7 =	vadd.f32 v57, v7;
	s29 =	sand.u32 $0x60, s28;
	v23 =	vld [tilespmem:s21+$0x7000]  }
0x107: {  	v8 =	vsub.f32 v19, v60;
	v13 =	vsub.f32 v20, v61;
	s23 =	sand.u32 $0x60, s30;
	v24 =	vld [tilespmem:s21+$0x7010];
	s21 =	sand.u32 $0xFFFFFF80, s28;
	s30 =	sadd.s32 $0x20, s29  }
0x108: {  	v5 =	vadd.f32 v59, v5;
	v27 =	vmul.f32 v14, v22;
	s25 =	sadd.s32 $0x1000, s31;
	v6 =	vadd.f32 v60, v6;
	s31 =	sadd.s32 s30, s21;
	s21 =	sor.u32 s29, s21  }
0x109: {  	v8 =	vmul.f32 v8, v22;
	v4 =	vadd.f32 v61, v4;
	v13 =	vmul.f32 v13, v22;
	s22 =	sand.u32 $0xFFFFFF80, s25;
	v38 =	vld [tilespmem:s21+$0x7400]  }
0x10a: {  	v29 =	vmul.f32 v25, v22;
	v7 =	vadd.f32 v62, v7;
	v5 =	vadd.f32 v63, v5;
	s26 =	sor.u32 s23, s22;
	v39 =	vld [tilespmem:s21+$0x7410]  }
0x10b: {  	v6 =	vadd.f32 v8, v6;
	v4 =	vadd.f32 v13, v4;
	s25 =	sadd.s32 $0x1400, s31;
	v26 =	vld [tilespmem:s26+$0x6000]  }
0x10c: {  	v37 =	vbroadcast v2, $0x4;
	v7 =	vadd.f32 v27, v7;
	v5 =	vadd.f32 v29, v5;
	s23 =	sand.u32 $0x60, s30;
	v28 =	vld [tilespmem:s26+$0x6010];
	s22 =	sand.u32 $0xFFFFFF80, s25  }
0x10d: {  	s26 =	sor.u32 s23, s22;
	v30 =	vshll.u32 v23, $0x10;
	v31 =	vand.u32 $0xFFFF0000, v23;
	v32 =	vshll.u32 v24, $0x10  }
0x10e: {  	v33 =	vand.u32 $0xFFFF0000, v24;
	v41 =	vld [tilespmem:s26+$0x6000];
	v6 =	vadd.f32 v30, v6;
	v4 =	vadd.f32 v31, v4  }
0x10f: {  	v52 =	vbroadcast v2, $0x5;
	v43 =	vld [tilespmem:s26+$0x6010];
	v7 =	vadd.f32 v32, v7;
	v5 =	vadd.f32 v33, v5  }
0x110: {  	v45 =	vshll.u32 v38, $0x10;
	v46 =	vand.u32 $0xFFFF0000, v38;
	v47 =	vshll.u32 v39, $0x10  }
0x111: {  	v34 =	vshll.u32 v26, $0x10;
	v35 =	vand.u32 $0xFFFF0000, v26;
	v36 =	vshll.u32 v28, $0x10  }
0x112: {  	v14 =	vand.u32 $0xFFFF0000, v28;
	v8 =	vsub.f32 v34, v30;
	v13 =	vsub.f32 v35, v31  }
0x113: {  	v48 =	vand.u32 $0xFFFF0000, v39;
	v15 =	vsub.f32 v36, v32;
	v40 =	vsub.f32 v14, v33  }
0x114: {  	v49 =	vshll.u32 v41, $0x10;
	v51 =	vshll.u32 v43, $0x10;
	v8 =	vmul.f32 v8, v37;
	s28 =	spop (v2sf)  }
0x115: {  	v42 =	vmul.f32 v15, v37;
	(v2sf) =	vpush v3, $0x8;
	v15 =	vand.u32 $0xFFFF0000, v43;
	s29 =	sand.u32 $0x60, s28  }
0x116: {  	v13 =	vmul.f32 v13, v37;
	v14 =	vsub.f32 v51, v47;
	s21 =	sand.u32 $0xFFFFFF80, s28;
	v55 =	vsub.f32 v15, v48;
	s30 =	sadd.s32 $0x20, s29  }
0x117: {  	v50 =	vand.u32 $0xFFFF0000, v41;
	s28 =	spop (v2sf);
	(v2sf) =	vpush v3, $0x9;
	v6 =	vadd.f32 v8, v6;
	s31 =	sadd.s32 s30, s21;
	s21 =	sor.u32 s29, s21  }
0x118: {  	v44 =	vmul.f32 v40, v37;
	v4 =	vadd.f32 v13, v4;
	v7 =	vadd.f32 v42, v7;
	s29 =	sand.u32 $0x60, s28;
	v53 =	vld [tilespmem:s21+$0x7800]  }
0x119: {  	v8 =	vsub.f32 v49, v45;
	v13 =	vsub.f32 v50, v46;
	s23 =	sand.u32 $0x60, s30;
	v54 =	vld [tilespmem:s21+$0x7810];
	s21 =	sand.u32 $0xFFFFFF80, s28;
	s30 =	sadd.s32 $0x20, s29  }
0x11a: {  	v5 =	vadd.f32 v44, v5;
	v57 =	vmul.f32 v14, v52;
	s25 =	sadd.s32 $0x1800, s31;
	v6 =	vadd.f32 v45, v6;
	s31 =	sadd.s32 s30, s21;
	s21 =	sor.u32 s29, s21  }
0x11b: {  	v8 =	vmul.f32 v8, v52;
	v4 =	vadd.f32 v46, v4;
	v13 =	vmul.f32 v13, v52;
	s22 =	sand.u32 $0xFFFFFF80, s25;
	v23 =	vld [tilespmem:s21+$0x7C00]  }
0x11c: {  	v59 =	vmul.f32 v55, v52;
	v7 =	vadd.f32 v47, v7;
	v5 =	vadd.f32 v48, v5;
	s26 =	sor.u32 s23, s22;
	v24 =	vld [tilespmem:s21+$0x7C10]  }
0x11d: {  	v6 =	vadd.f32 v8, v6;
	v4 =	vadd.f32 v13, v4;
	s25 =	sadd.s32 $0x1C00, s31;
	v56 =	vld [tilespmem:s26+$0x6000]  }
0x11e: {  	v22 =	vbroadcast v2, $0x6;
	v7 =	vadd.f32 v57, v7;
	v5 =	vadd.f32 v59, v5;
	s23 =	sand.u32 $0x60, s30;
	v58 =	vld [tilespmem:s26+$0x6010];
	s22 =	sand.u32 $0xFFFFFF80, s25  }
0x11f: {  	s26 =	sor.u32 s23, s22;
	v60 =	vshll.u32 v53, $0x10;
	v61 =	vand.u32 $0xFFFF0000, v53;
	v62 =	vshll.u32 v54, $0x10  }
0x120: {  	v63 =	vand.u32 $0xFFFF0000, v54;
	v26 =	vld [tilespmem:s26+$0x6000];
	v6 =	vadd.f32 v60, v6;
	v4 =	vadd.f32 v61, v4  }
0x121: {  	v37 =	vbroadcast v2, $0x7;
	v28 =	vld [tilespmem:s26+$0x6010];
	v7 =	vadd.f32 v62, v7;
	v5 =	vadd.f32 v63, v5  }
0x122: {  	v30 =	vshll.u32 v23, $0x10;
	v31 =	vand.u32 $0xFFFF0000, v23;
	v32 =	vshll.u32 v24, $0x10  }
0x123: {  	v19 =	vshll.u32 v56, $0x10;
	v20 =	vand.u32 $0xFFFF0000, v56;
	v21 =	vshll.u32 v58, $0x10  }
0x124: {  	v14 =	vand.u32 $0xFFFF0000, v58;
	v8 =	vsub.f32 v19, v60;
	v13 =	vsub.f32 v20, v61  }
0x125: {  	v33 =	vand.u32 $0xFFFF0000, v24;
	v15 =	vsub.f32 v21, v62;
	v25 =	vsub.f32 v14, v63  }
0x126: {  	v34 =	vshll.u32 v26, $0x10;
	v36 =	vshll.u32 v28, $0x10;
	v8 =	vmul.f32 v8, v22;
	s28 =	spop (v2sf)  }
0x127: {  	v27 =	vmul.f32 v15, v22;
	(v2sf) =	vpush v3, $0xA;
	v15 =	vand.u32 $0xFFFF0000, v28;
	s29 =	sand.u32 $0x60, s28  }
0x128: {  	v13 =	vmul.f32 v13, v22;
	v14 =	vsub.f32 v36, v32;
	s21 =	sand.u32 $0xFFFFFF80, s28;
	v40 =	vsub.f32 v15, v33;
	s30 =	sadd.s32 $0x20, s29  }
0x129: {  	v35 =	vand.u32 $0xFFFF0000, v26;
	s28 =	spop (v2sf);
	(v2sf) =	vpush v3, $0xB;
	v6 =	vadd.f32 v8, v6;
	s31 =	sadd.s32 s30, s21;
	s21 =	sor.u32 s29, s21  }
0x12a: {  	v29 =	vmul.f32 v25, v22;
	v4 =	vadd.f32 v13, v4;
	v7 =	vadd.f32 v27, v7;
	s29 =	sand.u32 $0x60, s28;
	v38 =	vld [tilespmem:s21+$0x8000]  }
0x12b: {  	v8 =	vsub.f32 v34, v30;
	v13 =	vsub.f32 v35, v31;
	s23 =	sand.u32 $0x60, s30;
	v39 =	vld [tilespmem:s21+$0x8010];
	s21 =	sand.u32 $0xFFFFFF80, s28;
	s30 =	sadd.s32 $0x20, s29  }
0x12c: {  	v5 =	vadd.f32 v29, v5;
	v42 =	vmul.f32 v14, v37;
	s25 =	sadd.s32 $0x2000, s31;
	v6 =	vadd.f32 v30, v6;
	s31 =	sadd.s32 s30, s21;
	s21 =	sor.u32 s29, s21  }
0x12d: {  	v8 =	vmul.f32 v8, v37;
	v4 =	vadd.f32 v31, v4;
	v13 =	vmul.f32 v13, v37;
	s22 =	sand.u32 $0xFFFFFF80, s25;
	v53 =	vld [tilespmem:s21+$0x8400]  }
0x12e: {  	v44 =	vmul.f32 v40, v37;
	v7 =	vadd.f32 v32, v7;
	v5 =	vadd.f32 v33, v5;
	s26 =	sor.u32 s23, s22;
	v54 =	vld [tilespmem:s21+$0x8410]  }
0x12f: {  	v6 =	vadd.f32 v8, v6;
	v4 =	vadd.f32 v13, v4;
	s25 =	sadd.s32 $0x2400, s31;
	v41 =	vld [tilespmem:s26+$0x6000]  }
0x130: {  	v52 =	vbroadcast v2, $0x8;
	v7 =	vadd.f32 v42, v7;
	v5 =	vadd.f32 v44, v5;
	s23 =	sand.u32 $0x60, s30;
	v43 =	vld [tilespmem:s26+$0x6010];
	s22 =	sand.u32 $0xFFFFFF80, s25  }
0x131: {  	s26 =	sor.u32 s23, s22;
	v45 =	vshll.u32 v38, $0x10;
	v46 =	vand.u32 $0xFFFF0000, v38;
	v47 =	vshll.u32 v39, $0x10  }
0x132: {  	v48 =	vand.u32 $0xFFFF0000, v39;
	v56 =	vld [tilespmem:s26+$0x6000];
	v6 =	vadd.f32 v45, v6;
	v4 =	vadd.f32 v46, v4  }
0x133: {  	v22 =	vbroadcast v2, $0x9;
	v58 =	vld [tilespmem:s26+$0x6010];
	v7 =	vadd.f32 v47, v7;
	v5 =	vadd.f32 v48, v5  }
0x134: {  	v60 =	vshll.u32 v53, $0x10;
	v61 =	vand.u32 $0xFFFF0000, v53;
	v62 =	vshll.u32 v54, $0x10  }
0x135: {  	v49 =	vshll.u32 v41, $0x10;
	v50 =	vand.u32 $0xFFFF0000, v41;
	v51 =	vshll.u32 v43, $0x10  }
0x136: {  	v14 =	vand.u32 $0xFFFF0000, v43;
	v8 =	vsub.f32 v49, v45;
	v13 =	vsub.f32 v50, v46  }
0x137: {  	v63 =	vand.u32 $0xFFFF0000, v54;
	v15 =	vsub.f32 v51, v47;
	v55 =	vsub.f32 v14, v48  }
0x138: {  	v19 =	vshll.u32 v56, $0x10;
	v21 =	vshll.u32 v58, $0x10;
	v8 =	vmul.f32 v8, v52;
	s28 =	spop (v2sf)  }
0x139: {  	v57 =	vmul.f32 v15, v52;
	(v2sf) =	vpush v3, $0xC;
	v15 =	vand.u32 $0xFFFF0000, v58;
	s29 =	sand.u32 $0x60, s28  }
0x13a: {  	v13 =	vmul.f32 v13, v52;
	v14 =	vsub.f32 v21, v62;
	s21 =	sand.u32 $0xFFFFFF80, s28;
	v25 =	vsub.f32 v15, v63;
	s30 =	sadd.s32 $0x20, s29  }
0x13b: {  	v20 =	vand.u32 $0xFFFF0000, v56;
	s28 =	spop (v2sf);
	(v2sf) =	vpush v3, $0xD;
	v6 =	vadd.f32 v8, v6;
	s31 =	sadd.s32 s30, s21;
	s21 =	sor.u32 s29, s21  }
0x13c: {  	v59 =	vmul.f32 v55, v52;
	v4 =	vadd.f32 v13, v4;
	v7 =	vadd.f32 v57, v7;
	s29 =	sand.u32 $0x60, s28;
	v23 =	vld [tilespmem:s21+$0x8800]  }
0x13d: {  	v8 =	vsub.f32 v19, v60;
	v13 =	vsub.f32 v20, v61;
	s23 =	sand.u32 $0x60, s30;
	v24 =	vld [tilespmem:s21+$0x8810];
	s21 =	sand.u32 $0xFFFFFF80, s28;
	s30 =	sadd.s32 $0x20, s29  }
0x13e: {  	v5 =	vadd.f32 v59, v5;
	v27 =	vmul.f32 v14, v22;
	s25 =	sadd.s32 $0x2800, s31;
	v6 =	vadd.f32 v60, v6;
	s31 =	sadd.s32 s30, s21;
	s21 =	sor.u32 s29, s21  }
0x13f: {  	v8 =	vmul.f32 v8, v22;
	v4 =	vadd.f32 v61, v4;
	v13 =	vmul.f32 v13, v22;
	s22 =	sand.u32 $0xFFFFFF80, s25;
	v38 =	vld [tilespmem:s21+$0x8C00]  }
0x140: {  	v29 =	vmul.f32 v25, v22;
	v7 =	vadd.f32 v62, v7;
	v5 =	vadd.f32 v63, v5;
	s26 =	sor.u32 s23, s22;
	v39 =	vld [tilespmem:s21+$0x8C10]  }
0x141: {  	v6 =	vadd.f32 v8, v6;
	v4 =	vadd.f32 v13, v4;
	s25 =	sadd.s32 $0x2C00, s31;
	v26 =	vld [tilespmem:s26+$0x6000]  }
0x142: {  	v37 =	vbroadcast v2, $0xA;
	v7 =	vadd.f32 v27, v7;
	v5 =	vadd.f32 v29, v5;
	s23 =	sand.u32 $0x60, s30;
	v28 =	vld [tilespmem:s26+$0x6010];
	s22 =	sand.u32 $0xFFFFFF80, s25  }
0x143: {  	s26 =	sor.u32 s23, s22;
	v30 =	vshll.u32 v23, $0x10;
	v31 =	vand.u32 $0xFFFF0000, v23;
	v32 =	vshll.u32 v24, $0x10  }
0x144: {  	v33 =	vand.u32 $0xFFFF0000, v24;
	v41 =	vld [tilespmem:s26+$0x6000];
	v6 =	vadd.f32 v30, v6;
	v4 =	vadd.f32 v31, v4  }
0x145: {  	v52 =	vbroadcast v2, $0xB;
	v43 =	vld [tilespmem:s26+$0x6010];
	v7 =	vadd.f32 v32, v7;
	v5 =	vadd.f32 v33, v5  }
0x146: {  	v45 =	vshll.u32 v38, $0x10;
	v46 =	vand.u32 $0xFFFF0000, v38;
	v47 =	vshll.u32 v39, $0x10  }
0x147: {  	v34 =	vshll.u32 v26, $0x10;
	v35 =	vand.u32 $0xFFFF0000, v26;
	v36 =	vshll.u32 v28, $0x10  }
0x148: {  	v14 =	vand.u32 $0xFFFF0000, v28;
	v8 =	vsub.f32 v34, v30;
	v13 =	vsub.f32 v35, v31  }
0x149: {  	v48 =	vand.u32 $0xFFFF0000, v39;
	v15 =	vsub.f32 v36, v32;
	v40 =	vsub.f32 v14, v33  }
0x14a: {  	v49 =	vshll.u32 v41, $0x10;
	v51 =	vshll.u32 v43, $0x10;
	v8 =	vmul.f32 v8, v37;
	s28 =	spop (v2sf)  }
0x14b: {  	v42 =	vmul.f32 v15, v37;
	(v2sf) =	vpush v3, $0xE;
	v15 =	vand.u32 $0xFFFF0000, v43;
	s29 =	sand.u32 $0x60, s28  }
0x14c: {  	v13 =	vmul.f32 v13, v37;
	v14 =	vsub.f32 v51, v47;
	s21 =	sand.u32 $0xFFFFFF80, s28;
	v55 =	vsub.f32 v15, v48;
	s30 =	sadd.s32 $0x20, s29  }
0x14d: {  	v50 =	vand.u32 $0xFFFF0000, v41;
	s28 =	spop (v2sf);
	(v2sf) =	vpush v3, $0xF;
	v6 =	vadd.f32 v8, v6;
	s31 =	sadd.s32 s30, s21;
	s21 =	sor.u32 s29, s21  }
0x14e: {  	v44 =	vmul.f32 v40, v37;
	v4 =	vadd.f32 v13, v4;
	v7 =	vadd.f32 v42, v7;
	s29 =	sand.u32 $0x60, s28;
	v53 =	vld [tilespmem:s21+$0x9000]  }
0x14f: {  	v8 =	vsub.f32 v49, v45;
	v13 =	vsub.f32 v50, v46;
	s23 =	sand.u32 $0x60, s30;
	v54 =	vld [tilespmem:s21+$0x9010];
	s21 =	sand.u32 $0xFFFFFF80, s28;
	s30 =	sadd.s32 $0x20, s29  }
0x150: {  	v5 =	vadd.f32 v44, v5;
	v57 =	vmul.f32 v14, v52;
	s25 =	sadd.s32 $0x3000, s31;
	v6 =	vadd.f32 v45, v6;
	s31 =	sadd.s32 s30, s21;
	s21 =	sor.u32 s29, s21  }
0x151: {  	v8 =	vmul.f32 v8, v52;
	v4 =	vadd.f32 v46, v4;
	v13 =	vmul.f32 v13, v52;
	s22 =	sand.u32 $0xFFFFFF80, s25;
	v21 =	vld [tilespmem:s21+$0x9400]  }
0x152: {  	v59 =	vmul.f32 v55, v52;
	v7 =	vadd.f32 v47, v7;
	v5 =	vadd.f32 v48, v5;
	s26 =	sor.u32 s23, s22;
	v23 =	vld [tilespmem:s21+$0x9410]  }
0x153: {  	v22 =	vbroadcast v2, $0xC;
	v6 =	vadd.f32 v8, v6;
	v4 =	vadd.f32 v13, v4;
	s24 =	sadd.s32 $0x3400, s31;
	v56 =	vld [tilespmem:s26+$0x6000]  }
0x154: {  	v35 =	vbroadcast v2, $0xD;
	v7 =	vadd.f32 v57, v7;
	v5 =	vadd.f32 v59, v5;
	s23 =	sand.u32 $0x60, s30;
	v58 =	vld [tilespmem:s26+$0x6010];
	s22 =	sand.u32 $0xFFFFFF80, s24  }
0x155: {  	s25 =	sor.u32 s23, s22;
	v60 =	vshll.u32 v53, $0x10;
	v61 =	vand.u32 $0xFFFF0000, v53;
	v62 =	vshll.u32 v54, $0x10  }
0x156: {  	v63 =	vand.u32 $0xFFFF0000, v54;
	v25 =	vld [tilespmem:s25+$0x6010];
	v6 =	vadd.f32 v60, v6;
	v4 =	vadd.f32 v61, v4  }
0x157: {  	v46 =	vbroadcast v2, $0xE;
	v7 =	vadd.f32 v62, v7;
	v5 =	vadd.f32 v63, v5  }
0x158: {  	v28 =	vshll.u32 v21, $0x10;
	v29 =	vshll.u32 v23, $0x10;
	v30 =	vand.u32 $0xFFFF0000, v23  }
0x159: {  	v3 =	vshll.u32 v56, $0x10;
	v19 =	vand.u32 $0xFFFF0000, v56;
	v20 =	vshll.u32 v58, $0x10  }
0x15a: {  	v24 =	vld [tilespmem:s25+$0x6000];
	v14 =	vand.u32 $0xFFFF0000, v58;
	v3 =	vsub.f32 v3, v60;
	v9 =	vsub.f32 v19, v61  }
0x15b: {  	v13 =	vsub.f32 v20, v62;
	v14 =	vsub.f32 v14, v63;
	v33 =	vshll.u32 v25, $0x10;
	s26 =	spop (v2sf)  }
0x15c: {  	v10 =	vand.u32 $0xFFFF0000, v25;
	v3 =	vmul.f32 v3, v22;
	v9 =	vmul.f32 v9, v22;
	s28 =	sand.u32 $0x60, s26  }
0x15d: {  	v13 =	vmul.f32 v13, v22;
	v26 =	vmul.f32 v14, v22;
	v14 =	vsub.f32 v33, v29;
	s21 =	sand.u32 $0xFFFFFF80, s26;
	s29 =	sadd.s32 $0x20, s28  }
0x15e: {  	v8 =	vand.u32 $0xFFFF0000, v21;
	v10 =	vsub.f32 v10, v30;
	s25 =	spop (v2sf);
	v3 =	vadd.f32 v3, v6;
	s30 =	sadd.s32 s29, s21;
	s21 =	sor.u32 s28, s21  }
0x15f: {  	v31 =	vshll.u32 v24, $0x10;
	v4 =	vadd.f32 v9, v4;
	v27 =	vadd.f32 v13, v7;
	s26 =	sand.u32 $0x60, s25;
	v34 =	vld [tilespmem:s21+$0x9800]  }
0x160: {  	v32 =	vand.u32 $0xFFFF0000, v24;
	v5 =	vadd.f32 v26, v5;
	v7 =	vsub.f32 v31, v28;
	s23 =	sand.u32 $0x60, s29;
	s28 =	sadd.s32 $0x20, s26;
	v36 =	vld [tilespmem:s21+$0x9810];
	s21 =	sand.u32 $0xFFFFFF80, s25  }
0x161: {  	v14 =	vmul.f32 v14, v35;
	s31 =	sadd.s32 $0x3800, s30;
	v4 =	vadd.f32 v8, v4;
	v8 =	vsub.f32 v32, v8;
	s29 =	sadd.s32 s28, s21;
	s21 =	sor.u32 s26, s21  }
0x162: {  	v3 =	vadd.f32 v28, v3;
	v7 =	vmul.f32 v7, v35;
	v6 =	vadd.f32 v29, v27;
	s22 =	sand.u32 $0xFFFFFF80, s31;
	v47 =	vld [tilespmem:s21+$0x9C00]  }
0x163: {  	v10 =	vmul.f32 v10, v35;
	v5 =	vadd.f32 v30, v5;
	s24 =	sor.u32 s23, s22;
	v8 =	vmul.f32 v8, v35;
	v48 =	vld [tilespmem:s21+$0x9C10]  }
0x164: {  	v2 =	vbroadcast v2, $0xF;
	v3 =	vadd.f32 v7, v3;
	v6 =	vadd.f32 v14, v6;
	s30 =	sadd.s32 $0x3C00, s29;
	v37 =	vld [tilespmem:s24+$0x6000]  }
0x165: {  	v5 =	vadd.f32 v10, v5;
	s23 =	sand.u32 $0x60, s28;
	v38 =	vld [tilespmem:s24+$0x6010];
	s22 =	sand.u32 $0xFFFFFF80, s30;
	v4 =	vadd.f32 v8, v4;
	v39 =	vshll.u32 v34, $0x10  }
0x166: {  	s31 =	sor.u32 s23, s22;
	v40 =	vand.u32 $0xFFFF0000, v34;
	v41 =	vshll.u32 v36, $0x10;
	v3 =	vadd.f32 v39, v3  }
0x167: {  	v42 =	vand.u32 $0xFFFF0000, v36;
	v50 =	vld [tilespmem:s31+$0x6000];
	v4 =	vadd.f32 v40, v4;
	v6 =	vadd.f32 v41, v6  }
0x168: {  	v54 =	vld [tilespmem:s31+$0x6010];
	v5 =	vadd.f32 v42, v5;
	v55 =	vshll.u32 v47, $0x10;
	v56 =	vand.u32 $0xFFFF0000, v47  }
0x169: {  	v57 =	vshll.u32 v48, $0x10;
	v58 =	vand.u32 $0xFFFF0000, v48;
	v43 =	vshll.u32 v37, $0x10  }
0x16a: {  	v44 =	vand.u32 $0xFFFF0000, v37;
	v45 =	vshll.u32 v38, $0x10;
	v7 =	vsub.f32 v43, v39  }
0x16b: {  	v9 =	vand.u32 $0xFFFF0000, v38;
	v13 =	vsub.f32 v44, v40;
	v14 =	vsub.f32 v45, v41  }
0x16c: {  	v49 =	vsub.f32 v9, v42;
	v59 =	vshll.u32 v50, $0x10;
	v9 =	vand.u32 $0xFFFF0000, v50  }
0x16d: {  	v60 =	vshll.u32 v54, $0x10;
	v8 =	vand.u32 $0xFFFF0000, v54;
	v7 =	vmul.f32 v7, v46  }
0x16e: {  	v51 =	vmul.f32 v13, v46;
	v13 =	vsub.f32 v59, v55;
	v9 =	vsub.f32 v9, v56  }
0x16f: {  	v52 =	vmul.f32 v14, v46;
	v62 =	vsub.f32 v60, v57;
	v3 =	vadd.f32 v7, v3  }
0x170: {  	v53 =	vmul.f32 v49, v46;
	v8 =	vsub.f32 v8, v58;
	v4 =	vadd.f32 v51, v4  }
0x171: {  	v6 =	vadd.f32 v52, v6;
	v61 =	vmul.f32 v13, v2;
	v3 =	vadd.f32 v55, v3  }
0x172: {  	v5 =	vadd.f32 v53, v5;
	v9 =	vmul.f32 v9, v2;
	v4 =	vadd.f32 v56, v4  }
0x173: {  	p0 =	sne.s32 s20, $0x1F00;
	v63 =	vmul.f32 v62, v2;
	v6 =	vadd.f32 v57, v6;
	v3 =	vadd.f32 v61, v3  }
.Ltmp2:
0x174: {  	v2 =	vmul.f32 v8, v2;
	v5 =	vadd.f32 v58, v5;
	v4 =	vadd.f32 v9, v4;
	(pc) =	sbr.rel @p0 .LBB2_7-.Ltmp2, $4  }
0x175: {  	v6 =	vadd.f32 v63, v6;
	[tilespmem:s19+$0xFFFFFFE0] =	vst v3  }
0x176: {  	v2 =	vadd.f32 v2, v5;
	[tilespmem:s19+$0xFFFFFFF0] =	vst v4  }
0x177: {  	[tilespmem:s19+$0x0] =	vst v6  }
0x178: {  	s18 =	sadd.s32 $0x80, s18;
	s20 =	sadd.s32 $0x100, s20;
	[tilespmem:s19+$0x10] =	vst v2;
	s19 =	sadd.s32 $0x80, s19  }
0x179: {  	s16 =	sadd.s32 $0x1, s16  }
0x17a: {  	p0 =	sne.s32 s16, $0x8  }
.Ltmp3:
0x17b: {  	_ = 	snop;
	(pc) =	sbr.rel @p0 .LBB2_4-.Ltmp3, $1  }
0x17c: {  	_ =	sdelay $0x3  }
0x17d: {  	s14 =	sadd.s32 $0x1, s14  }
0x17e: {  	p0 =	sne.s32 s14, s7  }
.Ltmp4:
0x17f: {  	_ = 	snop;
	(pc) =	sbr.rel @p0 .LBB2_1-.Ltmp4, $4  }
0x180: {  	[hbm4b:s6+s3] =	stream.linear.scatter [tilespmem:s13], [sflag:$0x3], $0x1000, $0x38;
	[tilespmem:$0xB000] =	vst v63  }
0x181: {  	_ =	swait.ge [sflag:s8], $0x1000  }
0x182: {  	[sflag:s8] =	ssyncset.done $0x0  }
0x183: {  	[sflag:s8] =	ssyncadd.s32 $0xFFFFF000  }
0x184: {  	_ =	sfence.sel $0x180000  }
0x185: {  	[bflag:$0x0] =	sbarrier.arrive $0xFFFF  }
0x186: {  	p0 =	sne.s32 s1, $0x0;
	_ =	strace $0x90000047  }
0x187: {  	s0 =	sadd.s32 @!p0 $0x100000, s0;
	[bflag:$0x2] =	sbarrier.arrive $0xFFFF  }
0x188: {  	[sflag:s0] =	ssyncadd.tile.s32 @!p0 $0x1;
	_ =	shalt  }
.Lfunc_end2:
_tile_overlayer_lowered:
.L_overlay_start_2:
0x189: {  	(tag) =	ssettag $0x2  }
0x18a: {  	s0 =	rddreg [dreg:$0x0];
	s2 =	stileid.u32  }
0x18b: {  	s1 =	rddreg [dreg:$0x1];
	p0 =	sne.s32 s2, $0x0  }
0x18c: {  	s3 =	rddreg [dreg:$0x2];
	[bflag:$0x3] =	sbarrier.arrive $0xFFFF;
	s2 =	simm.s32 @!p0 $0x1C03  }
0x18d: {  	[timem:s3], [sflag:s2] =	dma.local @!p0 [hbm:s0], s1  }
0x18e: {  	s0 =	simm.s32 @!p0 $0x3  }
0x18f: {  	_ =	swait.ge @!p0 [sflag:s0], s1  }
0x190: {  	s1 =	ssub.s32 @!p0 $0x0, s1;
	[sflag:s0] =	ssyncset.done @!p0 $0x0  }
0x191: {  	[sflag:s0] =	ssyncadd.s32 @!p0 s1  }
0x192: {  	[bflag:$0x3] =	sbarrier.arrive $0xFFFF  }
0x193: {  	_ =	shalt  }

</sc_bundles>
